<compile_context>
chip_gen: v7x
topology: tpu7x:2x2x1
jax: 0.10.2.dev20260603
libtpu: 0.0.44.dev20260713+nightly
codegen_flags: <defaults>
</compile_context>

<pallas_src>
import functools

import jax
import jax.numpy as jnp
from jax import lax
from jax.experimental import pallas as pl
from jax.experimental.pallas import tpu as pltpu
from jax.experimental.pallas import tpu_sc as plsc

N_NODES = 10000
N_EDGES = 320000
D_IN = 128
D_HID = 64
D_OUT = 128

NC = 2
NS = 16
NW = NC * NS
EB = 128
NB = 80
E_P = NW * NB * EB
N_P = 10240
ROWS_PT = N_P // NS
DEGW = 8

_SC_MESH = plsc.VectorSubcoreMesh(core_axis_name="c", subcore_axis_name="s")
_SC_PARAMS = pltpu.CompilerParams(use_tc_tiling_on_sc=False)



@functools.partial(
    pl.kernel,
    out_type=jax.ShapeDtypeStruct((NC, N_P, DEGW), jnp.float32),
    mesh=_SC_MESH,
    scratch_types=[
        pltpu.VMEM((NB, EB), jnp.int32),
        pltpu.VMEM((EB, DEGW), jnp.float32),
        pltpu.VMEM_SHARED((N_P, DEGW), jnp.float32),
        pltpu.SemaphoreType.DMA,
        pltpu.SemaphoreType.DMA,
        pltpu.SemaphoreType.DMA,
        pltpu.SemaphoreType.DMA,
    ],
    compiler_params=_SC_PARAMS,
)
def _deg_kernel(er_hbm, ones_hbm, zeros_hbm, out_hbm, idx_d, ones_v, acc_sh,
                s0, s1, s2, s3):
    c = lax.axis_index("c")
    s = lax.axis_index("s")
    wid = c * NS + s
    pltpu.sync_copy(er_hbm.at[1].at[pl.ds(wid * NB, NB)], idx_d)
    pltpu.sync_copy(ones_hbm, ones_v)
    pltpu.sync_copy(zeros_hbm, acc_sh.at[pl.ds(s * ROWS_PT, ROWS_PT)])
    plsc.subcore_barrier()

    sems = (s0, s1, s2, s3)

    def body(i, carry):
        for b in range(4):
            pltpu.async_copy(
                ones_v, acc_sh.at[idx_d.at[4 * i + b]], sems[b], add=True
            )
        for b in range(4):
            pltpu.make_async_copy(
                ones_v, acc_sh.at[idx_d.at[4 * i + b]], sems[b]
            ).wait()
        return carry

    lax.fori_loop(0, NB // 4, body, 0)
    plsc.subcore_barrier()
    pltpu.sync_copy(
        acc_sh.at[pl.ds(s * ROWS_PT, ROWS_PT)],
        out_hbm.at[c].at[pl.ds(s * ROWS_PT, ROWS_PT)],
    )


NBUF = 8
OFF = 4


@functools.partial(
    pl.kernel,
    out_type=jax.ShapeDtypeStruct((NC, N_P, D_HID), jnp.float32),
    mesh=_SC_MESH,
    scratch_types=[
        pltpu.VMEM((NB, EB), jnp.int32),
        pltpu.VMEM((NB, EB), jnp.int32),
        [pltpu.VMEM((EB, D_HID), jnp.float32)] * NBUF,
        pltpu.VMEM_SHARED((N_P, D_HID), jnp.float32),
        [pltpu.SemaphoreType.DMA] * NBUF,
        [pltpu.SemaphoreType.DMA] * NBUF,
    ],
    compiler_params=_SC_PARAMS,
)
def _agg_kernel(y_hbm, er_hbm, zeros_hbm, out_hbm, idx_s, idx_d, rows, acc_sh,
                gsem, ssem):
    c = lax.axis_index("c")
    s = lax.axis_index("s")
    wid = c * NS + s
    pltpu.sync_copy(er_hbm.at[0].at[pl.ds(wid * NB, NB)], idx_s)
    pltpu.sync_copy(er_hbm.at[1].at[pl.ds(wid * NB, NB)], idx_d)

    @pl.when(c == 0)
    def _():
        pltpu.sync_copy(
            y_hbm.at[pl.ds(s * ROWS_PT, ROWS_PT)],
            acc_sh.at[pl.ds(s * ROWS_PT, ROWS_PT)],
        )

    @pl.when(c != 0)
    def _():
        pltpu.sync_copy(zeros_hbm, acc_sh.at[pl.ds(s * ROWS_PT, ROWS_PT)])

    plsc.subcore_barrier()

    for b in range(OFF):
        pltpu.async_copy(y_hbm.at[idx_s.at[b]], rows[b], gsem[b])

    NI = NB // NBUF

    def body(i, carry):
        for b in range(NBUF):
            j = NBUF * i + b
            bn = (b + OFF) % NBUF
            pltpu.make_async_copy(y_hbm.at[idx_s.at[j]], rows[b], gsem[b]).wait()
            pltpu.async_copy(rows[b], acc_sh.at[idx_d.at[j]], ssem[b], add=True)
            if b < NBUF - OFF:
                @pl.when(i > 0)
                def _():
                    pltpu.make_async_copy(
                        rows[bn], acc_sh.at[idx_d.at[j + OFF - NBUF]], ssem[bn]
                    ).wait()

                pltpu.async_copy(y_hbm.at[idx_s.at[j + OFF]], rows[bn], gsem[bn])
            else:
                @pl.when(i < NI - 1)
                def _():
                    pltpu.make_async_copy(
                        rows[bn], acc_sh.at[idx_d.at[j + OFF - NBUF]], ssem[bn]
                    ).wait()
                    pltpu.async_copy(
                        y_hbm.at[idx_s.at[j + OFF]], rows[bn], gsem[bn]
                    )
        return carry

    lax.fori_loop(0, NI, body, 0)
    for b in range(NBUF):
        j = NB - NBUF + b
        pltpu.make_async_copy(rows[b], acc_sh.at[idx_d.at[j]], ssem[b]).wait()
    plsc.subcore_barrier()
    pltpu.sync_copy(
        acc_sh.at[pl.ds(s * ROWS_PT, ROWS_PT)],
        out_hbm.at[c].at[pl.ds(s * ROWS_PT, ROWS_PT)],
    )


_HROWS = N_P // NW


def _newton_rsqrt16(x):
    xi = lax.bitcast_convert_type(x, jnp.int32)
    yi = jnp.int32(0x5F3759DF) - (xi >> 1)
    y = lax.bitcast_convert_type(yi, jnp.float32)
    half = x * 0.5
    for _ in range(3):
        y = y * (1.5 - half * y * y)
    return y


def _hidden_rows(z0, z1, bv, dvp, m):
    for half in range(2):
        n = 2 * m + half
        dv = jnp.full((16,), dvp[8 * half], jnp.float32)
        for k in range(D_HID // 16):
            sl = pl.ds(16 * k, 16)
            z = z0[n, sl] + z1[n, sl]
            h = jnp.maximum(z * dv + bv[sl], 0.0)
            z0[n, sl] = h * dv


@functools.partial(
    pl.kernel,
    out_type=jax.ShapeDtypeStruct((N_P, D_HID), jnp.float32),
    mesh=_SC_MESH,
    scratch_types=[
        pltpu.VMEM((_HROWS, D_HID), jnp.float32),
        pltpu.VMEM((_HROWS, D_HID), jnp.float32),
        pltpu.VMEM((_HROWS // 2, 2 * DEGW), jnp.float32),
        pltpu.VMEM((_HROWS // 2, 2 * DEGW), jnp.float32),
        pltpu.VMEM((D_HID,), jnp.float32),
    ],
    compiler_params=_SC_PARAMS,
)
def _hidden_kernel(zp_hbm, degv_hbm, b1_hbm, out_hbm, z0, z1, d0, d1, bv):
    c = lax.axis_index("c")
    s = lax.axis_index("s")
    wid = c * NS + s
    base = wid * _HROWS
    pltpu.sync_copy(zp_hbm.at[0].at[pl.ds(base, _HROWS)], z0)
    pltpu.sync_copy(zp_hbm.at[1].at[pl.ds(base, _HROWS)], z1)
    pltpu.sync_copy(degv_hbm.at[0].at[pl.ds(base // 2, _HROWS // 2)], d0)
    pltpu.sync_copy(degv_hbm.at[1].at[pl.ds(base // 2, _HROWS // 2)], d1)
    pltpu.sync_copy(b1_hbm, bv)

    def body(i, carry):
        m0 = 2 * i
        pa = 1.0 + d0[m0, :] + d1[m0, :]
        pb = 1.0 + d0[m0 + 1, :] + d1[m0 + 1, :]
        dva = _newton_rsqrt16(pa)
        dvb = _newton_rsqrt16(pb)
        _hidden_rows(z0, z1, bv, dva, m0)
        _hidden_rows(z0, z1, bv, dvb, m0 + 1)
        return carry

    lax.fori_loop(0, _HROWS // 4, body, 0)
    pltpu.sync_copy(z0, out_hbm.at[pl.ds(base, _HROWS)])



_RB = 1024


def _dinv_block(degp_ref):
    d = degp_ref[0] + degp_ref[1]
    return lax.rsqrt(1.0 + d[:, :1])


def _mm1_body(degp_ref, x_ref, w_ref, o_ref):
    xw = jnp.dot(x_ref[...], w_ref[...], preferred_element_type=jnp.float32)
    o_ref[...] = xw * _dinv_block(degp_ref)


def _out_body(degp_ref, zp_ref, w2_ref, b2_ref, o_ref):
    dinv = _dinv_block(degp_ref)
    t = (zp_ref[0] + zp_ref[1]) * dinv
    o_ref[...] = (
        jnp.dot(t, w2_ref[...], preferred_element_type=jnp.float32) + b2_ref[...]
    )


def _degp_spec():
    return pl.BlockSpec((NC, _RB, DEGW), lambda i: (0, i, 0))


def _zp_spec(w):
    return pl.BlockSpec((NC, _RB, w), lambda i: (0, i, 0))


def _row_spec(w):
    return pl.BlockSpec((_RB, w), lambda i: (i, 0))


def _full_spec(shape):
    return pl.BlockSpec(shape, lambda i: tuple(0 for _ in shape))


_GRID = (N_P // _RB,)



def kernel(x, edge_index, W1, b1, W2, b2):
    pad_e = E_P - N_EDGES
    pad_rows = N_NODES + (jnp.arange(pad_e, dtype=jnp.int32) % (N_P - N_NODES))
    er = jnp.concatenate(
        [edge_index.astype(jnp.int32), jnp.stack([pad_rows, pad_rows])], axis=1
    ).reshape(2, NW * NB, EB)
    ones_rows = jnp.ones((EB, DEGW), jnp.float32)
    zeros_stripe = jnp.zeros((ROWS_PT, DEGW), jnp.float32)
    zeros_rows = jnp.zeros((ROWS_PT, D_HID), jnp.float32)

    degp = _deg_kernel(er, ones_rows, zeros_stripe)

    y1 = pl.pallas_call(
        _mm1_body,
        grid=_GRID,
        in_specs=[_degp_spec(), _row_spec(D_IN), _full_spec((D_IN, D_HID))],
        out_specs=_row_spec(D_HID),
        out_shape=jax.ShapeDtypeStruct((N_P, D_HID), jnp.float32),
    )(degp, x, W1)

    zp1 = _agg_kernel(y1, er, zeros_rows)

    y2 = _hidden_kernel(zp1, degp.reshape(NC, N_P // 2, 2 * DEGW), b1)

    zp2 = _agg_kernel(y2, er, zeros_rows)

    out = pl.pallas_call(
        _out_body,
        grid=_GRID,
        in_specs=[
            _degp_spec(),
            _zp_spec(D_HID),
            _full_spec((D_HID, D_OUT)),
            _full_spec((1, D_OUT)),
        ],
        out_specs=_row_spec(D_OUT),
        out_shape=jax.ShapeDtypeStruct((N_NODES, D_OUT), jnp.float32),
    )(degp, zp2, W2, b2.reshape(1, D_OUT))

    return out

# --- scband reference (transcript-rebuilt; emitter-appended) ---
"""Pipeline reference for scband-gcn-71124658421835 (READ-ONLY COPY).

The authoritative reference and input builder live on the scoring server;
editing this copy changes nothing except your own understanding.
"""

import jax, jax.numpy as jnp
import numpy as np

NUM_NODES = 10000
NUM_EDGES = 320000
D_IN = 128
D_HID = 64
D_OUT = 128


def setup_inputs(seed: int = 0) -> dict:
    key = jax.random.key(seed)
    k1, k2, k3, k4, k5, k6 = jax.random.split(key, 6)
    x = jax.random.normal(k1, (NUM_NODES, D_IN), dtype=jnp.float32)
    edge_index = jax.random.randint(k2, (2, NUM_EDGES), 0, NUM_NODES, dtype=jnp.int64)
    # Glorot-style init for GCNConv weights, zeros for bias (PyG default)
    W1 = jax.random.normal(k3, (D_IN, D_HID), dtype=jnp.float32) * (1.0 / np.sqrt(D_IN))
    b1 = jnp.zeros((D_HID,), dtype=jnp.float32)
    W2 = jax.random.normal(k4, (D_HID, D_OUT), dtype=jnp.float32) * (1.0 / np.sqrt(D_HID))
    b2 = jnp.zeros((D_OUT,), dtype=jnp.float32)
    return {"x": x, "edge_index": edge_index, "W1": W1, "b1": b1, "W2": W2, "b2": b2}


def _gcn_conv(x, edge_index, W, b, num_nodes):
    # Faithful to PyG GCNConv: add self-loops, symmetric normalization,
    # linear transform, scatter-add aggregation, bias.
    src = edge_index[0]
    dst = edge_index[1]
    loop = jnp.arange(num_nodes, dtype=src.dtype)
    src = jnp.concatenate([src, loop])
    dst = jnp.concatenate([dst, loop])
    deg = jnp.zeros((num_nodes,), dtype=x.dtype).at[dst].add(1.0)
    deg_inv_sqrt = jnp.where(deg > 0, jax.lax.rsqrt(jnp.maximum(deg, 1.0)), 0.0)
    norm = deg_inv_sqrt[src] * deg_inv_sqrt[dst]
    xw = x @ W
    msg = xw[src] * norm[:, None]
    out = jnp.zeros((num_nodes, W.shape[1]), dtype=x.dtype).at[dst].add(msg)
    return out + b


def reference(x, edge_index, W1, b1, W2, b2):
    h = _gcn_conv(x, edge_index, W1, b1, NUM_NODES)
    h = jax.nn.relu(h)
    # dropout is identity in eval/deterministic reference
    out = _gcn_conv(h, edge_index, W2, b2, NUM_NODES)
    return out

if __name__ == "__main__":
    import jax
    _d = setup_inputs()
    print(jax.jit(kernel)(*tuple(_d.values())))

</pallas_src>

<mosaic_0001>
#map = affine_map<(d0, d1) -> (0, 0)>
#map1 = affine_map<(d0, d1) -> (0, 0, 0)>
module attributes {stable_mosaic.version = 14 : i64} {
  func.func @_agg_kernel(%arg0: i32, %arg1: i32, %arg2: memref<10240x64xf32, #tpu.memory_space<hbm>>, %arg3: memref<2x2560x128xi32, #tpu.memory_space<hbm>>, %arg4: memref<640x64xf32, #tpu.memory_space<hbm>>, %arg5: memref<2x10240x64xf32, #tpu.memory_space<hbm>>, %arg6: memref<80x128xi32, #tpu.memory_space<vmem>>, %arg7: memref<80x128xi32, #tpu.memory_space<vmem>>, %arg8: memref<128x64xf32, #tpu.memory_space<vmem>>, %arg9: memref<128x64xf32, #tpu.memory_space<vmem>>, %arg10: memref<128x64xf32, #tpu.memory_space<vmem>>, %arg11: memref<128x64xf32, #tpu.memory_space<vmem>>, %arg12: memref<128x64xf32, #tpu.memory_space<vmem>>, %arg13: memref<128x64xf32, #tpu.memory_space<vmem>>, %arg14: memref<128x64xf32, #tpu.memory_space<vmem>>, %arg15: memref<128x64xf32, #tpu.memory_space<vmem>>, %arg16: memref<10240x64xf32, #tpu.memory_space<vmem_shared>>, %arg17: memref<!tpu.dma_semaphore, #tpu.memory_space<semaphore_mem>>, %arg18: memref<!tpu.dma_semaphore, #tpu.memory_space<semaphore_mem>>, %arg19: memref<!tpu.dma_semaphore, #tpu.memory_space<semaphore_mem>>, %arg20: memref<!tpu.dma_semaphore, #tpu.memory_space<semaphore_mem>>, %arg21: memref<!tpu.dma_semaphore, #tpu.memory_space<semaphore_mem>>, %arg22: memref<!tpu.dma_semaphore, #tpu.memory_space<semaphore_mem>>, %arg23: memref<!tpu.dma_semaphore, #tpu.memory_space<semaphore_mem>>, %arg24: memref<!tpu.dma_semaphore, #tpu.memory_space<semaphore_mem>>, %arg25: memref<!tpu.dma_semaphore, #tpu.memory_space<semaphore_mem>>, %arg26: memref<!tpu.dma_semaphore, #tpu.memory_space<semaphore_mem>>, %arg27: memref<!tpu.dma_semaphore, #tpu.memory_space<semaphore_mem>>, %arg28: memref<!tpu.dma_semaphore, #tpu.memory_space<semaphore_mem>>, %arg29: memref<!tpu.dma_semaphore, #tpu.memory_space<semaphore_mem>>, %arg30: memref<!tpu.dma_semaphore, #tpu.memory_space<semaphore_mem>>, %arg31: memref<!tpu.dma_semaphore, #tpu.memory_space<semaphore_mem>>, %arg32: memref<!tpu.dma_semaphore, #tpu.memory_space<semaphore_mem>>) attributes {dimension_semantics = [#tpu.dimension_semantics<core_parallel>, #tpu.dimension_semantics<subcore_parallel>], iteration_bounds = array<i64: 2, 16>, scalar_prefetch = 0 : i64, scratch_operands = 27 : i64, tpu.core_type = #tpu.core_type<sc_vector_subcore>, window_params = [{transform_indices = #map}, {transform_indices = #map1}, {transform_indices = #map}, {transform_indices = #map1}]} {
    %mul3A = arith.constant 16 : i32
    %mul3A_0 = arith.muli %arg0, %mul3A : i32
    %add3A = arith.addi %mul3A_0, %arg1 : i32
    %mul3A_1 = arith.constant 80 : i32
    %mul3A_2 = arith.muli %add3A, %mul3A_1 : i32
    %run_scoped3A = arith.constant 0 : i32
    "tpu.region"() ({
      %run_scoped3A_104 = tpu.sem_alloc : memref<!tpu.dma_semaphore, #tpu.memory_space<semaphore_mem>>
      %dma_start3A_105 = arith.constant 0 : i32
      %dma_start3A_106 = arith.constant 0 : i32
      %dma_start3A_107 = tpu.memref_slice %arg3[%run_scoped3A, %dma_start3A_105, %dma_start3A_106] : memref<2x2560x128xi32, #tpu.memory_space<hbm>> -> memref<1x2560x128xi32, #tpu.memory_space<hbm>>
      %dma_start3A_108 = tpu.memref_squeeze %dma_start3A_107 : memref<1x2560x128xi32, #tpu.memory_space<hbm>> -> memref<2560x128xi32, #tpu.memory_space<hbm>>
      %dma_start3A_109 = arith.constant 0 : i32
      %dma_start3A_110 = tpu.memref_slice %dma_start3A_108[%mul3A_2, %dma_start3A_109] : memref<2560x128xi32, #tpu.memory_space<hbm>> -> memref<80x128xi32, #tpu.memory_space<hbm>>
      %dma_start3A_111 = arith.constant 0 : i32
      %dma_start3A_112 = arith.constant 0 : i32
      %dma_start3A_113 = tpu.memref_slice %arg3[%run_scoped3A, %dma_start3A_111, %dma_start3A_112] : memref<2x2560x128xi32, #tpu.memory_space<hbm>> -> memref<1x2560x128xi32, #tpu.memory_space<hbm>>
      %dma_start3A_114 = tpu.memref_squeeze %dma_start3A_113 : memref<1x2560x128xi32, #tpu.memory_space<hbm>> -> memref<2560x128xi32, #tpu.memory_space<hbm>>
      %dma_start3A_115 = arith.constant 0 : i32
      %dma_start3A_116 = tpu.memref_slice %dma_start3A_114[%mul3A_2, %dma_start3A_115] : memref<2560x128xi32, #tpu.memory_space<hbm>> -> memref<80x128xi32, #tpu.memory_space<hbm>>
      tpu.enqueue_dma source(%dma_start3A_116 : memref<80x128xi32, #tpu.memory_space<hbm>>) target(%arg6 : memref<80x128xi32, #tpu.memory_space<vmem>>) target_semaphore(%run_scoped3A_104 : memref<!tpu.dma_semaphore, #tpu.memory_space<semaphore_mem>>)
      %dma_wait3A_117 = arith.constant 0 : i32
      %dma_wait3A_118 = arith.constant 0 : i32
      %dma_wait3A_119 = tpu.memref_slice %arg3[%run_scoped3A, %dma_wait3A_117, %dma_wait3A_118] : memref<2x2560x128xi32, #tpu.memory_space<hbm>> -> memref<1x2560x128xi32, #tpu.memory_space<hbm>>
      %dma_wait3A_120 = tpu.memref_squeeze %dma_wait3A_119 : memref<1x2560x128xi32, #tpu.memory_space<hbm>> -> memref<2560x128xi32, #tpu.memory_space<hbm>>
      %dma_wait3A_121 = arith.constant 0 : i32
      %dma_wait3A_122 = tpu.memref_slice %dma_wait3A_120[%mul3A_2, %dma_wait3A_121] : memref<2560x128xi32, #tpu.memory_space<hbm>> -> memref<80x128xi32, #tpu.memory_space<hbm>>
      %dma_wait3A_123 = arith.constant 0 : i32
      %dma_wait3A_124 = arith.constant 0 : i32
      %dma_wait3A_125 = tpu.memref_slice %arg3[%run_scoped3A, %dma_wait3A_123, %dma_wait3A_124] : memref<2x2560x128xi32, #tpu.memory_space<hbm>> -> memref<1x2560x128xi32, #tpu.memory_space<hbm>>
      %dma_wait3A_126 = tpu.memref_squeeze %dma_wait3A_125 : memref<1x2560x128xi32, #tpu.memory_space<hbm>> -> memref<2560x128xi32, #tpu.memory_space<hbm>>
      %dma_wait3A_127 = arith.constant 0 : i32
      %dma_wait3A_128 = tpu.memref_slice %dma_wait3A_126[%mul3A_2, %dma_wait3A_127] : memref<2560x128xi32, #tpu.memory_space<hbm>> -> memref<80x128xi32, #tpu.memory_space<hbm>>
      tpu.wait_dma2 semaphore(%run_scoped3A_104 : memref<!tpu.dma_semaphore, #tpu.memory_space<semaphore_mem>>) src(%dma_wait3A_128 : memref<80x128xi32, #tpu.memory_space<hbm>>) dst(%arg6 : memref<80x128xi32, #tpu.memory_space<vmem>>)
      tpu.yield
    }) : () -> ()
    %mul3A_3 = arith.constant 80 : i32
    %mul3A_4 = arith.muli %add3A, %mul3A_3 : i32
    %run_scoped3A_5 = arith.constant 1 : i32
    "tpu.region"() ({
      %run_scoped3A_104 = tpu.sem_alloc : memref<!tpu.dma_semaphore, #tpu.memory_space<semaphore_mem>>
      %dma_start3A_105 = arith.constant 0 : i32
      %dma_start3A_106 = arith.constant 0 : i32
      %dma_start3A_107 = tpu.memref_slice %arg3[%run_scoped3A_5, %dma_start3A_105, %dma_start3A_106] : memref<2x2560x128xi32, #tpu.memory_space<hbm>> -> memref<1x2560x128xi32, #tpu.memory_space<hbm>>
      %dma_start3A_108 = tpu.memref_squeeze %dma_start3A_107 : memref<1x2560x128xi32, #tpu.memory_space<hbm>> -> memref<2560x128xi32, #tpu.memory_space<hbm>>
      %dma_start3A_109 = arith.constant 0 : i32
      %dma_start3A_110 = tpu.memref_slice %dma_start3A_108[%mul3A_4, %dma_start3A_109] : memref<2560x128xi32, #tpu.memory_space<hbm>> -> memref<80x128xi32, #tpu.memory_space<hbm>>
      %dma_start3A_111 = arith.constant 0 : i32
      %dma_start3A_112 = arith.constant 0 : i32
      %dma_start3A_113 = tpu.memref_slice %arg3[%run_scoped3A_5, %dma_start3A_111, %dma_start3A_112] : memref<2x2560x128xi32, #tpu.memory_space<hbm>> -> memref<1x2560x128xi32, #tpu.memory_space<hbm>>
      %dma_start3A_114 = tpu.memref_squeeze %dma_start3A_113 : memref<1x2560x128xi32, #tpu.memory_space<hbm>> -> memref<2560x128xi32, #tpu.memory_space<hbm>>
      %dma_start3A_115 = arith.constant 0 : i32
      %dma_start3A_116 = tpu.memref_slice %dma_start3A_114[%mul3A_4, %dma_start3A_115] : memref<2560x128xi32, #tpu.memory_space<hbm>> -> memref<80x128xi32, #tpu.memory_space<hbm>>
      tpu.enqueue_dma source(%dma_start3A_116 : memref<80x128xi32, #tpu.memory_space<hbm>>) target(%arg7 : memref<80x128xi32, #tpu.memory_space<vmem>>) target_semaphore(%run_scoped3A_104 : memref<!tpu.dma_semaphore, #tpu.memory_space<semaphore_mem>>)
      %dma_wait3A_117 = arith.constant 0 : i32
      %dma_wait3A_118 = arith.constant 0 : i32
      %dma_wait3A_119 = tpu.memref_slice %arg3[%run_scoped3A_5, %dma_wait3A_117, %dma_wait3A_118] : memref<2x2560x128xi32, #tpu.memory_space<hbm>> -> memref<1x2560x128xi32, #tpu.memory_space<hbm>>
      %dma_wait3A_120 = tpu.memref_squeeze %dma_wait3A_119 : memref<1x2560x128xi32, #tpu.memory_space<hbm>> -> memref<2560x128xi32, #tpu.memory_space<hbm>>
      %dma_wait3A_121 = arith.constant 0 : i32
      %dma_wait3A_122 = tpu.memref_slice %dma_wait3A_120[%mul3A_4, %dma_wait3A_121] : memref<2560x128xi32, #tpu.memory_space<hbm>> -> memref<80x128xi32, #tpu.memory_space<hbm>>
      %dma_wait3A_123 = arith.constant 0 : i32
      %dma_wait3A_124 = arith.constant 0 : i32
      %dma_wait3A_125 = tpu.memref_slice %arg3[%run_scoped3A_5, %dma_wait3A_123, %dma_wait3A_124] : memref<2x2560x128xi32, #tpu.memory_space<hbm>> -> memref<1x2560x128xi32, #tpu.memory_space<hbm>>
      %dma_wait3A_126 = tpu.memref_squeeze %dma_wait3A_125 : memref<1x2560x128xi32, #tpu.memory_space<hbm>> -> memref<2560x128xi32, #tpu.memory_space<hbm>>
      %dma_wait3A_127 = arith.constant 0 : i32
      %dma_wait3A_128 = tpu.memref_slice %dma_wait3A_126[%mul3A_4, %dma_wait3A_127] : memref<2560x128xi32, #tpu.memory_space<hbm>> -> memref<80x128xi32, #tpu.memory_space<hbm>>
      tpu.wait_dma2 semaphore(%run_scoped3A_104 : memref<!tpu.dma_semaphore, #tpu.memory_space<semaphore_mem>>) src(%dma_wait3A_128 : memref<80x128xi32, #tpu.memory_space<hbm>>) dst(%arg7 : memref<80x128xi32, #tpu.memory_space<vmem>>)
      tpu.yield
    }) : () -> ()
    %eq3A = arith.constant 0 : i32
    %eq3A_6 = arith.cmpi eq, %arg0, %eq3A : i32
    %convert_element_type3A = arith.extui %eq3A_6 : i1 to i32
    %cond3A = arith.constant 0 : i32
    %cond3A_7 = arith.cmpi ne, %convert_element_type3A, %cond3A : i32
    scf.if %cond3A_7 {
      %mul3A_104 = arith.constant 640 : i32
      %mul3A_105 = arith.muli %arg1, %mul3A_104 : i32
      %mul3A_106 = arith.constant 640 : i32
      %mul3A_107 = arith.muli %arg1, %mul3A_106 : i32
      "tpu.region"() ({
        %run_scoped3A_108 = tpu.sem_alloc : memref<!tpu.dma_semaphore, #tpu.memory_space<semaphore_mem>>
        %dma_start3A_109 = arith.constant 0 : i32
        %dma_start3A_110 = tpu.memref_slice %arg16[%mul3A_107, %dma_start3A_109] : memref<10240x64xf32, #tpu.memory_space<vmem_shared>> -> memref<640x64xf32, #tpu.memory_space<vmem_shared>>
        %dma_start3A_111 = arith.constant 0 : i32
        %dma_start3A_112 = tpu.memref_slice %arg2[%mul3A_105, %dma_start3A_111] : memref<10240x64xf32, #tpu.memory_space<hbm>> -> memref<640x64xf32, #tpu.memory_space<hbm>>
        tpu.enqueue_dma source(%dma_start3A_112 : memref<640x64xf32, #tpu.memory_space<hbm>>) target(%dma_start3A_110 : memref<640x64xf32, #tpu.memory_space<vmem_shared>>) target_semaphore(%run_scoped3A_108 : memref<!tpu.dma_semaphore, #tpu.memory_space<semaphore_mem>>)
        %dma_wait3A_113 = arith.constant 0 : i32
        %dma_wait3A_114 = tpu.memref_slice %arg16[%mul3A_107, %dma_wait3A_113] : memref<10240x64xf32, #tpu.memory_space<vmem_shared>> -> memref<640x64xf32, #tpu.memory_space<vmem_shared>>
        %dma_wait3A_115 = arith.constant 0 : i32
        %dma_wait3A_116 = tpu.memref_slice %arg2[%mul3A_105, %dma_wait3A_115] : memref<10240x64xf32, #tpu.memory_space<hbm>> -> memref<640x64xf32, #tpu.memory_space<hbm>>
        tpu.wait_dma2 semaphore(%run_scoped3A_108 : memref<!tpu.dma_semaphore, #tpu.memory_space<semaphore_mem>>) src(%dma_wait3A_116 : memref<640x64xf32, #tpu.memory_space<hbm>>) dst(%dma_wait3A_114 : memref<640x64xf32, #tpu.memory_space<vmem_shared>>)
        tpu.yield
      }) : () -> ()
    } else {
    }
    %ne3A = arith.constant 0 : i32
    %ne3A_8 = arith.cmpi ne, %arg0, %ne3A : i32
    %convert_element_type3A_9 = arith.extui %ne3A_8 : i1 to i32
    %cond3A_10 = arith.constant 0 : i32
    %cond3A_11 = arith.cmpi ne, %convert_element_type3A_9, %cond3A_10 : i32
    scf.if %cond3A_11 {
      %mul3A_104 = arith.constant 640 : i32
      %mul3A_105 = arith.muli %arg1, %mul3A_104 : i32
      "tpu.region"() ({
        %run_scoped3A_106 = tpu.sem_alloc : memref<!tpu.dma_semaphore, #tpu.memory_space<semaphore_mem>>
        %dma_start3A_107 = arith.constant 0 : i32
        %dma_start3A_108 = tpu.memref_slice %arg16[%mul3A_105, %dma_start3A_107] : memref<10240x64xf32, #tpu.memory_space<vmem_shared>> -> memref<640x64xf32, #tpu.memory_space<vmem_shared>>
        tpu.enqueue_dma source(%arg4 : memref<640x64xf32, #tpu.memory_space<hbm>>) target(%dma_start3A_108 : memref<640x64xf32, #tpu.memory_space<vmem_shared>>) target_semaphore(%run_scoped3A_106 : memref<!tpu.dma_semaphore, #tpu.memory_space<semaphore_mem>>)
        %dma_wait3A_109 = arith.constant 0 : i32
        %dma_wait3A_110 = tpu.memref_slice %arg16[%mul3A_105, %dma_wait3A_109] : memref<10240x64xf32, #tpu.memory_space<vmem_shared>> -> memref<640x64xf32, #tpu.memory_space<vmem_shared>>
        tpu.wait_dma2 semaphore(%run_scoped3A_106 : memref<!tpu.dma_semaphore, #tpu.memory_space<semaphore_mem>>) src(%arg4 : memref<640x64xf32, #tpu.memory_space<hbm>>) dst(%dma_wait3A_110 : memref<640x64xf32, #tpu.memory_space<vmem_shared>>)
        tpu.yield
      }) : () -> ()
    } else {
    }
    %barrier3A = arith.constant 0 : index
    tpu.barrier barrier_id(%barrier3A)
    %dma_start3A = arith.constant 0 : i32
    %dma_start3A_12 = arith.constant 0 : i32
    %dma_start3A_13 = tpu.memref_slice %arg6[%dma_start3A, %dma_start3A_12] : memref<80x128xi32, #tpu.memory_space<vmem>> -> memref<1x128xi32, #tpu.memory_space<vmem>>
    %dma_start3A_14 = tpu.memref_squeeze %dma_start3A_13 : memref<1x128xi32, #tpu.memory_space<vmem>> -> memref<128xi32, #tpu.memory_space<vmem>>
    %dma_start3A_15 = arith.constant 0 : i32
    %dma_start3A_16 = arith.constant 0 : i32
    %dma_start3A_17 = tpu.memref_slice %arg2[%dma_start3A_15, %dma_start3A_16] : memref<10240x64xf32, #tpu.memory_space<hbm>> -> memref<10240x64xf32, #tpu.memory_space<hbm>>
    tpu.enqueue_indirect_dma source(%dma_start3A_17 : memref<10240x64xf32, #tpu.memory_space<hbm>>) target(%arg8 : memref<128x64xf32, #tpu.memory_space<vmem>>) offsets(%dma_start3A_14 : memref<128xi32, #tpu.memory_space<vmem>>) semaphore(%arg17 : memref<!tpu.dma_semaphore, #tpu.memory_space<semaphore_mem>>)
    %dma_start3A_18 = arith.constant 1 : i32
    %dma_start3A_19 = arith.constant 0 : i32
    %dma_start3A_20 = tpu.memref_slice %arg6[%dma_start3A_18, %dma_start3A_19] : memref<80x128xi32, #tpu.memory_space<vmem>> -> memref<1x128xi32, #tpu.memory_space<vmem>>
    %dma_start3A_21 = tpu.memref_squeeze %dma_start3A_20 : memref<1x128xi32, #tpu.memory_space<vmem>> -> memref<128xi32, #tpu.memory_space<vmem>>
    %dma_start3A_22 = arith.constant 0 : i32
    %dma_start3A_23 = arith.constant 0 : i32
    %dma_start3A_24 = tpu.memref_slice %arg2[%dma_start3A_22, %dma_start3A_23] : memref<10240x64xf32, #tpu.memory_space<hbm>> -> memref<10240x64xf32, #tpu.memory_space<hbm>>
    tpu.enqueue_indirect_dma source(%dma_start3A_24 : memref<10240x64xf32, #tpu.memory_space<hbm>>) target(%arg9 : memref<128x64xf32, #tpu.memory_space<vmem>>) offsets(%dma_start3A_21 : memref<128xi32, #tpu.memory_space<vmem>>) semaphore(%arg18 : memref<!tpu.dma_semaphore, #tpu.memory_space<semaphore_mem>>)
    %dma_start3A_25 = arith.constant 2 : i32
    %dma_start3A_26 = arith.constant 0 : i32
    %dma_start3A_27 = tpu.memref_slice %arg6[%dma_start3A_25, %dma_start3A_26] : memref<80x128xi32, #tpu.memory_space<vmem>> -> memref<1x128xi32, #tpu.memory_space<vmem>>
    %dma_start3A_28 = tpu.memref_squeeze %dma_start3A_27 : memref<1x128xi32, #tpu.memory_space<vmem>> -> memref<128xi32, #tpu.memory_space<vmem>>
    %dma_start3A_29 = arith.constant 0 : i32
    %dma_start3A_30 = arith.constant 0 : i32
    %dma_start3A_31 = tpu.memref_slice %arg2[%dma_start3A_29, %dma_start3A_30] : memref<10240x64xf32, #tpu.memory_space<hbm>> -> memref<10240x64xf32, #tpu.memory_space<hbm>>
    tpu.enqueue_indirect_dma source(%dma_start3A_31 : memref<10240x64xf32, #tpu.memory_space<hbm>>) target(%arg10 : memref<128x64xf32, #tpu.memory_space<vmem>>) offsets(%dma_start3A_28 : memref<128xi32, #tpu.memory_space<vmem>>) semaphore(%arg19 : memref<!tpu.dma_semaphore, #tpu.memory_space<semaphore_mem>>)
    %dma_start3A_32 = arith.constant 3 : i32
    %dma_start3A_33 = arith.constant 0 : i32
    %dma_start3A_34 = tpu.memref_slice %arg6[%dma_start3A_32, %dma_start3A_33] : memref<80x128xi32, #tpu.memory_space<vmem>> -> memref<1x128xi32, #tpu.memory_space<vmem>>
    %dma_start3A_35 = tpu.memref_squeeze %dma_start3A_34 : memref<1x128xi32, #tpu.memory_space<vmem>> -> memref<128xi32, #tpu.memory_space<vmem>>
    %dma_start3A_36 = arith.constant 0 : i32
    %dma_start3A_37 = arith.constant 0 : i32
    %dma_start3A_38 = tpu.memref_slice %arg2[%dma_start3A_36, %dma_start3A_37] : memref<10240x64xf32, #tpu.memory_space<hbm>> -> memref<10240x64xf32, #tpu.memory_space<hbm>>
    tpu.enqueue_indirect_dma source(%dma_start3A_38 : memref<10240x64xf32, #tpu.memory_space<hbm>>) target(%arg11 : memref<128x64xf32, #tpu.memory_space<vmem>>) offsets(%dma_start3A_35 : memref<128xi32, #tpu.memory_space<vmem>>) semaphore(%arg20 : memref<!tpu.dma_semaphore, #tpu.memory_space<semaphore_mem>>)
    %scan3A = arith.constant 0 : i32
    %scan3A_39 = arith.constant 0 : i32
    %scan3A_40 = arith.constant 10 : i32
    %scan3A_41 = arith.addi %scan3A_39, %scan3A_40 : i32
    %scan3A_42 = arith.constant 1 : i32
    scf.for %scan3A_104 = %scan3A_39 to %scan3A_41 step %scan3A_42  : i32 {
      %mul3A_105 = arith.constant 8 : i32
      %mul3A_106 = arith.muli %mul3A_105, %scan3A_104 : i32
      %add3A_107 = arith.constant 0 : i32
      %add3A_108 = arith.addi %mul3A_106, %add3A_107 : i32
      %dma_wait3A_109 = arith.constant 0 : i32
      %dma_wait3A_110 = tpu.memref_slice %arg6[%add3A_108, %dma_wait3A_109] : memref<80x128xi32, #tpu.memory_space<vmem>> -> memref<1x128xi32, #tpu.memory_space<vmem>>
      %dma_wait3A_111 = tpu.memref_squeeze %dma_wait3A_110 : memref<1x128xi32, #tpu.memory_space<vmem>> -> memref<128xi32, #tpu.memory_space<vmem>>
      %dma_wait3A_112 = arith.constant 0 : i32
      %dma_wait3A_113 = arith.constant 0 : i32
      %dma_wait3A_114 = tpu.memref_slice %arg2[%dma_wait3A_112, %dma_wait3A_113] : memref<10240x64xf32, #tpu.memory_space<hbm>> -> memref<10240x64xf32, #tpu.memory_space<hbm>>
      tpu.wait_indirect_dma semaphore(%arg17 : memref<!tpu.dma_semaphore, #tpu.memory_space<semaphore_mem>>) src(%dma_wait3A_114 : memref<10240x64xf32, #tpu.memory_space<hbm>>) dst(%arg8 : memref<128x64xf32, #tpu.memory_space<vmem>>)
      %dma_start3A_115 = arith.constant 0 : i32
      %dma_start3A_116 = tpu.memref_slice %arg7[%add3A_108, %dma_start3A_115] : memref<80x128xi32, #tpu.memory_space<vmem>> -> memref<1x128xi32, #tpu.memory_space<vmem>>
      %dma_start3A_117 = tpu.memref_squeeze %dma_start3A_116 : memref<1x128xi32, #tpu.memory_space<vmem>> -> memref<128xi32, #tpu.memory_space<vmem>>
      %dma_start3A_118 = arith.constant 0 : i32
      %dma_start3A_119 = arith.constant 0 : i32
      %dma_start3A_120 = tpu.memref_slice %arg16[%dma_start3A_118, %dma_start3A_119] : memref<10240x64xf32, #tpu.memory_space<vmem_shared>> -> memref<10240x64xf32, #tpu.memory_space<vmem_shared>>
      tpu.enqueue_indirect_dma source(%arg8 : memref<128x64xf32, #tpu.memory_space<vmem>>) target(%dma_start3A_120 : memref<10240x64xf32, #tpu.memory_space<vmem_shared>>) offsets(%dma_start3A_117 : memref<128xi32, #tpu.memory_space<vmem>>) semaphore(%arg25 : memref<!tpu.dma_semaphore, #tpu.memory_space<semaphore_mem>>) {add = true}
      %gt3A = arith.constant 0 : i32
      %gt3A_121 = arith.cmpi sgt, %scan3A_104, %gt3A : i32
      %convert_element_type3A_122 = arith.extui %gt3A_121 : i1 to i32
      %cond3A_123 = arith.constant 0 : i32
      %cond3A_124 = arith.cmpi ne, %convert_element_type3A_122, %cond3A_123 : i32
      scf.if %cond3A_124 {
        %add3A_303 = arith.constant 4 : i32
        %add3A_304 = arith.addi %add3A_108, %add3A_303 : i32
        %sub3A = arith.constant 8 : i32
        %sub3A_305 = arith.subi %add3A_304, %sub3A : i32
        %dma_wait3A_306 = arith.constant 0 : i32
        %dma_wait3A_307 = tpu.memref_slice %arg7[%sub3A_305, %dma_wait3A_306] : memref<80x128xi32, #tpu.memory_space<vmem>> -> memref<1x128xi32, #tpu.memory_space<vmem>>
        %dma_wait3A_308 = tpu.memref_squeeze %dma_wait3A_307 : memref<1x128xi32, #tpu.memory_space<vmem>> -> memref<128xi32, #tpu.memory_space<vmem>>
        %dma_wait3A_309 = arith.constant 0 : i32
        %dma_wait3A_310 = arith.constant 0 : i32
        %dma_wait3A_311 = tpu.memref_slice %arg16[%dma_wait3A_309, %dma_wait3A_310] : memref<10240x64xf32, #tpu.memory_space<vmem_shared>> -> memref<10240x64xf32, #tpu.memory_space<vmem_shared>>
        tpu.wait_indirect_dma semaphore(%arg29 : memref<!tpu.dma_semaphore, #tpu.memory_space<semaphore_mem>>) src(%arg12 : memref<128x64xf32, #tpu.memory_space<vmem>>) dst(%dma_wait3A_311 : memref<10240x64xf32, #tpu.memory_space<vmem_shared>>)
      } else {
      }
      %add3A_125 = arith.constant 4 : i32
      %add3A_126 = arith.addi %add3A_108, %add3A_125 : i32
      %dma_start3A_127 = arith.constant 0 : i32
      %dma_start3A_128 = tpu.memref_slice %arg6[%add3A_126, %dma_start3A_127] : memref<80x128xi32, #tpu.memory_space<vmem>> -> memref<1x128xi32, #tpu.memory_space<vmem>>
      %dma_start3A_129 = tpu.memref_squeeze %dma_start3A_128 : memref<1x128xi32, #tpu.memory_space<vmem>> -> memref<128xi32, #tpu.memory_space<vmem>>
      %dma_start3A_130 = arith.constant 0 : i32
      %dma_start3A_131 = arith.constant 0 : i32
      %dma_start3A_132 = tpu.memref_slice %arg2[%dma_start3A_130, %dma_start3A_131] : memref<10240x64xf32, #tpu.memory_space<hbm>> -> memref<10240x64xf32, #tpu.memory_space<hbm>>
      tpu.enqueue_indirect_dma source(%dma_start3A_132 : memref<10240x64xf32, #tpu.memory_space<hbm>>) target(%arg12 : memref<128x64xf32, #tpu.memory_space<vmem>>) offsets(%dma_start3A_129 : memref<128xi32, #tpu.memory_space<vmem>>) semaphore(%arg21 : memref<!tpu.dma_semaphore, #tpu.memory_space<semaphore_mem>>)
      %mul3A_133 = arith.constant 8 : i32
      %mul3A_134 = arith.muli %mul3A_133, %scan3A_104 : i32
      %add3A_135 = arith.constant 1 : i32
      %add3A_136 = arith.addi %mul3A_134, %add3A_135 : i32
      %dma_wait3A_137 = arith.constant 0 : i32
      %dma_wait3A_138 = tpu.memref_slice %arg6[%add3A_136, %dma_wait3A_137] : memref<80x128xi32, #tpu.memory_space<vmem>> -> memref<1x128xi32, #tpu.memory_space<vmem>>
      %dma_wait3A_139 = tpu.memref_squeeze %dma_wait3A_138 : memref<1x128xi32, #tpu.memory_space<vmem>> -> memref<128xi32, #tpu.memory_space<vmem>>
      %dma_wait3A_140 = arith.constant 0 : i32
      %dma_wait3A_141 = arith.constant 0 : i32
      %dma_wait3A_142 = tpu.memref_slice %arg2[%dma_wait3A_140, %dma_wait3A_141] : memref<10240x64xf32, #tpu.memory_space<hbm>> -> memref<10240x64xf32, #tpu.memory_space<hbm>>
      tpu.wait_indirect_dma semaphore(%arg18 : memref<!tpu.dma_semaphore, #tpu.memory_space<semaphore_mem>>) src(%dma_wait3A_142 : memref<10240x64xf32, #tpu.memory_space<hbm>>) dst(%arg9 : memref<128x64xf32, #tpu.memory_space<vmem>>)
      %dma_start3A_143 = arith.constant 0 : i32
      %dma_start3A_144 = tpu.memref_slice %arg7[%add3A_136, %dma_start3A_143] : memref<80x128xi32, #tpu.memory_space<vmem>> -> memref<1x128xi32, #tpu.memory_space<vmem>>
      %dma_start3A_145 = tpu.memref_squeeze %dma_start3A_144 : memref<1x128xi32, #tpu.memory_space<vmem>> -> memref<128xi32, #tpu.memory_space<vmem>>
      %dma_start3A_146 = arith.constant 0 : i32
      %dma_start3A_147 = arith.constant 0 : i32
      %dma_start3A_148 = tpu.memref_slice %arg16[%dma_start3A_146, %dma_start3A_147] : memref<10240x64xf32, #tpu.memory_space<vmem_shared>> -> memref<10240x64xf32, #tpu.memory_space<vmem_shared>>
      tpu.enqueue_indirect_dma source(%arg9 : memref<128x64xf32, #tpu.memory_space<vmem>>) target(%dma_start3A_148 : memref<10240x64xf32, #tpu.memory_space<vmem_shared>>) offsets(%dma_start3A_145 : memref<128xi32, #tpu.memory_space<vmem>>) semaphore(%arg26 : memref<!tpu.dma_semaphore, #tpu.memory_space<semaphore_mem>>) {add = true}
      %gt3A_149 = arith.constant 0 : i32
      %gt3A_150 = arith.cmpi sgt, %scan3A_104, %gt3A_149 : i32
      %convert_element_type3A_151 = arith.extui %gt3A_150 : i1 to i32
      %cond3A_152 = arith.constant 0 : i32
      %cond3A_153 = arith.cmpi ne, %convert_element_type3A_151, %cond3A_152 : i32
      scf.if %cond3A_153 {
        %add3A_303 = arith.constant 4 : i32
        %add3A_304 = arith.addi %add3A_136, %add3A_303 : i32
        %sub3A = arith.constant 8 : i32
        %sub3A_305 = arith.subi %add3A_304, %sub3A : i32
        %dma_wait3A_306 = arith.constant 0 : i32
        %dma_wait3A_307 = tpu.memref_slice %arg7[%sub3A_305, %dma_wait3A_306] : memref<80x128xi32, #tpu.memory_space<vmem>> -> memref<1x128xi32, #tpu.memory_space<vmem>>
        %dma_wait3A_308 = tpu.memref_squeeze %dma_wait3A_307 : memref<1x128xi32, #tpu.memory_space<vmem>> -> memref<128xi32, #tpu.memory_space<vmem>>
        %dma_wait3A_309 = arith.constant 0 : i32
        %dma_wait3A_310 = arith.constant 0 : i32
        %dma_wait3A_311 = tpu.memref_slice %arg16[%dma_wait3A_309, %dma_wait3A_310] : memref<10240x64xf32, #tpu.memory_space<vmem_shared>> -> memref<10240x64xf32, #tpu.memory_space<vmem_shared>>
        tpu.wait_indirect_dma semaphore(%arg30 : memref<!tpu.dma_semaphore, #tpu.memory_space<semaphore_mem>>) src(%arg13 : memref<128x64xf32, #tpu.memory_space<vmem>>) dst(%dma_wait3A_311 : memref<10240x64xf32, #tpu.memory_space<vmem_shared>>)
      } else {
      }
      %add3A_154 = arith.constant 4 : i32
      %add3A_155 = arith.addi %add3A_136, %add3A_154 : i32
      %dma_start3A_156 = arith.constant 0 : i32
      %dma_start3A_157 = tpu.memref_slice %arg6[%add3A_155, %dma_start3A_156] : memref<80x128xi32, #tpu.memory_space<vmem>> -> memref<1x128xi32, #tpu.memory_space<vmem>>
      %dma_start3A_158 = tpu.memref_squeeze %dma_start3A_157 : memref<1x128xi32, #tpu.memory_space<vmem>> -> memref<128xi32, #tpu.memory_space<vmem>>
      %dma_start3A_159 = arith.constant 0 : i32
      %dma_start3A_160 = arith.constant 0 : i32
      %dma_start3A_161 = tpu.memref_slice %arg2[%dma_start3A_159, %dma_start3A_160] : memref<10240x64xf32, #tpu.memory_space<hbm>> -> memref<10240x64xf32, #tpu.memory_space<hbm>>
      tpu.enqueue_indirect_dma source(%dma_start3A_161 : memref<10240x64xf32, #tpu.memory_space<hbm>>) target(%arg13 : memref<128x64xf32, #tpu.memory_space<vmem>>) offsets(%dma_start3A_158 : memref<128xi32, #tpu.memory_space<vmem>>) semaphore(%arg22 : memref<!tpu.dma_semaphore, #tpu.memory_space<semaphore_mem>>)
      %mul3A_162 = arith.constant 8 : i32
      %mul3A_163 = arith.muli %mul3A_162, %scan3A_104 : i32
      %add3A_164 = arith.constant 2 : i32
      %add3A_165 = arith.addi %mul3A_163, %add3A_164 : i32
      %dma_wait3A_166 = arith.constant 0 : i32
      %dma_wait3A_167 = tpu.memref_slice %arg6[%add3A_165, %dma_wait3A_166] : memref<80x128xi32, #tpu.memory_space<vmem>> -> memref<1x128xi32, #tpu.memory_space<vmem>>
      %dma_wait3A_168 = tpu.memref_squeeze %dma_wait3A_167 : memref<1x128xi32, #tpu.memory_space<vmem>> -> memref<128xi32, #tpu.memory_space<vmem>>
      %dma_wait3A_169 = arith.constant 0 : i32
      %dma_wait3A_170 = arith.constant 0 : i32
      %dma_wait3A_171 = tpu.memref_slice %arg2[%dma_wait3A_169, %dma_wait3A_170] : memref<10240x64xf32, #tpu.memory_space<hbm>> -> memref<10240x64xf32, #tpu.memory_space<hbm>>
      tpu.wait_indirect_dma semaphore(%arg19 : memref<!tpu.dma_semaphore, #tpu.memory_space<semaphore_mem>>) src(%dma_wait3A_171 : memref<10240x64xf32, #tpu.memory_space<hbm>>) dst(%arg10 : memref<128x64xf32, #tpu.memory_space<vmem>>)
      %dma_start3A_172 = arith.constant 0 : i32
      %dma_start3A_173 = tpu.memref_slice %arg7[%add3A_165, %dma_start3A_172] : memref<80x128xi32, #tpu.memory_space<vmem>> -> memref<1x128xi32, #tpu.memory_space<vmem>>
      %dma_start3A_174 = tpu.memref_squeeze %dma_start3A_173 : memref<1x128xi32, #tpu.memory_space<vmem>> -> memref<128xi32, #tpu.memory_space<vmem>>
      %dma_start3A_175 = arith.constant 0 : i32
      %dma_start3A_176 = arith.constant 0 : i32
      %dma_start3A_177 = tpu.memref_slice %arg16[%dma_start3A_175, %dma_start3A_176] : memref<10240x64xf32, #tpu.memory_space<vmem_shared>> -> memref<10240x64xf32, #tpu.memory_space<vmem_shared>>
      tpu.enqueue_indirect_dma source(%arg10 : memref<128x64xf32, #tpu.memory_space<vmem>>) target(%dma_start3A_177 : memref<10240x64xf32, #tpu.memory_space<vmem_shared>>) offsets(%dma_start3A_174 : memref<128xi32, #tpu.memory_space<vmem>>) semaphore(%arg27 : memref<!tpu.dma_semaphore, #tpu.memory_space<semaphore_mem>>) {add = true}
      %gt3A_178 = arith.constant 0 : i32
      %gt3A_179 = arith.cmpi sgt, %scan3A_104, %gt3A_178 : i32
      %convert_element_type3A_180 = arith.extui %gt3A_179 : i1 to i32
      %cond3A_181 = arith.constant 0 : i32
      %cond3A_182 = arith.cmpi ne, %convert_element_type3A_180, %cond3A_181 : i32
      scf.if %cond3A_182 {
        %add3A_303 = arith.constant 4 : i32
        %add3A_304 = arith.addi %add3A_165, %add3A_303 : i32
        %sub3A = arith.constant 8 : i32
        %sub3A_305 = arith.subi %add3A_304, %sub3A : i32
        %dma_wait3A_306 = arith.constant 0 : i32
        %dma_wait3A_307 = tpu.memref_slice %arg7[%sub3A_305, %dma_wait3A_306] : memref<80x128xi32, #tpu.memory_space<vmem>> -> memref<1x128xi32, #tpu.memory_space<vmem>>
        %dma_wait3A_308 = tpu.memref_squeeze %dma_wait3A_307 : memref<1x128xi32, #tpu.memory_space<vmem>> -> memref<128xi32, #tpu.memory_space<vmem>>
        %dma_wait3A_309 = arith.constant 0 : i32
        %dma_wait3A_310 = arith.constant 0 : i32
        %dma_wait3A_311 = tpu.memref_slice %arg16[%dma_wait3A_309, %dma_wait3A_310] : memref<10240x64xf32, #tpu.memory_space<vmem_shared>> -> memref<10240x64xf32, #tpu.memory_space<vmem_shared>>
        tpu.wait_indirect_dma semaphore(%arg31 : memref<!tpu.dma_semaphore, #tpu.memory_space<semaphore_mem>>) src(%arg14 : memref<128x64xf32, #tpu.memory_space<vmem>>) dst(%dma_wait3A_311 : memref<10240x64xf32, #tpu.memory_space<vmem_shared>>)
      } else {
      }
      %add3A_183 = arith.constant 4 : i32
      %add3A_184 = arith.addi %add3A_165, %add3A_183 : i32
      %dma_start3A_185 = arith.constant 0 : i32
      %dma_start3A_186 = tpu.memref_slice %arg6[%add3A_184, %dma_start3A_185] : memref<80x128xi32, #tpu.memory_space<vmem>> -> memref<1x128xi32, #tpu.memory_space<vmem>>
      %dma_start3A_187 = tpu.memref_squeeze %dma_start3A_186 : memref<1x128xi32, #tpu.memory_space<vmem>> -> memref<128xi32, #tpu.memory_space<vmem>>
      %dma_start3A_188 = arith.constant 0 : i32
      %dma_start3A_189 = arith.constant 0 : i32
      %dma_start3A_190 = tpu.memref_slice %arg2[%dma_start3A_188, %dma_start3A_189] : memref<10240x64xf32, #tpu.memory_space<hbm>> -> memref<10240x64xf32, #tpu.memory_space<hbm>>
      tpu.enqueue_indirect_dma source(%dma_start3A_190 : memref<10240x64xf32, #tpu.memory_space<hbm>>) target(%arg14 : memref<128x64xf32, #tpu.memory_space<vmem>>) offsets(%dma_start3A_187 : memref<128xi32, #tpu.memory_space<vmem>>) semaphore(%arg23 : memref<!tpu.dma_semaphore, #tpu.memory_space<semaphore_mem>>)
      %mul3A_191 = arith.constant 8 : i32
      %mul3A_192 = arith.muli %mul3A_191, %scan3A_104 : i32
      %add3A_193 = arith.constant 3 : i32
      %add3A_194 = arith.addi %mul3A_192, %add3A_193 : i32
      %dma_wait3A_195 = arith.constant 0 : i32
      %dma_wait3A_196 = tpu.memref_slice %arg6[%add3A_194, %dma_wait3A_195] : memref<80x128xi32, #tpu.memory_space<vmem>> -> memref<1x128xi32, #tpu.memory_space<vmem>>
      %dma_wait3A_197 = tpu.memref_squeeze %dma_wait3A_196 : memref<1x128xi32, #tpu.memory_space<vmem>> -> memref<128xi32, #tpu.memory_space<vmem>>
      %dma_wait3A_198 = arith.constant 0 : i32
      %dma_wait3A_199 = arith.constant 0 : i32
      %dma_wait3A_200 = tpu.memref_slice %arg2[%dma_wait3A_198, %dma_wait3A_199] : memref<10240x64xf32, #tpu.memory_space<hbm>> -> memref<10240x64xf32, #tpu.memory_space<hbm>>
      tpu.wait_indirect_dma semaphore(%arg20 : memref<!tpu.dma_semaphore, #tpu.memory_space<semaphore_mem>>) src(%dma_wait3A_200 : memref<10240x64xf32, #tpu.memory_space<hbm>>) dst(%arg11 : memref<128x64xf32, #tpu.memory_space<vmem>>)
      %dma_start3A_201 = arith.constant 0 : i32
      %dma_start3A_202 = tpu.memref_slice %arg7[%add3A_194, %dma_start3A_201] : memref<80x128xi32, #tpu.memory_space<vmem>> -> memref<1x128xi32, #tpu.memory_space<vmem>>
      %dma_start3A_203 = tpu.memref_squeeze %dma_start3A_202 : memref<1x128xi32, #tpu.memory_space<vmem>> -> memref<128xi32, #tpu.memory_space<vmem>>
      %dma_start3A_204 = arith.constant 0 : i32
      %dma_start3A_205 = arith.constant 0 : i32
      %dma_start3A_206 = tpu.memref_slice %arg16[%dma_start3A_204, %dma_start3A_205] : memref<10240x64xf32, #tpu.memory_space<vmem_shared>> -> memref<10240x64xf32, #tpu.memory_space<vmem_shared>>
      tpu.enqueue_indirect_dma source(%arg11 : memref<128x64xf32, #tpu.memory_space<vmem>>) target(%dma_start3A_206 : memref<10240x64xf32, #tpu.memory_space<vmem_shared>>) offsets(%dma_start3A_203 : memref<128xi32, #tpu.memory_space<vmem>>) semaphore(%arg28 : memref<!tpu.dma_semaphore, #tpu.memory_space<semaphore_mem>>) {add = true}
      %gt3A_207 = arith.constant 0 : i32
      %gt3A_208 = arith.cmpi sgt, %scan3A_104, %gt3A_207 : i32
      %convert_element_type3A_209 = arith.extui %gt3A_208 : i1 to i32
      %cond3A_210 = arith.constant 0 : i32
      %cond3A_211 = arith.cmpi ne, %convert_element_type3A_209, %cond3A_210 : i32
      scf.if %cond3A_211 {
        %add3A_303 = arith.constant 4 : i32
        %add3A_304 = arith.addi %add3A_194, %add3A_303 : i32
        %sub3A = arith.constant 8 : i32
        %sub3A_305 = arith.subi %add3A_304, %sub3A : i32
        %dma_wait3A_306 = arith.constant 0 : i32
        %dma_wait3A_307 = tpu.memref_slice %arg7[%sub3A_305, %dma_wait3A_306] : memref<80x128xi32, #tpu.memory_space<vmem>> -> memref<1x128xi32, #tpu.memory_space<vmem>>
        %dma_wait3A_308 = tpu.memref_squeeze %dma_wait3A_307 : memref<1x128xi32, #tpu.memory_space<vmem>> -> memref<128xi32, #tpu.memory_space<vmem>>
        %dma_wait3A_309 = arith.constant 0 : i32
        %dma_wait3A_310 = arith.constant 0 : i32
        %dma_wait3A_311 = tpu.memref_slice %arg16[%dma_wait3A_309, %dma_wait3A_310] : memref<10240x64xf32, #tpu.memory_space<vmem_shared>> -> memref<10240x64xf32, #tpu.memory_space<vmem_shared>>
        tpu.wait_indirect_dma semaphore(%arg32 : memref<!tpu.dma_semaphore, #tpu.memory_space<semaphore_mem>>) src(%arg15 : memref<128x64xf32, #tpu.memory_space<vmem>>) dst(%dma_wait3A_311 : memref<10240x64xf32, #tpu.memory_space<vmem_shared>>)
      } else {
      }
      %add3A_212 = arith.constant 4 : i32
      %add3A_213 = arith.addi %add3A_194, %add3A_212 : i32
      %dma_start3A_214 = arith.constant 0 : i32
      %dma_start3A_215 = tpu.memref_slice %arg6[%add3A_213, %dma_start3A_214] : memref<80x128xi32, #tpu.memory_space<vmem>> -> memref<1x128xi32, #tpu.memory_space<vmem>>
      %dma_start3A_216 = tpu.memref_squeeze %dma_start3A_215 : memref<1x128xi32, #tpu.memory_space<vmem>> -> memref<128xi32, #tpu.memory_space<vmem>>
      %dma_start3A_217 = arith.constant 0 : i32
      %dma_start3A_218 = arith.constant 0 : i32
      %dma_start3A_219 = tpu.memref_slice %arg2[%dma_start3A_217, %dma_start3A_218] : memref<10240x64xf32, #tpu.memory_space<hbm>> -> memref<10240x64xf32, #tpu.memory_space<hbm>>
      tpu.enqueue_indirect_dma source(%dma_start3A_219 : memref<10240x64xf32, #tpu.memory_space<hbm>>) target(%arg15 : memref<128x64xf32, #tpu.memory_space<vmem>>) offsets(%dma_start3A_216 : memref<128xi32, #tpu.memory_space<vmem>>) semaphore(%arg24 : memref<!tpu.dma_semaphore, #tpu.memory_space<semaphore_mem>>)
      %mul3A_220 = arith.constant 8 : i32
      %mul3A_221 = arith.muli %mul3A_220, %scan3A_104 : i32
      %add3A_222 = arith.constant 4 : i32
      %add3A_223 = arith.addi %mul3A_221, %add3A_222 : i32
      %dma_wait3A_224 = arith.constant 0 : i32
      %dma_wait3A_225 = tpu.memref_slice %arg6[%add3A_223, %dma_wait3A_224] : memref<80x128xi32, #tpu.memory_space<vmem>> -> memref<1x128xi32, #tpu.memory_space<vmem>>
      %dma_wait3A_226 = tpu.memref_squeeze %dma_wait3A_225 : memref<1x128xi32, #tpu.memory_space<vmem>> -> memref<128xi32, #tpu.memory_space<vmem>>
      %dma_wait3A_227 = arith.constant 0 : i32
      %dma_wait3A_228 = arith.constant 0 : i32
      %dma_wait3A_229 = tpu.memref_slice %arg2[%dma_wait3A_227, %dma_wait3A_228] : memref<10240x64xf32, #tpu.memory_space<hbm>> -> memref<10240x64xf32, #tpu.memory_space<hbm>>
      tpu.wait_indirect_dma semaphore(%arg21 : memref<!tpu.dma_semaphore, #tpu.memory_space<semaphore_mem>>) src(%dma_wait3A_229 : memref<10240x64xf32, #tpu.memory_space<hbm>>) dst(%arg12 : memref<128x64xf32, #tpu.memory_space<vmem>>)
      %dma_start3A_230 = arith.constant 0 : i32
      %dma_start3A_231 = tpu.memref_slice %arg7[%add3A_223, %dma_start3A_230] : memref<80x128xi32, #tpu.memory_space<vmem>> -> memref<1x128xi32, #tpu.memory_space<vmem>>
      %dma_start3A_232 = tpu.memref_squeeze %dma_start3A_231 : memref<1x128xi32, #tpu.memory_space<vmem>> -> memref<128xi32, #tpu.memory_space<vmem>>
      %dma_start3A_233 = arith.constant 0 : i32
      %dma_start3A_234 = arith.constant 0 : i32
      %dma_start3A_235 = tpu.memref_slice %arg16[%dma_start3A_233, %dma_start3A_234] : memref<10240x64xf32, #tpu.memory_space<vmem_shared>> -> memref<10240x64xf32, #tpu.memory_space<vmem_shared>>
      tpu.enqueue_indirect_dma source(%arg12 : memref<128x64xf32, #tpu.memory_space<vmem>>) target(%dma_start3A_235 : memref<10240x64xf32, #tpu.memory_space<vmem_shared>>) offsets(%dma_start3A_232 : memref<128xi32, #tpu.memory_space<vmem>>) semaphore(%arg29 : memref<!tpu.dma_semaphore, #tpu.memory_space<semaphore_mem>>) {add = true}
      %lt3A = arith.constant 9 : i32
      %lt3A_236 = arith.cmpi slt, %scan3A_104, %lt3A : i32
      %convert_element_type3A_237 = arith.extui %lt3A_236 : i1 to i32
      %cond3A_238 = arith.constant 0 : i32
      %cond3A_239 = arith.cmpi ne, %convert_element_type3A_237, %cond3A_238 : i32
      scf.if %cond3A_239 {
        %add3A_303 = arith.constant 4 : i32
        %add3A_304 = arith.addi %add3A_223, %add3A_303 : i32
        %sub3A = arith.constant 8 : i32
        %sub3A_305 = arith.subi %add3A_304, %sub3A : i32
        %dma_wait3A_306 = arith.constant 0 : i32
        %dma_wait3A_307 = tpu.memref_slice %arg7[%sub3A_305, %dma_wait3A_306] : memref<80x128xi32, #tpu.memory_space<vmem>> -> memref<1x128xi32, #tpu.memory_space<vmem>>
        %dma_wait3A_308 = tpu.memref_squeeze %dma_wait3A_307 : memref<1x128xi32, #tpu.memory_space<vmem>> -> memref<128xi32, #tpu.memory_space<vmem>>
        %dma_wait3A_309 = arith.constant 0 : i32
        %dma_wait3A_310 = arith.constant 0 : i32
        %dma_wait3A_311 = tpu.memref_slice %arg16[%dma_wait3A_309, %dma_wait3A_310] : memref<10240x64xf32, #tpu.memory_space<vmem_shared>> -> memref<10240x64xf32, #tpu.memory_space<vmem_shared>>
        tpu.wait_indirect_dma semaphore(%arg25 : memref<!tpu.dma_semaphore, #tpu.memory_space<semaphore_mem>>) src(%arg8 : memref<128x64xf32, #tpu.memory_space<vmem>>) dst(%dma_wait3A_311 : memref<10240x64xf32, #tpu.memory_space<vmem_shared>>)
        %add3A_312 = arith.constant 4 : i32
        %add3A_313 = arith.addi %add3A_223, %add3A_312 : i32
        %dma_start3A_314 = arith.constant 0 : i32
        %dma_start3A_315 = tpu.memref_slice %arg6[%add3A_313, %dma_start3A_314] : memref<80x128xi32, #tpu.memory_space<vmem>> -> memref<1x128xi32, #tpu.memory_space<vmem>>
        %dma_start3A_316 = tpu.memref_squeeze %dma_start3A_315 : memref<1x128xi32, #tpu.memory_space<vmem>> -> memref<128xi32, #tpu.memory_space<vmem>>
        %dma_start3A_317 = arith.constant 0 : i32
        %dma_start3A_318 = arith.constant 0 : i32
        %dma_start3A_319 = tpu.memref_slice %arg2[%dma_start3A_317, %dma_start3A_318] : memref<10240x64xf32, #tpu.memory_space<hbm>> -> memref<10240x64xf32, #tpu.memory_space<hbm>>
        tpu.enqueue_indirect_dma source(%dma_start3A_319 : memref<10240x64xf32, #tpu.memory_space<hbm>>) target(%arg8 : memref<128x64xf32, #tpu.memory_space<vmem>>) offsets(%dma_start3A_316 : memref<128xi32, #tpu.memory_space<vmem>>) semaphore(%arg17 : memref<!tpu.dma_semaphore, #tpu.memory_space<semaphore_mem>>)
      } else {
      }
      %mul3A_240 = arith.constant 8 : i32
      %mul3A_241 = arith.muli %mul3A_240, %scan3A_104 : i32
      %add3A_242 = arith.constant 5 : i32
      %add3A_243 = arith.addi %mul3A_241, %add3A_242 : i32
      %dma_wait3A_244 = arith.constant 0 : i32
      %dma_wait3A_245 = tpu.memref_slice %arg6[%add3A_243, %dma_wait3A_244] : memref<80x128xi32, #tpu.memory_space<vmem>> -> memref<1x128xi32, #tpu.memory_space<vmem>>
      %dma_wait3A_246 = tpu.memref_squeeze %dma_wait3A_245 : memref<1x128xi32, #tpu.memory_space<vmem>> -> memref<128xi32, #tpu.memory_space<vmem>>
      %dma_wait3A_247 = arith.constant 0 : i32
      %dma_wait3A_248 = arith.constant 0 : i32
      %dma_wait3A_249 = tpu.memref_slice %arg2[%dma_wait3A_247, %dma_wait3A_248] : memref<10240x64xf32, #tpu.memory_space<hbm>> -> memref<10240x64xf32, #tpu.memory_space<hbm>>
      tpu.wait_indirect_dma semaphore(%arg22 : memref<!tpu.dma_semaphore, #tpu.memory_space<semaphore_mem>>) src(%dma_wait3A_249 : memref<10240x64xf32, #tpu.memory_space<hbm>>) dst(%arg13 : memref<128x64xf32, #tpu.memory_space<vmem>>)
      %dma_start3A_250 = arith.constant 0 : i32
      %dma_start3A_251 = tpu.memref_slice %arg7[%add3A_243, %dma_start3A_250] : memref<80x128xi32, #tpu.memory_space<vmem>> -> memref<1x128xi32, #tpu.memory_space<vmem>>
      %dma_start3A_252 = tpu.memref_squeeze %dma_start3A_251 : memref<1x128xi32, #tpu.memory_space<vmem>> -> memref<128xi32, #tpu.memory_space<vmem>>
      %dma_start3A_253 = arith.constant 0 : i32
      %dma_start3A_254 = arith.constant 0 : i32
      %dma_start3A_255 = tpu.memref_slice %arg16[%dma_start3A_253, %dma_start3A_254] : memref<10240x64xf32, #tpu.memory_space<vmem_shared>> -> memref<10240x64xf32, #tpu.memory_space<vmem_shared>>
      tpu.enqueue_indirect_dma source(%arg13 : memref<128x64xf32, #tpu.memory_space<vmem>>) target(%dma_start3A_255 : memref<10240x64xf32, #tpu.memory_space<vmem_shared>>) offsets(%dma_start3A_252 : memref<128xi32, #tpu.memory_space<vmem>>) semaphore(%arg30 : memref<!tpu.dma_semaphore, #tpu.memory_space<semaphore_mem>>) {add = true}
      %lt3A_256 = arith.constant 9 : i32
      %lt3A_257 = arith.cmpi slt, %scan3A_104, %lt3A_256 : i32
      %convert_element_type3A_258 = arith.extui %lt3A_257 : i1 to i32
      %cond3A_259 = arith.constant 0 : i32
      %cond3A_260 = arith.cmpi ne, %convert_element_type3A_258, %cond3A_259 : i32
      scf.if %cond3A_260 {
        %add3A_303 = arith.constant 4 : i32
        %add3A_304 = arith.addi %add3A_243, %add3A_303 : i32
        %sub3A = arith.constant 8 : i32
        %sub3A_305 = arith.subi %add3A_304, %sub3A : i32
        %dma_wait3A_306 = arith.constant 0 : i32
        %dma_wait3A_307 = tpu.memref_slice %arg7[%sub3A_305, %dma_wait3A_306] : memref<80x128xi32, #tpu.memory_space<vmem>> -> memref<1x128xi32, #tpu.memory_space<vmem>>
        %dma_wait3A_308 = tpu.memref_squeeze %dma_wait3A_307 : memref<1x128xi32, #tpu.memory_space<vmem>> -> memref<128xi32, #tpu.memory_space<vmem>>
        %dma_wait3A_309 = arith.constant 0 : i32
        %dma_wait3A_310 = arith.constant 0 : i32
        %dma_wait3A_311 = tpu.memref_slice %arg16[%dma_wait3A_309, %dma_wait3A_310] : memref<10240x64xf32, #tpu.memory_space<vmem_shared>> -> memref<10240x64xf32, #tpu.memory_space<vmem_shared>>
        tpu.wait_indirect_dma semaphore(%arg26 : memref<!tpu.dma_semaphore, #tpu.memory_space<semaphore_mem>>) src(%arg9 : memref<128x64xf32, #tpu.memory_space<vmem>>) dst(%dma_wait3A_311 : memref<10240x64xf32, #tpu.memory_space<vmem_shared>>)
        %add3A_312 = arith.constant 4 : i32
        %add3A_313 = arith.addi %add3A_243, %add3A_312 : i32
        %dma_start3A_314 = arith.constant 0 : i32
        %dma_start3A_315 = tpu.memref_slice %arg6[%add3A_313, %dma_start3A_314] : memref<80x128xi32, #tpu.memory_space<vmem>> -> memref<1x128xi32, #tpu.memory_space<vmem>>
        %dma_start3A_316 = tpu.memref_squeeze %dma_start3A_315 : memref<1x128xi32, #tpu.memory_space<vmem>> -> memref<128xi32, #tpu.memory_space<vmem>>
        %dma_start3A_317 = arith.constant 0 : i32
        %dma_start3A_318 = arith.constant 0 : i32
        %dma_start3A_319 = tpu.memref_slice %arg2[%dma_start3A_317, %dma_start3A_318] : memref<10240x64xf32, #tpu.memory_space<hbm>> -> memref<10240x64xf32, #tpu.memory_space<hbm>>
        tpu.enqueue_indirect_dma source(%dma_start3A_319 : memref<10240x64xf32, #tpu.memory_space<hbm>>) target(%arg9 : memref<128x64xf32, #tpu.memory_space<vmem>>) offsets(%dma_start3A_316 : memref<128xi32, #tpu.memory_space<vmem>>) semaphore(%arg18 : memref<!tpu.dma_semaphore, #tpu.memory_space<semaphore_mem>>)
      } else {
      }
      %mul3A_261 = arith.constant 8 : i32
      %mul3A_262 = arith.muli %mul3A_261, %scan3A_104 : i32
      %add3A_263 = arith.constant 6 : i32
      %add3A_264 = arith.addi %mul3A_262, %add3A_263 : i32
      %dma_wait3A_265 = arith.constant 0 : i32
      %dma_wait3A_266 = tpu.memref_slice %arg6[%add3A_264, %dma_wait3A_265] : memref<80x128xi32, #tpu.memory_space<vmem>> -> memref<1x128xi32, #tpu.memory_space<vmem>>
      %dma_wait3A_267 = tpu.memref_squeeze %dma_wait3A_266 : memref<1x128xi32, #tpu.memory_space<vmem>> -> memref<128xi32, #tpu.memory_space<vmem>>
      %dma_wait3A_268 = arith.constant 0 : i32
      %dma_wait3A_269 = arith.constant 0 : i32
      %dma_wait3A_270 = tpu.memref_slice %arg2[%dma_wait3A_268, %dma_wait3A_269] : memref<10240x64xf32, #tpu.memory_space<hbm>> -> memref<10240x64xf32, #tpu.memory_space<hbm>>
      tpu.wait_indirect_dma semaphore(%arg23 : memref<!tpu.dma_semaphore, #tpu.memory_space<semaphore_mem>>) src(%dma_wait3A_270 : memref<10240x64xf32, #tpu.memory_space<hbm>>) dst(%arg14 : memref<128x64xf32, #tpu.memory_space<vmem>>)
      %dma_start3A_271 = arith.constant 0 : i32
      %dma_start3A_272 = tpu.memref_slice %arg7[%add3A_264, %dma_start3A_271] : memref<80x128xi32, #tpu.memory_space<vmem>> -> memref<1x128xi32, #tpu.memory_space<vmem>>
      %dma_start3A_273 = tpu.memref_squeeze %dma_start3A_272 : memref<1x128xi32, #tpu.memory_space<vmem>> -> memref<128xi32, #tpu.memory_space<vmem>>
      %dma_start3A_274 = arith.constant 0 : i32
      %dma_start3A_275 = arith.constant 0 : i32
      %dma_start3A_276 = tpu.memref_slice %arg16[%dma_start3A_274, %dma_start3A_275] : memref<10240x64xf32, #tpu.memory_space<vmem_shared>> -> memref<10240x64xf32, #tpu.memory_space<vmem_shared>>
      tpu.enqueue_indirect_dma source(%arg14 : memref<128x64xf32, #tpu.memory_space<vmem>>) target(%dma_start3A_276 : memref<10240x64xf32, #tpu.memory_space<vmem_shared>>) offsets(%dma_start3A_273 : memref<128xi32, #tpu.memory_space<vmem>>) semaphore(%arg31 : memref<!tpu.dma_semaphore, #tpu.memory_space<semaphore_mem>>) {add = true}
      %lt3A_277 = arith.constant 9 : i32
      %lt3A_278 = arith.cmpi slt, %scan3A_104, %lt3A_277 : i32
      %convert_element_type3A_279 = arith.extui %lt3A_278 : i1 to i32
      %cond3A_280 = arith.constant 0 : i32
      %cond3A_281 = arith.cmpi ne, %convert_element_type3A_279, %cond3A_280 : i32
      scf.if %cond3A_281 {
        %add3A_303 = arith.constant 4 : i32
        %add3A_304 = arith.addi %add3A_264, %add3A_303 : i32
        %sub3A = arith.constant 8 : i32
        %sub3A_305 = arith.subi %add3A_304, %sub3A : i32
        %dma_wait3A_306 = arith.constant 0 : i32
        %dma_wait3A_307 = tpu.memref_slice %arg7[%sub3A_305, %dma_wait3A_306] : memref<80x128xi32, #tpu.memory_space<vmem>> -> memref<1x128xi32, #tpu.memory_space<vmem>>
        %dma_wait3A_308 = tpu.memref_squeeze %dma_wait3A_307 : memref<1x128xi32, #tpu.memory_space<vmem>> -> memref<128xi32, #tpu.memory_space<vmem>>
        %dma_wait3A_309 = arith.constant 0 : i32
        %dma_wait3A_310 = arith.constant 0 : i32
        %dma_wait3A_311 = tpu.memref_slice %arg16[%dma_wait3A_309, %dma_wait3A_310] : memref<10240x64xf32, #tpu.memory_space<vmem_shared>> -> memref<10240x64xf32, #tpu.memory_space<vmem_shared>>
        tpu.wait_indirect_dma semaphore(%arg27 : memref<!tpu.dma_semaphore, #tpu.memory_space<semaphore_mem>>) src(%arg10 : memref<128x64xf32, #tpu.memory_space<vmem>>) dst(%dma_wait3A_311 : memref<10240x64xf32, #tpu.memory_space<vmem_shared>>)
        %add3A_312 = arith.constant 4 : i32
        %add3A_313 = arith.addi %add3A_264, %add3A_312 : i32
        %dma_start3A_314 = arith.constant 0 : i32
        %dma_start3A_315 = tpu.memref_slice %arg6[%add3A_313, %dma_start3A_314] : memref<80x128xi32, #tpu.memory_space<vmem>> -> memref<1x128xi32, #tpu.memory_space<vmem>>
        %dma_start3A_316 = tpu.memref_squeeze %dma_start3A_315 : memref<1x128xi32, #tpu.memory_space<vmem>> -> memref<128xi32, #tpu.memory_space<vmem>>
        %dma_start3A_317 = arith.constant 0 : i32
        %dma_start3A_318 = arith.constant 0 : i32
        %dma_start3A_319 = tpu.memref_slice %arg2[%dma_start3A_317, %dma_start3A_318] : memref<10240x64xf32, #tpu.memory_space<hbm>> -> memref<10240x64xf32, #tpu.memory_space<hbm>>
        tpu.enqueue_indirect_dma source(%dma_start3A_319 : memref<10240x64xf32, #tpu.memory_space<hbm>>) target(%arg10 : memref<128x64xf32, #tpu.memory_space<vmem>>) offsets(%dma_start3A_316 : memref<128xi32, #tpu.memory_space<vmem>>) semaphore(%arg19 : memref<!tpu.dma_semaphore, #tpu.memory_space<semaphore_mem>>)
      } else {
      }
      %mul3A_282 = arith.constant 8 : i32
      %mul3A_283 = arith.muli %mul3A_282, %scan3A_104 : i32
      %add3A_284 = arith.constant 7 : i32
      %add3A_285 = arith.addi %mul3A_283, %add3A_284 : i32
      %dma_wait3A_286 = arith.constant 0 : i32
      %dma_wait3A_287 = tpu.memref_slice %arg6[%add3A_285, %dma_wait3A_286] : memref<80x128xi32, #tpu.memory_space<vmem>> -> memref<1x128xi32, #tpu.memory_space<vmem>>
      %dma_wait3A_288 = tpu.memref_squeeze %dma_wait3A_287 : memref<1x128xi32, #tpu.memory_space<vmem>> -> memref<128xi32, #tpu.memory_space<vmem>>
      %dma_wait3A_289 = arith.constant 0 : i32
      %dma_wait3A_290 = arith.constant 0 : i32
      %dma_wait3A_291 = tpu.memref_slice %arg2[%dma_wait3A_289, %dma_wait3A_290] : memref<10240x64xf32, #tpu.memory_space<hbm>> -> memref<10240x64xf32, #tpu.memory_space<hbm>>
      tpu.wait_indirect_dma semaphore(%arg24 : memref<!tpu.dma_semaphore, #tpu.memory_space<semaphore_mem>>) src(%dma_wait3A_291 : memref<10240x64xf32, #tpu.memory_space<hbm>>) dst(%arg15 : memref<128x64xf32, #tpu.memory_space<vmem>>)
      %dma_start3A_292 = arith.constant 0 : i32
      %dma_start3A_293 = tpu.memref_slice %arg7[%add3A_285, %dma_start3A_292] : memref<80x128xi32, #tpu.memory_space<vmem>> -> memref<1x128xi32, #tpu.memory_space<vmem>>
      %dma_start3A_294 = tpu.memref_squeeze %dma_start3A_293 : memref<1x128xi32, #tpu.memory_space<vmem>> -> memref<128xi32, #tpu.memory_space<vmem>>
      %dma_start3A_295 = arith.constant 0 : i32
      %dma_start3A_296 = arith.constant 0 : i32
      %dma_start3A_297 = tpu.memref_slice %arg16[%dma_start3A_295, %dma_start3A_296] : memref<10240x64xf32, #tpu.memory_space<vmem_shared>> -> memref<10240x64xf32, #tpu.memory_space<vmem_shared>>
      tpu.enqueue_indirect_dma source(%arg15 : memref<128x64xf32, #tpu.memory_space<vmem>>) target(%dma_start3A_297 : memref<10240x64xf32, #tpu.memory_space<vmem_shared>>) offsets(%dma_start3A_294 : memref<128xi32, #tpu.memory_space<vmem>>) semaphore(%arg32 : memref<!tpu.dma_semaphore, #tpu.memory_space<semaphore_mem>>) {add = true}
      %lt3A_298 = arith.constant 9 : i32
      %lt3A_299 = arith.cmpi slt, %scan3A_104, %lt3A_298 : i32
      %convert_element_type3A_300 = arith.extui %lt3A_299 : i1 to i32
      %cond3A_301 = arith.constant 0 : i32
      %cond3A_302 = arith.cmpi ne, %convert_element_type3A_300, %cond3A_301 : i32
      scf.if %cond3A_302 {
        %add3A_303 = arith.constant 4 : i32
        %add3A_304 = arith.addi %add3A_285, %add3A_303 : i32
        %sub3A = arith.constant 8 : i32
        %sub3A_305 = arith.subi %add3A_304, %sub3A : i32
        %dma_wait3A_306 = arith.constant 0 : i32
        %dma_wait3A_307 = tpu.memref_slice %arg7[%sub3A_305, %dma_wait3A_306] : memref<80x128xi32, #tpu.memory_space<vmem>> -> memref<1x128xi32, #tpu.memory_space<vmem>>
        %dma_wait3A_308 = tpu.memref_squeeze %dma_wait3A_307 : memref<1x128xi32, #tpu.memory_space<vmem>> -> memref<128xi32, #tpu.memory_space<vmem>>
        %dma_wait3A_309 = arith.constant 0 : i32
        %dma_wait3A_310 = arith.constant 0 : i32
        %dma_wait3A_311 = tpu.memref_slice %arg16[%dma_wait3A_309, %dma_wait3A_310] : memref<10240x64xf32, #tpu.memory_space<vmem_shared>> -> memref<10240x64xf32, #tpu.memory_space<vmem_shared>>
        tpu.wait_indirect_dma semaphore(%arg28 : memref<!tpu.dma_semaphore, #tpu.memory_space<semaphore_mem>>) src(%arg11 : memref<128x64xf32, #tpu.memory_space<vmem>>) dst(%dma_wait3A_311 : memref<10240x64xf32, #tpu.memory_space<vmem_shared>>)
        %add3A_312 = arith.constant 4 : i32
        %add3A_313 = arith.addi %add3A_285, %add3A_312 : i32
        %dma_start3A_314 = arith.constant 0 : i32
        %dma_start3A_315 = tpu.memref_slice %arg6[%add3A_313, %dma_start3A_314] : memref<80x128xi32, #tpu.memory_space<vmem>> -> memref<1x128xi32, #tpu.memory_space<vmem>>
        %dma_start3A_316 = tpu.memref_squeeze %dma_start3A_315 : memref<1x128xi32, #tpu.memory_space<vmem>> -> memref<128xi32, #tpu.memory_space<vmem>>
        %dma_start3A_317 = arith.constant 0 : i32
        %dma_start3A_318 = arith.constant 0 : i32
        %dma_start3A_319 = tpu.memref_slice %arg2[%dma_start3A_317, %dma_start3A_318] : memref<10240x64xf32, #tpu.memory_space<hbm>> -> memref<10240x64xf32, #tpu.memory_space<hbm>>
        tpu.enqueue_indirect_dma source(%dma_start3A_319 : memref<10240x64xf32, #tpu.memory_space<hbm>>) target(%arg11 : memref<128x64xf32, #tpu.memory_space<vmem>>) offsets(%dma_start3A_316 : memref<128xi32, #tpu.memory_space<vmem>>) semaphore(%arg20 : memref<!tpu.dma_semaphore, #tpu.memory_space<semaphore_mem>>)
      } else {
      }
    }
    %scan3A_43 = arith.constant 10 : i32
    %dma_wait3A = arith.constant 72 : i32
    %dma_wait3A_44 = arith.constant 0 : i32
    %dma_wait3A_45 = tpu.memref_slice %arg7[%dma_wait3A, %dma_wait3A_44] : memref<80x128xi32, #tpu.memory_space<vmem>> -> memref<1x128xi32, #tpu.memory_space<vmem>>
    %dma_wait3A_46 = tpu.memref_squeeze %dma_wait3A_45 : memref<1x128xi32, #tpu.memory_space<vmem>> -> memref<128xi32, #tpu.memory_space<vmem>>
    %dma_wait3A_47 = arith.constant 0 : i32
    %dma_wait3A_48 = arith.constant 0 : i32
    %dma_wait3A_49 = tpu.memref_slice %arg16[%dma_wait3A_47, %dma_wait3A_48] : memref<10240x64xf32, #tpu.memory_space<vmem_shared>> -> memref<10240x64xf32, #tpu.memory_space<vmem_shared>>
    tpu.wait_indirect_dma semaphore(%arg25 : memref<!tpu.dma_semaphore, #tpu.memory_space<semaphore_mem>>) src(%arg8 : memref<128x64xf32, #tpu.memory_space<vmem>>) dst(%dma_wait3A_49 : memref<10240x64xf32, #tpu.memory_space<vmem_shared>>)
    %dma_wait3A_50 = arith.constant 73 : i32
    %dma_wait3A_51 = arith.constant 0 : i32
    %dma_wait3A_52 = tpu.memref_slice %arg7[%dma_wait3A_50, %dma_wait3A_51] : memref<80x128xi32, #tpu.memory_space<vmem>> -> memref<1x128xi32, #tpu.memory_space<vmem>>
    %dma_wait3A_53 = tpu.memref_squeeze %dma_wait3A_52 : memref<1x128xi32, #tpu.memory_space<vmem>> -> memref<128xi32, #tpu.memory_space<vmem>>
    %dma_wait3A_54 = arith.constant 0 : i32
    %dma_wait3A_55 = arith.constant 0 : i32
    %dma_wait3A_56 = tpu.memref_slice %arg16[%dma_wait3A_54, %dma_wait3A_55] : memref<10240x64xf32, #tpu.memory_space<vmem_shared>> -> memref<10240x64xf32, #tpu.memory_space<vmem_shared>>
    tpu.wait_indirect_dma semaphore(%arg26 : memref<!tpu.dma_semaphore, #tpu.memory_space<semaphore_mem>>) src(%arg9 : memref<128x64xf32, #tpu.memory_space<vmem>>) dst(%dma_wait3A_56 : memref<10240x64xf32, #tpu.memory_space<vmem_shared>>)
    %dma_wait3A_57 = arith.constant 74 : i32
    %dma_wait3A_58 = arith.constant 0 : i32
    %dma_wait3A_59 = tpu.memref_slice %arg7[%dma_wait3A_57, %dma_wait3A_58] : memref<80x128xi32, #tpu.memory_space<vmem>> -> memref<1x128xi32, #tpu.memory_space<vmem>>
    %dma_wait3A_60 = tpu.memref_squeeze %dma_wait3A_59 : memref<1x128xi32, #tpu.memory_space<vmem>> -> memref<128xi32, #tpu.memory_space<vmem>>
    %dma_wait3A_61 = arith.constant 0 : i32
    %dma_wait3A_62 = arith.constant 0 : i32
    %dma_wait3A_63 = tpu.memref_slice %arg16[%dma_wait3A_61, %dma_wait3A_62] : memref<10240x64xf32, #tpu.memory_space<vmem_shared>> -> memref<10240x64xf32, #tpu.memory_space<vmem_shared>>
    tpu.wait_indirect_dma semaphore(%arg27 : memref<!tpu.dma_semaphore, #tpu.memory_space<semaphore_mem>>) src(%arg10 : memref<128x64xf32, #tpu.memory_space<vmem>>) dst(%dma_wait3A_63 : memref<10240x64xf32, #tpu.memory_space<vmem_shared>>)
    %dma_wait3A_64 = arith.constant 75 : i32
    %dma_wait3A_65 = arith.constant 0 : i32
    %dma_wait3A_66 = tpu.memref_slice %arg7[%dma_wait3A_64, %dma_wait3A_65] : memref<80x128xi32, #tpu.memory_space<vmem>> -> memref<1x128xi32, #tpu.memory_space<vmem>>
    %dma_wait3A_67 = tpu.memref_squeeze %dma_wait3A_66 : memref<1x128xi32, #tpu.memory_space<vmem>> -> memref<128xi32, #tpu.memory_space<vmem>>
    %dma_wait3A_68 = arith.constant 0 : i32
    %dma_wait3A_69 = arith.constant 0 : i32
    %dma_wait3A_70 = tpu.memref_slice %arg16[%dma_wait3A_68, %dma_wait3A_69] : memref<10240x64xf32, #tpu.memory_space<vmem_shared>> -> memref<10240x64xf32, #tpu.memory_space<vmem_shared>>
    tpu.wait_indirect_dma semaphore(%arg28 : memref<!tpu.dma_semaphore, #tpu.memory_space<semaphore_mem>>) src(%arg11 : memref<128x64xf32, #tpu.memory_space<vmem>>) dst(%dma_wait3A_70 : memref<10240x64xf32, #tpu.memory_space<vmem_shared>>)
    %dma_wait3A_71 = arith.constant 76 : i32
    %dma_wait3A_72 = arith.constant 0 : i32
    %dma_wait3A_73 = tpu.memref_slice %arg7[%dma_wait3A_71, %dma_wait3A_72] : memref<80x128xi32, #tpu.memory_space<vmem>> -> memref<1x128xi32, #tpu.memory_space<vmem>>
    %dma_wait3A_74 = tpu.memref_squeeze %dma_wait3A_73 : memref<1x128xi32, #tpu.memory_space<vmem>> -> memref<128xi32, #tpu.memory_space<vmem>>
    %dma_wait3A_75 = arith.constant 0 : i32
    %dma_wait3A_76 = arith.constant 0 : i32
    %dma_wait3A_77 = tpu.memref_slice %arg16[%dma_wait3A_75, %dma_wait3A_76] : memref<10240x64xf32, #tpu.memory_space<vmem_shared>> -> memref<10240x64xf32, #tpu.memory_space<vmem_shared>>
    tpu.wait_indirect_dma semaphore(%arg29 : memref<!tpu.dma_semaphore, #tpu.memory_space<semaphore_mem>>) src(%arg12 : memref<128x64xf32, #tpu.memory_space<vmem>>) dst(%dma_wait3A_77 : memref<10240x64xf32, #tpu.memory_space<vmem_shared>>)
    %dma_wait3A_78 = arith.constant 77 : i32
    %dma_wait3A_79 = arith.constant 0 : i32
    %dma_wait3A_80 = tpu.memref_slice %arg7[%dma_wait3A_78, %dma_wait3A_79] : memref<80x128xi32, #tpu.memory_space<vmem>> -> memref<1x128xi32, #tpu.memory_space<vmem>>
    %dma_wait3A_81 = tpu.memref_squeeze %dma_wait3A_80 : memref<1x128xi32, #tpu.memory_space<vmem>> -> memref<128xi32, #tpu.memory_space<vmem>>
    %dma_wait3A_82 = arith.constant 0 : i32
    %dma_wait3A_83 = arith.constant 0 : i32
    %dma_wait3A_84 = tpu.memref_slice %arg16[%dma_wait3A_82, %dma_wait3A_83] : memref<10240x64xf32, #tpu.memory_space<vmem_shared>> -> memref<10240x64xf32, #tpu.memory_space<vmem_shared>>
    tpu.wait_indirect_dma semaphore(%arg30 : memref<!tpu.dma_semaphore, #tpu.memory_space<semaphore_mem>>) src(%arg13 : memref<128x64xf32, #tpu.memory_space<vmem>>) dst(%dma_wait3A_84 : memref<10240x64xf32, #tpu.memory_space<vmem_shared>>)
    %dma_wait3A_85 = arith.constant 78 : i32
    %dma_wait3A_86 = arith.constant 0 : i32
    %dma_wait3A_87 = tpu.memref_slice %arg7[%dma_wait3A_85, %dma_wait3A_86] : memref<80x128xi32, #tpu.memory_space<vmem>> -> memref<1x128xi32, #tpu.memory_space<vmem>>
    %dma_wait3A_88 = tpu.memref_squeeze %dma_wait3A_87 : memref<1x128xi32, #tpu.memory_space<vmem>> -> memref<128xi32, #tpu.memory_space<vmem>>
    %dma_wait3A_89 = arith.constant 0 : i32
    %dma_wait3A_90 = arith.constant 0 : i32
    %dma_wait3A_91 = tpu.memref_slice %arg16[%dma_wait3A_89, %dma_wait3A_90] : memref<10240x64xf32, #tpu.memory_space<vmem_shared>> -> memref<10240x64xf32, #tpu.memory_space<vmem_shared>>
    tpu.wait_indirect_dma semaphore(%arg31 : memref<!tpu.dma_semaphore, #tpu.memory_space<semaphore_mem>>) src(%arg14 : memref<128x64xf32, #tpu.memory_space<vmem>>) dst(%dma_wait3A_91 : memref<10240x64xf32, #tpu.memory_space<vmem_shared>>)
    %dma_wait3A_92 = arith.constant 79 : i32
    %dma_wait3A_93 = arith.constant 0 : i32
    %dma_wait3A_94 = tpu.memref_slice %arg7[%dma_wait3A_92, %dma_wait3A_93] : memref<80x128xi32, #tpu.memory_space<vmem>> -> memref<1x128xi32, #tpu.memory_space<vmem>>
    %dma_wait3A_95 = tpu.memref_squeeze %dma_wait3A_94 : memref<1x128xi32, #tpu.memory_space<vmem>> -> memref<128xi32, #tpu.memory_space<vmem>>
    %dma_wait3A_96 = arith.constant 0 : i32
    %dma_wait3A_97 = arith.constant 0 : i32
    %dma_wait3A_98 = tpu.memref_slice %arg16[%dma_wait3A_96, %dma_wait3A_97] : memref<10240x64xf32, #tpu.memory_space<vmem_shared>> -> memref<10240x64xf32, #tpu.memory_space<vmem_shared>>
    tpu.wait_indirect_dma semaphore(%arg32 : memref<!tpu.dma_semaphore, #tpu.memory_space<semaphore_mem>>) src(%arg15 : memref<128x64xf32, #tpu.memory_space<vmem>>) dst(%dma_wait3A_98 : memref<10240x64xf32, #tpu.memory_space<vmem_shared>>)
    %barrier3A_99 = arith.constant 0 : index
    tpu.barrier barrier_id(%barrier3A_99)
    %mul3A_100 = arith.constant 640 : i32
    %mul3A_101 = arith.muli %arg1, %mul3A_100 : i32
    %mul3A_102 = arith.constant 640 : i32
    %mul3A_103 = arith.muli %arg1, %mul3A_102 : i32
    "tpu.region"() ({
      %run_scoped3A_104 = tpu.sem_alloc : memref<!tpu.dma_semaphore, #tpu.memory_space<semaphore_mem>>
      %dma_start3A_105 = arith.constant 0 : i32
      %dma_start3A_106 = arith.constant 0 : i32
      %dma_start3A_107 = tpu.memref_slice %arg5[%arg0, %dma_start3A_105, %dma_start3A_106] : memref<2x10240x64xf32, #tpu.memory_space<hbm>> -> memref<1x10240x64xf32, #tpu.memory_space<hbm>>
      %dma_start3A_108 = tpu.memref_squeeze %dma_start3A_107 : memref<1x10240x64xf32, #tpu.memory_space<hbm>> -> memref<10240x64xf32, #tpu.memory_space<hbm>>
      %dma_start3A_109 = arith.constant 0 : i32
      %dma_start3A_110 = tpu.memref_slice %dma_start3A_108[%mul3A_103, %dma_start3A_109] : memref<10240x64xf32, #tpu.memory_space<hbm>> -> memref<640x64xf32, #tpu.memory_space<hbm>>
      %dma_start3A_111 = arith.constant 0 : i32
      %dma_start3A_112 = tpu.memref_slice %arg16[%mul3A_101, %dma_start3A_111] : memref<10240x64xf32, #tpu.memory_space<vmem_shared>> -> memref<640x64xf32, #tpu.memory_space<vmem_shared>>
      tpu.enqueue_dma source(%dma_start3A_112 : memref<640x64xf32, #tpu.memory_space<vmem_shared>>) target(%dma_start3A_110 : memref<640x64xf32, #tpu.memory_space<hbm>>) target_semaphore(%run_scoped3A_104 : memref<!tpu.dma_semaphore, #tpu.memory_space<semaphore_mem>>)
      %dma_wait3A_113 = arith.constant 0 : i32
      %dma_wait3A_114 = arith.constant 0 : i32
      %dma_wait3A_115 = tpu.memref_slice %arg5[%arg0, %dma_wait3A_113, %dma_wait3A_114] : memref<2x10240x64xf32, #tpu.memory_space<hbm>> -> memref<1x10240x64xf32, #tpu.memory_space<hbm>>
      %dma_wait3A_116 = tpu.memref_squeeze %dma_wait3A_115 : memref<1x10240x64xf32, #tpu.memory_space<hbm>> -> memref<10240x64xf32, #tpu.memory_space<hbm>>
      %dma_wait3A_117 = arith.constant 0 : i32
      %dma_wait3A_118 = tpu.memref_slice %dma_wait3A_116[%mul3A_103, %dma_wait3A_117] : memref<10240x64xf32, #tpu.memory_space<hbm>> -> memref<640x64xf32, #tpu.memory_space<hbm>>
      %dma_wait3A_119 = arith.constant 0 : i32
      %dma_wait3A_120 = tpu.memref_slice %arg16[%mul3A_101, %dma_wait3A_119] : memref<10240x64xf32, #tpu.memory_space<vmem_shared>> -> memref<640x64xf32, #tpu.memory_space<vmem_shared>>
      tpu.wait_dma2 semaphore(%run_scoped3A_104 : memref<!tpu.dma_semaphore, #tpu.memory_space<semaphore_mem>>) src(%dma_wait3A_120 : memref<640x64xf32, #tpu.memory_space<vmem_shared>>) dst(%dma_wait3A_118 : memref<640x64xf32, #tpu.memory_space<hbm>>)
      tpu.yield
    }) : () -> ()
    return
  }
}

#map = affine_map<(d0, d1) -> (0, 0, 0)>
#map1 = affine_map<(d0, d1) -> (0)>
#map2 = affine_map<(d0, d1) -> (0, 0)>
module attributes {stable_mosaic.version = 14 : i64} {
  func.func @_hidden_kernel(%arg0: i32, %arg1: i32, %arg2: memref<2x10240x64xf32, #tpu.memory_space<hbm>>, %arg3: memref<2x5120x16xf32, #tpu.memory_space<hbm>>, %arg4: memref<64xf32, #tpu.memory_space<hbm>>, %arg5: memref<10240x64xf32, #tpu.memory_space<hbm>>, %arg6: memref<320x64xf32, #tpu.memory_space<vmem>>, %arg7: memref<320x64xf32, #tpu.memory_space<vmem>>, %arg8: memref<160x16xf32, #tpu.memory_space<vmem>>, %arg9: memref<160x16xf32, #tpu.memory_space<vmem>>, %arg10: memref<64xf32, #tpu.memory_space<vmem>>) attributes {dimension_semantics = [#tpu.dimension_semantics<core_parallel>, #tpu.dimension_semantics<subcore_parallel>], iteration_bounds = array<i64: 2, 16>, scalar_prefetch = 0 : i64, scratch_operands = 5 : i64, tpu.core_type = #tpu.core_type<sc_vector_subcore>, window_params = [{transform_indices = #map}, {transform_indices = #map}, {transform_indices = #map1}, {transform_indices = #map2}]} {
    %mul3A = arith.constant 16 : i32
    %mul3A_0 = arith.muli %arg0, %mul3A : i32
    %add3A = arith.addi %mul3A_0, %arg1 : i32
    %mul3A_1 = arith.constant 320 : i32
    %mul3A_2 = arith.muli %add3A, %mul3A_1 : i32
    %run_scoped3A = arith.constant 0 : i32
    "tpu.region"() ({
      %run_scoped3A_51 = tpu.sem_alloc : memref<!tpu.dma_semaphore, #tpu.memory_space<semaphore_mem>>
      %dma_start3A = arith.constant 0 : i32
      %dma_start3A_52 = arith.constant 0 : i32
      %dma_start3A_53 = tpu.memref_slice %arg2[%run_scoped3A, %dma_start3A, %dma_start3A_52] : memref<2x10240x64xf32, #tpu.memory_space<hbm>> -> memref<1x10240x64xf32, #tpu.memory_space<hbm>>
      %dma_start3A_54 = tpu.memref_squeeze %dma_start3A_53 : memref<1x10240x64xf32, #tpu.memory_space<hbm>> -> memref<10240x64xf32, #tpu.memory_space<hbm>>
      %dma_start3A_55 = arith.constant 0 : i32
      %dma_start3A_56 = tpu.memref_slice %dma_start3A_54[%mul3A_2, %dma_start3A_55] : memref<10240x64xf32, #tpu.memory_space<hbm>> -> memref<320x64xf32, #tpu.memory_space<hbm>>
      %dma_start3A_57 = arith.constant 0 : i32
      %dma_start3A_58 = arith.constant 0 : i32
      %dma_start3A_59 = tpu.memref_slice %arg2[%run_scoped3A, %dma_start3A_57, %dma_start3A_58] : memref<2x10240x64xf32, #tpu.memory_space<hbm>> -> memref<1x10240x64xf32, #tpu.memory_space<hbm>>
      %dma_start3A_60 = tpu.memref_squeeze %dma_start3A_59 : memref<1x10240x64xf32, #tpu.memory_space<hbm>> -> memref<10240x64xf32, #tpu.memory_space<hbm>>
      %dma_start3A_61 = arith.constant 0 : i32
      %dma_start3A_62 = tpu.memref_slice %dma_start3A_60[%mul3A_2, %dma_start3A_61] : memref<10240x64xf32, #tpu.memory_space<hbm>> -> memref<320x64xf32, #tpu.memory_space<hbm>>
      tpu.enqueue_dma source(%dma_start3A_62 : memref<320x64xf32, #tpu.memory_space<hbm>>) target(%arg6 : memref<320x64xf32, #tpu.memory_space<vmem>>) target_semaphore(%run_scoped3A_51 : memref<!tpu.dma_semaphore, #tpu.memory_space<semaphore_mem>>)
      %dma_wait3A = arith.constant 0 : i32
      %dma_wait3A_63 = arith.constant 0 : i32
      %dma_wait3A_64 = tpu.memref_slice %arg2[%run_scoped3A, %dma_wait3A, %dma_wait3A_63] : memref<2x10240x64xf32, #tpu.memory_space<hbm>> -> memref<1x10240x64xf32, #tpu.memory_space<hbm>>
      %dma_wait3A_65 = tpu.memref_squeeze %dma_wait3A_64 : memref<1x10240x64xf32, #tpu.memory_space<hbm>> -> memref<10240x64xf32, #tpu.memory_space<hbm>>
      %dma_wait3A_66 = arith.constant 0 : i32
      %dma_wait3A_67 = tpu.memref_slice %dma_wait3A_65[%mul3A_2, %dma_wait3A_66] : memref<10240x64xf32, #tpu.memory_space<hbm>> -> memref<320x64xf32, #tpu.memory_space<hbm>>
      %dma_wait3A_68 = arith.constant 0 : i32
      %dma_wait3A_69 = arith.constant 0 : i32
      %dma_wait3A_70 = tpu.memref_slice %arg2[%run_scoped3A, %dma_wait3A_68, %dma_wait3A_69] : memref<2x10240x64xf32, #tpu.memory_space<hbm>> -> memref<1x10240x64xf32, #tpu.memory_space<hbm>>
      %dma_wait3A_71 = tpu.memref_squeeze %dma_wait3A_70 : memref<1x10240x64xf32, #tpu.memory_space<hbm>> -> memref<10240x64xf32, #tpu.memory_space<hbm>>
      %dma_wait3A_72 = arith.constant 0 : i32
      %dma_wait3A_73 = tpu.memref_slice %dma_wait3A_71[%mul3A_2, %dma_wait3A_72] : memref<10240x64xf32, #tpu.memory_space<hbm>> -> memref<320x64xf32, #tpu.memory_space<hbm>>
      tpu.wait_dma2 semaphore(%run_scoped3A_51 : memref<!tpu.dma_semaphore, #tpu.memory_space<semaphore_mem>>) src(%dma_wait3A_73 : memref<320x64xf32, #tpu.memory_space<hbm>>) dst(%arg6 : memref<320x64xf32, #tpu.memory_space<vmem>>)
      tpu.yield
    }) : () -> ()
    %run_scoped3A_3 = arith.constant 1 : i32
    "tpu.region"() ({
      %run_scoped3A_51 = tpu.sem_alloc : memref<!tpu.dma_semaphore, #tpu.memory_space<semaphore_mem>>
      %dma_start3A = arith.constant 0 : i32
      %dma_start3A_52 = arith.constant 0 : i32
      %dma_start3A_53 = tpu.memref_slice %arg2[%run_scoped3A_3, %dma_start3A, %dma_start3A_52] : memref<2x10240x64xf32, #tpu.memory_space<hbm>> -> memref<1x10240x64xf32, #tpu.memory_space<hbm>>
      %dma_start3A_54 = tpu.memref_squeeze %dma_start3A_53 : memref<1x10240x64xf32, #tpu.memory_space<hbm>> -> memref<10240x64xf32, #tpu.memory_space<hbm>>
      %dma_start3A_55 = arith.constant 0 : i32
      %dma_start3A_56 = tpu.memref_slice %dma_start3A_54[%mul3A_2, %dma_start3A_55] : memref<10240x64xf32, #tpu.memory_space<hbm>> -> memref<320x64xf32, #tpu.memory_space<hbm>>
      %dma_start3A_57 = arith.constant 0 : i32
      %dma_start3A_58 = arith.constant 0 : i32
      %dma_start3A_59 = tpu.memref_slice %arg2[%run_scoped3A_3, %dma_start3A_57, %dma_start3A_58] : memref<2x10240x64xf32, #tpu.memory_space<hbm>> -> memref<1x10240x64xf32, #tpu.memory_space<hbm>>
      %dma_start3A_60 = tpu.memref_squeeze %dma_start3A_59 : memref<1x10240x64xf32, #tpu.memory_space<hbm>> -> memref<10240x64xf32, #tpu.memory_space<hbm>>
      %dma_start3A_61 = arith.constant 0 : i32
      %dma_start3A_62 = tpu.memref_slice %dma_start3A_60[%mul3A_2, %dma_start3A_61] : memref<10240x64xf32, #tpu.memory_space<hbm>> -> memref<320x64xf32, #tpu.memory_space<hbm>>
      tpu.enqueue_dma source(%dma_start3A_62 : memref<320x64xf32, #tpu.memory_space<hbm>>) target(%arg7 : memref<320x64xf32, #tpu.memory_space<vmem>>) target_semaphore(%run_scoped3A_51 : memref<!tpu.dma_semaphore, #tpu.memory_space<semaphore_mem>>)
      %dma_wait3A = arith.constant 0 : i32
      %dma_wait3A_63 = arith.constant 0 : i32
      %dma_wait3A_64 = tpu.memref_slice %arg2[%run_scoped3A_3, %dma_wait3A, %dma_wait3A_63] : memref<2x10240x64xf32, #tpu.memory_space<hbm>> -> memref<1x10240x64xf32, #tpu.memory_space<hbm>>
      %dma_wait3A_65 = tpu.memref_squeeze %dma_wait3A_64 : memref<1x10240x64xf32, #tpu.memory_space<hbm>> -> memref<10240x64xf32, #tpu.memory_space<hbm>>
      %dma_wait3A_66 = arith.constant 0 : i32
      %dma_wait3A_67 = tpu.memref_slice %dma_wait3A_65[%mul3A_2, %dma_wait3A_66] : memref<10240x64xf32, #tpu.memory_space<hbm>> -> memref<320x64xf32, #tpu.memory_space<hbm>>
      %dma_wait3A_68 = arith.constant 0 : i32
      %dma_wait3A_69 = arith.constant 0 : i32
      %dma_wait3A_70 = tpu.memref_slice %arg2[%run_scoped3A_3, %dma_wait3A_68, %dma_wait3A_69] : memref<2x10240x64xf32, #tpu.memory_space<hbm>> -> memref<1x10240x64xf32, #tpu.memory_space<hbm>>
      %dma_wait3A_71 = tpu.memref_squeeze %dma_wait3A_70 : memref<1x10240x64xf32, #tpu.memory_space<hbm>> -> memref<10240x64xf32, #tpu.memory_space<hbm>>
      %dma_wait3A_72 = arith.constant 0 : i32
      %dma_wait3A_73 = tpu.memref_slice %dma_wait3A_71[%mul3A_2, %dma_wait3A_72] : memref<10240x64xf32, #tpu.memory_space<hbm>> -> memref<320x64xf32, #tpu.memory_space<hbm>>
      tpu.wait_dma2 semaphore(%run_scoped3A_51 : memref<!tpu.dma_semaphore, #tpu.memory_space<semaphore_mem>>) src(%dma_wait3A_73 : memref<320x64xf32, #tpu.memory_space<hbm>>) dst(%arg7 : memref<320x64xf32, #tpu.memory_space<vmem>>)
      tpu.yield
    }) : () -> ()
    %jit3A = arith.constant 2 : i32
    %div3A = arith.divsi %mul3A_2, %jit3A : i32
    %sign3A = arith.constant 0 : i32
    %sign3A_4 = arith.cmpi sgt, %mul3A_2, %sign3A : i32
    %sign3A_5 = arith.extui %sign3A_4 : i1 to i32
    %sign3A_6 = arith.constant 0 : i32
    %sign3A_7 = arith.cmpi slt, %mul3A_2, %sign3A_6 : i32
    %sign3A_8 = arith.extui %sign3A_7 : i1 to i32
    %sign3A_9 = arith.subi %sign3A_5, %sign3A_8 : i32
    %sign3A_10 = arith.constant 0 : i32
    %sign3A_11 = arith.cmpi sgt, %jit3A, %sign3A_10 : i32
    %sign3A_12 = arith.extui %sign3A_11 : i1 to i32
    %sign3A_13 = arith.constant 0 : i32
    %sign3A_14 = arith.cmpi slt, %jit3A, %sign3A_13 : i32
    %sign3A_15 = arith.extui %sign3A_14 : i1 to i32
    %sign3A_16 = arith.subi %sign3A_12, %sign3A_15 : i32
    %ne3A = arith.cmpi ne, %sign3A_9, %sign3A_16 : i32
    %rem3A = arith.remsi %mul3A_2, %jit3A : i32
    %ne3A_17 = arith.constant 0 : i32
    %ne3A_18 = arith.cmpi ne, %rem3A, %ne3A_17 : i32
    %and3A = arith.andi %ne3A, %ne3A_18 : i1
    %sub3A = arith.constant 1 : i32
    %sub3A_19 = arith.subi %div3A, %sub3A : i32
    %select_n3A = arith.select %and3A, %sub3A_19, %div3A : i32
    %run_scoped3A_20 = arith.constant 0 : i32
    "tpu.region"() ({
      %run_scoped3A_51 = tpu.sem_alloc : memref<!tpu.dma_semaphore, #tpu.memory_space<semaphore_mem>>
      %dma_start3A = arith.constant 0 : i32
      %dma_start3A_52 = arith.constant 0 : i32
      %dma_start3A_53 = tpu.memref_slice %arg3[%run_scoped3A_20, %dma_start3A, %dma_start3A_52] : memref<2x5120x16xf32, #tpu.memory_space<hbm>> -> memref<1x5120x16xf32, #tpu.memory_space<hbm>>
      %dma_start3A_54 = tpu.memref_squeeze %dma_start3A_53 : memref<1x5120x16xf32, #tpu.memory_space<hbm>> -> memref<5120x16xf32, #tpu.memory_space<hbm>>
      %dma_start3A_55 = arith.constant 0 : i32
      %dma_start3A_56 = tpu.memref_slice %dma_start3A_54[%select_n3A, %dma_start3A_55] : memref<5120x16xf32, #tpu.memory_space<hbm>> -> memref<160x16xf32, #tpu.memory_space<hbm>>
      %dma_start3A_57 = arith.constant 0 : i32
      %dma_start3A_58 = arith.constant 0 : i32
      %dma_start3A_59 = tpu.memref_slice %arg3[%run_scoped3A_20, %dma_start3A_57, %dma_start3A_58] : memref<2x5120x16xf32, #tpu.memory_space<hbm>> -> memref<1x5120x16xf32, #tpu.memory_space<hbm>>
      %dma_start3A_60 = tpu.memref_squeeze %dma_start3A_59 : memref<1x5120x16xf32, #tpu.memory_space<hbm>> -> memref<5120x16xf32, #tpu.memory_space<hbm>>
      %dma_start3A_61 = arith.constant 0 : i32
      %dma_start3A_62 = tpu.memref_slice %dma_start3A_60[%select_n3A, %dma_start3A_61] : memref<5120x16xf32, #tpu.memory_space<hbm>> -> memref<160x16xf32, #tpu.memory_space<hbm>>
      tpu.enqueue_dma source(%dma_start3A_62 : memref<160x16xf32, #tpu.memory_space<hbm>>) target(%arg8 : memref<160x16xf32, #tpu.memory_space<vmem>>) target_semaphore(%run_scoped3A_51 : memref<!tpu.dma_semaphore, #tpu.memory_space<semaphore_mem>>)
      %dma_wait3A = arith.constant 0 : i32
      %dma_wait3A_63 = arith.constant 0 : i32
      %dma_wait3A_64 = tpu.memref_slice %arg3[%run_scoped3A_20, %dma_wait3A, %dma_wait3A_63] : memref<2x5120x16xf32, #tpu.memory_space<hbm>> -> memref<1x5120x16xf32, #tpu.memory_space<hbm>>
      %dma_wait3A_65 = tpu.memref_squeeze %dma_wait3A_64 : memref<1x5120x16xf32, #tpu.memory_space<hbm>> -> memref<5120x16xf32, #tpu.memory_space<hbm>>
      %dma_wait3A_66 = arith.constant 0 : i32
      %dma_wait3A_67 = tpu.memref_slice %dma_wait3A_65[%select_n3A, %dma_wait3A_66] : memref<5120x16xf32, #tpu.memory_space<hbm>> -> memref<160x16xf32, #tpu.memory_space<hbm>>
      %dma_wait3A_68 = arith.constant 0 : i32
      %dma_wait3A_69 = arith.constant 0 : i32
      %dma_wait3A_70 = tpu.memref_slice %arg3[%run_scoped3A_20, %dma_wait3A_68, %dma_wait3A_69] : memref<2x5120x16xf32, #tpu.memory_space<hbm>> -> memref<1x5120x16xf32, #tpu.memory_space<hbm>>
      %dma_wait3A_71 = tpu.memref_squeeze %dma_wait3A_70 : memref<1x5120x16xf32, #tpu.memory_space<hbm>> -> memref<5120x16xf32, #tpu.memory_space<hbm>>
      %dma_wait3A_72 = arith.constant 0 : i32
      %dma_wait3A_73 = tpu.memref_slice %dma_wait3A_71[%select_n3A, %dma_wait3A_72] : memref<5120x16xf32, #tpu.memory_space<hbm>> -> memref<160x16xf32, #tpu.memory_space<hbm>>
      tpu.wait_dma2 semaphore(%run_scoped3A_51 : memref<!tpu.dma_semaphore, #tpu.memory_space<semaphore_mem>>) src(%dma_wait3A_73 : memref<160x16xf32, #tpu.memory_space<hbm>>) dst(%arg8 : memref<160x16xf32, #tpu.memory_space<vmem>>)
      tpu.yield
    }) : () -> ()
    %jit3A_21 = arith.constant 2 : i32
    %div3A_22 = arith.divsi %mul3A_2, %jit3A_21 : i32
    %sign3A_23 = arith.constant 0 : i32
    %sign3A_24 = arith.cmpi sgt, %mul3A_2, %sign3A_23 : i32
    %sign3A_25 = arith.extui %sign3A_24 : i1 to i32
    %sign3A_26 = arith.constant 0 : i32
    %sign3A_27 = arith.cmpi slt, %mul3A_2, %sign3A_26 : i32
    %sign3A_28 = arith.extui %sign3A_27 : i1 to i32
    %sign3A_29 = arith.subi %sign3A_25, %sign3A_28 : i32
    %sign3A_30 = arith.constant 0 : i32
    %sign3A_31 = arith.cmpi sgt, %jit3A_21, %sign3A_30 : i32
    %sign3A_32 = arith.extui %sign3A_31 : i1 to i32
    %sign3A_33 = arith.constant 0 : i32
    %sign3A_34 = arith.cmpi slt, %jit3A_21, %sign3A_33 : i32
    %sign3A_35 = arith.extui %sign3A_34 : i1 to i32
    %sign3A_36 = arith.subi %sign3A_32, %sign3A_35 : i32
    %ne3A_37 = arith.cmpi ne, %sign3A_29, %sign3A_36 : i32
    %rem3A_38 = arith.remsi %mul3A_2, %jit3A_21 : i32
    %ne3A_39 = arith.constant 0 : i32
    %ne3A_40 = arith.cmpi ne, %rem3A_38, %ne3A_39 : i32
    %and3A_41 = arith.andi %ne3A_37, %ne3A_40 : i1
    %sub3A_42 = arith.constant 1 : i32
    %sub3A_43 = arith.subi %div3A_22, %sub3A_42 : i32
    %select_n3A_44 = arith.select %and3A_41, %sub3A_43, %div3A_22 : i32
    %run_scoped3A_45 = arith.constant 1 : i32
    "tpu.region"() ({
      %run_scoped3A_51 = tpu.sem_alloc : memref<!tpu.dma_semaphore, #tpu.memory_space<semaphore_mem>>
      %dma_start3A = arith.constant 0 : i32
      %dma_start3A_52 = arith.constant 0 : i32
      %dma_start3A_53 = tpu.memref_slice %arg3[%run_scoped3A_45, %dma_start3A, %dma_start3A_52] : memref<2x5120x16xf32, #tpu.memory_space<hbm>> -> memref<1x5120x16xf32, #tpu.memory_space<hbm>>
      %dma_start3A_54 = tpu.memref_squeeze %dma_start3A_53 : memref<1x5120x16xf32, #tpu.memory_space<hbm>> -> memref<5120x16xf32, #tpu.memory_space<hbm>>
      %dma_start3A_55 = arith.constant 0 : i32
      %dma_start3A_56 = tpu.memref_slice %dma_start3A_54[%select_n3A_44, %dma_start3A_55] : memref<5120x16xf32, #tpu.memory_space<hbm>> -> memref<160x16xf32, #tpu.memory_space<hbm>>
      %dma_start3A_57 = arith.constant 0 : i32
      %dma_start3A_58 = arith.constant 0 : i32
      %dma_start3A_59 = tpu.memref_slice %arg3[%run_scoped3A_45, %dma_start3A_57, %dma_start3A_58] : memref<2x5120x16xf32, #tpu.memory_space<hbm>> -> memref<1x5120x16xf32, #tpu.memory_space<hbm>>
      %dma_start3A_60 = tpu.memref_squeeze %dma_start3A_59 : memref<1x5120x16xf32, #tpu.memory_space<hbm>> -> memref<5120x16xf32, #tpu.memory_space<hbm>>
      %dma_start3A_61 = arith.constant 0 : i32
      %dma_start3A_62 = tpu.memref_slice %dma_start3A_60[%select_n3A_44, %dma_start3A_61] : memref<5120x16xf32, #tpu.memory_space<hbm>> -> memref<160x16xf32, #tpu.memory_space<hbm>>
      tpu.enqueue_dma source(%dma_start3A_62 : memref<160x16xf32, #tpu.memory_space<hbm>>) target(%arg9 : memref<160x16xf32, #tpu.memory_space<vmem>>) target_semaphore(%run_scoped3A_51 : memref<!tpu.dma_semaphore, #tpu.memory_space<semaphore_mem>>)
      %dma_wait3A = arith.constant 0 : i32
      %dma_wait3A_63 = arith.constant 0 : i32
      %dma_wait3A_64 = tpu.memref_slice %arg3[%run_scoped3A_45, %dma_wait3A, %dma_wait3A_63] : memref<2x5120x16xf32, #tpu.memory_space<hbm>> -> memref<1x5120x16xf32, #tpu.memory_space<hbm>>
      %dma_wait3A_65 = tpu.memref_squeeze %dma_wait3A_64 : memref<1x5120x16xf32, #tpu.memory_space<hbm>> -> memref<5120x16xf32, #tpu.memory_space<hbm>>
      %dma_wait3A_66 = arith.constant 0 : i32
      %dma_wait3A_67 = tpu.memref_slice %dma_wait3A_65[%select_n3A_44, %dma_wait3A_66] : memref<5120x16xf32, #tpu.memory_space<hbm>> -> memref<160x16xf32, #tpu.memory_space<hbm>>
      %dma_wait3A_68 = arith.constant 0 : i32
      %dma_wait3A_69 = arith.constant 0 : i32
      %dma_wait3A_70 = tpu.memref_slice %arg3[%run_scoped3A_45, %dma_wait3A_68, %dma_wait3A_69] : memref<2x5120x16xf32, #tpu.memory_space<hbm>> -> memref<1x5120x16xf32, #tpu.memory_space<hbm>>
      %dma_wait3A_71 = tpu.memref_squeeze %dma_wait3A_70 : memref<1x5120x16xf32, #tpu.memory_space<hbm>> -> memref<5120x16xf32, #tpu.memory_space<hbm>>
      %dma_wait3A_72 = arith.constant 0 : i32
      %dma_wait3A_73 = tpu.memref_slice %dma_wait3A_71[%select_n3A_44, %dma_wait3A_72] : memref<5120x16xf32, #tpu.memory_space<hbm>> -> memref<160x16xf32, #tpu.memory_space<hbm>>
      tpu.wait_dma2 semaphore(%run_scoped3A_51 : memref<!tpu.dma_semaphore, #tpu.memory_space<semaphore_mem>>) src(%dma_wait3A_73 : memref<160x16xf32, #tpu.memory_space<hbm>>) dst(%arg9 : memref<160x16xf32, #tpu.memory_space<vmem>>)
      tpu.yield
    }) : () -> ()
    "tpu.region"() ({
      %run_scoped3A_51 = tpu.sem_alloc : memref<!tpu.dma_semaphore, #tpu.memory_space<semaphore_mem>>
      tpu.enqueue_dma source(%arg4 : memref<64xf32, #tpu.memory_space<hbm>>) target(%arg10 : memref<64xf32, #tpu.memory_space<vmem>>) target_semaphore(%run_scoped3A_51 : memref<!tpu.dma_semaphore, #tpu.memory_space<semaphore_mem>>)
      tpu.wait_dma2 semaphore(%run_scoped3A_51 : memref<!tpu.dma_semaphore, #tpu.memory_space<semaphore_mem>>) src(%arg4 : memref<64xf32, #tpu.memory_space<hbm>>) dst(%arg10 : memref<64xf32, #tpu.memory_space<vmem>>)
      tpu.yield
    }) : () -> ()
    %scan3A = arith.constant 0 : i32
    %scan3A_46 = arith.constant 0 : i32
    %scan3A_47 = arith.constant 80 : i32
    %scan3A_48 = arith.addi %scan3A_46, %scan3A_47 : i32
    %scan3A_49 = arith.constant 1 : i32
    scf.for %scan3A_51 = %scan3A_46 to %scan3A_48 step %scan3A_49  : i32 {
      %mul3A_52 = arith.constant 2 : i32
      %mul3A_53 = arith.muli %mul3A_52, %scan3A_51 : i32
      %get3A = arith.index_cast %mul3A_53 : i32 to index
      %get3A_54 = arith.constant 0 : index
      %get3A_55 = tpu.vector_load %arg8[%get3A, %get3A_54] {strides = array<i32>} : memref<160x16xf32, #tpu.memory_space<vmem>>, vector<1x16xf32>,
      %get3A_56 = vector.shape_cast %get3A_55 : vector<1x16xf32> to vector<16xf32>
      %add3A_57 = arith.constant 1.000000e+00 : f32
      %add3A_58 = vector.broadcast %add3A_57 : f32 to vector<16xf32>
      %add3A_59 = arith.addf %add3A_58, %get3A_56 : vector<16xf32>
      %get3A_60 = arith.index_cast %mul3A_53 : i32 to index
      %get3A_61 = arith.constant 0 : index
      %get3A_62 = tpu.vector_load %arg9[%get3A_60, %get3A_61] {strides = array<i32>} : memref<160x16xf32, #tpu.memory_space<vmem>>, vector<1x16xf32>,
      %get3A_63 = vector.shape_cast %get3A_62 : vector<1x16xf32> to vector<16xf32>
      %add3A_64 = arith.addf %add3A_59, %get3A_63 : vector<16xf32>
      %add3A_65 = arith.constant 1 : i32
      %add3A_66 = arith.addi %mul3A_53, %add3A_65 : i32
      %get3A_67 = arith.index_cast %add3A_66 : i32 to index
      %get3A_68 = arith.constant 0 : index
      %get3A_69 = tpu.vector_load %arg8[%get3A_67, %get3A_68] {strides = array<i32>} : memref<160x16xf32, #tpu.memory_space<vmem>>, vector<1x16xf32>,
      %get3A_70 = vector.shape_cast %get3A_69 : vector<1x16xf32> to vector<16xf32>
      %add3A_71 = arith.constant 1.000000e+00 : f32
      %add3A_72 = vector.broadcast %add3A_71 : f32 to vector<16xf32>
      %add3A_73 = arith.addf %add3A_72, %get3A_70 : vector<16xf32>
      %add3A_74 = arith.constant 1 : i32
      %add3A_75 = arith.addi %mul3A_53, %add3A_74 : i32
      %get3A_76 = arith.index_cast %add3A_75 : i32 to index
      %get3A_77 = arith.constant 0 : index
      %get3A_78 = tpu.vector_load %arg9[%get3A_76, %get3A_77] {strides = array<i32>} : memref<160x16xf32, #tpu.memory_space<vmem>>, vector<1x16xf32>,
      %get3A_79 = vector.shape_cast %get3A_78 : vector<1x16xf32> to vector<16xf32>
      %add3A_80 = arith.addf %add3A_73, %get3A_79 : vector<16xf32>
      %bitcast_convert_type3A = tpu.bitcast %add3A_64 : vector<16xf32> -> vector<16xi32>
      %shift_right_arithmetic3A = arith.constant 1 : i32
      %shift_right_arithmetic3A_81 = vector.broadcast %shift_right_arithmetic3A : i32 to vector<16xi32>
      %shift_right_arithmetic3A_82 = arith.shrsi %bitcast_convert_type3A, %shift_right_arithmetic3A_81 : vector<16xi32>
      %sub3A_83 = arith.constant 1597463007 : i32
      %sub3A_84 = vector.broadcast %sub3A_83 : i32 to vector<16xi32>
      %sub3A_85 = arith.subi %sub3A_84, %shift_right_arithmetic3A_82 : vector<16xi32>
      %bitcast_convert_type3A_86 = tpu.bitcast %sub3A_85 : vector<16xi32> -> vector<16xf32>
      %mul3A_87 = arith.constant 5.000000e-01 : f32
      %mul3A_88 = vector.broadcast %mul3A_87 : f32 to vector<16xf32>
      %mul3A_89 = arith.mulf %add3A_64, %mul3A_88 : vector<16xf32>
      %mul3A_90 = arith.mulf %mul3A_89, %bitcast_convert_type3A_86 : vector<16xf32>
      %mul3A_91 = arith.mulf %mul3A_90, %bitcast_convert_type3A_86 : vector<16xf32>
      %sub3A_92 = arith.constant 1.500000e+00 : f32
      %sub3A_93 = vector.broadcast %sub3A_92 : f32 to vector<16xf32>
      %sub3A_94 = arith.subf %sub3A_93, %mul3A_91 : vector<16xf32>
      %mul3A_95 = arith.mulf %bitcast_convert_type3A_86, %sub3A_94 : vector<16xf32>
      %mul3A_96 = arith.mulf %mul3A_89, %mul3A_95 : vector<16xf32>
      %mul3A_97 = arith.mulf %mul3A_96, %mul3A_95 : vector<16xf32>
      %sub3A_98 = arith.constant 1.500000e+00 : f32
      %sub3A_99 = vector.broadcast %sub3A_98 : f32 to vector<16xf32>
      %sub3A_100 = arith.subf %sub3A_99, %mul3A_97 : vector<16xf32>
      %mul3A_101 = arith.mulf %mul3A_95, %sub3A_100 : vector<16xf32>
      %mul3A_102 = arith.mulf %mul3A_89, %mul3A_101 : vector<16xf32>
      %mul3A_103 = arith.mulf %mul3A_102, %mul3A_101 : vector<16xf32>
      %sub3A_104 = arith.constant 1.500000e+00 : f32
      %sub3A_105 = vector.broadcast %sub3A_104 : f32 to vector<16xf32>
      %sub3A_106 = arith.subf %sub3A_105, %mul3A_103 : vector<16xf32>
      %mul3A_107 = arith.mulf %mul3A_101, %sub3A_106 : vector<16xf32>
      %bitcast_convert_type3A_108 = tpu.bitcast %add3A_80 : vector<16xf32> -> vector<16xi32>
      %shift_right_arithmetic3A_109 = arith.constant 1 : i32
      %shift_right_arithmetic3A_110 = vector.broadcast %shift_right_arithmetic3A_109 : i32 to vector<16xi32>
      %shift_right_arithmetic3A_111 = arith.shrsi %bitcast_convert_type3A_108, %shift_right_arithmetic3A_110 : vector<16xi32>
      %sub3A_112 = arith.constant 1597463007 : i32
      %sub3A_113 = vector.broadcast %sub3A_112 : i32 to vector<16xi32>
      %sub3A_114 = arith.subi %sub3A_113, %shift_right_arithmetic3A_111 : vector<16xi32>
      %bitcast_convert_type3A_115 = tpu.bitcast %sub3A_114 : vector<16xi32> -> vector<16xf32>
      %mul3A_116 = arith.constant 5.000000e-01 : f32
      %mul3A_117 = vector.broadcast %mul3A_116 : f32 to vector<16xf32>
      %mul3A_118 = arith.mulf %add3A_80, %mul3A_117 : vector<16xf32>
      %mul3A_119 = arith.mulf %mul3A_118, %bitcast_convert_type3A_115 : vector<16xf32>
      %mul3A_120 = arith.mulf %mul3A_119, %bitcast_convert_type3A_115 : vector<16xf32>
      %sub3A_121 = arith.constant 1.500000e+00 : f32
      %sub3A_122 = vector.broadcast %sub3A_121 : f32 to vector<16xf32>
      %sub3A_123 = arith.subf %sub3A_122, %mul3A_120 : vector<16xf32>
      %mul3A_124 = arith.mulf %bitcast_convert_type3A_115, %sub3A_123 : vector<16xf32>
      %mul3A_125 = arith.mulf %mul3A_118, %mul3A_124 : vector<16xf32>
      %mul3A_126 = arith.mulf %mul3A_125, %mul3A_124 : vector<16xf32>
      %sub3A_127 = arith.constant 1.500000e+00 : f32
      %sub3A_128 = vector.broadcast %sub3A_127 : f32 to vector<16xf32>
      %sub3A_129 = arith.subf %sub3A_128, %mul3A_126 : vector<16xf32>
      %mul3A_130 = arith.mulf %mul3A_124, %sub3A_129 : vector<16xf32>
      %mul3A_131 = arith.mulf %mul3A_118, %mul3A_130 : vector<16xf32>
      %mul3A_132 = arith.mulf %mul3A_131, %mul3A_130 : vector<16xf32>
      %sub3A_133 = arith.constant 1.500000e+00 : f32
      %sub3A_134 = vector.broadcast %sub3A_133 : f32 to vector<16xf32>
      %sub3A_135 = arith.subf %sub3A_134, %mul3A_132 : vector<16xf32>
      %mul3A_136 = arith.mulf %mul3A_130, %sub3A_135 : vector<16xf32>
      %mul3A_137 = arith.constant 2 : i32
      %mul3A_138 = arith.muli %mul3A_137, %mul3A_53 : i32
      %add3A_139 = arith.constant 0 : i32
      %add3A_140 = arith.addi %mul3A_138, %add3A_139 : i32
      %slice3A = vector.extract_strided_slice %mul3A_107 {offsets = [0], sizes = [1], strides = [1]} : vector<16xf32> to vector<1xf32>
      %squeeze3A = vector.extract %slice3A[0] : f32 from vector<1xf32>
      %broadcast_in_dim3A = vector.broadcast %squeeze3A : f32 to vector<16xf32>
      %get3A_141 = arith.index_cast %add3A_140 : i32 to index
      %get3A_142 = arith.constant 0 : index
      %get3A_143 = tpu.vector_load %arg6[%get3A_141, %get3A_142] {strides = array<i32>} : memref<320x64xf32, #tpu.memory_space<vmem>>, vector<1x16xf32>,
      %get3A_144 = vector.shape_cast %get3A_143 : vector<1x16xf32> to vector<16xf32>
      %get3A_145 = arith.index_cast %add3A_140 : i32 to index
      %get3A_146 = arith.constant 0 : index
      %get3A_147 = tpu.vector_load %arg7[%get3A_145, %get3A_146] {strides = array<i32>} : memref<320x64xf32, #tpu.memory_space<vmem>>, vector<1x16xf32>,
      %get3A_148 = vector.shape_cast %get3A_147 : vector<1x16xf32> to vector<16xf32>
      %add3A_149 = arith.addf %get3A_144, %get3A_148 : vector<16xf32>
      %mul3A_150 = arith.mulf %add3A_149, %broadcast_in_dim3A : vector<16xf32>
      %get3A_151 = arith.constant 0 : index
      %get3A_152 = tpu.vector_load %arg10[%get3A_151] {strides = array<i32>} : memref<64xf32, #tpu.memory_space<vmem>>, vector<16xf32>,
      %get3A_153 = vector.shape_cast %get3A_152 : vector<16xf32> to vector<16xf32>
      %add3A_154 = arith.addf %mul3A_150, %get3A_153 : vector<16xf32>
      %max3A = arith.constant 0.000000e+00 : f32
      %max3A_155 = vector.broadcast %max3A : f32 to vector<16xf32>
      %max3A_156 = arith.maximumf %add3A_154, %max3A_155 : vector<16xf32>
      %mul3A_157 = arith.mulf %max3A_156, %broadcast_in_dim3A : vector<16xf32>
      %swap3A = arith.index_cast %add3A_140 : i32 to index
      %swap3A_158 = arith.constant 0 : index
      %swap3A_159 = tpu.vector_load %arg6[%swap3A, %swap3A_158] {strides = array<i32>} : memref<320x64xf32, #tpu.memory_space<vmem>>, vector<1x16xf32>,
      %swap3A_160 = vector.shape_cast %swap3A_159 : vector<1x16xf32> to vector<16xf32>
      %swap3A_161 = vector.shape_cast %mul3A_157 : vector<16xf32> to vector<1x16xf32>
      tpu.vector_store %arg6[%swap3A, %swap3A_158], %swap3A_161 {strides = array<i32>} : memref<320x64xf32, #tpu.memory_space<vmem>>, vector<1x16xf32>,
      %get3A_162 = arith.index_cast %add3A_140 : i32 to index
      %get3A_163 = arith.constant 16 : index
      %get3A_164 = tpu.vector_load %arg6[%get3A_162, %get3A_163] {strides = array<i32>} : memref<320x64xf32, #tpu.memory_space<vmem>>, vector<1x16xf32>,
      %get3A_165 = vector.shape_cast %get3A_164 : vector<1x16xf32> to vector<16xf32>
      %get3A_166 = arith.index_cast %add3A_140 : i32 to index
      %get3A_167 = arith.constant 16 : index
      %get3A_168 = tpu.vector_load %arg7[%get3A_166, %get3A_167] {strides = array<i32>} : memref<320x64xf32, #tpu.memory_space<vmem>>, vector<1x16xf32>,
      %get3A_169 = vector.shape_cast %get3A_168 : vector<1x16xf32> to vector<16xf32>
      %add3A_170 = arith.addf %get3A_165, %get3A_169 : vector<16xf32>
      %mul3A_171 = arith.mulf %add3A_170, %broadcast_in_dim3A : vector<16xf32>
      %get3A_172 = arith.constant 16 : index
      %get3A_173 = tpu.vector_load %arg10[%get3A_172] {strides = array<i32>} : memref<64xf32, #tpu.memory_space<vmem>>, vector<16xf32>,
      %get3A_174 = vector.shape_cast %get3A_173 : vector<16xf32> to vector<16xf32>
      %add3A_175 = arith.addf %mul3A_171, %get3A_174 : vector<16xf32>
      %max3A_176 = arith.constant 0.000000e+00 : f32
      %max3A_177 = vector.broadcast %max3A_176 : f32 to vector<16xf32>
      %max3A_178 = arith.maximumf %add3A_175, %max3A_177 : vector<16xf32>
      %mul3A_179 = arith.mulf %max3A_178, %broadcast_in_dim3A : vector<16xf32>
      %swap3A_180 = arith.index_cast %add3A_140 : i32 to index
      %swap3A_181 = arith.constant 16 : index
      %swap3A_182 = tpu.vector_load %arg6[%swap3A_180, %swap3A_181] {strides = array<i32>} : memref<320x64xf32, #tpu.memory_space<vmem>>, vector<1x16xf32>,
      %swap3A_183 = vector.shape_cast %swap3A_182 : vector<1x16xf32> to vector<16xf32>
      %swap3A_184 = vector.shape_cast %mul3A_179 : vector<16xf32> to vector<1x16xf32>
      tpu.vector_store %arg6[%swap3A_180, %swap3A_181], %swap3A_184 {strides = array<i32>} : memref<320x64xf32, #tpu.memory_space<vmem>>, vector<1x16xf32>,
      %get3A_185 = arith.index_cast %add3A_140 : i32 to index
      %get3A_186 = arith.constant 32 : index
      %get3A_187 = tpu.vector_load %arg6[%get3A_185, %get3A_186] {strides = array<i32>} : memref<320x64xf32, #tpu.memory_space<vmem>>, vector<1x16xf32>,
      %get3A_188 = vector.shape_cast %get3A_187 : vector<1x16xf32> to vector<16xf32>
      %get3A_189 = arith.index_cast %add3A_140 : i32 to index
      %get3A_190 = arith.constant 32 : index
      %get3A_191 = tpu.vector_load %arg7[%get3A_189, %get3A_190] {strides = array<i32>} : memref<320x64xf32, #tpu.memory_space<vmem>>, vector<1x16xf32>,
      %get3A_192 = vector.shape_cast %get3A_191 : vector<1x16xf32> to vector<16xf32>
      %add3A_193 = arith.addf %get3A_188, %get3A_192 : vector<16xf32>
      %mul3A_194 = arith.mulf %add3A_193, %broadcast_in_dim3A : vector<16xf32>
      %get3A_195 = arith.constant 32 : index
      %get3A_196 = tpu.vector_load %arg10[%get3A_195] {strides = array<i32>} : memref<64xf32, #tpu.memory_space<vmem>>, vector<16xf32>,
      %get3A_197 = vector.shape_cast %get3A_196 : vector<16xf32> to vector<16xf32>
      %add3A_198 = arith.addf %mul3A_194, %get3A_197 : vector<16xf32>
      %max3A_199 = arith.constant 0.000000e+00 : f32
      %max3A_200 = vector.broadcast %max3A_199 : f32 to vector<16xf32>
      %max3A_201 = arith.maximumf %add3A_198, %max3A_200 : vector<16xf32>
      %mul3A_202 = arith.mulf %max3A_201, %broadcast_in_dim3A : vector<16xf32>
      %swap3A_203 = arith.index_cast %add3A_140 : i32 to index
      %swap3A_204 = arith.constant 32 : index
      %swap3A_205 = tpu.vector_load %arg6[%swap3A_203, %swap3A_204] {strides = array<i32>} : memref<320x64xf32, #tpu.memory_space<vmem>>, vector<1x16xf32>,
      %swap3A_206 = vector.shape_cast %swap3A_205 : vector<1x16xf32> to vector<16xf32>
      %swap3A_207 = vector.shape_cast %mul3A_202 : vector<16xf32> to vector<1x16xf32>
      tpu.vector_store %arg6[%swap3A_203, %swap3A_204], %swap3A_207 {strides = array<i32>} : memref<320x64xf32, #tpu.memory_space<vmem>>, vector<1x16xf32>,
      %get3A_208 = arith.index_cast %add3A_140 : i32 to index
      %get3A_209 = arith.constant 48 : index
      %get3A_210 = tpu.vector_load %arg6[%get3A_208, %get3A_209] {strides = array<i32>} : memref<320x64xf32, #tpu.memory_space<vmem>>, vector<1x16xf32>,
      %get3A_211 = vector.shape_cast %get3A_210 : vector<1x16xf32> to vector<16xf32>
      %get3A_212 = arith.index_cast %add3A_140 : i32 to index
      %get3A_213 = arith.constant 48 : index
      %get3A_214 = tpu.vector_load %arg7[%get3A_212, %get3A_213] {strides = array<i32>} : memref<320x64xf32, #tpu.memory_space<vmem>>, vector<1x16xf32>,
      %get3A_215 = vector.shape_cast %get3A_214 : vector<1x16xf32> to vector<16xf32>
      %add3A_216 = arith.addf %get3A_211, %get3A_215 : vector<16xf32>
      %mul3A_217 = arith.mulf %add3A_216, %broadcast_in_dim3A : vector<16xf32>
      %get3A_218 = arith.constant 48 : index
      %get3A_219 = tpu.vector_load %arg10[%get3A_218] {strides = array<i32>} : memref<64xf32, #tpu.memory_space<vmem>>, vector<16xf32>,
      %get3A_220 = vector.shape_cast %get3A_219 : vector<16xf32> to vector<16xf32>
      %add3A_221 = arith.addf %mul3A_217, %get3A_220 : vector<16xf32>
      %max3A_222 = arith.constant 0.000000e+00 : f32
      %max3A_223 = vector.broadcast %max3A_222 : f32 to vector<16xf32>
      %max3A_224 = arith.maximumf %add3A_221, %max3A_223 : vector<16xf32>
      %mul3A_225 = arith.mulf %max3A_224, %broadcast_in_dim3A : vector<16xf32>
      %swap3A_226 = arith.index_cast %add3A_140 : i32 to index
      %swap3A_227 = arith.constant 48 : index
      %swap3A_228 = tpu.vector_load %arg6[%swap3A_226, %swap3A_227] {strides = array<i32>} : memref<320x64xf32, #tpu.memory_space<vmem>>, vector<1x16xf32>,
      %swap3A_229 = vector.shape_cast %swap3A_228 : vector<1x16xf32> to vector<16xf32>
      %swap3A_230 = vector.shape_cast %mul3A_225 : vector<16xf32> to vector<1x16xf32>
      tpu.vector_store %arg6[%swap3A_226, %swap3A_227], %swap3A_230 {strides = array<i32>} : memref<320x64xf32, #tpu.memory_space<vmem>>, vector<1x16xf32>,
      %mul3A_231 = arith.constant 2 : i32
      %mul3A_232 = arith.muli %mul3A_231, %mul3A_53 : i32
      %add3A_233 = arith.constant 1 : i32
      %add3A_234 = arith.addi %mul3A_232, %add3A_233 : i32
      %slice3A_235 = vector.extract_strided_slice %mul3A_107 {offsets = [8], sizes = [1], strides = [1]} : vector<16xf32> to vector<1xf32>
      %squeeze3A_236 = vector.extract %slice3A_235[0] : f32 from vector<1xf32>
      %broadcast_in_dim3A_237 = vector.broadcast %squeeze3A_236 : f32 to vector<16xf32>
      %get3A_238 = arith.index_cast %add3A_234 : i32 to index
      %get3A_239 = arith.constant 0 : index
      %get3A_240 = tpu.vector_load %arg6[%get3A_238, %get3A_239] {strides = array<i32>} : memref<320x64xf32, #tpu.memory_space<vmem>>, vector<1x16xf32>,
      %get3A_241 = vector.shape_cast %get3A_240 : vector<1x16xf32> to vector<16xf32>
      %get3A_242 = arith.index_cast %add3A_234 : i32 to index
      %get3A_243 = arith.constant 0 : index
      %get3A_244 = tpu.vector_load %arg7[%get3A_242, %get3A_243] {strides = array<i32>} : memref<320x64xf32, #tpu.memory_space<vmem>>, vector<1x16xf32>,
      %get3A_245 = vector.shape_cast %get3A_244 : vector<1x16xf32> to vector<16xf32>
      %add3A_246 = arith.addf %get3A_241, %get3A_245 : vector<16xf32>
      %mul3A_247 = arith.mulf %add3A_246, %broadcast_in_dim3A_237 : vector<16xf32>
      %get3A_248 = arith.constant 0 : index
      %get3A_249 = tpu.vector_load %arg10[%get3A_248] {strides = array<i32>} : memref<64xf32, #tpu.memory_space<vmem>>, vector<16xf32>,
      %get3A_250 = vector.shape_cast %get3A_249 : vector<16xf32> to vector<16xf32>
      %add3A_251 = arith.addf %mul3A_247, %get3A_250 : vector<16xf32>
      %max3A_252 = arith.constant 0.000000e+00 : f32
      %max3A_253 = vector.broadcast %max3A_252 : f32 to vector<16xf32>
      %max3A_254 = arith.maximumf %add3A_251, %max3A_253 : vector<16xf32>
      %mul3A_255 = arith.mulf %max3A_254, %broadcast_in_dim3A_237 : vector<16xf32>
      %swap3A_256 = arith.index_cast %add3A_234 : i32 to index
      %swap3A_257 = arith.constant 0 : index
      %swap3A_258 = tpu.vector_load %arg6[%swap3A_256, %swap3A_257] {strides = array<i32>} : memref<320x64xf32, #tpu.memory_space<vmem>>, vector<1x16xf32>,
      %swap3A_259 = vector.shape_cast %swap3A_258 : vector<1x16xf32> to vector<16xf32>
      %swap3A_260 = vector.shape_cast %mul3A_255 : vector<16xf32> to vector<1x16xf32>
      tpu.vector_store %arg6[%swap3A_256, %swap3A_257], %swap3A_260 {strides = array<i32>} : memref<320x64xf32, #tpu.memory_space<vmem>>, vector<1x16xf32>,
      %get3A_261 = arith.index_cast %add3A_234 : i32 to index
      %get3A_262 = arith.constant 16 : index
      %get3A_263 = tpu.vector_load %arg6[%get3A_261, %get3A_262] {strides = array<i32>} : memref<320x64xf32, #tpu.memory_space<vmem>>, vector<1x16xf32>,
      %get3A_264 = vector.shape_cast %get3A_263 : vector<1x16xf32> to vector<16xf32>
      %get3A_265 = arith.index_cast %add3A_234 : i32 to index
      %get3A_266 = arith.constant 16 : index
      %get3A_267 = tpu.vector_load %arg7[%get3A_265, %get3A_266] {strides = array<i32>} : memref<320x64xf32, #tpu.memory_space<vmem>>, vector<1x16xf32>,
      %get3A_268 = vector.shape_cast %get3A_267 : vector<1x16xf32> to vector<16xf32>
      %add3A_269 = arith.addf %get3A_264, %get3A_268 : vector<16xf32>
      %mul3A_270 = arith.mulf %add3A_269, %broadcast_in_dim3A_237 : vector<16xf32>
      %get3A_271 = arith.constant 16 : index
      %get3A_272 = tpu.vector_load %arg10[%get3A_271] {strides = array<i32>} : memref<64xf32, #tpu.memory_space<vmem>>, vector<16xf32>,
      %get3A_273 = vector.shape_cast %get3A_272 : vector<16xf32> to vector<16xf32>
      %add3A_274 = arith.addf %mul3A_270, %get3A_273 : vector<16xf32>
      %max3A_275 = arith.constant 0.000000e+00 : f32
      %max3A_276 = vector.broadcast %max3A_275 : f32 to vector<16xf32>
      %max3A_277 = arith.maximumf %add3A_274, %max3A_276 : vector<16xf32>
      %mul3A_278 = arith.mulf %max3A_277, %broadcast_in_dim3A_237 : vector<16xf32>
      %swap3A_279 = arith.index_cast %add3A_234 : i32 to index
      %swap3A_280 = arith.constant 16 : index
      %swap3A_281 = tpu.vector_load %arg6[%swap3A_279, %swap3A_280] {strides = array<i32>} : memref<320x64xf32, #tpu.memory_space<vmem>>, vector<1x16xf32>,
      %swap3A_282 = vector.shape_cast %swap3A_281 : vector<1x16xf32> to vector<16xf32>
      %swap3A_283 = vector.shape_cast %mul3A_278 : vector<16xf32> to vector<1x16xf32>
      tpu.vector_store %arg6[%swap3A_279, %swap3A_280], %swap3A_283 {strides = array<i32>} : memref<320x64xf32, #tpu.memory_space<vmem>>, vector<1x16xf32>,
      %get3A_284 = arith.index_cast %add3A_234 : i32 to index
      %get3A_285 = arith.constant 32 : index
      %get3A_286 = tpu.vector_load %arg6[%get3A_284, %get3A_285] {strides = array<i32>} : memref<320x64xf32, #tpu.memory_space<vmem>>, vector<1x16xf32>,
      %get3A_287 = vector.shape_cast %get3A_286 : vector<1x16xf32> to vector<16xf32>
      %get3A_288 = arith.index_cast %add3A_234 : i32 to index
      %get3A_289 = arith.constant 32 : index
      %get3A_290 = tpu.vector_load %arg7[%get3A_288, %get3A_289] {strides = array<i32>} : memref<320x64xf32, #tpu.memory_space<vmem>>, vector<1x16xf32>,
      %get3A_291 = vector.shape_cast %get3A_290 : vector<1x16xf32> to vector<16xf32>
      %add3A_292 = arith.addf %get3A_287, %get3A_291 : vector<16xf32>
      %mul3A_293 = arith.mulf %add3A_292, %broadcast_in_dim3A_237 : vector<16xf32>
      %get3A_294 = arith.constant 32 : index
      %get3A_295 = tpu.vector_load %arg10[%get3A_294] {strides = array<i32>} : memref<64xf32, #tpu.memory_space<vmem>>, vector<16xf32>,
      %get3A_296 = vector.shape_cast %get3A_295 : vector<16xf32> to vector<16xf32>
      %add3A_297 = arith.addf %mul3A_293, %get3A_296 : vector<16xf32>
      %max3A_298 = arith.constant 0.000000e+00 : f32
      %max3A_299 = vector.broadcast %max3A_298 : f32 to vector<16xf32>
      %max3A_300 = arith.maximumf %add3A_297, %max3A_299 : vector<16xf32>
      %mul3A_301 = arith.mulf %max3A_300, %broadcast_in_dim3A_237 : vector<16xf32>
      %swap3A_302 = arith.index_cast %add3A_234 : i32 to index
      %swap3A_303 = arith.constant 32 : index
      %swap3A_304 = tpu.vector_load %arg6[%swap3A_302, %swap3A_303] {strides = array<i32>} : memref<320x64xf32, #tpu.memory_space<vmem>>, vector<1x16xf32>,
      %swap3A_305 = vector.shape_cast %swap3A_304 : vector<1x16xf32> to vector<16xf32>
      %swap3A_306 = vector.shape_cast %mul3A_301 : vector<16xf32> to vector<1x16xf32>
      tpu.vector_store %arg6[%swap3A_302, %swap3A_303], %swap3A_306 {strides = array<i32>} : memref<320x64xf32, #tpu.memory_space<vmem>>, vector<1x16xf32>,
      %get3A_307 = arith.index_cast %add3A_234 : i32 to index
      %get3A_308 = arith.constant 48 : index
      %get3A_309 = tpu.vector_load %arg6[%get3A_307, %get3A_308] {strides = array<i32>} : memref<320x64xf32, #tpu.memory_space<vmem>>, vector<1x16xf32>,
      %get3A_310 = vector.shape_cast %get3A_309 : vector<1x16xf32> to vector<16xf32>
      %get3A_311 = arith.index_cast %add3A_234 : i32 to index
      %get3A_312 = arith.constant 48 : index
      %get3A_313 = tpu.vector_load %arg7[%get3A_311, %get3A_312] {strides = array<i32>} : memref<320x64xf32, #tpu.memory_space<vmem>>, vector<1x16xf32>,
      %get3A_314 = vector.shape_cast %get3A_313 : vector<1x16xf32> to vector<16xf32>
      %add3A_315 = arith.addf %get3A_310, %get3A_314 : vector<16xf32>
      %mul3A_316 = arith.mulf %add3A_315, %broadcast_in_dim3A_237 : vector<16xf32>
      %get3A_317 = arith.constant 48 : index
      %get3A_318 = tpu.vector_load %arg10[%get3A_317] {strides = array<i32>} : memref<64xf32, #tpu.memory_space<vmem>>, vector<16xf32>,
      %get3A_319 = vector.shape_cast %get3A_318 : vector<16xf32> to vector<16xf32>
      %add3A_320 = arith.addf %mul3A_316, %get3A_319 : vector<16xf32>
      %max3A_321 = arith.constant 0.000000e+00 : f32
      %max3A_322 = vector.broadcast %max3A_321 : f32 to vector<16xf32>
      %max3A_323 = arith.maximumf %add3A_320, %max3A_322 : vector<16xf32>
      %mul3A_324 = arith.mulf %max3A_323, %broadcast_in_dim3A_237 : vector<16xf32>
      %swap3A_325 = arith.index_cast %add3A_234 : i32 to index
      %swap3A_326 = arith.constant 48 : index
      %swap3A_327 = tpu.vector_load %arg6[%swap3A_325, %swap3A_326] {strides = array<i32>} : memref<320x64xf32, #tpu.memory_space<vmem>>, vector<1x16xf32>,
      %swap3A_328 = vector.shape_cast %swap3A_327 : vector<1x16xf32> to vector<16xf32>
      %swap3A_329 = vector.shape_cast %mul3A_324 : vector<16xf32> to vector<1x16xf32>
      tpu.vector_store %arg6[%swap3A_325, %swap3A_326], %swap3A_329 {strides = array<i32>} : memref<320x64xf32, #tpu.memory_space<vmem>>, vector<1x16xf32>,
      %add3A_330 = arith.constant 1 : i32
      %add3A_331 = arith.addi %mul3A_53, %add3A_330 : i32
      %mul3A_332 = arith.constant 2 : i32
      %mul3A_333 = arith.muli %mul3A_332, %add3A_331 : i32
      %add3A_334 = arith.constant 0 : i32
      %add3A_335 = arith.addi %mul3A_333, %add3A_334 : i32
      %slice3A_336 = vector.extract_strided_slice %mul3A_136 {offsets = [0], sizes = [1], strides = [1]} : vector<16xf32> to vector<1xf32>
      %squeeze3A_337 = vector.extract %slice3A_336[0] : f32 from vector<1xf32>
      %broadcast_in_dim3A_338 = vector.broadcast %squeeze3A_337 : f32 to vector<16xf32>
      %get3A_339 = arith.index_cast %add3A_335 : i32 to index
      %get3A_340 = arith.constant 0 : index
      %get3A_341 = tpu.vector_load %arg6[%get3A_339, %get3A_340] {strides = array<i32>} : memref<320x64xf32, #tpu.memory_space<vmem>>, vector<1x16xf32>,
      %get3A_342 = vector.shape_cast %get3A_341 : vector<1x16xf32> to vector<16xf32>
      %get3A_343 = arith.index_cast %add3A_335 : i32 to index
      %get3A_344 = arith.constant 0 : index
      %get3A_345 = tpu.vector_load %arg7[%get3A_343, %get3A_344] {strides = array<i32>} : memref<320x64xf32, #tpu.memory_space<vmem>>, vector<1x16xf32>,
      %get3A_346 = vector.shape_cast %get3A_345 : vector<1x16xf32> to vector<16xf32>
      %add3A_347 = arith.addf %get3A_342, %get3A_346 : vector<16xf32>
      %mul3A_348 = arith.mulf %add3A_347, %broadcast_in_dim3A_338 : vector<16xf32>
      %get3A_349 = arith.constant 0 : index
      %get3A_350 = tpu.vector_load %arg10[%get3A_349] {strides = array<i32>} : memref<64xf32, #tpu.memory_space<vmem>>, vector<16xf32>,
      %get3A_351 = vector.shape_cast %get3A_350 : vector<16xf32> to vector<16xf32>
      %add3A_352 = arith.addf %mul3A_348, %get3A_351 : vector<16xf32>
      %max3A_353 = arith.constant 0.000000e+00 : f32
      %max3A_354 = vector.broadcast %max3A_353 : f32 to vector<16xf32>
      %max3A_355 = arith.maximumf %add3A_352, %max3A_354 : vector<16xf32>
      %mul3A_356 = arith.mulf %max3A_355, %broadcast_in_dim3A_338 : vector<16xf32>
      %swap3A_357 = arith.index_cast %add3A_335 : i32 to index
      %swap3A_358 = arith.constant 0 : index
      %swap3A_359 = tpu.vector_load %arg6[%swap3A_357, %swap3A_358] {strides = array<i32>} : memref<320x64xf32, #tpu.memory_space<vmem>>, vector<1x16xf32>,
      %swap3A_360 = vector.shape_cast %swap3A_359 : vector<1x16xf32> to vector<16xf32>
      %swap3A_361 = vector.shape_cast %mul3A_356 : vector<16xf32> to vector<1x16xf32>
      tpu.vector_store %arg6[%swap3A_357, %swap3A_358], %swap3A_361 {strides = array<i32>} : memref<320x64xf32, #tpu.memory_space<vmem>>, vector<1x16xf32>,
      %get3A_362 = arith.index_cast %add3A_335 : i32 to index
      %get3A_363 = arith.constant 16 : index
      %get3A_364 = tpu.vector_load %arg6[%get3A_362, %get3A_363] {strides = array<i32>} : memref<320x64xf32, #tpu.memory_space<vmem>>, vector<1x16xf32>,
      %get3A_365 = vector.shape_cast %get3A_364 : vector<1x16xf32> to vector<16xf32>
      %get3A_366 = arith.index_cast %add3A_335 : i32 to index
      %get3A_367 = arith.constant 16 : index
      %get3A_368 = tpu.vector_load %arg7[%get3A_366, %get3A_367] {strides = array<i32>} : memref<320x64xf32, #tpu.memory_space<vmem>>, vector<1x16xf32>,
      %get3A_369 = vector.shape_cast %get3A_368 : vector<1x16xf32> to vector<16xf32>
      %add3A_370 = arith.addf %get3A_365, %get3A_369 : vector<16xf32>
      %mul3A_371 = arith.mulf %add3A_370, %broadcast_in_dim3A_338 : vector<16xf32>
      %get3A_372 = arith.constant 16 : index
      %get3A_373 = tpu.vector_load %arg10[%get3A_372] {strides = array<i32>} : memref<64xf32, #tpu.memory_space<vmem>>, vector<16xf32>,
      %get3A_374 = vector.shape_cast %get3A_373 : vector<16xf32> to vector<16xf32>
      %add3A_375 = arith.addf %mul3A_371, %get3A_374 : vector<16xf32>
      %max3A_376 = arith.constant 0.000000e+00 : f32
      %max3A_377 = vector.broadcast %max3A_376 : f32 to vector<16xf32>
      %max3A_378 = arith.maximumf %add3A_375, %max3A_377 : vector<16xf32>
      %mul3A_379 = arith.mulf %max3A_378, %broadcast_in_dim3A_338 : vector<16xf32>
      %swap3A_380 = arith.index_cast %add3A_335 : i32 to index
      %swap3A_381 = arith.constant 16 : index
      %swap3A_382 = tpu.vector_load %arg6[%swap3A_380, %swap3A_381] {strides = array<i32>} : memref<320x64xf32, #tpu.memory_space<vmem>>, vector<1x16xf32>,
      %swap3A_383 = vector.shape_cast %swap3A_382 : vector<1x16xf32> to vector<16xf32>
      %swap3A_384 = vector.shape_cast %mul3A_379 : vector<16xf32> to vector<1x16xf32>
      tpu.vector_store %arg6[%swap3A_380, %swap3A_381], %swap3A_384 {strides = array<i32>} : memref<320x64xf32, #tpu.memory_space<vmem>>, vector<1x16xf32>,
      %get3A_385 = arith.index_cast %add3A_335 : i32 to index
      %get3A_386 = arith.constant 32 : index
      %get3A_387 = tpu.vector_load %arg6[%get3A_385, %get3A_386] {strides = array<i32>} : memref<320x64xf32, #tpu.memory_space<vmem>>, vector<1x16xf32>,
      %get3A_388 = vector.shape_cast %get3A_387 : vector<1x16xf32> to vector<16xf32>
      %get3A_389 = arith.index_cast %add3A_335 : i32 to index
      %get3A_390 = arith.constant 32 : index
      %get3A_391 = tpu.vector_load %arg7[%get3A_389, %get3A_390] {strides = array<i32>} : memref<320x64xf32, #tpu.memory_space<vmem>>, vector<1x16xf32>,
      %get3A_392 = vector.shape_cast %get3A_391 : vector<1x16xf32> to vector<16xf32>
      %add3A_393 = arith.addf %get3A_388, %get3A_392 : vector<16xf32>
      %mul3A_394 = arith.mulf %add3A_393, %broadcast_in_dim3A_338 : vector<16xf32>
      %get3A_395 = arith.constant 32 : index
      %get3A_396 = tpu.vector_load %arg10[%get3A_395] {strides = array<i32>} : memref<64xf32, #tpu.memory_space<vmem>>, vector<16xf32>,
      %get3A_397 = vector.shape_cast %get3A_396 : vector<16xf32> to vector<16xf32>
      %add3A_398 = arith.addf %mul3A_394, %get3A_397 : vector<16xf32>
      %max3A_399 = arith.constant 0.000000e+00 : f32
      %max3A_400 = vector.broadcast %max3A_399 : f32 to vector<16xf32>
      %max3A_401 = arith.maximumf %add3A_398, %max3A_400 : vector<16xf32>
      %mul3A_402 = arith.mulf %max3A_401, %broadcast_in_dim3A_338 : vector<16xf32>
      %swap3A_403 = arith.index_cast %add3A_335 : i32 to index
      %swap3A_404 = arith.constant 32 : index
      %swap3A_405 = tpu.vector_load %arg6[%swap3A_403, %swap3A_404] {strides = array<i32>} : memref<320x64xf32, #tpu.memory_space<vmem>>, vector<1x16xf32>,
      %swap3A_406 = vector.shape_cast %swap3A_405 : vector<1x16xf32> to vector<16xf32>
      %swap3A_407 = vector.shape_cast %mul3A_402 : vector<16xf32> to vector<1x16xf32>
      tpu.vector_store %arg6[%swap3A_403, %swap3A_404], %swap3A_407 {strides = array<i32>} : memref<320x64xf32, #tpu.memory_space<vmem>>, vector<1x16xf32>,
      %get3A_408 = arith.index_cast %add3A_335 : i32 to index
      %get3A_409 = arith.constant 48 : index
      %get3A_410 = tpu.vector_load %arg6[%get3A_408, %get3A_409] {strides = array<i32>} : memref<320x64xf32, #tpu.memory_space<vmem>>, vector<1x16xf32>,
      %get3A_411 = vector.shape_cast %get3A_410 : vector<1x16xf32> to vector<16xf32>
      %get3A_412 = arith.index_cast %add3A_335 : i32 to index
      %get3A_413 = arith.constant 48 : index
      %get3A_414 = tpu.vector_load %arg7[%get3A_412, %get3A_413] {strides = array<i32>} : memref<320x64xf32, #tpu.memory_space<vmem>>, vector<1x16xf32>,
      %get3A_415 = vector.shape_cast %get3A_414 : vector<1x16xf32> to vector<16xf32>
      %add3A_416 = arith.addf %get3A_411, %get3A_415 : vector<16xf32>
      %mul3A_417 = arith.mulf %add3A_416, %broadcast_in_dim3A_338 : vector<16xf32>
      %get3A_418 = arith.constant 48 : index
      %get3A_419 = tpu.vector_load %arg10[%get3A_418] {strides = array<i32>} : memref<64xf32, #tpu.memory_space<vmem>>, vector<16xf32>,
      %get3A_420 = vector.shape_cast %get3A_419 : vector<16xf32> to vector<16xf32>
      %add3A_421 = arith.addf %mul3A_417, %get3A_420 : vector<16xf32>
      %max3A_422 = arith.constant 0.000000e+00 : f32
      %max3A_423 = vector.broadcast %max3A_422 : f32 to vector<16xf32>
      %max3A_424 = arith.maximumf %add3A_421, %max3A_423 : vector<16xf32>
      %mul3A_425 = arith.mulf %max3A_424, %broadcast_in_dim3A_338 : vector<16xf32>
      %swap3A_426 = arith.index_cast %add3A_335 : i32 to index
      %swap3A_427 = arith.constant 48 : index
      %swap3A_428 = tpu.vector_load %arg6[%swap3A_426, %swap3A_427] {strides = array<i32>} : memref<320x64xf32, #tpu.memory_space<vmem>>, vector<1x16xf32>,
      %swap3A_429 = vector.shape_cast %swap3A_428 : vector<1x16xf32> to vector<16xf32>
      %swap3A_430 = vector.shape_cast %mul3A_425 : vector<16xf32> to vector<1x16xf32>
      tpu.vector_store %arg6[%swap3A_426, %swap3A_427], %swap3A_430 {strides = array<i32>} : memref<320x64xf32, #tpu.memory_space<vmem>>, vector<1x16xf32>,
      %mul3A_431 = arith.constant 2 : i32
      %mul3A_432 = arith.muli %mul3A_431, %add3A_331 : i32
      %add3A_433 = arith.constant 1 : i32
      %add3A_434 = arith.addi %mul3A_432, %add3A_433 : i32
      %slice3A_435 = vector.extract_strided_slice %mul3A_136 {offsets = [8], sizes = [1], strides = [1]} : vector<16xf32> to vector<1xf32>
      %squeeze3A_436 = vector.extract %slice3A_435[0] : f32 from vector<1xf32>
      %broadcast_in_dim3A_437 = vector.broadcast %squeeze3A_436 : f32 to vector<16xf32>
      %get3A_438 = arith.index_cast %add3A_434 : i32 to index
      %get3A_439 = arith.constant 0 : index
      %get3A_440 = tpu.vector_load %arg6[%get3A_438, %get3A_439] {strides = array<i32>} : memref<320x64xf32, #tpu.memory_space<vmem>>, vector<1x16xf32>,
      %get3A_441 = vector.shape_cast %get3A_440 : vector<1x16xf32> to vector<16xf32>
      %get3A_442 = arith.index_cast %add3A_434 : i32 to index
      %get3A_443 = arith.constant 0 : index
      %get3A_444 = tpu.vector_load %arg7[%get3A_442, %get3A_443] {strides = array<i32>} : memref<320x64xf32, #tpu.memory_space<vmem>>, vector<1x16xf32>,
      %get3A_445 = vector.shape_cast %get3A_444 : vector<1x16xf32> to vector<16xf32>
      %add3A_446 = arith.addf %get3A_441, %get3A_445 : vector<16xf32>
      %mul3A_447 = arith.mulf %add3A_446, %broadcast_in_dim3A_437 : vector<16xf32>
      %get3A_448 = arith.constant 0 : index
      %get3A_449 = tpu.vector_load %arg10[%get3A_448] {strides = array<i32>} : memref<64xf32, #tpu.memory_space<vmem>>, vector<16xf32>,
      %get3A_450 = vector.shape_cast %get3A_449 : vector<16xf32> to vector<16xf32>
      %add3A_451 = arith.addf %mul3A_447, %get3A_450 : vector<16xf32>
      %max3A_452 = arith.constant 0.000000e+00 : f32
      %max3A_453 = vector.broadcast %max3A_452 : f32 to vector<16xf32>
      %max3A_454 = arith.maximumf %add3A_451, %max3A_453 : vector<16xf32>
      %mul3A_455 = arith.mulf %max3A_454, %broadcast_in_dim3A_437 : vector<16xf32>
      %swap3A_456 = arith.index_cast %add3A_434 : i32 to index
      %swap3A_457 = arith.constant 0 : index
      %swap3A_458 = tpu.vector_load %arg6[%swap3A_456, %swap3A_457] {strides = array<i32>} : memref<320x64xf32, #tpu.memory_space<vmem>>, vector<1x16xf32>,
      %swap3A_459 = vector.shape_cast %swap3A_458 : vector<1x16xf32> to vector<16xf32>
      %swap3A_460 = vector.shape_cast %mul3A_455 : vector<16xf32> to vector<1x16xf32>
      tpu.vector_store %arg6[%swap3A_456, %swap3A_457], %swap3A_460 {strides = array<i32>} : memref<320x64xf32, #tpu.memory_space<vmem>>, vector<1x16xf32>,
      %get3A_461 = arith.index_cast %add3A_434 : i32 to index
      %get3A_462 = arith.constant 16 : index
      %get3A_463 = tpu.vector_load %arg6[%get3A_461, %get3A_462] {strides = array<i32>} : memref<320x64xf32, #tpu.memory_space<vmem>>, vector<1x16xf32>,
      %get3A_464 = vector.shape_cast %get3A_463 : vector<1x16xf32> to vector<16xf32>
      %get3A_465 = arith.index_cast %add3A_434 : i32 to index
      %get3A_466 = arith.constant 16 : index
      %get3A_467 = tpu.vector_load %arg7[%get3A_465, %get3A_466] {strides = array<i32>} : memref<320x64xf32, #tpu.memory_space<vmem>>, vector<1x16xf32>,
      %get3A_468 = vector.shape_cast %get3A_467 : vector<1x16xf32> to vector<16xf32>
      %add3A_469 = arith.addf %get3A_464, %get3A_468 : vector<16xf32>
      %mul3A_470 = arith.mulf %add3A_469, %broadcast_in_dim3A_437 : vector<16xf32>
      %get3A_471 = arith.constant 16 : index
      %get3A_472 = tpu.vector_load %arg10[%get3A_471] {strides = array<i32>} : memref<64xf32, #tpu.memory_space<vmem>>, vector<16xf32>,
      %get3A_473 = vector.shape_cast %get3A_472 : vector<16xf32> to vector<16xf32>
      %add3A_474 = arith.addf %mul3A_470, %get3A_473 : vector<16xf32>
      %max3A_475 = arith.constant 0.000000e+00 : f32
      %max3A_476 = vector.broadcast %max3A_475 : f32 to vector<16xf32>
      %max3A_477 = arith.maximumf %add3A_474, %max3A_476 : vector<16xf32>
      %mul3A_478 = arith.mulf %max3A_477, %broadcast_in_dim3A_437 : vector<16xf32>
      %swap3A_479 = arith.index_cast %add3A_434 : i32 to index
      %swap3A_480 = arith.constant 16 : index
      %swap3A_481 = tpu.vector_load %arg6[%swap3A_479, %swap3A_480] {strides = array<i32>} : memref<320x64xf32, #tpu.memory_space<vmem>>, vector<1x16xf32>,
      %swap3A_482 = vector.shape_cast %swap3A_481 : vector<1x16xf32> to vector<16xf32>
      %swap3A_483 = vector.shape_cast %mul3A_478 : vector<16xf32> to vector<1x16xf32>
      tpu.vector_store %arg6[%swap3A_479, %swap3A_480], %swap3A_483 {strides = array<i32>} : memref<320x64xf32, #tpu.memory_space<vmem>>, vector<1x16xf32>,
      %get3A_484 = arith.index_cast %add3A_434 : i32 to index
      %get3A_485 = arith.constant 32 : index
      %get3A_486 = tpu.vector_load %arg6[%get3A_484, %get3A_485] {strides = array<i32>} : memref<320x64xf32, #tpu.memory_space<vmem>>, vector<1x16xf32>,
      %get3A_487 = vector.shape_cast %get3A_486 : vector<1x16xf32> to vector<16xf32>
      %get3A_488 = arith.index_cast %add3A_434 : i32 to index
      %get3A_489 = arith.constant 32 : index
      %get3A_490 = tpu.vector_load %arg7[%get3A_488, %get3A_489] {strides = array<i32>} : memref<320x64xf32, #tpu.memory_space<vmem>>, vector<1x16xf32>,
      %get3A_491 = vector.shape_cast %get3A_490 : vector<1x16xf32> to vector<16xf32>
      %add3A_492 = arith.addf %get3A_487, %get3A_491 : vector<16xf32>
      %mul3A_493 = arith.mulf %add3A_492, %broadcast_in_dim3A_437 : vector<16xf32>
      %get3A_494 = arith.constant 32 : index
      %get3A_495 = tpu.vector_load %arg10[%get3A_494] {strides = array<i32>} : memref<64xf32, #tpu.memory_space<vmem>>, vector<16xf32>,
      %get3A_496 = vector.shape_cast %get3A_495 : vector<16xf32> to vector<16xf32>
      %add3A_497 = arith.addf %mul3A_493, %get3A_496 : vector<16xf32>
      %max3A_498 = arith.constant 0.000000e+00 : f32
      %max3A_499 = vector.broadcast %max3A_498 : f32 to vector<16xf32>
      %max3A_500 = arith.maximumf %add3A_497, %max3A_499 : vector<16xf32>
      %mul3A_501 = arith.mulf %max3A_500, %broadcast_in_dim3A_437 : vector<16xf32>
      %swap3A_502 = arith.index_cast %add3A_434 : i32 to index
      %swap3A_503 = arith.constant 32 : index
      %swap3A_504 = tpu.vector_load %arg6[%swap3A_502, %swap3A_503] {strides = array<i32>} : memref<320x64xf32, #tpu.memory_space<vmem>>, vector<1x16xf32>,
      %swap3A_505 = vector.shape_cast %swap3A_504 : vector<1x16xf32> to vector<16xf32>
      %swap3A_506 = vector.shape_cast %mul3A_501 : vector<16xf32> to vector<1x16xf32>
      tpu.vector_store %arg6[%swap3A_502, %swap3A_503], %swap3A_506 {strides = array<i32>} : memref<320x64xf32, #tpu.memory_space<vmem>>, vector<1x16xf32>,
      %get3A_507 = arith.index_cast %add3A_434 : i32 to index
      %get3A_508 = arith.constant 48 : index
      %get3A_509 = tpu.vector_load %arg6[%get3A_507, %get3A_508] {strides = array<i32>} : memref<320x64xf32, #tpu.memory_space<vmem>>, vector<1x16xf32>,
      %get3A_510 = vector.shape_cast %get3A_509 : vector<1x16xf32> to vector<16xf32>
      %get3A_511 = arith.index_cast %add3A_434 : i32 to index
      %get3A_512 = arith.constant 48 : index
      %get3A_513 = tpu.vector_load %arg7[%get3A_511, %get3A_512] {strides = array<i32>} : memref<320x64xf32, #tpu.memory_space<vmem>>, vector<1x16xf32>,
      %get3A_514 = vector.shape_cast %get3A_513 : vector<1x16xf32> to vector<16xf32>
      %add3A_515 = arith.addf %get3A_510, %get3A_514 : vector<16xf32>
      %mul3A_516 = arith.mulf %add3A_515, %broadcast_in_dim3A_437 : vector<16xf32>
      %get3A_517 = arith.constant 48 : index
      %get3A_518 = tpu.vector_load %arg10[%get3A_517] {strides = array<i32>} : memref<64xf32, #tpu.memory_space<vmem>>, vector<16xf32>,
      %get3A_519 = vector.shape_cast %get3A_518 : vector<16xf32> to vector<16xf32>
      %add3A_520 = arith.addf %mul3A_516, %get3A_519 : vector<16xf32>
      %max3A_521 = arith.constant 0.000000e+00 : f32
      %max3A_522 = vector.broadcast %max3A_521 : f32 to vector<16xf32>
      %max3A_523 = arith.maximumf %add3A_520, %max3A_522 : vector<16xf32>
      %mul3A_524 = arith.mulf %max3A_523, %broadcast_in_dim3A_437 : vector<16xf32>
      %swap3A_525 = arith.index_cast %add3A_434 : i32 to index
      %swap3A_526 = arith.constant 48 : index
      %swap3A_527 = tpu.vector_load %arg6[%swap3A_525, %swap3A_526] {strides = array<i32>} : memref<320x64xf32, #tpu.memory_space<vmem>>, vector<1x16xf32>,
      %swap3A_528 = vector.shape_cast %swap3A_527 : vector<1x16xf32> to vector<16xf32>
      %swap3A_529 = vector.shape_cast %mul3A_524 : vector<16xf32> to vector<1x16xf32>
      tpu.vector_store %arg6[%swap3A_525, %swap3A_526], %swap3A_529 {strides = array<i32>} : memref<320x64xf32, #tpu.memory_space<vmem>>, vector<1x16xf32>,
    }
    %scan3A_50 = arith.constant 80 : i32
    "tpu.region"() ({
      %run_scoped3A_51 = tpu.sem_alloc : memref<!tpu.dma_semaphore, #tpu.memory_space<semaphore_mem>>
      %dma_start3A = arith.constant 0 : i32
      %dma_start3A_52 = tpu.memref_slice %arg5[%mul3A_2, %dma_start3A] : memref<10240x64xf32, #tpu.memory_space<hbm>> -> memref<320x64xf32, #tpu.memory_space<hbm>>
      %dma_start3A_53 = arith.constant 0 : i32
      %dma_start3A_54 = tpu.memref_slice %arg5[%mul3A_2, %dma_start3A_53] : memref<10240x64xf32, #tpu.memory_space<hbm>> -> memref<320x64xf32, #tpu.memory_space<hbm>>
      tpu.enqueue_dma source(%arg6 : memref<320x64xf32, #tpu.memory_space<vmem>>) target(%dma_start3A_54 : memref<320x64xf32, #tpu.memory_space<hbm>>) target_semaphore(%run_scoped3A_51 : memref<!tpu.dma_semaphore, #tpu.memory_space<semaphore_mem>>)
      %dma_wait3A = arith.constant 0 : i32
      %dma_wait3A_55 = tpu.memref_slice %arg5[%mul3A_2, %dma_wait3A] : memref<10240x64xf32, #tpu.memory_space<hbm>> -> memref<320x64xf32, #tpu.memory_space<hbm>>
      %dma_wait3A_56 = arith.constant 0 : i32
      %dma_wait3A_57 = tpu.memref_slice %arg5[%mul3A_2, %dma_wait3A_56] : memref<10240x64xf32, #tpu.memory_space<hbm>> -> memref<320x64xf32, #tpu.memory_space<hbm>>
      tpu.wait_dma2 semaphore(%run_scoped3A_51 : memref<!tpu.dma_semaphore, #tpu.memory_space<semaphore_mem>>) src(%arg6 : memref<320x64xf32, #tpu.memory_space<vmem>>) dst(%dma_wait3A_57 : memref<320x64xf32, #tpu.memory_space<hbm>>)
      tpu.yield
    }) : () -> ()
    return
  }
}

#map = affine_map<(d0, d1) -> (0, 0, 0)>
#map1 = affine_map<(d0, d1) -> (0, 0)>
module attributes {stable_mosaic.version = 14 : i64} {
  func.func @_deg_kernel(%arg0: i32, %arg1: i32, %arg2: memref<2x2560x128xi32, #tpu.memory_space<hbm>>, %arg3: memref<128x8xf32, #tpu.memory_space<hbm>>, %arg4: memref<640x8xf32, #tpu.memory_space<hbm>>, %arg5: memref<2x10240x8xf32, #tpu.memory_space<hbm>>, %arg6: memref<80x128xi32, #tpu.memory_space<vmem>>, %arg7: memref<128x8xf32, #tpu.memory_space<vmem>>, %arg8: memref<10240x8xf32, #tpu.memory_space<vmem_shared>>, %arg9: memref<!tpu.dma_semaphore, #tpu.memory_space<semaphore_mem>>, %arg10: memref<!tpu.dma_semaphore, #tpu.memory_space<semaphore_mem>>, %arg11: memref<!tpu.dma_semaphore, #tpu.memory_space<semaphore_mem>>, %arg12: memref<!tpu.dma_semaphore, #tpu.memory_space<semaphore_mem>>) attributes {dimension_semantics = [#tpu.dimension_semantics<core_parallel>, #tpu.dimension_semantics<subcore_parallel>], iteration_bounds = array<i64: 2, 16>, scalar_prefetch = 0 : i64, scratch_operands = 7 : i64, tpu.core_type = #tpu.core_type<sc_vector_subcore>, window_params = [{transform_indices = #map}, {transform_indices = #map1}, {transform_indices = #map1}, {transform_indices = #map}]} {
    %mul3A = arith.constant 16 : i32
    %mul3A_0 = arith.muli %arg0, %mul3A : i32
    %add3A = arith.addi %mul3A_0, %arg1 : i32
    %mul3A_1 = arith.constant 80 : i32
    %mul3A_2 = arith.muli %add3A, %mul3A_1 : i32
    %run_scoped3A = arith.constant 1 : i32
    "tpu.region"() ({
      %run_scoped3A_15 = tpu.sem_alloc : memref<!tpu.dma_semaphore, #tpu.memory_space<semaphore_mem>>
      %dma_start3A = arith.constant 0 : i32
      %dma_start3A_16 = arith.constant 0 : i32
      %dma_start3A_17 = tpu.memref_slice %arg2[%run_scoped3A, %dma_start3A, %dma_start3A_16] : memref<2x2560x128xi32, #tpu.memory_space<hbm>> -> memref<1x2560x128xi32, #tpu.memory_space<hbm>>
      %dma_start3A_18 = tpu.memref_squeeze %dma_start3A_17 : memref<1x2560x128xi32, #tpu.memory_space<hbm>> -> memref<2560x128xi32, #tpu.memory_space<hbm>>
      %dma_start3A_19 = arith.constant 0 : i32
      %dma_start3A_20 = tpu.memref_slice %dma_start3A_18[%mul3A_2, %dma_start3A_19] : memref<2560x128xi32, #tpu.memory_space<hbm>> -> memref<80x128xi32, #tpu.memory_space<hbm>>
      %dma_start3A_21 = arith.constant 0 : i32
      %dma_start3A_22 = arith.constant 0 : i32
      %dma_start3A_23 = tpu.memref_slice %arg2[%run_scoped3A, %dma_start3A_21, %dma_start3A_22] : memref<2x2560x128xi32, #tpu.memory_space<hbm>> -> memref<1x2560x128xi32, #tpu.memory_space<hbm>>
      %dma_start3A_24 = tpu.memref_squeeze %dma_start3A_23 : memref<1x2560x128xi32, #tpu.memory_space<hbm>> -> memref<2560x128xi32, #tpu.memory_space<hbm>>
      %dma_start3A_25 = arith.constant 0 : i32
      %dma_start3A_26 = tpu.memref_slice %dma_start3A_24[%mul3A_2, %dma_start3A_25] : memref<2560x128xi32, #tpu.memory_space<hbm>> -> memref<80x128xi32, #tpu.memory_space<hbm>>
      tpu.enqueue_dma source(%dma_start3A_26 : memref<80x128xi32, #tpu.memory_space<hbm>>) target(%arg6 : memref<80x128xi32, #tpu.memory_space<vmem>>) target_semaphore(%run_scoped3A_15 : memref<!tpu.dma_semaphore, #tpu.memory_space<semaphore_mem>>)
      %dma_wait3A = arith.constant 0 : i32
      %dma_wait3A_27 = arith.constant 0 : i32
      %dma_wait3A_28 = tpu.memref_slice %arg2[%run_scoped3A, %dma_wait3A, %dma_wait3A_27] : memref<2x2560x128xi32, #tpu.memory_space<hbm>> -> memref<1x2560x128xi32, #tpu.memory_space<hbm>>
      %dma_wait3A_29 = tpu.memref_squeeze %dma_wait3A_28 : memref<1x2560x128xi32, #tpu.memory_space<hbm>> -> memref<2560x128xi32, #tpu.memory_space<hbm>>
      %dma_wait3A_30 = arith.constant 0 : i32
      %dma_wait3A_31 = tpu.memref_slice %dma_wait3A_29[%mul3A_2, %dma_wait3A_30] : memref<2560x128xi32, #tpu.memory_space<hbm>> -> memref<80x128xi32, #tpu.memory_space<hbm>>
      %dma_wait3A_32 = arith.constant 0 : i32
      %dma_wait3A_33 = arith.constant 0 : i32
      %dma_wait3A_34 = tpu.memref_slice %arg2[%run_scoped3A, %dma_wait3A_32, %dma_wait3A_33] : memref<2x2560x128xi32, #tpu.memory_space<hbm>> -> memref<1x2560x128xi32, #tpu.memory_space<hbm>>
      %dma_wait3A_35 = tpu.memref_squeeze %dma_wait3A_34 : memref<1x2560x128xi32, #tpu.memory_space<hbm>> -> memref<2560x128xi32, #tpu.memory_space<hbm>>
      %dma_wait3A_36 = arith.constant 0 : i32
      %dma_wait3A_37 = tpu.memref_slice %dma_wait3A_35[%mul3A_2, %dma_wait3A_36] : memref<2560x128xi32, #tpu.memory_space<hbm>> -> memref<80x128xi32, #tpu.memory_space<hbm>>
      tpu.wait_dma2 semaphore(%run_scoped3A_15 : memref<!tpu.dma_semaphore, #tpu.memory_space<semaphore_mem>>) src(%dma_wait3A_37 : memref<80x128xi32, #tpu.memory_space<hbm>>) dst(%arg6 : memref<80x128xi32, #tpu.memory_space<vmem>>)
      tpu.yield
    }) : () -> ()
    "tpu.region"() ({
      %run_scoped3A_15 = tpu.sem_alloc : memref<!tpu.dma_semaphore, #tpu.memory_space<semaphore_mem>>
      tpu.enqueue_dma source(%arg3 : memref<128x8xf32, #tpu.memory_space<hbm>>) target(%arg7 : memref<128x8xf32, #tpu.memory_space<vmem>>) target_semaphore(%run_scoped3A_15 : memref<!tpu.dma_semaphore, #tpu.memory_space<semaphore_mem>>)
      tpu.wait_dma2 semaphore(%run_scoped3A_15 : memref<!tpu.dma_semaphore, #tpu.memory_space<semaphore_mem>>) src(%arg3 : memref<128x8xf32, #tpu.memory_space<hbm>>) dst(%arg7 : memref<128x8xf32, #tpu.memory_space<vmem>>)
      tpu.yield
    }) : () -> ()
    %mul3A_3 = arith.constant 640 : i32
    %mul3A_4 = arith.muli %arg1, %mul3A_3 : i32
    "tpu.region"() ({
      %run_scoped3A_15 = tpu.sem_alloc : memref<!tpu.dma_semaphore, #tpu.memory_space<semaphore_mem>>
      %dma_start3A = arith.constant 0 : i32
      %dma_start3A_16 = tpu.memref_slice %arg8[%mul3A_4, %dma_start3A] : memref<10240x8xf32, #tpu.memory_space<vmem_shared>> -> memref<640x8xf32, #tpu.memory_space<vmem_shared>>
      tpu.enqueue_dma source(%arg4 : memref<640x8xf32, #tpu.memory_space<hbm>>) target(%dma_start3A_16 : memref<640x8xf32, #tpu.memory_space<vmem_shared>>) target_semaphore(%run_scoped3A_15 : memref<!tpu.dma_semaphore, #tpu.memory_space<semaphore_mem>>)
      %dma_wait3A = arith.constant 0 : i32
      %dma_wait3A_17 = tpu.memref_slice %arg8[%mul3A_4, %dma_wait3A] : memref<10240x8xf32, #tpu.memory_space<vmem_shared>> -> memref<640x8xf32, #tpu.memory_space<vmem_shared>>
      tpu.wait_dma2 semaphore(%run_scoped3A_15 : memref<!tpu.dma_semaphore, #tpu.memory_space<semaphore_mem>>) src(%arg4 : memref<640x8xf32, #tpu.memory_space<hbm>>) dst(%dma_wait3A_17 : memref<640x8xf32, #tpu.memory_space<vmem_shared>>)
      tpu.yield
    }) : () -> ()
    %barrier3A = arith.constant 0 : index
    tpu.barrier barrier_id(%barrier3A)
    %scan3A = arith.constant 0 : i32
    %scan3A_5 = arith.constant 0 : i32
    %scan3A_6 = arith.constant 20 : i32
    %scan3A_7 = arith.addi %scan3A_5, %scan3A_6 : i32
    %scan3A_8 = arith.constant 1 : i32
    scf.for %scan3A_15 = %scan3A_5 to %scan3A_7 step %scan3A_8  : i32 {
      %mul3A_16 = arith.constant 4 : i32
      %mul3A_17 = arith.muli %mul3A_16, %scan3A_15 : i32
      %add3A_18 = arith.constant 0 : i32
      %add3A_19 = arith.addi %mul3A_17, %add3A_18 : i32
      %dma_start3A = arith.constant 0 : i32
      %dma_start3A_20 = tpu.memref_slice %arg6[%add3A_19, %dma_start3A] : memref<80x128xi32, #tpu.memory_space<vmem>> -> memref<1x128xi32, #tpu.memory_space<vmem>>
      %dma_start3A_21 = tpu.memref_squeeze %dma_start3A_20 : memref<1x128xi32, #tpu.memory_space<vmem>> -> memref<128xi32, #tpu.memory_space<vmem>>
      %dma_start3A_22 = arith.constant 0 : i32
      %dma_start3A_23 = arith.constant 0 : i32
      %dma_start3A_24 = tpu.memref_slice %arg8[%dma_start3A_22, %dma_start3A_23] : memref<10240x8xf32, #tpu.memory_space<vmem_shared>> -> memref<10240x8xf32, #tpu.memory_space<vmem_shared>>
      tpu.enqueue_indirect_dma source(%arg7 : memref<128x8xf32, #tpu.memory_space<vmem>>) target(%dma_start3A_24 : memref<10240x8xf32, #tpu.memory_space<vmem_shared>>) offsets(%dma_start3A_21 : memref<128xi32, #tpu.memory_space<vmem>>) semaphore(%arg9 : memref<!tpu.dma_semaphore, #tpu.memory_space<semaphore_mem>>) {add = true}
      %mul3A_25 = arith.constant 4 : i32
      %mul3A_26 = arith.muli %mul3A_25, %scan3A_15 : i32
      %add3A_27 = arith.constant 1 : i32
      %add3A_28 = arith.addi %mul3A_26, %add3A_27 : i32
      %dma_start3A_29 = arith.constant 0 : i32
      %dma_start3A_30 = tpu.memref_slice %arg6[%add3A_28, %dma_start3A_29] : memref<80x128xi32, #tpu.memory_space<vmem>> -> memref<1x128xi32, #tpu.memory_space<vmem>>
      %dma_start3A_31 = tpu.memref_squeeze %dma_start3A_30 : memref<1x128xi32, #tpu.memory_space<vmem>> -> memref<128xi32, #tpu.memory_space<vmem>>
      %dma_start3A_32 = arith.constant 0 : i32
      %dma_start3A_33 = arith.constant 0 : i32
      %dma_start3A_34 = tpu.memref_slice %arg8[%dma_start3A_32, %dma_start3A_33] : memref<10240x8xf32, #tpu.memory_space<vmem_shared>> -> memref<10240x8xf32, #tpu.memory_space<vmem_shared>>
      tpu.enqueue_indirect_dma source(%arg7 : memref<128x8xf32, #tpu.memory_space<vmem>>) target(%dma_start3A_34 : memref<10240x8xf32, #tpu.memory_space<vmem_shared>>) offsets(%dma_start3A_31 : memref<128xi32, #tpu.memory_space<vmem>>) semaphore(%arg10 : memref<!tpu.dma_semaphore, #tpu.memory_space<semaphore_mem>>) {add = true}
      %mul3A_35 = arith.constant 4 : i32
      %mul3A_36 = arith.muli %mul3A_35, %scan3A_15 : i32
      %add3A_37 = arith.constant 2 : i32
      %add3A_38 = arith.addi %mul3A_36, %add3A_37 : i32
      %dma_start3A_39 = arith.constant 0 : i32
      %dma_start3A_40 = tpu.memref_slice %arg6[%add3A_38, %dma_start3A_39] : memref<80x128xi32, #tpu.memory_space<vmem>> -> memref<1x128xi32, #tpu.memory_space<vmem>>
      %dma_start3A_41 = tpu.memref_squeeze %dma_start3A_40 : memref<1x128xi32, #tpu.memory_space<vmem>> -> memref<128xi32, #tpu.memory_space<vmem>>
      %dma_start3A_42 = arith.constant 0 : i32
      %dma_start3A_43 = arith.constant 0 : i32
      %dma_start3A_44 = tpu.memref_slice %arg8[%dma_start3A_42, %dma_start3A_43] : memref<10240x8xf32, #tpu.memory_space<vmem_shared>> -> memref<10240x8xf32, #tpu.memory_space<vmem_shared>>
      tpu.enqueue_indirect_dma source(%arg7 : memref<128x8xf32, #tpu.memory_space<vmem>>) target(%dma_start3A_44 : memref<10240x8xf32, #tpu.memory_space<vmem_shared>>) offsets(%dma_start3A_41 : memref<128xi32, #tpu.memory_space<vmem>>) semaphore(%arg11 : memref<!tpu.dma_semaphore, #tpu.memory_space<semaphore_mem>>) {add = true}
      %mul3A_45 = arith.constant 4 : i32
      %mul3A_46 = arith.muli %mul3A_45, %scan3A_15 : i32
      %add3A_47 = arith.constant 3 : i32
      %add3A_48 = arith.addi %mul3A_46, %add3A_47 : i32
      %dma_start3A_49 = arith.constant 0 : i32
      %dma_start3A_50 = tpu.memref_slice %arg6[%add3A_48, %dma_start3A_49] : memref<80x128xi32, #tpu.memory_space<vmem>> -> memref<1x128xi32, #tpu.memory_space<vmem>>
      %dma_start3A_51 = tpu.memref_squeeze %dma_start3A_50 : memref<1x128xi32, #tpu.memory_space<vmem>> -> memref<128xi32, #tpu.memory_space<vmem>>
      %dma_start3A_52 = arith.constant 0 : i32
      %dma_start3A_53 = arith.constant 0 : i32
      %dma_start3A_54 = tpu.memref_slice %arg8[%dma_start3A_52, %dma_start3A_53] : memref<10240x8xf32, #tpu.memory_space<vmem_shared>> -> memref<10240x8xf32, #tpu.memory_space<vmem_shared>>
      tpu.enqueue_indirect_dma source(%arg7 : memref<128x8xf32, #tpu.memory_space<vmem>>) target(%dma_start3A_54 : memref<10240x8xf32, #tpu.memory_space<vmem_shared>>) offsets(%dma_start3A_51 : memref<128xi32, #tpu.memory_space<vmem>>) semaphore(%arg12 : memref<!tpu.dma_semaphore, #tpu.memory_space<semaphore_mem>>) {add = true}
      %mul3A_55 = arith.constant 4 : i32
      %mul3A_56 = arith.muli %mul3A_55, %scan3A_15 : i32
      %add3A_57 = arith.constant 0 : i32
      %add3A_58 = arith.addi %mul3A_56, %add3A_57 : i32
      %dma_wait3A = arith.constant 0 : i32
      %dma_wait3A_59 = tpu.memref_slice %arg6[%add3A_58, %dma_wait3A] : memref<80x128xi32, #tpu.memory_space<vmem>> -> memref<1x128xi32, #tpu.memory_space<vmem>>
      %dma_wait3A_60 = tpu.memref_squeeze %dma_wait3A_59 : memref<1x128xi32, #tpu.memory_space<vmem>> -> memref<128xi32, #tpu.memory_space<vmem>>
      %dma_wait3A_61 = arith.constant 0 : i32
      %dma_wait3A_62 = arith.constant 0 : i32
      %dma_wait3A_63 = tpu.memref_slice %arg8[%dma_wait3A_61, %dma_wait3A_62] : memref<10240x8xf32, #tpu.memory_space<vmem_shared>> -> memref<10240x8xf32, #tpu.memory_space<vmem_shared>>
      tpu.wait_indirect_dma semaphore(%arg9 : memref<!tpu.dma_semaphore, #tpu.memory_space<semaphore_mem>>) src(%arg7 : memref<128x8xf32, #tpu.memory_space<vmem>>) dst(%dma_wait3A_63 : memref<10240x8xf32, #tpu.memory_space<vmem_shared>>)
      %mul3A_64 = arith.constant 4 : i32
      %mul3A_65 = arith.muli %mul3A_64, %scan3A_15 : i32
      %add3A_66 = arith.constant 1 : i32
      %add3A_67 = arith.addi %mul3A_65, %add3A_66 : i32
      %dma_wait3A_68 = arith.constant 0 : i32
      %dma_wait3A_69 = tpu.memref_slice %arg6[%add3A_67, %dma_wait3A_68] : memref<80x128xi32, #tpu.memory_space<vmem>> -> memref<1x128xi32, #tpu.memory_space<vmem>>
      %dma_wait3A_70 = tpu.memref_squeeze %dma_wait3A_69 : memref<1x128xi32, #tpu.memory_space<vmem>> -> memref<128xi32, #tpu.memory_space<vmem>>
      %dma_wait3A_71 = arith.constant 0 : i32
      %dma_wait3A_72 = arith.constant 0 : i32
      %dma_wait3A_73 = tpu.memref_slice %arg8[%dma_wait3A_71, %dma_wait3A_72] : memref<10240x8xf32, #tpu.memory_space<vmem_shared>> -> memref<10240x8xf32, #tpu.memory_space<vmem_shared>>
      tpu.wait_indirect_dma semaphore(%arg10 : memref<!tpu.dma_semaphore, #tpu.memory_space<semaphore_mem>>) src(%arg7 : memref<128x8xf32, #tpu.memory_space<vmem>>) dst(%dma_wait3A_73 : memref<10240x8xf32, #tpu.memory_space<vmem_shared>>)
      %mul3A_74 = arith.constant 4 : i32
      %mul3A_75 = arith.muli %mul3A_74, %scan3A_15 : i32
      %add3A_76 = arith.constant 2 : i32
      %add3A_77 = arith.addi %mul3A_75, %add3A_76 : i32
      %dma_wait3A_78 = arith.constant 0 : i32
      %dma_wait3A_79 = tpu.memref_slice %arg6[%add3A_77, %dma_wait3A_78] : memref<80x128xi32, #tpu.memory_space<vmem>> -> memref<1x128xi32, #tpu.memory_space<vmem>>
      %dma_wait3A_80 = tpu.memref_squeeze %dma_wait3A_79 : memref<1x128xi32, #tpu.memory_space<vmem>> -> memref<128xi32, #tpu.memory_space<vmem>>
      %dma_wait3A_81 = arith.constant 0 : i32
      %dma_wait3A_82 = arith.constant 0 : i32
      %dma_wait3A_83 = tpu.memref_slice %arg8[%dma_wait3A_81, %dma_wait3A_82] : memref<10240x8xf32, #tpu.memory_space<vmem_shared>> -> memref<10240x8xf32, #tpu.memory_space<vmem_shared>>
      tpu.wait_indirect_dma semaphore(%arg11 : memref<!tpu.dma_semaphore, #tpu.memory_space<semaphore_mem>>) src(%arg7 : memref<128x8xf32, #tpu.memory_space<vmem>>) dst(%dma_wait3A_83 : memref<10240x8xf32, #tpu.memory_space<vmem_shared>>)
      %mul3A_84 = arith.constant 4 : i32
      %mul3A_85 = arith.muli %mul3A_84, %scan3A_15 : i32
      %add3A_86 = arith.constant 3 : i32
      %add3A_87 = arith.addi %mul3A_85, %add3A_86 : i32
      %dma_wait3A_88 = arith.constant 0 : i32
      %dma_wait3A_89 = tpu.memref_slice %arg6[%add3A_87, %dma_wait3A_88] : memref<80x128xi32, #tpu.memory_space<vmem>> -> memref<1x128xi32, #tpu.memory_space<vmem>>
      %dma_wait3A_90 = tpu.memref_squeeze %dma_wait3A_89 : memref<1x128xi32, #tpu.memory_space<vmem>> -> memref<128xi32, #tpu.memory_space<vmem>>
      %dma_wait3A_91 = arith.constant 0 : i32
      %dma_wait3A_92 = arith.constant 0 : i32
      %dma_wait3A_93 = tpu.memref_slice %arg8[%dma_wait3A_91, %dma_wait3A_92] : memref<10240x8xf32, #tpu.memory_space<vmem_shared>> -> memref<10240x8xf32, #tpu.memory_space<vmem_shared>>
      tpu.wait_indirect_dma semaphore(%arg12 : memref<!tpu.dma_semaphore, #tpu.memory_space<semaphore_mem>>) src(%arg7 : memref<128x8xf32, #tpu.memory_space<vmem>>) dst(%dma_wait3A_93 : memref<10240x8xf32, #tpu.memory_space<vmem_shared>>)
    }
    %scan3A_9 = arith.constant 20 : i32
    %barrier3A_10 = arith.constant 0 : index
    tpu.barrier barrier_id(%barrier3A_10)
    %mul3A_11 = arith.constant 640 : i32
    %mul3A_12 = arith.muli %arg1, %mul3A_11 : i32
    %mul3A_13 = arith.constant 640 : i32
    %mul3A_14 = arith.muli %arg1, %mul3A_13 : i32
    "tpu.region"() ({
      %run_scoped3A_15 = tpu.sem_alloc : memref<!tpu.dma_semaphore, #tpu.memory_space<semaphore_mem>>
      %dma_start3A = arith.constant 0 : i32
      %dma_start3A_16 = arith.constant 0 : i32
      %dma_start3A_17 = tpu.memref_slice %arg5[%arg0, %dma_start3A, %dma_start3A_16] : memref<2x10240x8xf32, #tpu.memory_space<hbm>> -> memref<1x10240x8xf32, #tpu.memory_space<hbm>>
      %dma_start3A_18 = tpu.memref_squeeze %dma_start3A_17 : memref<1x10240x8xf32, #tpu.memory_space<hbm>> -> memref<10240x8xf32, #tpu.memory_space<hbm>>
      %dma_start3A_19 = arith.constant 0 : i32
      %dma_start3A_20 = tpu.memref_slice %dma_start3A_18[%mul3A_14, %dma_start3A_19] : memref<10240x8xf32, #tpu.memory_space<hbm>> -> memref<640x8xf32, #tpu.memory_space<hbm>>
      %dma_start3A_21 = arith.constant 0 : i32
      %dma_start3A_22 = tpu.memref_slice %arg8[%mul3A_12, %dma_start3A_21] : memref<10240x8xf32, #tpu.memory_space<vmem_shared>> -> memref<640x8xf32, #tpu.memory_space<vmem_shared>>
      tpu.enqueue_dma source(%dma_start3A_22 : memref<640x8xf32, #tpu.memory_space<vmem_shared>>) target(%dma_start3A_20 : memref<640x8xf32, #tpu.memory_space<hbm>>) target_semaphore(%run_scoped3A_15 : memref<!tpu.dma_semaphore, #tpu.memory_space<semaphore_mem>>)
      %dma_wait3A = arith.constant 0 : i32
      %dma_wait3A_23 = arith.constant 0 : i32
      %dma_wait3A_24 = tpu.memref_slice %arg5[%arg0, %dma_wait3A, %dma_wait3A_23] : memref<2x10240x8xf32, #tpu.memory_space<hbm>> -> memref<1x10240x8xf32, #tpu.memory_space<hbm>>
      %dma_wait3A_25 = tpu.memref_squeeze %dma_wait3A_24 : memref<1x10240x8xf32, #tpu.memory_space<hbm>> -> memref<10240x8xf32, #tpu.memory_space<hbm>>
      %dma_wait3A_26 = arith.constant 0 : i32
      %dma_wait3A_27 = tpu.memref_slice %dma_wait3A_25[%mul3A_14, %dma_wait3A_26] : memref<10240x8xf32, #tpu.memory_space<hbm>> -> memref<640x8xf32, #tpu.memory_space<hbm>>
      %dma_wait3A_28 = arith.constant 0 : i32
      %dma_wait3A_29 = tpu.memref_slice %arg8[%mul3A_12, %dma_wait3A_28] : memref<10240x8xf32, #tpu.memory_space<vmem_shared>> -> memref<640x8xf32, #tpu.memory_space<vmem_shared>>
      tpu.wait_dma2 semaphore(%run_scoped3A_15 : memref<!tpu.dma_semaphore, #tpu.memory_space<semaphore_mem>>) src(%dma_wait3A_29 : memref<640x8xf32, #tpu.memory_space<vmem_shared>>) dst(%dma_wait3A_27 : memref<640x8xf32, #tpu.memory_space<hbm>>)
      tpu.yield
    }) : () -> ()
    return
  }
}

#map = affine_map<(d0, d1) -> (0, 0)>
#map1 = affine_map<(d0, d1) -> (0, 0, 0)>
module attributes {stable_mosaic.version = 14 : i64} {
  func.func @_agg_kernel(%arg0: i32, %arg1: i32, %arg2: memref<10240x64xf32, #tpu.memory_space<hbm>>, %arg3: memref<2x2560x128xi32, #tpu.memory_space<hbm>>, %arg4: memref<640x64xf32, #tpu.memory_space<hbm>>, %arg5: memref<2x10240x64xf32, #tpu.memory_space<hbm>>, %arg6: memref<80x128xi32, #tpu.memory_space<vmem>>, %arg7: memref<80x128xi32, #tpu.memory_space<vmem>>, %arg8: memref<128x64xf32, #tpu.memory_space<vmem>>, %arg9: memref<128x64xf32, #tpu.memory_space<vmem>>, %arg10: memref<128x64xf32, #tpu.memory_space<vmem>>, %arg11: memref<128x64xf32, #tpu.memory_space<vmem>>, %arg12: memref<128x64xf32, #tpu.memory_space<vmem>>, %arg13: memref<128x64xf32, #tpu.memory_space<vmem>>, %arg14: memref<128x64xf32, #tpu.memory_space<vmem>>, %arg15: memref<128x64xf32, #tpu.memory_space<vmem>>, %arg16: memref<10240x64xf32, #tpu.memory_space<vmem_shared>>, %arg17: memref<!tpu.dma_semaphore, #tpu.memory_space<semaphore_mem>>, %arg18: memref<!tpu.dma_semaphore, #tpu.memory_space<semaphore_mem>>, %arg19: memref<!tpu.dma_semaphore, #tpu.memory_space<semaphore_mem>>, %arg20: memref<!tpu.dma_semaphore, #tpu.memory_space<semaphore_mem>>, %arg21: memref<!tpu.dma_semaphore, #tpu.memory_space<semaphore_mem>>, %arg22: memref<!tpu.dma_semaphore, #tpu.memory_space<semaphore_mem>>, %arg23: memref<!tpu.dma_semaphore, #tpu.memory_space<semaphore_mem>>, %arg24: memref<!tpu.dma_semaphore, #tpu.memory_space<semaphore_mem>>, %arg25: memref<!tpu.dma_semaphore, #tpu.memory_space<semaphore_mem>>, %arg26: memref<!tpu.dma_semaphore, #tpu.memory_space<semaphore_mem>>, %arg27: memref<!tpu.dma_semaphore, #tpu.memory_space<semaphore_mem>>, %arg28: memref<!tpu.dma_semaphore, #tpu.memory_space<semaphore_mem>>, %arg29: memref<!tpu.dma_semaphore, #tpu.memory_space<semaphore_mem>>, %arg30: memref<!tpu.dma_semaphore, #tpu.memory_space<semaphore_mem>>, %arg31: memref<!tpu.dma_semaphore, #tpu.memory_space<semaphore_mem>>, %arg32: memref<!tpu.dma_semaphore, #tpu.memory_space<semaphore_mem>>) attributes {dimension_semantics = [#tpu.dimension_semantics<core_parallel>, #tpu.dimension_semantics<subcore_parallel>], iteration_bounds = array<i64: 2, 16>, scalar_prefetch = 0 : i64, scratch_operands = 27 : i64, tpu.core_type = #tpu.core_type<sc_vector_subcore>, window_params = [{transform_indices = #map}, {transform_indices = #map1}, {transform_indices = #map}, {transform_indices = #map1}]} {
    %mul3A = arith.constant 16 : i32
    %mul3A_0 = arith.muli %arg0, %mul3A : i32
    %add3A = arith.addi %mul3A_0, %arg1 : i32
    %mul3A_1 = arith.constant 80 : i32
    %mul3A_2 = arith.muli %add3A, %mul3A_1 : i32
    %run_scoped3A = arith.constant 0 : i32
    "tpu.region"() ({
      %run_scoped3A_104 = tpu.sem_alloc : memref<!tpu.dma_semaphore, #tpu.memory_space<semaphore_mem>>
      %dma_start3A_105 = arith.constant 0 : i32
      %dma_start3A_106 = arith.constant 0 : i32
      %dma_start3A_107 = tpu.memref_slice %arg3[%run_scoped3A, %dma_start3A_105, %dma_start3A_106] : memref<2x2560x128xi32, #tpu.memory_space<hbm>> -> memref<1x2560x128xi32, #tpu.memory_space<hbm>>
      %dma_start3A_108 = tpu.memref_squeeze %dma_start3A_107 : memref<1x2560x128xi32, #tpu.memory_space<hbm>> -> memref<2560x128xi32, #tpu.memory_space<hbm>>
      %dma_start3A_109 = arith.constant 0 : i32
      %dma_start3A_110 = tpu.memref_slice %dma_start3A_108[%mul3A_2, %dma_start3A_109] : memref<2560x128xi32, #tpu.memory_space<hbm>> -> memref<80x128xi32, #tpu.memory_space<hbm>>
      %dma_start3A_111 = arith.constant 0 : i32
      %dma_start3A_112 = arith.constant 0 : i32
      %dma_start3A_113 = tpu.memref_slice %arg3[%run_scoped3A, %dma_start3A_111, %dma_start3A_112] : memref<2x2560x128xi32, #tpu.memory_space<hbm>> -> memref<1x2560x128xi32, #tpu.memory_space<hbm>>
      %dma_start3A_114 = tpu.memref_squeeze %dma_start3A_113 : memref<1x2560x128xi32, #tpu.memory_space<hbm>> -> memref<2560x128xi32, #tpu.memory_space<hbm>>
      %dma_start3A_115 = arith.constant 0 : i32
      %dma_start3A_116 = tpu.memref_slice %dma_start3A_114[%mul3A_2, %dma_start3A_115] : memref<2560x128xi32, #tpu.memory_space<hbm>> -> memref<80x128xi32, #tpu.memory_space<hbm>>
      tpu.enqueue_dma source(%dma_start3A_116 : memref<80x128xi32, #tpu.memory_space<hbm>>) target(%arg6 : memref<80x128xi32, #tpu.memory_space<vmem>>) target_semaphore(%run_scoped3A_104 : memref<!tpu.dma_semaphore, #tpu.memory_space<semaphore_mem>>)
      %dma_wait3A_117 = arith.constant 0 : i32
      %dma_wait3A_118 = arith.constant 0 : i32
      %dma_wait3A_119 = tpu.memref_slice %arg3[%run_scoped3A, %dma_wait3A_117, %dma_wait3A_118] : memref<2x2560x128xi32, #tpu.memory_space<hbm>> -> memref<1x2560x128xi32, #tpu.memory_space<hbm>>
      %dma_wait3A_120 = tpu.memref_squeeze %dma_wait3A_119 : memref<1x2560x128xi32, #tpu.memory_space<hbm>> -> memref<2560x128xi32, #tpu.memory_space<hbm>>
      %dma_wait3A_121 = arith.constant 0 : i32
      %dma_wait3A_122 = tpu.memref_slice %dma_wait3A_120[%mul3A_2, %dma_wait3A_121] : memref<2560x128xi32, #tpu.memory_space<hbm>> -> memref<80x128xi32, #tpu.memory_space<hbm>>
      %dma_wait3A_123 = arith.constant 0 : i32
      %dma_wait3A_124 = arith.constant 0 : i32
      %dma_wait3A_125 = tpu.memref_slice %arg3[%run_scoped3A, %dma_wait3A_123, %dma_wait3A_124] : memref<2x2560x128xi32, #tpu.memory_space<hbm>> -> memref<1x2560x128xi32, #tpu.memory_space<hbm>>
      %dma_wait3A_126 = tpu.memref_squeeze %dma_wait3A_125 : memref<1x2560x128xi32, #tpu.memory_space<hbm>> -> memref<2560x128xi32, #tpu.memory_space<hbm>>
      %dma_wait3A_127 = arith.constant 0 : i32
      %dma_wait3A_128 = tpu.memref_slice %dma_wait3A_126[%mul3A_2, %dma_wait3A_127] : memref<2560x128xi32, #tpu.memory_space<hbm>> -> memref<80x128xi32, #tpu.memory_space<hbm>>
      tpu.wait_dma2 semaphore(%run_scoped3A_104 : memref<!tpu.dma_semaphore, #tpu.memory_space<semaphore_mem>>) src(%dma_wait3A_128 : memref<80x128xi32, #tpu.memory_space<hbm>>) dst(%arg6 : memref<80x128xi32, #tpu.memory_space<vmem>>)
      tpu.yield
    }) : () -> ()
    %mul3A_3 = arith.constant 80 : i32
    %mul3A_4 = arith.muli %add3A, %mul3A_3 : i32
    %run_scoped3A_5 = arith.constant 1 : i32
    "tpu.region"() ({
      %run_scoped3A_104 = tpu.sem_alloc : memref<!tpu.dma_semaphore, #tpu.memory_space<semaphore_mem>>
      %dma_start3A_105 = arith.constant 0 : i32
      %dma_start3A_106 = arith.constant 0 : i32
      %dma_start3A_107 = tpu.memref_slice %arg3[%run_scoped3A_5, %dma_start3A_105, %dma_start3A_106] : memref<2x2560x128xi32, #tpu.memory_space<hbm>> -> memref<1x2560x128xi32, #tpu.memory_space<hbm>>
      %dma_start3A_108 = tpu.memref_squeeze %dma_start3A_107 : memref<1x2560x128xi32, #tpu.memory_space<hbm>> -> memref<2560x128xi32, #tpu.memory_space<hbm>>
      %dma_start3A_109 = arith.constant 0 : i32
      %dma_start3A_110 = tpu.memref_slice %dma_start3A_108[%mul3A_4, %dma_start3A_109] : memref<2560x128xi32, #tpu.memory_space<hbm>> -> memref<80x128xi32, #tpu.memory_space<hbm>>
      %dma_start3A_111 = arith.constant 0 : i32
      %dma_start3A_112 = arith.constant 0 : i32
      %dma_start3A_113 = tpu.memref_slice %arg3[%run_scoped3A_5, %dma_start3A_111, %dma_start3A_112] : memref<2x2560x128xi32, #tpu.memory_space<hbm>> -> memref<1x2560x128xi32, #tpu.memory_space<hbm>>
      %dma_start3A_114 = tpu.memref_squeeze %dma_start3A_113 : memref<1x2560x128xi32, #tpu.memory_space<hbm>> -> memref<2560x128xi32, #tpu.memory_space<hbm>>
      %dma_start3A_115 = arith.constant 0 : i32
      %dma_start3A_116 = tpu.memref_slice %dma_start3A_114[%mul3A_4, %dma_start3A_115] : memref<2560x128xi32, #tpu.memory_space<hbm>> -> memref<80x128xi32, #tpu.memory_space<hbm>>
      tpu.enqueue_dma source(%dma_start3A_116 : memref<80x128xi32, #tpu.memory_space<hbm>>) target(%arg7 : memref<80x128xi32, #tpu.memory_space<vmem>>) target_semaphore(%run_scoped3A_104 : memref<!tpu.dma_semaphore, #tpu.memory_space<semaphore_mem>>)
      %dma_wait3A_117 = arith.constant 0 : i32
      %dma_wait3A_118 = arith.constant 0 : i32
      %dma_wait3A_119 = tpu.memref_slice %arg3[%run_scoped3A_5, %dma_wait3A_117, %dma_wait3A_118] : memref<2x2560x128xi32, #tpu.memory_space<hbm>> -> memref<1x2560x128xi32, #tpu.memory_space<hbm>>
      %dma_wait3A_120 = tpu.memref_squeeze %dma_wait3A_119 : memref<1x2560x128xi32, #tpu.memory_space<hbm>> -> memref<2560x128xi32, #tpu.memory_space<hbm>>
      %dma_wait3A_121 = arith.constant 0 : i32
      %dma_wait3A_122 = tpu.memref_slice %dma_wait3A_120[%mul3A_4, %dma_wait3A_121] : memref<2560x128xi32, #tpu.memory_space<hbm>> -> memref<80x128xi32, #tpu.memory_space<hbm>>
      %dma_wait3A_123 = arith.constant 0 : i32
      %dma_wait3A_124 = arith.constant 0 : i32
      %dma_wait3A_125 = tpu.memref_slice %arg3[%run_scoped3A_5, %dma_wait3A_123, %dma_wait3A_124] : memref<2x2560x128xi32, #tpu.memory_space<hbm>> -> memref<1x2560x128xi32, #tpu.memory_space<hbm>>
      %dma_wait3A_126 = tpu.memref_squeeze %dma_wait3A_125 : memref<1x2560x128xi32, #tpu.memory_space<hbm>> -> memref<2560x128xi32, #tpu.memory_space<hbm>>
      %dma_wait3A_127 = arith.constant 0 : i32
      %dma_wait3A_128 = tpu.memref_slice %dma_wait3A_126[%mul3A_4, %dma_wait3A_127] : memref<2560x128xi32, #tpu.memory_space<hbm>> -> memref<80x128xi32, #tpu.memory_space<hbm>>
      tpu.wait_dma2 semaphore(%run_scoped3A_104 : memref<!tpu.dma_semaphore, #tpu.memory_space<semaphore_mem>>) src(%dma_wait3A_128 : memref<80x128xi32, #tpu.memory_space<hbm>>) dst(%arg7 : memref<80x128xi32, #tpu.memory_space<vmem>>)
      tpu.yield
    }) : () -> ()
    %eq3A = arith.constant 0 : i32
    %eq3A_6 = arith.cmpi eq, %arg0, %eq3A : i32
    %convert_element_type3A = arith.extui %eq3A_6 : i1 to i32
    %cond3A = arith.constant 0 : i32
    %cond3A_7 = arith.cmpi ne, %convert_element_type3A, %cond3A : i32
    scf.if %cond3A_7 {
      %mul3A_104 = arith.constant 640 : i32
      %mul3A_105 = arith.muli %arg1, %mul3A_104 : i32
      %mul3A_106 = arith.constant 640 : i32
      %mul3A_107 = arith.muli %arg1, %mul3A_106 : i32
      "tpu.region"() ({
        %run_scoped3A_108 = tpu.sem_alloc : memref<!tpu.dma_semaphore, #tpu.memory_space<semaphore_mem>>
        %dma_start3A_109 = arith.constant 0 : i32
        %dma_start3A_110 = tpu.memref_slice %arg16[%mul3A_107, %dma_start3A_109] : memref<10240x64xf32, #tpu.memory_space<vmem_shared>> -> memref<640x64xf32, #tpu.memory_space<vmem_shared>>
        %dma_start3A_111 = arith.constant 0 : i32
        %dma_start3A_112 = tpu.memref_slice %arg2[%mul3A_105, %dma_start3A_111] : memref<10240x64xf32, #tpu.memory_space<hbm>> -> memref<640x64xf32, #tpu.memory_space<hbm>>
        tpu.enqueue_dma source(%dma_start3A_112 : memref<640x64xf32, #tpu.memory_space<hbm>>) target(%dma_start3A_110 : memref<640x64xf32, #tpu.memory_space<vmem_shared>>) target_semaphore(%run_scoped3A_108 : memref<!tpu.dma_semaphore, #tpu.memory_space<semaphore_mem>>)
        %dma_wait3A_113 = arith.constant 0 : i32
        %dma_wait3A_114 = tpu.memref_slice %arg16[%mul3A_107, %dma_wait3A_113] : memref<10240x64xf32, #tpu.memory_space<vmem_shared>> -> memref<640x64xf32, #tpu.memory_space<vmem_shared>>
        %dma_wait3A_115 = arith.constant 0 : i32
        %dma_wait3A_116 = tpu.memref_slice %arg2[%mul3A_105, %dma_wait3A_115] : memref<10240x64xf32, #tpu.memory_space<hbm>> -> memref<640x64xf32, #tpu.memory_space<hbm>>
        tpu.wait_dma2 semaphore(%run_scoped3A_108 : memref<!tpu.dma_semaphore, #tpu.memory_space<semaphore_mem>>) src(%dma_wait3A_116 : memref<640x64xf32, #tpu.memory_space<hbm>>) dst(%dma_wait3A_114 : memref<640x64xf32, #tpu.memory_space<vmem_shared>>)
        tpu.yield
      }) : () -> ()
    } else {
    }
    %ne3A = arith.constant 0 : i32
    %ne3A_8 = arith.cmpi ne, %arg0, %ne3A : i32
    %convert_element_type3A_9 = arith.extui %ne3A_8 : i1 to i32
    %cond3A_10 = arith.constant 0 : i32
    %cond3A_11 = arith.cmpi ne, %convert_element_type3A_9, %cond3A_10 : i32
    scf.if %cond3A_11 {
      %mul3A_104 = arith.constant 640 : i32
      %mul3A_105 = arith.muli %arg1, %mul3A_104 : i32
      "tpu.region"() ({
        %run_scoped3A_106 = tpu.sem_alloc : memref<!tpu.dma_semaphore, #tpu.memory_space<semaphore_mem>>
        %dma_start3A_107 = arith.constant 0 : i32
        %dma_start3A_108 = tpu.memref_slice %arg16[%mul3A_105, %dma_start3A_107] : memref<10240x64xf32, #tpu.memory_space<vmem_shared>> -> memref<640x64xf32, #tpu.memory_space<vmem_shared>>
        tpu.enqueue_dma source(%arg4 : memref<640x64xf32, #tpu.memory_space<hbm>>) target(%dma_start3A_108 : memref<640x64xf32, #tpu.memory_space<vmem_shared>>) target_semaphore(%run_scoped3A_106 : memref<!tpu.dma_semaphore, #tpu.memory_space<semaphore_mem>>)
        %dma_wait3A_109 = arith.constant 0 : i32
        %dma_wait3A_110 = tpu.memref_slice %arg16[%mul3A_105, %dma_wait3A_109] : memref<10240x64xf32, #tpu.memory_space<vmem_shared>> -> memref<640x64xf32, #tpu.memory_space<vmem_shared>>
        tpu.wait_dma2 semaphore(%run_scoped3A_106 : memref<!tpu.dma_semaphore, #tpu.memory_space<semaphore_mem>>) src(%arg4 : memref<640x64xf32, #tpu.memory_space<hbm>>) dst(%dma_wait3A_110 : memref<640x64xf32, #tpu.memory_space<vmem_shared>>)
        tpu.yield
      }) : () -> ()
    } else {
    }
    %barrier3A = arith.constant 0 : index
    tpu.barrier barrier_id(%barrier3A)
    %dma_start3A = arith.constant 0 : i32
    %dma_start3A_12 = arith.constant 0 : i32
    %dma_start3A_13 = tpu.memref_slice %arg6[%dma_start3A, %dma_start3A_12] : memref<80x128xi32, #tpu.memory_space<vmem>> -> memref<1x128xi32, #tpu.memory_space<vmem>>
    %dma_start3A_14 = tpu.memref_squeeze %dma_start3A_13 : memref<1x128xi32, #tpu.memory_space<vmem>> -> memref<128xi32, #tpu.memory_space<vmem>>
    %dma_start3A_15 = arith.constant 0 : i32
    %dma_start3A_16 = arith.constant 0 : i32
    %dma_start3A_17 = tpu.memref_slice %arg2[%dma_start3A_15, %dma_start3A_16] : memref<10240x64xf32, #tpu.memory_space<hbm>> -> memref<10240x64xf32, #tpu.memory_space<hbm>>
    tpu.enqueue_indirect_dma source(%dma_start3A_17 : memref<10240x64xf32, #tpu.memory_space<hbm>>) target(%arg8 : memref<128x64xf32, #tpu.memory_space<vmem>>) offsets(%dma_start3A_14 : memref<128xi32, #tpu.memory_space<vmem>>) semaphore(%arg17 : memref<!tpu.dma_semaphore, #tpu.memory_space<semaphore_mem>>)
    %dma_start3A_18 = arith.constant 1 : i32
    %dma_start3A_19 = arith.constant 0 : i32
    %dma_start3A_20 = tpu.memref_slice %arg6[%dma_start3A_18, %dma_start3A_19] : memref<80x128xi32, #tpu.memory_space<vmem>> -> memref<1x128xi32, #tpu.memory_space<vmem>>
    %dma_start3A_21 = tpu.memref_squeeze %dma_start3A_20 : memref<1x128xi32, #tpu.memory_space<vmem>> -> memref<128xi32, #tpu.memory_space<vmem>>
    %dma_start3A_22 = arith.constant 0 : i32
    %dma_start3A_23 = arith.constant 0 : i32
    %dma_start3A_24 = tpu.memref_slice %arg2[%dma_start3A_22, %dma_start3A_23] : memref<10240x64xf32, #tpu.memory_space<hbm>> -> memref<10240x64xf32, #tpu.memory_space<hbm>>
    tpu.enqueue_indirect_dma source(%dma_start3A_24 : memref<10240x64xf32, #tpu.memory_space<hbm>>) target(%arg9 : memref<128x64xf32, #tpu.memory_space<vmem>>) offsets(%dma_start3A_21 : memref<128xi32, #tpu.memory_space<vmem>>) semaphore(%arg18 : memref<!tpu.dma_semaphore, #tpu.memory_space<semaphore_mem>>)
    %dma_start3A_25 = arith.constant 2 : i32
    %dma_start3A_26 = arith.constant 0 : i32
    %dma_start3A_27 = tpu.memref_slice %arg6[%dma_start3A_25, %dma_start3A_26] : memref<80x128xi32, #tpu.memory_space<vmem>> -> memref<1x128xi32, #tpu.memory_space<vmem>>
    %dma_start3A_28 = tpu.memref_squeeze %dma_start3A_27 : memref<1x128xi32, #tpu.memory_space<vmem>> -> memref<128xi32, #tpu.memory_space<vmem>>
    %dma_start3A_29 = arith.constant 0 : i32
    %dma_start3A_30 = arith.constant 0 : i32
    %dma_start3A_31 = tpu.memref_slice %arg2[%dma_start3A_29, %dma_start3A_30] : memref<10240x64xf32, #tpu.memory_space<hbm>> -> memref<10240x64xf32, #tpu.memory_space<hbm>>
    tpu.enqueue_indirect_dma source(%dma_start3A_31 : memref<10240x64xf32, #tpu.memory_space<hbm>>) target(%arg10 : memref<128x64xf32, #tpu.memory_space<vmem>>) offsets(%dma_start3A_28 : memref<128xi32, #tpu.memory_space<vmem>>) semaphore(%arg19 : memref<!tpu.dma_semaphore, #tpu.memory_space<semaphore_mem>>)
    %dma_start3A_32 = arith.constant 3 : i32
    %dma_start3A_33 = arith.constant 0 : i32
    %dma_start3A_34 = tpu.memref_slice %arg6[%dma_start3A_32, %dma_start3A_33] : memref<80x128xi32, #tpu.memory_space<vmem>> -> memref<1x128xi32, #tpu.memory_space<vmem>>
    %dma_start3A_35 = tpu.memref_squeeze %dma_start3A_34 : memref<1x128xi32, #tpu.memory_space<vmem>> -> memref<128xi32, #tpu.memory_space<vmem>>
    %dma_start3A_36 = arith.constant 0 : i32
    %dma_start3A_37 = arith.constant 0 : i32
    %dma_start3A_38 = tpu.memref_slice %arg2[%dma_start3A_36, %dma_start3A_37] : memref<10240x64xf32, #tpu.memory_space<hbm>> -> memref<10240x64xf32, #tpu.memory_space<hbm>>
    tpu.enqueue_indirect_dma source(%dma_start3A_38 : memref<10240x64xf32, #tpu.memory_space<hbm>>) target(%arg11 : memref<128x64xf32, #tpu.memory_space<vmem>>) offsets(%dma_start3A_35 : memref<128xi32, #tpu.memory_space<vmem>>) semaphore(%arg20 : memref<!tpu.dma_semaphore, #tpu.memory_space<semaphore_mem>>)
    %scan3A = arith.constant 0 : i32
    %scan3A_39 = arith.constant 0 : i32
    %scan3A_40 = arith.constant 10 : i32
    %scan3A_41 = arith.addi %scan3A_39, %scan3A_40 : i32
    %scan3A_42 = arith.constant 1 : i32
    scf.for %scan3A_104 = %scan3A_39 to %scan3A_41 step %scan3A_42  : i32 {
      %mul3A_105 = arith.constant 8 : i32
      %mul3A_106 = arith.muli %mul3A_105, %scan3A_104 : i32
      %add3A_107 = arith.constant 0 : i32
      %add3A_108 = arith.addi %mul3A_106, %add3A_107 : i32
      %dma_wait3A_109 = arith.constant 0 : i32
      %dma_wait3A_110 = tpu.memref_slice %arg6[%add3A_108, %dma_wait3A_109] : memref<80x128xi32, #tpu.memory_space<vmem>> -> memref<1x128xi32, #tpu.memory_space<vmem>>
      %dma_wait3A_111 = tpu.memref_squeeze %dma_wait3A_110 : memref<1x128xi32, #tpu.memory_space<vmem>> -> memref<128xi32, #tpu.memory_space<vmem>>
      %dma_wait3A_112 = arith.constant 0 : i32
      %dma_wait3A_113 = arith.constant 0 : i32
      %dma_wait3A_114 = tpu.memref_slice %arg2[%dma_wait3A_112, %dma_wait3A_113] : memref<10240x64xf32, #tpu.memory_space<hbm>> -> memref<10240x64xf32, #tpu.memory_space<hbm>>
      tpu.wait_indirect_dma semaphore(%arg17 : memref<!tpu.dma_semaphore, #tpu.memory_space<semaphore_mem>>) src(%dma_wait3A_114 : memref<10240x64xf32, #tpu.memory_space<hbm>>) dst(%arg8 : memref<128x64xf32, #tpu.memory_space<vmem>>)
      %dma_start3A_115 = arith.constant 0 : i32
      %dma_start3A_116 = tpu.memref_slice %arg7[%add3A_108, %dma_start3A_115] : memref<80x128xi32, #tpu.memory_space<vmem>> -> memref<1x128xi32, #tpu.memory_space<vmem>>
      %dma_start3A_117 = tpu.memref_squeeze %dma_start3A_116 : memref<1x128xi32, #tpu.memory_space<vmem>> -> memref<128xi32, #tpu.memory_space<vmem>>
      %dma_start3A_118 = arith.constant 0 : i32
      %dma_start3A_119 = arith.constant 0 : i32
      %dma_start3A_120 = tpu.memref_slice %arg16[%dma_start3A_118, %dma_start3A_119] : memref<10240x64xf32, #tpu.memory_space<vmem_shared>> -> memref<10240x64xf32, #tpu.memory_space<vmem_shared>>
      tpu.enqueue_indirect_dma source(%arg8 : memref<128x64xf32, #tpu.memory_space<vmem>>) target(%dma_start3A_120 : memref<10240x64xf32, #tpu.memory_space<vmem_shared>>) offsets(%dma_start3A_117 : memref<128xi32, #tpu.memory_space<vmem>>) semaphore(%arg25 : memref<!tpu.dma_semaphore, #tpu.memory_space<semaphore_mem>>) {add = true}
      %gt3A = arith.constant 0 : i32
      %gt3A_121 = arith.cmpi sgt, %scan3A_104, %gt3A : i32
      %convert_element_type3A_122 = arith.extui %gt3A_121 : i1 to i32
      %cond3A_123 = arith.constant 0 : i32
      %cond3A_124 = arith.cmpi ne, %convert_element_type3A_122, %cond3A_123 : i32
      scf.if %cond3A_124 {
        %add3A_303 = arith.constant 4 : i32
        %add3A_304 = arith.addi %add3A_108, %add3A_303 : i32
        %sub3A = arith.constant 8 : i32
        %sub3A_305 = arith.subi %add3A_304, %sub3A : i32
        %dma_wait3A_306 = arith.constant 0 : i32
        %dma_wait3A_307 = tpu.memref_slice %arg7[%sub3A_305, %dma_wait3A_306] : memref<80x128xi32, #tpu.memory_space<vmem>> -> memref<1x128xi32, #tpu.memory_space<vmem>>
        %dma_wait3A_308 = tpu.memref_squeeze %dma_wait3A_307 : memref<1x128xi32, #tpu.memory_space<vmem>> -> memref<128xi32, #tpu.memory_space<vmem>>
        %dma_wait3A_309 = arith.constant 0 : i32
        %dma_wait3A_310 = arith.constant 0 : i32
        %dma_wait3A_311 = tpu.memref_slice %arg16[%dma_wait3A_309, %dma_wait3A_310] : memref<10240x64xf32, #tpu.memory_space<vmem_shared>> -> memref<10240x64xf32, #tpu.memory_space<vmem_shared>>
        tpu.wait_indirect_dma semaphore(%arg29 : memref<!tpu.dma_semaphore, #tpu.memory_space<semaphore_mem>>) src(%arg12 : memref<128x64xf32, #tpu.memory_space<vmem>>) dst(%dma_wait3A_311 : memref<10240x64xf32, #tpu.memory_space<vmem_shared>>)
      } else {
      }
      %add3A_125 = arith.constant 4 : i32
      %add3A_126 = arith.addi %add3A_108, %add3A_125 : i32
      %dma_start3A_127 = arith.constant 0 : i32
      %dma_start3A_128 = tpu.memref_slice %arg6[%add3A_126, %dma_start3A_127] : memref<80x128xi32, #tpu.memory_space<vmem>> -> memref<1x128xi32, #tpu.memory_space<vmem>>
      %dma_start3A_129 = tpu.memref_squeeze %dma_start3A_128 : memref<1x128xi32, #tpu.memory_space<vmem>> -> memref<128xi32, #tpu.memory_space<vmem>>
      %dma_start3A_130 = arith.constant 0 : i32
      %dma_start3A_131 = arith.constant 0 : i32
      %dma_start3A_132 = tpu.memref_slice %arg2[%dma_start3A_130, %dma_start3A_131] : memref<10240x64xf32, #tpu.memory_space<hbm>> -> memref<10240x64xf32, #tpu.memory_space<hbm>>
      tpu.enqueue_indirect_dma source(%dma_start3A_132 : memref<10240x64xf32, #tpu.memory_space<hbm>>) target(%arg12 : memref<128x64xf32, #tpu.memory_space<vmem>>) offsets(%dma_start3A_129 : memref<128xi32, #tpu.memory_space<vmem>>) semaphore(%arg21 : memref<!tpu.dma_semaphore, #tpu.memory_space<semaphore_mem>>)
      %mul3A_133 = arith.constant 8 : i32
      %mul3A_134 = arith.muli %mul3A_133, %scan3A_104 : i32
      %add3A_135 = arith.constant 1 : i32
      %add3A_136 = arith.addi %mul3A_134, %add3A_135 : i32
      %dma_wait3A_137 = arith.constant 0 : i32
      %dma_wait3A_138 = tpu.memref_slice %arg6[%add3A_136, %dma_wait3A_137] : memref<80x128xi32, #tpu.memory_space<vmem>> -> memref<1x128xi32, #tpu.memory_space<vmem>>
      %dma_wait3A_139 = tpu.memref_squeeze %dma_wait3A_138 : memref<1x128xi32, #tpu.memory_space<vmem>> -> memref<128xi32, #tpu.memory_space<vmem>>
      %dma_wait3A_140 = arith.constant 0 : i32
      %dma_wait3A_141 = arith.constant 0 : i32
      %dma_wait3A_142 = tpu.memref_slice %arg2[%dma_wait3A_140, %dma_wait3A_141] : memref<10240x64xf32, #tpu.memory_space<hbm>> -> memref<10240x64xf32, #tpu.memory_space<hbm>>
      tpu.wait_indirect_dma semaphore(%arg18 : memref<!tpu.dma_semaphore, #tpu.memory_space<semaphore_mem>>) src(%dma_wait3A_142 : memref<10240x64xf32, #tpu.memory_space<hbm>>) dst(%arg9 : memref<128x64xf32, #tpu.memory_space<vmem>>)
      %dma_start3A_143 = arith.constant 0 : i32
      %dma_start3A_144 = tpu.memref_slice %arg7[%add3A_136, %dma_start3A_143] : memref<80x128xi32, #tpu.memory_space<vmem>> -> memref<1x128xi32, #tpu.memory_space<vmem>>
      %dma_start3A_145 = tpu.memref_squeeze %dma_start3A_144 : memref<1x128xi32, #tpu.memory_space<vmem>> -> memref<128xi32, #tpu.memory_space<vmem>>
      %dma_start3A_146 = arith.constant 0 : i32
      %dma_start3A_147 = arith.constant 0 : i32
      %dma_start3A_148 = tpu.memref_slice %arg16[%dma_start3A_146, %dma_start3A_147] : memref<10240x64xf32, #tpu.memory_space<vmem_shared>> -> memref<10240x64xf32, #tpu.memory_space<vmem_shared>>
      tpu.enqueue_indirect_dma source(%arg9 : memref<128x64xf32, #tpu.memory_space<vmem>>) target(%dma_start3A_148 : memref<10240x64xf32, #tpu.memory_space<vmem_shared>>) offsets(%dma_start3A_145 : memref<128xi32, #tpu.memory_space<vmem>>) semaphore(%arg26 : memref<!tpu.dma_semaphore, #tpu.memory_space<semaphore_mem>>) {add = true}
      %gt3A_149 = arith.constant 0 : i32
      %gt3A_150 = arith.cmpi sgt, %scan3A_104, %gt3A_149 : i32
      %convert_element_type3A_151 = arith.extui %gt3A_150 : i1 to i32
      %cond3A_152 = arith.constant 0 : i32
      %cond3A_153 = arith.cmpi ne, %convert_element_type3A_151, %cond3A_152 : i32
      scf.if %cond3A_153 {
        %add3A_303 = arith.constant 4 : i32
        %add3A_304 = arith.addi %add3A_136, %add3A_303 : i32
        %sub3A = arith.constant 8 : i32
        %sub3A_305 = arith.subi %add3A_304, %sub3A : i32
        %dma_wait3A_306 = arith.constant 0 : i32
        %dma_wait3A_307 = tpu.memref_slice %arg7[%sub3A_305, %dma_wait3A_306] : memref<80x128xi32, #tpu.memory_space<vmem>> -> memref<1x128xi32, #tpu.memory_space<vmem>>
        %dma_wait3A_308 = tpu.memref_squeeze %dma_wait3A_307 : memref<1x128xi32, #tpu.memory_space<vmem>> -> memref<128xi32, #tpu.memory_space<vmem>>
        %dma_wait3A_309 = arith.constant 0 : i32
        %dma_wait3A_310 = arith.constant 0 : i32
        %dma_wait3A_311 = tpu.memref_slice %arg16[%dma_wait3A_309, %dma_wait3A_310] : memref<10240x64xf32, #tpu.memory_space<vmem_shared>> -> memref<10240x64xf32, #tpu.memory_space<vmem_shared>>
        tpu.wait_indirect_dma semaphore(%arg30 : memref<!tpu.dma_semaphore, #tpu.memory_space<semaphore_mem>>) src(%arg13 : memref<128x64xf32, #tpu.memory_space<vmem>>) dst(%dma_wait3A_311 : memref<10240x64xf32, #tpu.memory_space<vmem_shared>>)
      } else {
      }
      %add3A_154 = arith.constant 4 : i32
      %add3A_155 = arith.addi %add3A_136, %add3A_154 : i32
      %dma_start3A_156 = arith.constant 0 : i32
      %dma_start3A_157 = tpu.memref_slice %arg6[%add3A_155, %dma_start3A_156] : memref<80x128xi32, #tpu.memory_space<vmem>> -> memref<1x128xi32, #tpu.memory_space<vmem>>
      %dma_start3A_158 = tpu.memref_squeeze %dma_start3A_157 : memref<1x128xi32, #tpu.memory_space<vmem>> -> memref<128xi32, #tpu.memory_space<vmem>>
      %dma_start3A_159 = arith.constant 0 : i32
      %dma_start3A_160 = arith.constant 0 : i32
      %dma_start3A_161 = tpu.memref_slice %arg2[%dma_start3A_159, %dma_start3A_160] : memref<10240x64xf32, #tpu.memory_space<hbm>> -> memref<10240x64xf32, #tpu.memory_space<hbm>>
      tpu.enqueue_indirect_dma source(%dma_start3A_161 : memref<10240x64xf32, #tpu.memory_space<hbm>>) target(%arg13 : memref<128x64xf32, #tpu.memory_space<vmem>>) offsets(%dma_start3A_158 : memref<128xi32, #tpu.memory_space<vmem>>) semaphore(%arg22 : memref<!tpu.dma_semaphore, #tpu.memory_space<semaphore_mem>>)
      %mul3A_162 = arith.constant 8 : i32
      %mul3A_163 = arith.muli %mul3A_162, %scan3A_104 : i32
      %add3A_164 = arith.constant 2 : i32
      %add3A_165 = arith.addi %mul3A_163, %add3A_164 : i32
      %dma_wait3A_166 = arith.constant 0 : i32
      %dma_wait3A_167 = tpu.memref_slice %arg6[%add3A_165, %dma_wait3A_166] : memref<80x128xi32, #tpu.memory_space<vmem>> -> memref<1x128xi32, #tpu.memory_space<vmem>>
      %dma_wait3A_168 = tpu.memref_squeeze %dma_wait3A_167 : memref<1x128xi32, #tpu.memory_space<vmem>> -> memref<128xi32, #tpu.memory_space<vmem>>
      %dma_wait3A_169 = arith.constant 0 : i32
      %dma_wait3A_170 = arith.constant 0 : i32
      %dma_wait3A_171 = tpu.memref_slice %arg2[%dma_wait3A_169, %dma_wait3A_170] : memref<10240x64xf32, #tpu.memory_space<hbm>> -> memref<10240x64xf32, #tpu.memory_space<hbm>>
      tpu.wait_indirect_dma semaphore(%arg19 : memref<!tpu.dma_semaphore, #tpu.memory_space<semaphore_mem>>) src(%dma_wait3A_171 : memref<10240x64xf32, #tpu.memory_space<hbm>>) dst(%arg10 : memref<128x64xf32, #tpu.memory_space<vmem>>)
      %dma_start3A_172 = arith.constant 0 : i32
      %dma_start3A_173 = tpu.memref_slice %arg7[%add3A_165, %dma_start3A_172] : memref<80x128xi32, #tpu.memory_space<vmem>> -> memref<1x128xi32, #tpu.memory_space<vmem>>
      %dma_start3A_174 = tpu.memref_squeeze %dma_start3A_173 : memref<1x128xi32, #tpu.memory_space<vmem>> -> memref<128xi32, #tpu.memory_space<vmem>>
      %dma_start3A_175 = arith.constant 0 : i32
      %dma_start3A_176 = arith.constant 0 : i32
      %dma_start3A_177 = tpu.memref_slice %arg16[%dma_start3A_175, %dma_start3A_176] : memref<10240x64xf32, #tpu.memory_space<vmem_shared>> -> memref<10240x64xf32, #tpu.memory_space<vmem_shared>>
      tpu.enqueue_indirect_dma source(%arg10 : memref<128x64xf32, #tpu.memory_space<vmem>>) target(%dma_start3A_177 : memref<10240x64xf32, #tpu.memory_space<vmem_shared>>) offsets(%dma_start3A_174 : memref<128xi32, #tpu.memory_space<vmem>>) semaphore(%arg27 : memref<!tpu.dma_semaphore, #tpu.memory_space<semaphore_mem>>) {add = true}
      %gt3A_178 = arith.constant 0 : i32
      %gt3A_179 = arith.cmpi sgt, %scan3A_104, %gt3A_178 : i32
      %convert_element_type3A_180 = arith.extui %gt3A_179 : i1 to i32
      %cond3A_181 = arith.constant 0 : i32
      %cond3A_182 = arith.cmpi ne, %convert_element_type3A_180, %cond3A_181 : i32
      scf.if %cond3A_182 {
        %add3A_303 = arith.constant 4 : i32
        %add3A_304 = arith.addi %add3A_165, %add3A_303 : i32
        %sub3A = arith.constant 8 : i32
        %sub3A_305 = arith.subi %add3A_304, %sub3A : i32
        %dma_wait3A_306 = arith.constant 0 : i32
        %dma_wait3A_307 = tpu.memref_slice %arg7[%sub3A_305, %dma_wait3A_306] : memref<80x128xi32, #tpu.memory_space<vmem>> -> memref<1x128xi32, #tpu.memory_space<vmem>>
        %dma_wait3A_308 = tpu.memref_squeeze %dma_wait3A_307 : memref<1x128xi32, #tpu.memory_space<vmem>> -> memref<128xi32, #tpu.memory_space<vmem>>
        %dma_wait3A_309 = arith.constant 0 : i32
        %dma_wait3A_310 = arith.constant 0 : i32
        %dma_wait3A_311 = tpu.memref_slice %arg16[%dma_wait3A_309, %dma_wait3A_310] : memref<10240x64xf32, #tpu.memory_space<vmem_shared>> -> memref<10240x64xf32, #tpu.memory_space<vmem_shared>>
        tpu.wait_indirect_dma semaphore(%arg31 : memref<!tpu.dma_semaphore, #tpu.memory_space<semaphore_mem>>) src(%arg14 : memref<128x64xf32, #tpu.memory_space<vmem>>) dst(%dma_wait3A_311 : memref<10240x64xf32, #tpu.memory_space<vmem_shared>>)
      } else {
      }
      %add3A_183 = arith.constant 4 : i32
      %add3A_184 = arith.addi %add3A_165, %add3A_183 : i32
      %dma_start3A_185 = arith.constant 0 : i32
      %dma_start3A_186 = tpu.memref_slice %arg6[%add3A_184, %dma_start3A_185] : memref<80x128xi32, #tpu.memory_space<vmem>> -> memref<1x128xi32, #tpu.memory_space<vmem>>
      %dma_start3A_187 = tpu.memref_squeeze %dma_start3A_186 : memref<1x128xi32, #tpu.memory_space<vmem>> -> memref<128xi32, #tpu.memory_space<vmem>>
      %dma_start3A_188 = arith.constant 0 : i32
      %dma_start3A_189 = arith.constant 0 : i32
      %dma_start3A_190 = tpu.memref_slice %arg2[%dma_start3A_188, %dma_start3A_189] : memref<10240x64xf32, #tpu.memory_space<hbm>> -> memref<10240x64xf32, #tpu.memory_space<hbm>>
      tpu.enqueue_indirect_dma source(%dma_start3A_190 : memref<10240x64xf32, #tpu.memory_space<hbm>>) target(%arg14 : memref<128x64xf32, #tpu.memory_space<vmem>>) offsets(%dma_start3A_187 : memref<128xi32, #tpu.memory_space<vmem>>) semaphore(%arg23 : memref<!tpu.dma_semaphore, #tpu.memory_space<semaphore_mem>>)
      %mul3A_191 = arith.constant 8 : i32
      %mul3A_192 = arith.muli %mul3A_191, %scan3A_104 : i32
      %add3A_193 = arith.constant 3 : i32
      %add3A_194 = arith.addi %mul3A_192, %add3A_193 : i32
      %dma_wait3A_195 = arith.constant 0 : i32
      %dma_wait3A_196 = tpu.memref_slice %arg6[%add3A_194, %dma_wait3A_195] : memref<80x128xi32, #tpu.memory_space<vmem>> -> memref<1x128xi32, #tpu.memory_space<vmem>>
      %dma_wait3A_197 = tpu.memref_squeeze %dma_wait3A_196 : memref<1x128xi32, #tpu.memory_space<vmem>> -> memref<128xi32, #tpu.memory_space<vmem>>
      %dma_wait3A_198 = arith.constant 0 : i32
      %dma_wait3A_199 = arith.constant 0 : i32
      %dma_wait3A_200 = tpu.memref_slice %arg2[%dma_wait3A_198, %dma_wait3A_199] : memref<10240x64xf32, #tpu.memory_space<hbm>> -> memref<10240x64xf32, #tpu.memory_space<hbm>>
      tpu.wait_indirect_dma semaphore(%arg20 : memref<!tpu.dma_semaphore, #tpu.memory_space<semaphore_mem>>) src(%dma_wait3A_200 : memref<10240x64xf32, #tpu.memory_space<hbm>>) dst(%arg11 : memref<128x64xf32, #tpu.memory_space<vmem>>)
      %dma_start3A_201 = arith.constant 0 : i32
      %dma_start3A_202 = tpu.memref_slice %arg7[%add3A_194, %dma_start3A_201] : memref<80x128xi32, #tpu.memory_space<vmem>> -> memref<1x128xi32, #tpu.memory_space<vmem>>
      %dma_start3A_203 = tpu.memref_squeeze %dma_start3A_202 : memref<1x128xi32, #tpu.memory_space<vmem>> -> memref<128xi32, #tpu.memory_space<vmem>>
      %dma_start3A_204 = arith.constant 0 : i32
      %dma_start3A_205 = arith.constant 0 : i32
      %dma_start3A_206 = tpu.memref_slice %arg16[%dma_start3A_204, %dma_start3A_205] : memref<10240x64xf32, #tpu.memory_space<vmem_shared>> -> memref<10240x64xf32, #tpu.memory_space<vmem_shared>>
      tpu.enqueue_indirect_dma source(%arg11 : memref<128x64xf32, #tpu.memory_space<vmem>>) target(%dma_start3A_206 : memref<10240x64xf32, #tpu.memory_space<vmem_shared>>) offsets(%dma_start3A_203 : memref<128xi32, #tpu.memory_space<vmem>>) semaphore(%arg28 : memref<!tpu.dma_semaphore, #tpu.memory_space<semaphore_mem>>) {add = true}
      %gt3A_207 = arith.constant 0 : i32
      %gt3A_208 = arith.cmpi sgt, %scan3A_104, %gt3A_207 : i32
      %convert_element_type3A_209 = arith.extui %gt3A_208 : i1 to i32
      %cond3A_210 = arith.constant 0 : i32
      %cond3A_211 = arith.cmpi ne, %convert_element_type3A_209, %cond3A_210 : i32
      scf.if %cond3A_211 {
        %add3A_303 = arith.constant 4 : i32
        %add3A_304 = arith.addi %add3A_194, %add3A_303 : i32
        %sub3A = arith.constant 8 : i32
        %sub3A_305 = arith.subi %add3A_304, %sub3A : i32
        %dma_wait3A_306 = arith.constant 0 : i32
        %dma_wait3A_307 = tpu.memref_slice %arg7[%sub3A_305, %dma_wait3A_306] : memref<80x128xi32, #tpu.memory_space<vmem>> -> memref<1x128xi32, #tpu.memory_space<vmem>>
        %dma_wait3A_308 = tpu.memref_squeeze %dma_wait3A_307 : memref<1x128xi32, #tpu.memory_space<vmem>> -> memref<128xi32, #tpu.memory_space<vmem>>
        %dma_wait3A_309 = arith.constant 0 : i32
        %dma_wait3A_310 = arith.constant 0 : i32
        %dma_wait3A_311 = tpu.memref_slice %arg16[%dma_wait3A_309, %dma_wait3A_310] : memref<10240x64xf32, #tpu.memory_space<vmem_shared>> -> memref<10240x64xf32, #tpu.memory_space<vmem_shared>>
        tpu.wait_indirect_dma semaphore(%arg32 : memref<!tpu.dma_semaphore, #tpu.memory_space<semaphore_mem>>) src(%arg15 : memref<128x64xf32, #tpu.memory_space<vmem>>) dst(%dma_wait3A_311 : memref<10240x64xf32, #tpu.memory_space<vmem_shared>>)
      } else {
      }
      %add3A_212 = arith.constant 4 : i32
      %add3A_213 = arith.addi %add3A_194, %add3A_212 : i32
      %dma_start3A_214 = arith.constant 0 : i32
      %dma_start3A_215 = tpu.memref_slice %arg6[%add3A_213, %dma_start3A_214] : memref<80x128xi32, #tpu.memory_space<vmem>> -> memref<1x128xi32, #tpu.memory_space<vmem>>
      %dma_start3A_216 = tpu.memref_squeeze %dma_start3A_215 : memref<1x128xi32, #tpu.memory_space<vmem>> -> memref<128xi32, #tpu.memory_space<vmem>>
      %dma_start3A_217 = arith.constant 0 : i32
      %dma_start3A_218 = arith.constant 0 : i32
      %dma_start3A_219 = tpu.memref_slice %arg2[%dma_start3A_217, %dma_start3A_218] : memref<10240x64xf32, #tpu.memory_space<hbm>> -> memref<10240x64xf32, #tpu.memory_space<hbm>>
      tpu.enqueue_indirect_dma source(%dma_start3A_219 : memref<10240x64xf32, #tpu.memory_space<hbm>>) target(%arg15 : memref<128x64xf32, #tpu.memory_space<vmem>>) offsets(%dma_start3A_216 : memref<128xi32, #tpu.memory_space<vmem>>) semaphore(%arg24 : memref<!tpu.dma_semaphore, #tpu.memory_space<semaphore_mem>>)
      %mul3A_220 = arith.constant 8 : i32
      %mul3A_221 = arith.muli %mul3A_220, %scan3A_104 : i32
      %add3A_222 = arith.constant 4 : i32
      %add3A_223 = arith.addi %mul3A_221, %add3A_222 : i32
      %dma_wait3A_224 = arith.constant 0 : i32
      %dma_wait3A_225 = tpu.memref_slice %arg6[%add3A_223, %dma_wait3A_224] : memref<80x128xi32, #tpu.memory_space<vmem>> -> memref<1x128xi32, #tpu.memory_space<vmem>>
      %dma_wait3A_226 = tpu.memref_squeeze %dma_wait3A_225 : memref<1x128xi32, #tpu.memory_space<vmem>> -> memref<128xi32, #tpu.memory_space<vmem>>
      %dma_wait3A_227 = arith.constant 0 : i32
      %dma_wait3A_228 = arith.constant 0 : i32
      %dma_wait3A_229 = tpu.memref_slice %arg2[%dma_wait3A_227, %dma_wait3A_228] : memref<10240x64xf32, #tpu.memory_space<hbm>> -> memref<10240x64xf32, #tpu.memory_space<hbm>>
      tpu.wait_indirect_dma semaphore(%arg21 : memref<!tpu.dma_semaphore, #tpu.memory_space<semaphore_mem>>) src(%dma_wait3A_229 : memref<10240x64xf32, #tpu.memory_space<hbm>>) dst(%arg12 : memref<128x64xf32, #tpu.memory_space<vmem>>)
      %dma_start3A_230 = arith.constant 0 : i32
      %dma_start3A_231 = tpu.memref_slice %arg7[%add3A_223, %dma_start3A_230] : memref<80x128xi32, #tpu.memory_space<vmem>> -> memref<1x128xi32, #tpu.memory_space<vmem>>
      %dma_start3A_232 = tpu.memref_squeeze %dma_start3A_231 : memref<1x128xi32, #tpu.memory_space<vmem>> -> memref<128xi32, #tpu.memory_space<vmem>>
      %dma_start3A_233 = arith.constant 0 : i32
      %dma_start3A_234 = arith.constant 0 : i32
      %dma_start3A_235 = tpu.memref_slice %arg16[%dma_start3A_233, %dma_start3A_234] : memref<10240x64xf32, #tpu.memory_space<vmem_shared>> -> memref<10240x64xf32, #tpu.memory_space<vmem_shared>>
      tpu.enqueue_indirect_dma source(%arg12 : memref<128x64xf32, #tpu.memory_space<vmem>>) target(%dma_start3A_235 : memref<10240x64xf32, #tpu.memory_space<vmem_shared>>) offsets(%dma_start3A_232 : memref<128xi32, #tpu.memory_space<vmem>>) semaphore(%arg29 : memref<!tpu.dma_semaphore, #tpu.memory_space<semaphore_mem>>) {add = true}
      %lt3A = arith.constant 9 : i32
      %lt3A_236 = arith.cmpi slt, %scan3A_104, %lt3A : i32
      %convert_element_type3A_237 = arith.extui %lt3A_236 : i1 to i32
      %cond3A_238 = arith.constant 0 : i32
      %cond3A_239 = arith.cmpi ne, %convert_element_type3A_237, %cond3A_238 : i32
      scf.if %cond3A_239 {
        %add3A_303 = arith.constant 4 : i32
        %add3A_304 = arith.addi %add3A_223, %add3A_303 : i32
        %sub3A = arith.constant 8 : i32
        %sub3A_305 = arith.subi %add3A_304, %sub3A : i32
        %dma_wait3A_306 = arith.constant 0 : i32
        %dma_wait3A_307 = tpu.memref_slice %arg7[%sub3A_305, %dma_wait3A_306] : memref<80x128xi32, #tpu.memory_space<vmem>> -> memref<1x128xi32, #tpu.memory_space<vmem>>
        %dma_wait3A_308 = tpu.memref_squeeze %dma_wait3A_307 : memref<1x128xi32, #tpu.memory_space<vmem>> -> memref<128xi32, #tpu.memory_space<vmem>>
        %dma_wait3A_309 = arith.constant 0 : i32
        %dma_wait3A_310 = arith.constant 0 : i32
        %dma_wait3A_311 = tpu.memref_slice %arg16[%dma_wait3A_309, %dma_wait3A_310] : memref<10240x64xf32, #tpu.memory_space<vmem_shared>> -> memref<10240x64xf32, #tpu.memory_space<vmem_shared>>
        tpu.wait_indirect_dma semaphore(%arg25 : memref<!tpu.dma_semaphore, #tpu.memory_space<semaphore_mem>>) src(%arg8 : memref<128x64xf32, #tpu.memory_space<vmem>>) dst(%dma_wait3A_311 : memref<10240x64xf32, #tpu.memory_space<vmem_shared>>)
        %add3A_312 = arith.constant 4 : i32
        %add3A_313 = arith.addi %add3A_223, %add3A_312 : i32
        %dma_start3A_314 = arith.constant 0 : i32
        %dma_start3A_315 = tpu.memref_slice %arg6[%add3A_313, %dma_start3A_314] : memref<80x128xi32, #tpu.memory_space<vmem>> -> memref<1x128xi32, #tpu.memory_space<vmem>>
        %dma_start3A_316 = tpu.memref_squeeze %dma_start3A_315 : memref<1x128xi32, #tpu.memory_space<vmem>> -> memref<128xi32, #tpu.memory_space<vmem>>
        %dma_start3A_317 = arith.constant 0 : i32
        %dma_start3A_318 = arith.constant 0 : i32
        %dma_start3A_319 = tpu.memref_slice %arg2[%dma_start3A_317, %dma_start3A_318] : memref<10240x64xf32, #tpu.memory_space<hbm>> -> memref<10240x64xf32, #tpu.memory_space<hbm>>
        tpu.enqueue_indirect_dma source(%dma_start3A_319 : memref<10240x64xf32, #tpu.memory_space<hbm>>) target(%arg8 : memref<128x64xf32, #tpu.memory_space<vmem>>) offsets(%dma_start3A_316 : memref<128xi32, #tpu.memory_space<vmem>>) semaphore(%arg17 : memref<!tpu.dma_semaphore, #tpu.memory_space<semaphore_mem>>)
      } else {
      }
      %mul3A_240 = arith.constant 8 : i32
      %mul3A_241 = arith.muli %mul3A_240, %scan3A_104 : i32
      %add3A_242 = arith.constant 5 : i32
      %add3A_243 = arith.addi %mul3A_241, %add3A_242 : i32
      %dma_wait3A_244 = arith.constant 0 : i32
      %dma_wait3A_245 = tpu.memref_slice %arg6[%add3A_243, %dma_wait3A_244] : memref<80x128xi32, #tpu.memory_space<vmem>> -> memref<1x128xi32, #tpu.memory_space<vmem>>
      %dma_wait3A_246 = tpu.memref_squeeze %dma_wait3A_245 : memref<1x128xi32, #tpu.memory_space<vmem>> -> memref<128xi32, #tpu.memory_space<vmem>>
      %dma_wait3A_247 = arith.constant 0 : i32
      %dma_wait3A_248 = arith.constant 0 : i32
      %dma_wait3A_249 = tpu.memref_slice %arg2[%dma_wait3A_247, %dma_wait3A_248] : memref<10240x64xf32, #tpu.memory_space<hbm>> -> memref<10240x64xf32, #tpu.memory_space<hbm>>
      tpu.wait_indirect_dma semaphore(%arg22 : memref<!tpu.dma_semaphore, #tpu.memory_space<semaphore_mem>>) src(%dma_wait3A_249 : memref<10240x64xf32, #tpu.memory_space<hbm>>) dst(%arg13 : memref<128x64xf32, #tpu.memory_space<vmem>>)
      %dma_start3A_250 = arith.constant 0 : i32
      %dma_start3A_251 = tpu.memref_slice %arg7[%add3A_243, %dma_start3A_250] : memref<80x128xi32, #tpu.memory_space<vmem>> -> memref<1x128xi32, #tpu.memory_space<vmem>>
      %dma_start3A_252 = tpu.memref_squeeze %dma_start3A_251 : memref<1x128xi32, #tpu.memory_space<vmem>> -> memref<128xi32, #tpu.memory_space<vmem>>
      %dma_start3A_253 = arith.constant 0 : i32
      %dma_start3A_254 = arith.constant 0 : i32
      %dma_start3A_255 = tpu.memref_slice %arg16[%dma_start3A_253, %dma_start3A_254] : memref<10240x64xf32, #tpu.memory_space<vmem_shared>> -> memref<10240x64xf32, #tpu.memory_space<vmem_shared>>
      tpu.enqueue_indirect_dma source(%arg13 : memref<128x64xf32, #tpu.memory_space<vmem>>) target(%dma_start3A_255 : memref<10240x64xf32, #tpu.memory_space<vmem_shared>>) offsets(%dma_start3A_252 : memref<128xi32, #tpu.memory_space<vmem>>) semaphore(%arg30 : memref<!tpu.dma_semaphore, #tpu.memory_space<semaphore_mem>>) {add = true}
      %lt3A_256 = arith.constant 9 : i32
      %lt3A_257 = arith.cmpi slt, %scan3A_104, %lt3A_256 : i32
      %convert_element_type3A_258 = arith.extui %lt3A_257 : i1 to i32
      %cond3A_259 = arith.constant 0 : i32
      %cond3A_260 = arith.cmpi ne, %convert_element_type3A_258, %cond3A_259 : i32
      scf.if %cond3A_260 {
        %add3A_303 = arith.constant 4 : i32
        %add3A_304 = arith.addi %add3A_243, %add3A_303 : i32
        %sub3A = arith.constant 8 : i32
        %sub3A_305 = arith.subi %add3A_304, %sub3A : i32
        %dma_wait3A_306 = arith.constant 0 : i32
        %dma_wait3A_307 = tpu.memref_slice %arg7[%sub3A_305, %dma_wait3A_306] : memref<80x128xi32, #tpu.memory_space<vmem>> -> memref<1x128xi32, #tpu.memory_space<vmem>>
        %dma_wait3A_308 = tpu.memref_squeeze %dma_wait3A_307 : memref<1x128xi32, #tpu.memory_space<vmem>> -> memref<128xi32, #tpu.memory_space<vmem>>
        %dma_wait3A_309 = arith.constant 0 : i32
        %dma_wait3A_310 = arith.constant 0 : i32
        %dma_wait3A_311 = tpu.memref_slice %arg16[%dma_wait3A_309, %dma_wait3A_310] : memref<10240x64xf32, #tpu.memory_space<vmem_shared>> -> memref<10240x64xf32, #tpu.memory_space<vmem_shared>>
        tpu.wait_indirect_dma semaphore(%arg26 : memref<!tpu.dma_semaphore, #tpu.memory_space<semaphore_mem>>) src(%arg9 : memref<128x64xf32, #tpu.memory_space<vmem>>) dst(%dma_wait3A_311 : memref<10240x64xf32, #tpu.memory_space<vmem_shared>>)
        %add3A_312 = arith.constant 4 : i32
        %add3A_313 = arith.addi %add3A_243, %add3A_312 : i32
        %dma_start3A_314 = arith.constant 0 : i32
        %dma_start3A_315 = tpu.memref_slice %arg6[%add3A_313, %dma_start3A_314] : memref<80x128xi32, #tpu.memory_space<vmem>> -> memref<1x128xi32, #tpu.memory_space<vmem>>
        %dma_start3A_316 = tpu.memref_squeeze %dma_start3A_315 : memref<1x128xi32, #tpu.memory_space<vmem>> -> memref<128xi32, #tpu.memory_space<vmem>>
        %dma_start3A_317 = arith.constant 0 : i32
        %dma_start3A_318 = arith.constant 0 : i32
        %dma_start3A_319 = tpu.memref_slice %arg2[%dma_start3A_317, %dma_start3A_318] : memref<10240x64xf32, #tpu.memory_space<hbm>> -> memref<10240x64xf32, #tpu.memory_space<hbm>>
        tpu.enqueue_indirect_dma source(%dma_start3A_319 : memref<10240x64xf32, #tpu.memory_space<hbm>>) target(%arg9 : memref<128x64xf32, #tpu.memory_space<vmem>>) offsets(%dma_start3A_316 : memref<128xi32, #tpu.memory_space<vmem>>) semaphore(%arg18 : memref<!tpu.dma_semaphore, #tpu.memory_space<semaphore_mem>>)
      } else {
      }
      %mul3A_261 = arith.constant 8 : i32
      %mul3A_262 = arith.muli %mul3A_261, %scan3A_104 : i32
      %add3A_263 = arith.constant 6 : i32
      %add3A_264 = arith.addi %mul3A_262, %add3A_263 : i32
      %dma_wait3A_265 = arith.constant 0 : i32
      %dma_wait3A_266 = tpu.memref_slice %arg6[%add3A_264, %dma_wait3A_265] : memref<80x128xi32, #tpu.memory_space<vmem>> -> memref<1x128xi32, #tpu.memory_space<vmem>>
      %dma_wait3A_267 = tpu.memref_squeeze %dma_wait3A_266 : memref<1x128xi32, #tpu.memory_space<vmem>> -> memref<128xi32, #tpu.memory_space<vmem>>
      %dma_wait3A_268 = arith.constant 0 : i32
      %dma_wait3A_269 = arith.constant 0 : i32
      %dma_wait3A_270 = tpu.memref_slice %arg2[%dma_wait3A_268, %dma_wait3A_269] : memref<10240x64xf32, #tpu.memory_space<hbm>> -> memref<10240x64xf32, #tpu.memory_space<hbm>>
      tpu.wait_indirect_dma semaphore(%arg23 : memref<!tpu.dma_semaphore, #tpu.memory_space<semaphore_mem>>) src(%dma_wait3A_270 : memref<10240x64xf32, #tpu.memory_space<hbm>>) dst(%arg14 : memref<128x64xf32, #tpu.memory_space<vmem>>)
      %dma_start3A_271 = arith.constant 0 : i32
      %dma_start3A_272 = tpu.memref_slice %arg7[%add3A_264, %dma_start3A_271] : memref<80x128xi32, #tpu.memory_space<vmem>> -> memref<1x128xi32, #tpu.memory_space<vmem>>
      %dma_start3A_273 = tpu.memref_squeeze %dma_start3A_272 : memref<1x128xi32, #tpu.memory_space<vmem>> -> memref<128xi32, #tpu.memory_space<vmem>>
      %dma_start3A_274 = arith.constant 0 : i32
      %dma_start3A_275 = arith.constant 0 : i32
      %dma_start3A_276 = tpu.memref_slice %arg16[%dma_start3A_274, %dma_start3A_275] : memref<10240x64xf32, #tpu.memory_space<vmem_shared>> -> memref<10240x64xf32, #tpu.memory_space<vmem_shared>>
      tpu.enqueue_indirect_dma source(%arg14 : memref<128x64xf32, #tpu.memory_space<vmem>>) target(%dma_start3A_276 : memref<10240x64xf32, #tpu.memory_space<vmem_shared>>) offsets(%dma_start3A_273 : memref<128xi32, #tpu.memory_space<vmem>>) semaphore(%arg31 : memref<!tpu.dma_semaphore, #tpu.memory_space<semaphore_mem>>) {add = true}
      %lt3A_277 = arith.constant 9 : i32
      %lt3A_278 = arith.cmpi slt, %scan3A_104, %lt3A_277 : i32
      %convert_element_type3A_279 = arith.extui %lt3A_278 : i1 to i32
      %cond3A_280 = arith.constant 0 : i32
      %cond3A_281 = arith.cmpi ne, %convert_element_type3A_279, %cond3A_280 : i32
      scf.if %cond3A_281 {
        %add3A_303 = arith.constant 4 : i32
        %add3A_304 = arith.addi %add3A_264, %add3A_303 : i32
        %sub3A = arith.constant 8 : i32
        %sub3A_305 = arith.subi %add3A_304, %sub3A : i32
        %dma_wait3A_306 = arith.constant 0 : i32
        %dma_wait3A_307 = tpu.memref_slice %arg7[%sub3A_305, %dma_wait3A_306] : memref<80x128xi32, #tpu.memory_space<vmem>> -> memref<1x128xi32, #tpu.memory_space<vmem>>
        %dma_wait3A_308 = tpu.memref_squeeze %dma_wait3A_307 : memref<1x128xi32, #tpu.memory_space<vmem>> -> memref<128xi32, #tpu.memory_space<vmem>>
        %dma_wait3A_309 = arith.constant 0 : i32
        %dma_wait3A_310 = arith.constant 0 : i32
        %dma_wait3A_311 = tpu.memref_slice %arg16[%dma_wait3A_309, %dma_wait3A_310] : memref<10240x64xf32, #tpu.memory_space<vmem_shared>> -> memref<10240x64xf32, #tpu.memory_space<vmem_shared>>
        tpu.wait_indirect_dma semaphore(%arg27 : memref<!tpu.dma_semaphore, #tpu.memory_space<semaphore_mem>>) src(%arg10 : memref<128x64xf32, #tpu.memory_space<vmem>>) dst(%dma_wait3A_311 : memref<10240x64xf32, #tpu.memory_space<vmem_shared>>)
        %add3A_312 = arith.constant 4 : i32
        %add3A_313 = arith.addi %add3A_264, %add3A_312 : i32
        %dma_start3A_314 = arith.constant 0 : i32
        %dma_start3A_315 = tpu.memref_slice %arg6[%add3A_313, %dma_start3A_314] : memref<80x128xi32, #tpu.memory_space<vmem>> -> memref<1x128xi32, #tpu.memory_space<vmem>>
        %dma_start3A_316 = tpu.memref_squeeze %dma_start3A_315 : memref<1x128xi32, #tpu.memory_space<vmem>> -> memref<128xi32, #tpu.memory_space<vmem>>
        %dma_start3A_317 = arith.constant 0 : i32
        %dma_start3A_318 = arith.constant 0 : i32
        %dma_start3A_319 = tpu.memref_slice %arg2[%dma_start3A_317, %dma_start3A_318] : memref<10240x64xf32, #tpu.memory_space<hbm>> -> memref<10240x64xf32, #tpu.memory_space<hbm>>
        tpu.enqueue_indirect_dma source(%dma_start3A_319 : memref<10240x64xf32, #tpu.memory_space<hbm>>) target(%arg10 : memref<128x64xf32, #tpu.memory_space<vmem>>) offsets(%dma_start3A_316 : memref<128xi32, #tpu.memory_space<vmem>>) semaphore(%arg19 : memref<!tpu.dma_semaphore, #tpu.memory_space<semaphore_mem>>)
      } else {
      }
      %mul3A_282 = arith.constant 8 : i32
      %mul3A_283 = arith.muli %mul3A_282, %scan3A_104 : i32
      %add3A_284 = arith.constant 7 : i32
      %add3A_285 = arith.addi %mul3A_283, %add3A_284 : i32
      %dma_wait3A_286 = arith.constant 0 : i32
      %dma_wait3A_287 = tpu.memref_slice %arg6[%add3A_285, %dma_wait3A_286] : memref<80x128xi32, #tpu.memory_space<vmem>> -> memref<1x128xi32, #tpu.memory_space<vmem>>
      %dma_wait3A_288 = tpu.memref_squeeze %dma_wait3A_287 : memref<1x128xi32, #tpu.memory_space<vmem>> -> memref<128xi32, #tpu.memory_space<vmem>>
      %dma_wait3A_289 = arith.constant 0 : i32
      %dma_wait3A_290 = arith.constant 0 : i32
      %dma_wait3A_291 = tpu.memref_slice %arg2[%dma_wait3A_289, %dma_wait3A_290] : memref<10240x64xf32, #tpu.memory_space<hbm>> -> memref<10240x64xf32, #tpu.memory_space<hbm>>
      tpu.wait_indirect_dma semaphore(%arg24 : memref<!tpu.dma_semaphore, #tpu.memory_space<semaphore_mem>>) src(%dma_wait3A_291 : memref<10240x64xf32, #tpu.memory_space<hbm>>) dst(%arg15 : memref<128x64xf32, #tpu.memory_space<vmem>>)
      %dma_start3A_292 = arith.constant 0 : i32
      %dma_start3A_293 = tpu.memref_slice %arg7[%add3A_285, %dma_start3A_292] : memref<80x128xi32, #tpu.memory_space<vmem>> -> memref<1x128xi32, #tpu.memory_space<vmem>>
      %dma_start3A_294 = tpu.memref_squeeze %dma_start3A_293 : memref<1x128xi32, #tpu.memory_space<vmem>> -> memref<128xi32, #tpu.memory_space<vmem>>
      %dma_start3A_295 = arith.constant 0 : i32
      %dma_start3A_296 = arith.constant 0 : i32
      %dma_start3A_297 = tpu.memref_slice %arg16[%dma_start3A_295, %dma_start3A_296] : memref<10240x64xf32, #tpu.memory_space<vmem_shared>> -> memref<10240x64xf32, #tpu.memory_space<vmem_shared>>
      tpu.enqueue_indirect_dma source(%arg15 : memref<128x64xf32, #tpu.memory_space<vmem>>) target(%dma_start3A_297 : memref<10240x64xf32, #tpu.memory_space<vmem_shared>>) offsets(%dma_start3A_294 : memref<128xi32, #tpu.memory_space<vmem>>) semaphore(%arg32 : memref<!tpu.dma_semaphore, #tpu.memory_space<semaphore_mem>>) {add = true}
      %lt3A_298 = arith.constant 9 : i32
      %lt3A_299 = arith.cmpi slt, %scan3A_104, %lt3A_298 : i32
      %convert_element_type3A_300 = arith.extui %lt3A_299 : i1 to i32
      %cond3A_301 = arith.constant 0 : i32
      %cond3A_302 = arith.cmpi ne, %convert_element_type3A_300, %cond3A_301 : i32
      scf.if %cond3A_302 {
        %add3A_303 = arith.constant 4 : i32
        %add3A_304 = arith.addi %add3A_285, %add3A_303 : i32
        %sub3A = arith.constant 8 : i32
        %sub3A_305 = arith.subi %add3A_304, %sub3A : i32
        %dma_wait3A_306 = arith.constant 0 : i32
        %dma_wait3A_307 = tpu.memref_slice %arg7[%sub3A_305, %dma_wait3A_306] : memref<80x128xi32, #tpu.memory_space<vmem>> -> memref<1x128xi32, #tpu.memory_space<vmem>>
        %dma_wait3A_308 = tpu.memref_squeeze %dma_wait3A_307 : memref<1x128xi32, #tpu.memory_space<vmem>> -> memref<128xi32, #tpu.memory_space<vmem>>
        %dma_wait3A_309 = arith.constant 0 : i32
        %dma_wait3A_310 = arith.constant 0 : i32
        %dma_wait3A_311 = tpu.memref_slice %arg16[%dma_wait3A_309, %dma_wait3A_310] : memref<10240x64xf32, #tpu.memory_space<vmem_shared>> -> memref<10240x64xf32, #tpu.memory_space<vmem_shared>>
        tpu.wait_indirect_dma semaphore(%arg28 : memref<!tpu.dma_semaphore, #tpu.memory_space<semaphore_mem>>) src(%arg11 : memref<128x64xf32, #tpu.memory_space<vmem>>) dst(%dma_wait3A_311 : memref<10240x64xf32, #tpu.memory_space<vmem_shared>>)
        %add3A_312 = arith.constant 4 : i32
        %add3A_313 = arith.addi %add3A_285, %add3A_312 : i32
        %dma_start3A_314 = arith.constant 0 : i32
        %dma_start3A_315 = tpu.memref_slice %arg6[%add3A_313, %dma_start3A_314] : memref<80x128xi32, #tpu.memory_space<vmem>> -> memref<1x128xi32, #tpu.memory_space<vmem>>
        %dma_start3A_316 = tpu.memref_squeeze %dma_start3A_315 : memref<1x128xi32, #tpu.memory_space<vmem>> -> memref<128xi32, #tpu.memory_space<vmem>>
        %dma_start3A_317 = arith.constant 0 : i32
        %dma_start3A_318 = arith.constant 0 : i32
        %dma_start3A_319 = tpu.memref_slice %arg2[%dma_start3A_317, %dma_start3A_318] : memref<10240x64xf32, #tpu.memory_space<hbm>> -> memref<10240x64xf32, #tpu.memory_space<hbm>>
        tpu.enqueue_indirect_dma source(%dma_start3A_319 : memref<10240x64xf32, #tpu.memory_space<hbm>>) target(%arg11 : memref<128x64xf32, #tpu.memory_space<vmem>>) offsets(%dma_start3A_316 : memref<128xi32, #tpu.memory_space<vmem>>) semaphore(%arg20 : memref<!tpu.dma_semaphore, #tpu.memory_space<semaphore_mem>>)
      } else {
      }
    }
    %scan3A_43 = arith.constant 10 : i32
    %dma_wait3A = arith.constant 72 : i32
    %dma_wait3A_44 = arith.constant 0 : i32
    %dma_wait3A_45 = tpu.memref_slice %arg7[%dma_wait3A, %dma_wait3A_44] : memref<80x128xi32, #tpu.memory_space<vmem>> -> memref<1x128xi32, #tpu.memory_space<vmem>>
    %dma_wait3A_46 = tpu.memref_squeeze %dma_wait3A_45 : memref<1x128xi32, #tpu.memory_space<vmem>> -> memref<128xi32, #tpu.memory_space<vmem>>
    %dma_wait3A_47 = arith.constant 0 : i32
    %dma_wait3A_48 = arith.constant 0 : i32
    %dma_wait3A_49 = tpu.memref_slice %arg16[%dma_wait3A_47, %dma_wait3A_48] : memref<10240x64xf32, #tpu.memory_space<vmem_shared>> -> memref<10240x64xf32, #tpu.memory_space<vmem_shared>>
    tpu.wait_indirect_dma semaphore(%arg25 : memref<!tpu.dma_semaphore, #tpu.memory_space<semaphore_mem>>) src(%arg8 : memref<128x64xf32, #tpu.memory_space<vmem>>) dst(%dma_wait3A_49 : memref<10240x64xf32, #tpu.memory_space<vmem_shared>>)
    %dma_wait3A_50 = arith.constant 73 : i32
    %dma_wait3A_51 = arith.constant 0 : i32
    %dma_wait3A_52 = tpu.memref_slice %arg7[%dma_wait3A_50, %dma_wait3A_51] : memref<80x128xi32, #tpu.memory_space<vmem>> -> memref<1x128xi32, #tpu.memory_space<vmem>>
    %dma_wait3A_53 = tpu.memref_squeeze %dma_wait3A_52 : memref<1x128xi32, #tpu.memory_space<vmem>> -> memref<128xi32, #tpu.memory_space<vmem>>
    %dma_wait3A_54 = arith.constant 0 : i32
    %dma_wait3A_55 = arith.constant 0 : i32
    %dma_wait3A_56 = tpu.memref_slice %arg16[%dma_wait3A_54, %dma_wait3A_55] : memref<10240x64xf32, #tpu.memory_space<vmem_shared>> -> memref<10240x64xf32, #tpu.memory_space<vmem_shared>>
    tpu.wait_indirect_dma semaphore(%arg26 : memref<!tpu.dma_semaphore, #tpu.memory_space<semaphore_mem>>) src(%arg9 : memref<128x64xf32, #tpu.memory_space<vmem>>) dst(%dma_wait3A_56 : memref<10240x64xf32, #tpu.memory_space<vmem_shared>>)
    %dma_wait3A_57 = arith.constant 74 : i32
    %dma_wait3A_58 = arith.constant 0 : i32
    %dma_wait3A_59 = tpu.memref_slice %arg7[%dma_wait3A_57, %dma_wait3A_58] : memref<80x128xi32, #tpu.memory_space<vmem>> -> memref<1x128xi32, #tpu.memory_space<vmem>>
    %dma_wait3A_60 = tpu.memref_squeeze %dma_wait3A_59 : memref<1x128xi32, #tpu.memory_space<vmem>> -> memref<128xi32, #tpu.memory_space<vmem>>
    %dma_wait3A_61 = arith.constant 0 : i32
    %dma_wait3A_62 = arith.constant 0 : i32
    %dma_wait3A_63 = tpu.memref_slice %arg16[%dma_wait3A_61, %dma_wait3A_62] : memref<10240x64xf32, #tpu.memory_space<vmem_shared>> -> memref<10240x64xf32, #tpu.memory_space<vmem_shared>>
    tpu.wait_indirect_dma semaphore(%arg27 : memref<!tpu.dma_semaphore, #tpu.memory_space<semaphore_mem>>) src(%arg10 : memref<128x64xf32, #tpu.memory_space<vmem>>) dst(%dma_wait3A_63 : memref<10240x64xf32, #tpu.memory_space<vmem_shared>>)
    %dma_wait3A_64 = arith.constant 75 : i32
    %dma_wait3A_65 = arith.constant 0 : i32
    %dma_wait3A_66 = tpu.memref_slice %arg7[%dma_wait3A_64, %dma_wait3A_65] : memref<80x128xi32, #tpu.memory_space<vmem>> -> memref<1x128xi32, #tpu.memory_space<vmem>>
    %dma_wait3A_67 = tpu.memref_squeeze %dma_wait3A_66 : memref<1x128xi32, #tpu.memory_space<vmem>> -> memref<128xi32, #tpu.memory_space<vmem>>
    %dma_wait3A_68 = arith.constant 0 : i32
    %dma_wait3A_69 = arith.constant 0 : i32
    %dma_wait3A_70 = tpu.memref_slice %arg16[%dma_wait3A_68, %dma_wait3A_69] : memref<10240x64xf32, #tpu.memory_space<vmem_shared>> -> memref<10240x64xf32, #tpu.memory_space<vmem_shared>>
    tpu.wait_indirect_dma semaphore(%arg28 : memref<!tpu.dma_semaphore, #tpu.memory_space<semaphore_mem>>) src(%arg11 : memref<128x64xf32, #tpu.memory_space<vmem>>) dst(%dma_wait3A_70 : memref<10240x64xf32, #tpu.memory_space<vmem_shared>>)
    %dma_wait3A_71 = arith.constant 76 : i32
    %dma_wait3A_72 = arith.constant 0 : i32
    %dma_wait3A_73 = tpu.memref_slice %arg7[%dma_wait3A_71, %dma_wait3A_72] : memref<80x128xi32, #tpu.memory_space<vmem>> -> memref<1x128xi32, #tpu.memory_space<vmem>>
    %dma_wait3A_74 = tpu.memref_squeeze %dma_wait3A_73 : memref<1x128xi32, #tpu.memory_space<vmem>> -> memref<128xi32, #tpu.memory_space<vmem>>
    %dma_wait3A_75 = arith.constant 0 : i32
    %dma_wait3A_76 = arith.constant 0 : i32
    %dma_wait3A_77 = tpu.memref_slice %arg16[%dma_wait3A_75, %dma_wait3A_76] : memref<10240x64xf32, #tpu.memory_space<vmem_shared>> -> memref<10240x64xf32, #tpu.memory_space<vmem_shared>>
    tpu.wait_indirect_dma semaphore(%arg29 : memref<!tpu.dma_semaphore, #tpu.memory_space<semaphore_mem>>) src(%arg12 : memref<128x64xf32, #tpu.memory_space<vmem>>) dst(%dma_wait3A_77 : memref<10240x64xf32, #tpu.memory_space<vmem_shared>>)
    %dma_wait3A_78 = arith.constant 77 : i32
    %dma_wait3A_79 = arith.constant 0 : i32
    %dma_wait3A_80 = tpu.memref_slice %arg7[%dma_wait3A_78, %dma_wait3A_79] : memref<80x128xi32, #tpu.memory_space<vmem>> -> memref<1x128xi32, #tpu.memory_space<vmem>>
    %dma_wait3A_81 = tpu.memref_squeeze %dma_wait3A_80 : memref<1x128xi32, #tpu.memory_space<vmem>> -> memref<128xi32, #tpu.memory_space<vmem>>
    %dma_wait3A_82 = arith.constant 0 : i32
    %dma_wait3A_83 = arith.constant 0 : i32
    %dma_wait3A_84 = tpu.memref_slice %arg16[%dma_wait3A_82, %dma_wait3A_83] : memref<10240x64xf32, #tpu.memory_space<vmem_shared>> -> memref<10240x64xf32, #tpu.memory_space<vmem_shared>>
    tpu.wait_indirect_dma semaphore(%arg30 : memref<!tpu.dma_semaphore, #tpu.memory_space<semaphore_mem>>) src(%arg13 : memref<128x64xf32, #tpu.memory_space<vmem>>) dst(%dma_wait3A_84 : memref<10240x64xf32, #tpu.memory_space<vmem_shared>>)
    %dma_wait3A_85 = arith.constant 78 : i32
    %dma_wait3A_86 = arith.constant 0 : i32
    %dma_wait3A_87 = tpu.memref_slice %arg7[%dma_wait3A_85, %dma_wait3A_86] : memref<80x128xi32, #tpu.memory_space<vmem>> -> memref<1x128xi32, #tpu.memory_space<vmem>>
    %dma_wait3A_88 = tpu.memref_squeeze %dma_wait3A_87 : memref<1x128xi32, #tpu.memory_space<vmem>> -> memref<128xi32, #tpu.memory_space<vmem>>
    %dma_wait3A_89 = arith.constant 0 : i32
    %dma_wait3A_90 = arith.constant 0 : i32
    %dma_wait3A_91 = tpu.memref_slice %arg16[%dma_wait3A_89, %dma_wait3A_90] : memref<10240x64xf32, #tpu.memory_space<vmem_shared>> -> memref<10240x64xf32, #tpu.memory_space<vmem_shared>>
    tpu.wait_indirect_dma semaphore(%arg31 : memref<!tpu.dma_semaphore, #tpu.memory_space<semaphore_mem>>) src(%arg14 : memref<128x64xf32, #tpu.memory_space<vmem>>) dst(%dma_wait3A_91 : memref<10240x64xf32, #tpu.memory_space<vmem_shared>>)
    %dma_wait3A_92 = arith.constant 79 : i32
    %dma_wait3A_93 = arith.constant 0 : i32
    %dma_wait3A_94 = tpu.memref_slice %arg7[%dma_wait3A_92, %dma_wait3A_93] : memref<80x128xi32, #tpu.memory_space<vmem>> -> memref<1x128xi32, #tpu.memory_space<vmem>>
    %dma_wait3A_95 = tpu.memref_squeeze %dma_wait3A_94 : memref<1x128xi32, #tpu.memory_space<vmem>> -> memref<128xi32, #tpu.memory_space<vmem>>
    %dma_wait3A_96 = arith.constant 0 : i32
    %dma_wait3A_97 = arith.constant 0 : i32
    %dma_wait3A_98 = tpu.memref_slice %arg16[%dma_wait3A_96, %dma_wait3A_97] : memref<10240x64xf32, #tpu.memory_space<vmem_shared>> -> memref<10240x64xf32, #tpu.memory_space<vmem_shared>>
    tpu.wait_indirect_dma semaphore(%arg32 : memref<!tpu.dma_semaphore, #tpu.memory_space<semaphore_mem>>) src(%arg15 : memref<128x64xf32, #tpu.memory_space<vmem>>) dst(%dma_wait3A_98 : memref<10240x64xf32, #tpu.memory_space<vmem_shared>>)
    %barrier3A_99 = arith.constant 0 : index
    tpu.barrier barrier_id(%barrier3A_99)
    %mul3A_100 = arith.constant 640 : i32
    %mul3A_101 = arith.muli %arg1, %mul3A_100 : i32
    %mul3A_102 = arith.constant 640 : i32
    %mul3A_103 = arith.muli %arg1, %mul3A_102 : i32
    "tpu.region"() ({
      %run_scoped3A_104 = tpu.sem_alloc : memref<!tpu.dma_semaphore, #tpu.memory_space<semaphore_mem>>
      %dma_start3A_105 = arith.constant 0 : i32
      %dma_start3A_106 = arith.constant 0 : i32
      %dma_start3A_107 = tpu.memref_slice %arg5[%arg0, %dma_start3A_105, %dma_start3A_106] : memref<2x10240x64xf32, #tpu.memory_space<hbm>> -> memref<1x10240x64xf32, #tpu.memory_space<hbm>>
      %dma_start3A_108 = tpu.memref_squeeze %dma_start3A_107 : memref<1x10240x64xf32, #tpu.memory_space<hbm>> -> memref<10240x64xf32, #tpu.memory_space<hbm>>
      %dma_start3A_109 = arith.constant 0 : i32
      %dma_start3A_110 = tpu.memref_slice %dma_start3A_108[%mul3A_103, %dma_start3A_109] : memref<10240x64xf32, #tpu.memory_space<hbm>> -> memref<640x64xf32, #tpu.memory_space<hbm>>
      %dma_start3A_111 = arith.constant 0 : i32
      %dma_start3A_112 = tpu.memref_slice %arg16[%mul3A_101, %dma_start3A_111] : memref<10240x64xf32, #tpu.memory_space<vmem_shared>> -> memref<640x64xf32, #tpu.memory_space<vmem_shared>>
      tpu.enqueue_dma source(%dma_start3A_112 : memref<640x64xf32, #tpu.memory_space<vmem_shared>>) target(%dma_start3A_110 : memref<640x64xf32, #tpu.memory_space<hbm>>) target_semaphore(%run_scoped3A_104 : memref<!tpu.dma_semaphore, #tpu.memory_space<semaphore_mem>>)
      %dma_wait3A_113 = arith.constant 0 : i32
      %dma_wait3A_114 = arith.constant 0 : i32
      %dma_wait3A_115 = tpu.memref_slice %arg5[%arg0, %dma_wait3A_113, %dma_wait3A_114] : memref<2x10240x64xf32, #tpu.memory_space<hbm>> -> memref<1x10240x64xf32, #tpu.memory_space<hbm>>
      %dma_wait3A_116 = tpu.memref_squeeze %dma_wait3A_115 : memref<1x10240x64xf32, #tpu.memory_space<hbm>> -> memref<10240x64xf32, #tpu.memory_space<hbm>>
      %dma_wait3A_117 = arith.constant 0 : i32
      %dma_wait3A_118 = tpu.memref_slice %dma_wait3A_116[%mul3A_103, %dma_wait3A_117] : memref<10240x64xf32, #tpu.memory_space<hbm>> -> memref<640x64xf32, #tpu.memory_space<hbm>>
      %dma_wait3A_119 = arith.constant 0 : i32
      %dma_wait3A_120 = tpu.memref_slice %arg16[%mul3A_101, %dma_wait3A_119] : memref<10240x64xf32, #tpu.memory_space<vmem_shared>> -> memref<640x64xf32, #tpu.memory_space<vmem_shared>>
      tpu.wait_dma2 semaphore(%run_scoped3A_104 : memref<!tpu.dma_semaphore, #tpu.memory_space<semaphore_mem>>) src(%dma_wait3A_120 : memref<640x64xf32, #tpu.memory_space<vmem_shared>>) dst(%dma_wait3A_118 : memref<640x64xf32, #tpu.memory_space<hbm>>)
      tpu.yield
    }) : () -> ()
    return
  }
}

module attributes {stable_mosaic.version = 14 : i64} {
  func.func @_mm1_body(%arg0: i32, %arg1: memref<2x1024x8xf32, #tpu.memory_space<vmem>>, %arg2: memref<1024x128xf32, #tpu.memory_space<vmem>>, %arg3: memref<128x64xf32, #tpu.memory_space<vmem>>, %arg4: memref<1024x64xf32, #tpu.memory_space<vmem>>) attributes {dimension_semantics = [#tpu.dimension_semantics<arbitrary>], iteration_bounds = array<i64: 10>, scalar_prefetch = 0 : i64, scratch_operands = 0 : i64, tpu.core_type = #tpu.core_type<tc>, window_params = [{transform_indices = @transform_0, window_bounds = array<i64: 2, 1024, 8>}, {transform_indices = @transform_1, window_bounds = array<i64: 1024, 128>}, {pipeline_mode = #tpu.pipeline_mode<synchronous>, transform_indices = @transform_2, window_bounds = array<i64: 128, 64>}, {transform_indices = @transform_3, window_bounds = array<i64: 1024, 64>}]} {
    %get3A = arith.constant 0 : index
    %get3A_0 = arith.constant 0 : index
    %get3A_1 = vector.load %arg2[%get3A, %get3A_0] : memref<1024x128xf32, #tpu.memory_space<vmem>>, vector<1024x128xf32>
    %get3A_2 = arith.constant 0 : index
    %get3A_3 = arith.constant 0 : index
    %get3A_4 = vector.load %arg3[%get3A_2, %get3A_3] : memref<128x64xf32, #tpu.memory_space<vmem>>, vector<128x64xf32>
    %dot_general3A = arith.constant dense<0.000000e+00> : vector<1024x64xf32>
    %dot_general3A_5 = tpu.matmul %get3A_1, %get3A_4, %dot_general3A {dimension_numbers = #tpu.dot_dimension_numbers<[1], [0], [0], [1], [0, 0, 1, 1], [], []>, transpose_lhs_hint = false} : vector<1024x128xf32>, vector<128x64xf32>, vector<1024x64xf32> -> vector<1024x64xf32>
    %get3A_6 = arith.constant 0 : index
    %get3A_7 = arith.constant 0 : index
    %get3A_8 = arith.constant 0 : index
    %get3A_9 = vector.load %arg1[%get3A_6, %get3A_7, %get3A_8] : memref<2x1024x8xf32, #tpu.memory_space<vmem>>, vector<1x1024x8xf32>
    %get3A_10 = vector.shape_cast %get3A_9 : vector<1x1024x8xf32> to vector<1024x8xf32>
    %get3A_11 = arith.constant 1 : index
    %get3A_12 = arith.constant 0 : index
    %get3A_13 = arith.constant 0 : index
    %get3A_14 = vector.load %arg1[%get3A_11, %get3A_12, %get3A_13] : memref<2x1024x8xf32, #tpu.memory_space<vmem>>, vector<1x1024x8xf32>
    %get3A_15 = vector.shape_cast %get3A_14 : vector<1x1024x8xf32> to vector<1024x8xf32>
    %add3A = arith.addf %get3A_10, %get3A_15 : vector<1024x8xf32>
    %slice3A = vector.extract_strided_slice %add3A {offsets = [0, 0], sizes = [1024, 1], strides = [1, 1]} : vector<1024x8xf32> to vector<1024x1xf32>
    %add3A_16 = arith.constant 1.000000e+00 : f32
    %add3A_17 = vector.broadcast %add3A_16 : f32 to vector<1024x1xf32>
    %add3A_18 = arith.addf %add3A_17, %slice3A : vector<1024x1xf32>
    %rsqrt3A = math.rsqrt %add3A_18 : vector<1024x1xf32>
    %mul3A = vector.broadcast %rsqrt3A : vector<1024x1xf32> to vector<1024x64xf32>
    %mul3A_19 = arith.mulf %dot_general3A_5, %mul3A : vector<1024x64xf32>
    %swap3A = arith.constant 0 : index
    %swap3A_20 = arith.constant 0 : index
    %swap3A_21 = vector.load %arg4[%swap3A, %swap3A_20] : memref<1024x64xf32, #tpu.memory_space<vmem>>, vector<1024x64xf32>
    tpu.vector_store %arg4[%swap3A, %swap3A_20], %mul3A_19 {strides = array<i32>} : memref<1024x64xf32, #tpu.memory_space<vmem>>, vector<1024x64xf32>,
    return
  }
  func.func @transform_0(%arg0: i32) -> (i32, i32, i32) {
    %c0_i32 = arith.constant 0 : i32
    %c0_i32_0 = arith.constant 0 : i32
    %c0_i32_1 = arith.constant 0 : i32
    return %c0_i32, %arg0, %c0_i32_0 : i32, i32, i32
  }
  func.func @transform_1(%arg0: i32) -> (i32, i32) {
    %c0_i32 = arith.constant 0 : i32
    %c0_i32_0 = arith.constant 0 : i32
    return %arg0, %c0_i32 : i32, i32
  }
  func.func @transform_2(%arg0: i32) -> (i32, i32) {
    %c0_i32 = arith.constant 0 : i32
    %c0_i32_0 = arith.constant 0 : i32
    %c0_i32_1 = arith.constant 0 : i32
    return %c0_i32, %c0_i32_0 : i32, i32
  }
  func.func @transform_3(%arg0: i32) -> (i32, i32) {
    %c0_i32 = arith.constant 0 : i32
    %c0_i32_0 = arith.constant 0 : i32
    return %arg0, %c0_i32 : i32, i32
  }
}

module attributes {stable_mosaic.version = 14 : i64} {
  func.func @_out_body(%arg0: i32, %arg1: memref<2x1024x8xf32, #tpu.memory_space<vmem>>, %arg2: memref<2x1024x64xf32, #tpu.memory_space<vmem>>, %arg3: memref<64x128xf32, #tpu.memory_space<vmem>>, %arg4: memref<1x128xf32, #tpu.memory_space<vmem>>, %arg5: memref<1024x128xf32, #tpu.memory_space<vmem>>) attributes {dimension_semantics = [#tpu.dimension_semantics<arbitrary>], iteration_bounds = array<i64: 10>, scalar_prefetch = 0 : i64, scratch_operands = 0 : i64, tpu.core_type = #tpu.core_type<tc>, window_params = [{transform_indices = @transform_0, window_bounds = array<i64: 2, 1024, 8>}, {transform_indices = @transform_1, window_bounds = array<i64: 2, 1024, 64>}, {pipeline_mode = #tpu.pipeline_mode<synchronous>, transform_indices = @transform_2, window_bounds = array<i64: 64, 128>}, {pipeline_mode = #tpu.pipeline_mode<synchronous>, transform_indices = @transform_3, window_bounds = array<i64: 1, 128>}, {transform_indices = @transform_4, window_bounds = array<i64: 1024, 128>}]} {
    %get3A = arith.constant 0 : index
    %get3A_0 = arith.constant 0 : index
    %get3A_1 = arith.constant 0 : index
    %get3A_2 = vector.load %arg1[%get3A, %get3A_0, %get3A_1] : memref<2x1024x8xf32, #tpu.memory_space<vmem>>, vector<1x1024x8xf32>
    %get3A_3 = vector.shape_cast %get3A_2 : vector<1x1024x8xf32> to vector<1024x8xf32>
    %get3A_4 = arith.constant 1 : index
    %get3A_5 = arith.constant 0 : index
    %get3A_6 = arith.constant 0 : index
    %get3A_7 = vector.load %arg1[%get3A_4, %get3A_5, %get3A_6] : memref<2x1024x8xf32, #tpu.memory_space<vmem>>, vector<1x1024x8xf32>
    %get3A_8 = vector.shape_cast %get3A_7 : vector<1x1024x8xf32> to vector<1024x8xf32>
    %add3A = arith.addf %get3A_3, %get3A_8 : vector<1024x8xf32>
    %slice3A = vector.extract_strided_slice %add3A {offsets = [0, 0], sizes = [1024, 1], strides = [1, 1]} : vector<1024x8xf32> to vector<1024x1xf32>
    %add3A_9 = arith.constant 1.000000e+00 : f32
    %add3A_10 = vector.broadcast %add3A_9 : f32 to vector<1024x1xf32>
    %add3A_11 = arith.addf %add3A_10, %slice3A : vector<1024x1xf32>
    %rsqrt3A = math.rsqrt %add3A_11 : vector<1024x1xf32>
    %get3A_12 = arith.constant 0 : index
    %get3A_13 = arith.constant 0 : index
    %get3A_14 = arith.constant 0 : index
    %get3A_15 = vector.load %arg2[%get3A_12, %get3A_13, %get3A_14] : memref<2x1024x64xf32, #tpu.memory_space<vmem>>, vector<1x1024x64xf32>
    %get3A_16 = vector.shape_cast %get3A_15 : vector<1x1024x64xf32> to vector<1024x64xf32>
    %get3A_17 = arith.constant 1 : index
    %get3A_18 = arith.constant 0 : index
    %get3A_19 = arith.constant 0 : index
    %get3A_20 = vector.load %arg2[%get3A_17, %get3A_18, %get3A_19] : memref<2x1024x64xf32, #tpu.memory_space<vmem>>, vector<1x1024x64xf32>
    %get3A_21 = vector.shape_cast %get3A_20 : vector<1x1024x64xf32> to vector<1024x64xf32>
    %add3A_22 = arith.addf %get3A_16, %get3A_21 : vector<1024x64xf32>
    %mul3A = vector.broadcast %rsqrt3A : vector<1024x1xf32> to vector<1024x64xf32>
    %mul3A_23 = arith.mulf %add3A_22, %mul3A : vector<1024x64xf32>
    %get3A_24 = arith.constant 0 : index
    %get3A_25 = arith.constant 0 : index
    %get3A_26 = vector.load %arg3[%get3A_24, %get3A_25] : memref<64x128xf32, #tpu.memory_space<vmem>>, vector<64x128xf32>
    %dot_general3A = arith.constant dense<0.000000e+00> : vector<1024x128xf32>
    %dot_general3A_27 = tpu.matmul %mul3A_23, %get3A_26, %dot_general3A {dimension_numbers = #tpu.dot_dimension_numbers<[1], [0], [0], [1], [0, 0, 1, 1], [], []>, transpose_lhs_hint = false} : vector<1024x64xf32>, vector<64x128xf32>, vector<1024x128xf32> -> vector<1024x128xf32>
    %get3A_28 = arith.constant 0 : index
    %get3A_29 = arith.constant 0 : index
    %get3A_30 = vector.load %arg4[%get3A_28, %get3A_29] : memref<1x128xf32, #tpu.memory_space<vmem>>, vector<1x128xf32>
    %add3A_31 = vector.broadcast %get3A_30 : vector<1x128xf32> to vector<1024x128xf32>
    %add3A_32 = arith.addf %dot_general3A_27, %add3A_31 : vector<1024x128xf32>
    %swap3A = arith.constant 0 : index
    %swap3A_33 = arith.constant 0 : index
    %swap3A_34 = vector.load %arg5[%swap3A, %swap3A_33] : memref<1024x128xf32, #tpu.memory_space<vmem>>, vector<1024x128xf32>
    tpu.vector_store %arg5[%swap3A, %swap3A_33], %add3A_32 {strides = array<i32>} : memref<1024x128xf32, #tpu.memory_space<vmem>>, vector<1024x128xf32>,
    return
  }
  func.func @transform_0(%arg0: i32) -> (i32, i32, i32) {
    %c0_i32 = arith.constant 0 : i32
    %c0_i32_0 = arith.constant 0 : i32
    %c0_i32_1 = arith.constant 0 : i32
    return %c0_i32, %arg0, %c0_i32_0 : i32, i32, i32
  }
  func.func @transform_1(%arg0: i32) -> (i32, i32, i32) {
    %c0_i32 = arith.constant 0 : i32
    %c0_i32_0 = arith.constant 0 : i32
    %c0_i32_1 = arith.constant 0 : i32
    return %c0_i32, %arg0, %c0_i32_0 : i32, i32, i32
  }
  func.func @transform_2(%arg0: i32) -> (i32, i32) {
    %c0_i32 = arith.constant 0 : i32
    %c0_i32_0 = arith.constant 0 : i32
    %c0_i32_1 = arith.constant 0 : i32
    return %c0_i32, %c0_i32_0 : i32, i32
  }
  func.func @transform_3(%arg0: i32) -> (i32, i32) {
    %c0_i32 = arith.constant 0 : i32
    %c0_i32_0 = arith.constant 0 : i32
    %c0_i32_1 = arith.constant 0 : i32
    return %c0_i32, %c0_i32_0 : i32, i32
  }
  func.func @transform_4(%arg0: i32) -> (i32, i32) {
    %c0_i32 = arith.constant 0 : i32
    %c0_i32_0 = arith.constant 0 : i32
    return %arg0, %c0_i32 : i32, i32
  }
}

</mosaic_0001>

<sc_bundles>
// kernel: kernel.11.cloned.1.call-start
scs
__scs_entry_jumppad:
0x0: {  	(pc) =	sbr.rel $0x88, $3  }
0x1: {  	(tag) =	ssettag $0x0;
	lr =	simm.s32 $0x1  }
0x2: {  	[smem:$0x3F9B] =	sst lr;
	_ =	strace $0xD0000000  }
0x3: {  	_ = 	snop  }
0x4: {  	_ = 	snop  }
0x5: {  	_ = 	snop  }
0x6: {  	_ = 	snop  }
0x7: {  	_ = 	snop  }
__scs_overlays_trampoline_lowered:
0x8: {  	[smem:$0x3FAA] =	sst s0  }
0x9: {  	[smem:$0x3FAB] =	sst s1  }
0xa: {  	[smem:$0x3FAC] =	sst s2  }
0xb: {  	[smem:$0x3FAD] =	sst s3  }
0xc: {  	[smem:$0x3FAE] =	sst s4  }
0xd: {  	[smem:$0x3FAF] =	sst s5  }
0xe: {  	[smem:$0x3FB0] =	sst s6  }
0xf: {  	[smem:$0x3FB1] =	sst s7  }
0x10: {  	[smem:$0x3FB2] =	sst s8  }
0x11: {  	[smem:$0x3FB3] =	sst s9;
	s0 =	simm.s32 @!p0 $0x0  }
0x12: {  	s1 =	sld [smem:$0x3F99];
	s0 =	simm.s32 @p0 $0x1  }
0x13: {  	[smem:$0x3FB4] =	sst s0;
	s0 =	simm.s32 @!p1 $0x0  }
0x14: {  	s2 =	sld [smem:$0x3F98];
	s0 =	simm.s32 @p1 $0x1  }
0x15: {  	[smem:$0x3FB5] =	sst s0;
	s0 =	simm.s32 @!p2 $0x0  }
0x16: {  	s3 =	sld [smem:$0x3FDB];
	s0 =	simm.s32 @p2 $0x1  }
0x17: {  	s4 =	simm.s32 $0x1BF5;
	[smem:$0x3FB7] =	sst s0  }
0x18: {  	s0 =	sld [smem:$0x3F9A];
	_ =	swait.ge [sflag:s4], $0x0  }
0x19: {  	s7 =	sld [smem:$0x3F9B]  }
0x1a: {  	s8 =	sadd.s32 $0xFFFFE003, lr  }
0x1b: {  	s9 =	sadd.s32 $0xFFFFFEF7, lr;
	s5 =	simm.s32 $0xFFFFFFFF;
	p2 =	slt.u32 s8, $0xFFFFF086  }
0x1c: {  	p1 =	slt.u32 s9, $0xF7A;
	s5 =	simm.s32 @!p2 $0x0  }
0x1d: {  	s5 =	simm.s32 @p1 $0x1;
	p0 =	seq.s32 s7, s2  }
0x1e: {  	s7 =	smul.u32 @!p0 $0xF7A, s2;
	p2 =	seq.s32 @!p0 s5, $0x0  }
0x1f: {  	s9 =	smul.u32 $0xF7A, s1;
	s8 =	simm.s32 @!p0 $0x1BF5;
	p2 =	por !p2, p0  }
0x20: {  	[sflag:s8] =	ssyncset.s32 @!p0 $0xFFFFF086;
	s6 =	sadd.s32 @!p0 s3, s7;
	s7 =	simm.s32 @!p0 $0x108  }
0x21: {  	s3 =	sadd.s32 s3, s9;
	s6 =	sadd.s32 @!p0 $0x88, s6;
	s7 =	simm.s32 @p2 $0x1082  }
0x22: {  	[simem:s7], [sflag:s8] =	dma.local @!p0 [hbm:s6], $0xF7A  }
0x23: {  	s9 =	sor.u32 $0xD0000000, s2;
	s6 =	simm.s32 $0x108;
	_ =	swait.ge @!p0 [sflag:s8], $0x0  }
0x24: {  	s3 =	sadd.s32 $0x88, s3;
	s6 =	simm.s32 @!p1 $0x1082;
	[sflag:s4] =	ssyncset.s32 $0xFFFFF086  }
0x25: {  	[simem:s6], [sflag:s4] =	dma.local [hbm:s3], $0xF7A  }
0x26: {  	[smem:$0x3F9B] =	sst s1;
	(tag) =	ssettag s2;
	_ =	strace s9  }
0x27: {  	s1 =	sld [smem:$0x3FAB]  }
0x28: {  	s2 =	sld [smem:$0x3FAC]  }
0x29: {  	s4 =	sld [smem:$0x3FAE]  }
0x2a: {  	p0 =	seq.s32 s5, $0x0;
	s5 =	sld [smem:$0x3FAF]  }
0x2b: {  	s6 =	sld [smem:$0x3FB0]  }
0x2c: {  	s7 =	sld [smem:$0x3FB1]  }
0x2d: {  	s3 =	simm.s32 $0x108;
	s8 =	sld [smem:$0x3FB2]  }
0x2e: {  	s3 =	simm.s32 @!p0 $0x1082;
	s9 =	sld [smem:$0x3FB3]  }
0x2f: {  	lr =	sadd.s32 s0, s3;
	s0 =	sld [smem:$0x3FAA]  }
0x30: {  	s3 =	sld [smem:$0x3FAD]  }
0x31: {  	[smem:$0x3FB6] =	sst s10  }
0x32: {  	s10 =	sld [smem:$0x3FB4];
	_ =	sdelay $0x3  }
0x33: {  	p0 =	seq.s32 s10, $0x1;
	s10 =	sld [smem:$0x3FB6];
	_ =	sdelay $0x3  }
0x34: {  	[smem:$0x3FB6] =	sst s10  }
0x35: {  	s10 =	sld [smem:$0x3FB5];
	_ =	sdelay $0x3  }
0x36: {  	p1 =	seq.s32 s10, $0x1;
	s10 =	sld [smem:$0x3FB6];
	_ =	sdelay $0x3  }
0x37: {  	[smem:$0x3FB6] =	sst s10  }
0x38: {  	s10 =	sld [smem:$0x3FB7]  }
0x39: {  	_ = 	snop;
	(pc) =	sbr.ind lr, $3  }
0x3a: {  	_ = 	snop  }
0x3b: {  	_ = 	snop  }
0x3c: {  	p2 =	seq.s32 s10, $0x1;
	s10 =	sld [smem:$0x3FB6]  }
0x3d: {  	_ =	shalt  }
0x3e: {  	_ =	shalt  }
0x3f: {  	_ =	shalt  }
0x40: {  	_ =	shalt  }
0x41: {  	_ =	shalt  }
0x42: {  	_ =	shalt  }
0x43: {  	_ =	shalt  }
0x44: {  	_ =	shalt  }
0x45: {  	_ =	shalt  }
0x46: {  	_ =	shalt  }
0x47: {  	_ =	shalt  }
0x48: {  	_ =	shalt  }
0x49: {  	_ =	shalt  }
0x4a: {  	_ =	shalt  }
0x4b: {  	_ =	shalt  }
0x4c: {  	_ =	shalt  }
0x4d: {  	_ =	shalt  }
0x4e: {  	_ =	shalt  }
0x4f: {  	_ =	shalt  }
0x50: {  	_ =	shalt  }
0x51: {  	_ =	shalt  }
0x52: {  	_ =	shalt  }
0x53: {  	_ =	shalt  }
0x54: {  	_ =	shalt  }
0x55: {  	_ =	shalt  }
0x56: {  	_ =	shalt  }
0x57: {  	_ =	shalt  }
0x58: {  	_ =	shalt  }
0x59: {  	_ =	shalt  }
0x5a: {  	_ =	shalt  }
0x5b: {  	_ =	shalt  }
0x5c: {  	_ =	shalt  }
0x5d: {  	_ =	shalt  }
0x5e: {  	_ =	shalt  }
0x5f: {  	_ =	shalt  }
0x60: {  	_ =	shalt  }
0x61: {  	_ =	shalt  }
0x62: {  	_ =	shalt  }
0x63: {  	_ =	shalt  }
0x64: {  	_ =	shalt  }
0x65: {  	_ =	shalt  }
0x66: {  	_ =	shalt  }
0x67: {  	_ =	shalt  }
0x68: {  	_ =	shalt  }
0x69: {  	_ =	shalt  }
0x6a: {  	_ =	shalt  }
0x6b: {  	_ =	shalt  }
0x6c: {  	_ =	shalt  }
0x6d: {  	_ =	shalt  }
0x6e: {  	_ =	shalt  }
0x6f: {  	_ =	shalt  }
0x70: {  	_ =	shalt  }
0x71: {  	_ =	shalt  }
0x72: {  	_ =	shalt  }
0x73: {  	_ =	shalt  }
0x74: {  	_ =	shalt  }
0x75: {  	_ =	shalt  }
0x76: {  	_ =	shalt  }
0x77: {  	_ =	shalt  }
0x78: {  	_ =	shalt  }
0x79: {  	_ =	shalt  }
0x7a: {  	_ =	shalt  }
0x7b: {  	_ =	shalt  }
0x7c: {  	_ =	shalt  }
0x7d: {  	_ =	shalt  }
0x7e: {  	_ =	shalt  }
0x7f: {  	_ =	shalt  }
0x80: {  	_ =	shalt  }
0x81: {  	_ =	shalt  }
0x82: {  	_ =	shalt  }
0x83: {  	_ =	shalt  }
0x84: {  	_ =	shalt  }
0x85: {  	_ =	shalt  }
0x86: {  	_ =	shalt  }
0x87: {  	_ =	shalt  }
.Lfunc_end0:
.L_simem_size_0:
called_computation.1_lowered:
.L_overlay_start_0:
0x88: {  	s2 =	sld [smem:$0x3FD9]  }
0x89: {  	s3 =	sld [smem:$0x3FFE];
	_ =	sdelay $0x1  }
0x8a: {  	s1 =	srdreg.scid  }
0x8b: {  	s0 =	sand.u32 $0x1, s1  }
0x8c: {  	s17 =	sshll.u32 s0, $0xA;
	s2 =	sadd.s32 s3, s2  }
0x8d: {  	s2 =	sadd.s32 s2, s17  }
0x8e: {  	[smem:$0x3FC2] =	sst s2  }
0x8f: {  	_ = 	snop  }
0x90: {  	s2 =	sld [smem:$0x3FD0];
	(tm) =	ssettm $0x1  }
0x91: {  	s18 =	sld [smem:$0x3FFB];
	_ =	sdelay $0x3  }
0x92: {  	_ =	strace s18  }
0x93: {  	s3 =	sld [smem:$0x3FFC];
	_ =	sdelay $0x3  }
0x94: {  	_ =	strace s3  }
0x95: {  	s3 =	sld [smem:$0x3FFD];
	_ =	sdelay $0x3  }
0x96: {  	_ =	strace s3  }
0x97: {  	_ =	strace $0x8FFFFFFF  }
0x98: {  	s19 =	sld [smem:$0x3FDB];
	_ =	sdelay $0x1  }
0x99: {  	s4 =	simm.s32 $_scs_section_size  }
0x9a: {  	s5 =	simm.s32 $_size__tile_overlayer_lowered;
	s6 =	simm.s32 $_tile_overlayer_lowered  }
0x9b: {  	s22 =	simm.s32 $0x1BFF;
	s21 =	sshll.u32 s6, $0x1;
	s3 =	sadd.s32 s4, s19  }
0x9c: {  	s7 =	simm.s32 $0x0;
	s20 =	sshll.u32 s5, $0x1;
	s5 =	sadd.s32 s21, s3  }
0x9d: {  	[timem:s7], [sflag:s22] =	dma.local [hbm:s5], s20  }
0x9e: {  	_ =	swait.ge [sflag:s22], s20  }
0x9f: {  	s4 =	ssub.s32 $0x0, s20;
	[sflag:s22] =	ssyncset.done $0x0  }
0xa0: {  	[sflag:s22] =	ssyncadd.s32 s4;
	_ =	sdelay $0x1  }
0xa1: {  	s23 =	simm.s32 $0x1B8B  }
0xa2: {  	_ =	swait.ge [sflag:s23], $0x1  }
0xa3: {  	[sflag:s23] =	ssyncset.done $0x0  }
0xa4: {  	s25 =	simm.s32 $0x1B8E;
	s24 =	sld [smem:$0x3FFE];
	[sflag:s23] =	ssyncadd.s32 $0xFFFFFFFF  }
0xa5: {  	s26 =	simm.s32 $execute0_lowered;
	[smem:$0x3FD2] =	sst s25  }
0xa6: {  	s5 =	sshll.u32 s26, $0x1;
	_ =	strace $0x80000049;
	[dreg:$0x1] =	wrdreg $0xFFFFFFFF  }
0xa7: {  	s28 =	simm.s32 $_size_execute0_lowered;
	s3 =	sadd.s32 s3, s5;
	[dreg:$0x0] =	wrdreg $0x0  }
0xa8: {  	s5 =	sshll.u32 s28, $0x1;
	[dreg:$0x2] =	wrdreg s3  }
0xa9: {  	[dreg:$0x3] =	wrdreg s5  }
0xaa: {  	[dreg:$0x4] =	wrdreg $0xC0  }
0xab: {  	_ =	task [dreg:s7], $0x5FFFF  }
0xac: {  	[dreg:$0x1] =	wrdreg $0xFFFFFFFF  }
0xad: {  	[dreg:$0x0] =	wrdreg $0x60  }
0xae: {  	[dreg:$0x2] =	wrdreg s24  }
0xaf: {  	[dreg:$0x3] =	wrdreg s2  }
0xb0: {  	[dreg:$0x4] =	wrdreg $0x150000  }
0xb1: {  	[dreg:$0x5] =	wrdreg $0x9  }
0xb2: {  	_ =	task.clear_ibuf [dreg:s7], $0x6FFFF;
	_ =	strace $0x90000049  }
0xb3: {  	s29 =	simm.s32 $0x9;
	_ =	strace $0x8000004B  }
0xb4: {  	_ =	swait.ge [sflag:s29], $0x1  }
0xb5: {  	[sflag:s29] =	ssyncadd.s32 $0xFFFFFFFF  }
0xb6: {  	_ =	strace $0x9000004B  }
0xb7: {  	_ =	sfence  }
0xb8: {  	s30 =	sld [smem:$0x0];
	_ =	sdelay $0x2  }
0xb9: {  	s31 =	sshll.u32 s1, $0xD;
	s1 =	sshrl.u32 s1, $0x2  }
0xba: {  	s3 =	sand.u32 $0x4000, s31;
	s1 =	sadd.s32 s1, s30  }
0xbb: {  	s0 =	sor.u32 s3, s0;
	s1 =	sshll.u32 s1, $0x11  }
0xbc: {  	s0 =	sor.u32 s1, s0  }
0xbd: {  	s0 =	sadd.s32 $0x8F2B, s0  }
0xbe: {  	[sflag:s0] =	ssyncadd.remote.s32 $0x1  }
0xbf: {  	_ =	sfence.sel $0xFFFF  }
0xc0: {  	[dreg:$0x0] =	wrdreg $0xFFFFFFFF;
	(pc) =	sbr.abs _section_cstart, $3  }
0xc1: {  	[dreg:$0x1] =	wrdreg $0xFFFFFFFF  }
0xc2: {  	_ =	task.clear_ibuf [dreg:s7], $0x2FFFF;
	_ =	strace $0x9FFFFFFF  }
0xc3: {  	(tm) =	ssettm $0x7FFFFFFF  }
tec
execute0_lowered:
.L_overlay_start_1:
0x0: {  	(tag) =	ssettag $0x1  }
0x1: {  	s0 =	rddreg [dreg:$0x0]  }
0x2: {  	s2 =	rddreg [dreg:$0x1]  }
0x3: {  	s1 =	rddreg [dreg:$0x2];
	s3 =	srdreg.scid;
	s5 =	simm.s32 $0x0  }
0x4: {  	s11 =	stileid.u32;
	s17 =	simm.s32 $0x80;
	s18 =	simm.s32 $0x5000  }
0x5: {  	s19 =	simm.s32 $0x7000;
	s28 =	simm.s32 $0x2;
	s29 =	simm.s32 $0xF000  }
0x6: {  	s30 =	simm.s32 $0x3;
	s31 =	simm.s32 $0x11000;
	s12 =	simm.s32 $0x13000  }
0x7: {  	s20 =	simm.s32 $0x7;
	s13 =	simm.s32 $0xF;
	s14 =	simm.s32 $0x10  }
0x8: {  	s15 =	simm.s32 $0x0;
	s3 =	sand.u32 $0x1, s3;
	s8 =	smul.u32 $0x28000, s11  }
0x9: {  	[smem:$0x7FF] =	sst s5;
	s7 =	sadd.s32 $0x1B400, s0;
	s9 =	smul.u32 $0xA000, s11  }
0xa: {  	s4 =	sshll.u32 s3, $0x4;
	s21 =	smul.u32 $0x14000, s3;
	_ =	strace $0x8000004A  }
0xb: {  	[dreg:$0x4] =	wrdreg s7;
	s22 =	ssub.s32 $0x2, s3;
	p0 =	sne.s32 s3, $0x0  }
0xc: {  	s6 =	sor.u32 s11, s4;
	s4 =	sadd.s32 $0x7400, s0;
	s23 =	sshrl.u32 s22, $0x1  }
0xd: {  	s25 =	sshrl.u32 s8, $0x2;
	s26 =	sshrl.u32 s9, $0x3;
	s9 =	sadd.s32 s9, s1  }
0xe: {  	s8 =	simm.s32 $0xB;
	s6 =	smul.u32 $0x500, s6;
	s0 =	sadd.s32 s21, s0  }
0xf: {  	s5 =	ssub.s32 s22, s23;
	s7 =	sadd.s32 s25, s1;
	s10 =	sadd.s32 s4, s26  }
0x10: {  	[dreg:$0x6] =	wrdreg s9;
	s21 =	simm.s32 $0x9000;
	s23 =	simm.s32 $0xB000  }
0x11: {  	s25 =	simm.s32 $0x1;
	s22 =	simm.s32 $0x8;
	[dreg:$0x7] =	wrdreg s10  }
0x12: {  	s5 =	smax.u32 s5, $0x1;
	s24 =	sadd.s32 s2, s6;
	s2 =	sadd.s32 $0xA000, s2  }
0x13: {  	s0 =	sadd.s32 $0x1C800, s0;
	[dreg:$0x8] =	wrdreg s5;
	s2 =	sadd.s32 s6, s2  }
0x14: {  	s10 =	simm.s32 $0x11;
	[dreg:$0x9] =	wrdreg s2;
	s2 =	sshll.u32 @p0 s11, $0x6  }
0x15: {  	s0 =	sadd.s32 s26, s0;
	[dreg:$0x5] =	wrdreg s24;
	s2 =	sor.u32 @p0 $0x1C11, s2  }
.Ltmp0:
0x16: {  	[dreg:$0xa] =	wrdreg s2;
	s2 =	sshrl.u32 @p0 s7, $0x3;
	(pc) =	sbr.rel .LBB2_1-.Ltmp0, $4  }
0x17: {  	s26 =	simm.s32 $0xD000;
	[dreg:$0xb] =	wrdreg s2;
	s2 =	sshll.u32 @!p0 s11, $0x6  }
0x18: {  	[dreg:$0xe] =	wrdreg s0;
	s0 =	simm.s32 $0x4;
	s2 =	sor.u32 @!p0 $0x1C11, s2  }
0x19: {  	s7 =	simm.s32 $0xE;
	[dreg:$0xc] =	wrdreg s2;
	s2 =	sshrl.u32 @!p0 s9, $0x3  }
0x1a: {  	s9 =	simm.s32 $0xC;
	[dreg:$0xd] =	wrdreg s2;
	s2 =	simm.s32 $0x5  }
.LBB2_4:
0x1b: {  	_ =	swait.ge [sflag:s22], $0x2000  }
0x1c: {  	[sflag:s22] =	ssyncset.done $0x0  }
0x1d: {  	s5 =	simm.s32 $0x9;
	[sflag:s22] =	ssyncadd.s32 $0xFFFFE000  }
0x1e: {  	[spmem:s1] =	stream.indirect.scatter.add.f32 [tilespmem:s12], [sflag:$0x10], $0x40, s3, s17, $0xb8;
	[tilespmem:$0x1F000] =	vst v63  }
0x1f: {  	_ =	swait.ge [sflag:s5], $0x2000  }
0x20: {  	[sflag:s5] =	ssyncset.done $0x0  }
0x21: {  	s6 =	simm.s32 $0xA;
	[sflag:s5] =	ssyncadd.s32 $0xFFFFE000  }
0x22: {  	_ =	swait.ge [sflag:s6], $0x2000  }
0x23: {  	[sflag:s6] =	ssyncset.done $0x0  }
0x24: {  	[sflag:s6] =	ssyncadd.s32 $0xFFFFE000  }
0x25: {  	_ =	swait.ge [sflag:s8], $0x2000  }
0x26: {  	[sflag:s8] =	ssyncset.done $0x0  }
0x27: {  	[sflag:s8] =	ssyncadd.s32 $0xFFFFE000  }
0x28: {  	_ =	swait.ge [sflag:s9], $0x2000  }
0x29: {  	[sflag:s9] =	ssyncset.done $0x0  }
0x2a: {  	s11 =	simm.s32 $0xD;
	[sflag:s9] =	ssyncadd.s32 $0xFFFFE000  }
0x2b: {  	_ =	swait.ge [sflag:s11], $0x2000  }
0x2c: {  	[sflag:s11] =	ssyncset.done $0x0  }
0x2d: {  	[sflag:s11] =	ssyncadd.s32 $0xFFFFE000  }
0x2e: {  	_ =	swait.ge [sflag:s7], $0x2000  }
0x2f: {  	[sflag:s7] =	ssyncset.done $0x0  }
0x30: {  	[sflag:s7] =	ssyncadd.s32 $0xFFFFE000  }
0x31: {  	_ =	swait.ge [sflag:s13], $0x2000  }
0x32: {  	[sflag:s13] =	ssyncset.done $0x0  }
0x33: {  	[sflag:s13] =	ssyncadd.s32 $0xFFFFE000  }
0x34: {  	_ =	swait.ge [sflag:s14], $0x2000  }
0x35: {  	[sflag:s14] =	ssyncset.done $0x0  }
0x36: {  	[sflag:s14] =	ssyncadd.s32 $0xFFFFE000  }
0x37: {  	s16 =	stileid.u32;
	[bflag:$0x0] =	sbarrier.arrive $0xFFFF  }
0x38: {  	s3 =	sshll.u32 s16, $0x6;
	s5 =	rddreg [dreg:$0x6]  }
0x39: {  	s3 =	sor.u32 $0x1C11, s3;
	s6 =	rddreg [dreg:$0xe];
	s5 =	sshrl.u32 s5, $0x3  }
0x3a: {  	[hbm:s6], [sflag:s3] =	dma.local [spmem:s5], $0x1400  }
0x3b: {  	_ =	swait.ge [sflag:s10], $0x1400  }
0x3c: {  	s15 =	sadd.s32 $0x1, s15;
	s24 =	rddreg [dreg:$0x8]  }
0x3d: {  	p1 =	sne.s32 s15, s24  }
.Ltmp1:
0x3e: {  	_ = 	snop;
	(pc) =	sbr.rel @!p1 .LBB2_5-.Ltmp1, $3  }
0x3f: {  	_ =	sdelay $0x1  }
0x40: {  	[sflag:s10] =	ssyncset.done $0x0  }
0x41: {  	[sflag:s10] =	ssyncadd.s32 $0xFFFFEC00  }
.LBB2_1:
0x42: {  	s3 =	simm.s32 $0x0;
	s5 =	rddreg [dreg:$0x5]  }
0x43: {  	[tilespmem:s3], [sflag:$0x11] =	stream.linear.gather [hbm4b:s5+s3], $0x2800, $0x38;
	[tilespmem:$0x1F000] =	vst v63  }
0x44: {  	_ =	swait.ge [sflag:s10], $0x2800  }
0x45: {  	[sflag:s10] =	ssyncset.done $0x0  }
0x46: {  	s6 =	simm.s32 $0x2800;
	s11 =	rddreg [dreg:$0x9];
	[sflag:s10] =	ssyncadd.s32 $0xFFFFD800  }
0x47: {  	[tilespmem:s6], [sflag:$0x11] =	stream.linear.gather [hbm4b:s11+s3], $0x2800, $0x38;
	[tilespmem:$0x1F000] =	vst v63  }
0x48: {  	_ =	swait.ge [sflag:s10], $0x2800  }
0x49: {  	s5 =	rddreg [dreg:$0x4]  }
0x4a: {  	[sflag:s10] =	ssyncset.done $0x0;
	s6 =	rddreg [dreg:$0xa]  }
0x4b: {  	s11 =	rddreg [dreg:$0xb];
	[sflag:s10] =	ssyncadd.s32 $0xFFFFD800  }
0x4c: {  	[spmem:s11], [sflag:s6] =	dma.local @p0 [hbm:s5], $0x1400  }
0x4d: {  	s5 =	rddreg [dreg:$0x7]  }
0x4e: {  	s6 =	rddreg [dreg:$0xc]  }
0x4f: {  	s11 =	rddreg [dreg:$0xd]  }
0x50: {  	[spmem:s11], [sflag:s6] =	dma.local @!p0 [hbm:s5], $0x1400  }
0x51: {  	_ =	swait.ge [sflag:s10], $0x1400  }
0x52: {  	[sflag:s10] =	ssyncset.done $0x0  }
0x53: {  	[sflag:s10] =	ssyncadd.s32 $0xFFFFEC00  }
0x54: {  	[bflag:$0x0] =	sbarrier.arrive $0xFFFF  }
0x55: {  	[tilespmem:s18], [sflag:$0x1] =	stream.indirect.gather [hbm4b:s4+s17], $0x40, s3, s17, $0xb8;
	[tilespmem:$0x1F000] =	vst v63  }
0x56: {  	_ = 	snop  }
0x57: {  	[tilespmem:s19], [sflag:$0x2] =	stream.indirect.gather [hbm4b:s4+s17], $0x40, s17, s17, $0xb8;
	[tilespmem:$0x1F000] =	vst v63  }
0x58: {  	s16 =	simm.s32 $0x100  }
0x59: {  	[tilespmem:s21], [sflag:$0x3] =	stream.indirect.gather [hbm4b:s4+s17], $0x40, s16, s17, $0xb8;
	[tilespmem:$0x1F000] =	vst v63  }
0x5a: {  	s24 =	simm.s32 $0x180;
	s16 =	simm.s32 $0x0  }
0x5b: {  	[tilespmem:s23], [sflag:$0x4] =	stream.indirect.gather [hbm4b:s4+s17], $0x40, s24, s17, $0xb8;
	[tilespmem:$0x1F000] =	vst v63  }
.LBB2_2:
0x5c: {  	_ =	swait.ge [sflag:s25], $0x2000  }
0x5d: {  	s24 =	sshra.s32 s16, $0x2;
	[sflag:s25] =	ssyncset.done $0x0  }
0x5e: {  	p1 =	seq.s32 s16, $0x0;
	s3 =	sadd.s32 $0x2800, s24;
	[sflag:s25] =	ssyncadd.s32 $0xFFFFE000  }
0x5f: {  	[spmem:s1] =	stream.indirect.scatter.add.f32 [tilespmem:s18], [sflag:$0x9], $0x40, s3, s17, $0xb8;
	[tilespmem:$0x1F000] =	vst v63  }
0x60: {  	s3 =	simm.s32 @!p1 $0xD  }
0x61: {  	_ =	swait.ge @!p1 [sflag:s3], $0x2000  }
0x62: {  	[sflag:s3] =	ssyncset.done @!p1 $0x0  }
0x63: {  	s5 =	sadd.s32 $0x200, s24;
	[sflag:s3] =	ssyncadd.s32 @!p1 $0xFFFFE000  }
0x64: {  	[tilespmem:s26], [sflag:$0x5] =	stream.indirect.gather [hbm4b:s4+s17], $0x40, s5, s17, $0xb8;
	[tilespmem:$0x1F000] =	vst v63  }
0x65: {  	_ =	swait.ge [sflag:s28], $0x2000  }
0x66: {  	[sflag:s28] =	ssyncset.done $0x0  }
0x67: {  	s6 =	sadd.s32 $0x2880, s24;
	s3 =	simm.s32 @!p1 $0xE;
	[sflag:s28] =	ssyncadd.s32 $0xFFFFE000  }
0x68: {  	[spmem:s1] =	stream.indirect.scatter.add.f32 [tilespmem:s19], [sflag:$0xA], $0x40, s6, s17, $0xb8;
	[tilespmem:$0x1F000] =	vst v63  }
0x69: {  	_ =	swait.ge @!p1 [sflag:s3], $0x2000  }
0x6a: {  	[sflag:s3] =	ssyncset.done @!p1 $0x0  }
0x6b: {  	s11 =	sadd.s32 $0x280, s24;
	[sflag:s3] =	ssyncadd.s32 @!p1 $0xFFFFE000  }
0x6c: {  	[tilespmem:s29], [sflag:$0x6] =	stream.indirect.gather [hbm4b:s4+s17], $0x40, s11, s17, $0xb8;
	[tilespmem:$0x1F000] =	vst v63  }
0x6d: {  	_ =	swait.ge [sflag:s30], $0x2000  }
0x6e: {  	[sflag:s30] =	ssyncset.done $0x0  }
0x6f: {  	s5 =	sadd.s32 $0x2900, s24;
	s3 =	simm.s32 @!p1 $0xF;
	[sflag:s30] =	ssyncadd.s32 $0xFFFFE000  }
0x70: {  	[spmem:s1] =	stream.indirect.scatter.add.f32 [tilespmem:s21], [sflag:$0xB], $0x40, s5, s17, $0xb8;
	[tilespmem:$0x1F000] =	vst v63  }
0x71: {  	_ =	swait.ge @!p1 [sflag:s3], $0x2000  }
0x72: {  	[sflag:s3] =	ssyncset.done @!p1 $0x0  }
0x73: {  	s6 =	sadd.s32 $0x300, s24;
	[sflag:s3] =	ssyncadd.s32 @!p1 $0xFFFFE000  }
0x74: {  	[tilespmem:s31], [sflag:$0x7] =	stream.indirect.gather [hbm4b:s4+s17], $0x40, s6, s17, $0xb8;
	[tilespmem:$0x1F000] =	vst v63  }
0x75: {  	_ =	swait.ge [sflag:s0], $0x2000  }
0x76: {  	[sflag:s0] =	ssyncset.done $0x0  }
0x77: {  	s11 =	sadd.s32 $0x2980, s24;
	s3 =	simm.s32 @!p1 $0x10;
	[sflag:s0] =	ssyncadd.s32 $0xFFFFE000  }
0x78: {  	[spmem:s1] =	stream.indirect.scatter.add.f32 [tilespmem:s23], [sflag:$0xC], $0x40, s11, s17, $0xb8;
	[tilespmem:$0x1F000] =	vst v63  }
0x79: {  	_ =	swait.ge @!p1 [sflag:s3], $0x2000  }
0x7a: {  	[sflag:s3] =	ssyncset.done @!p1 $0x0  }
0x7b: {  	s5 =	sadd.s32 $0x380, s24;
	[sflag:s3] =	ssyncadd.s32 @!p1 $0xFFFFE000  }
0x7c: {  	[tilespmem:s12], [sflag:$0x8] =	stream.indirect.gather [hbm4b:s4+s17], $0x40, s5, s17, $0xb8;
	[tilespmem:$0x1F000] =	vst v63  }
0x7d: {  	_ =	swait.ge [sflag:s2], $0x2000  }
0x7e: {  	p1 =	seq.s32 s16, $0x9000;
	[sflag:s2] =	ssyncset.done $0x0  }
0x7f: {  	s6 =	sadd.s32 $0x2A00, s24;
	s3 =	simm.s32 @p1 $0x6;
	[sflag:s2] =	ssyncadd.s32 $0xFFFFE000  }
0x80: {  	[spmem:s1] =	stream.indirect.scatter.add.f32 [tilespmem:s26], [sflag:$0xD], $0x40, s6, s17, $0xb8;
	[tilespmem:$0x1F000] =	vst v63  }
0x81: {  	_ =	swait.ge @p1 [sflag:s3], $0x2000  }
0x82: {  	[sflag:s3] =	ssyncset.done @p1 $0x0  }
0x83: {  	[sflag:s3] =	ssyncadd.s32 @p1 $0xFFFFE000;
	s3 =	sshra.s32 @p1 s16, $0x2  }
0x84: {  	s5 =	simm.s32 @p1 $0x80;
	s6 =	simm.s32 @p1 $0xF000;
	s3 =	sadd.s32 @p1 $0x2A80, s3  }
0x85: {  	[spmem:s1] =	stream.indirect.scatter.add.f32 @p1 [tilespmem:s6], [sflag:$0xE], $0x40, s3, s5, $0xb8;
	[tilespmem:$0x1F000] =	vst v63  }
0x86: {  	s3 =	simm.s32 @!p1 $0x9  }
0x87: {  	_ =	swait.ge @!p1 [sflag:s3], $0x2000  }
0x88: {  	[sflag:s3] =	ssyncset.done @!p1 $0x0  }
0x89: {  	[sflag:s3] =	ssyncadd.s32 @!p1 $0xFFFFE000;
	s3 =	sshra.s32 @!p1 s16, $0x2  }
0x8a: {  	s11 =	simm.s32 @!p1 $0x5000;
	s6 =	simm.s32 @!p1 $0x80;
	s5 =	sadd.s32 @!p1 $0x400, s3  }
0x8b: {  	[tilespmem:s11], [sflag:$0x1] =	stream.indirect.gather @!p1 [hbm4b:s4+s6], $0x40, s5, s6, $0xb8;
	[tilespmem:$0x1F000] =	vst v63  }
0x8c: {  	s5 =	simm.s32 @!p1 $0x6  }
0x8d: {  	_ =	swait.ge @!p1 [sflag:s5], $0x2000  }
0x8e: {  	[sflag:s5] =	ssyncset.done @!p1 $0x0  }
0x8f: {  	s11 =	simm.s32 @!p1 $0xF000;
	[sflag:s5] =	ssyncadd.s32 @!p1 $0xFFFFE000;
	s5 =	sadd.s32 @!p1 $0x2A80, s3  }
0x90: {  	[spmem:s1] =	stream.indirect.scatter.add.f32 @!p1 [tilespmem:s11], [sflag:$0xE], $0x40, s5, s6, $0xb8;
	[tilespmem:$0x1F000] =	vst v63  }
0x91: {  	s5 =	simm.s32 @!p1 $0xA  }
0x92: {  	_ =	swait.ge @!p1 [sflag:s5], $0x2000  }
0x93: {  	[sflag:s5] =	ssyncset.done @!p1 $0x0  }
0x94: {  	s3 =	sadd.s32 @!p1 $0x480, s3;
	[sflag:s5] =	ssyncadd.s32 @!p1 $0xFFFFE000;
	s5 =	simm.s32 @!p1 $0x7000  }
0x95: {  	[tilespmem:s5], [sflag:$0x2] =	stream.indirect.gather @!p1 [hbm4b:s4+s6], $0x40, s3, s6, $0xb8;
	[tilespmem:$0x1F000] =	vst v63  }
.Ltmp2:
0x96: {  	_ = 	snop;
	(pc) =	sbr.rel @p1 .LBB2_4-.Ltmp2, $4  }
0x97: {  	_ =	swait.ge [sflag:s20], $0x2000  }
0x98: {  	[sflag:s20] =	ssyncset.done $0x0  }
0x99: {  	s11 =	sadd.s32 $0x2B00, s24;
	s3 =	sadd.s32 $0x2B80, s24;
	[sflag:s20] =	ssyncadd.s32 $0xFFFFE000  }
0x9a: {  	[spmem:s1] =	stream.indirect.scatter.add.f32 [tilespmem:s31], [sflag:$0xF], $0x40, s11, s17, $0xb8;
	[tilespmem:$0x1F000] =	vst v63  }
0x9b: {  	_ =	swait.ge [sflag:s8], $0x2000  }
0x9c: {  	[sflag:s8] =	ssyncset.done $0x0  }
0x9d: {  	s5 =	sadd.s32 $0x500, s24;
	[sflag:s8] =	ssyncadd.s32 $0xFFFFE000  }
0x9e: {  	[tilespmem:s21], [sflag:$0x3] =	stream.indirect.gather [hbm4b:s4+s17], $0x40, s5, s17, $0xb8;
	[tilespmem:$0x1F000] =	vst v63  }
0x9f: {  	_ =	swait.ge [sflag:s22], $0x2000  }
0xa0: {  	[sflag:s22] =	ssyncset.done $0x0  }
0xa1: {  	[sflag:s22] =	ssyncadd.s32 $0xFFFFE000  }
0xa2: {  	[spmem:s1] =	stream.indirect.scatter.add.f32 [tilespmem:s12], [sflag:$0x10], $0x40, s3, s17, $0xb8;
	[tilespmem:$0x1F000] =	vst v63  }
.Ltmp3:
0xa3: {  	_ = 	snop;
	(pc) =	sbr.rel .LBB2_2-.Ltmp3, $4  }
0xa4: {  	_ =	swait.ge [sflag:s9], $0x2000  }
0xa5: {  	[sflag:s9] =	ssyncset.done $0x0  }
0xa6: {  	s24 =	sadd.s32 $0x580, s24;
	s16 =	sadd.s32 $0x1000, s16;
	[sflag:s9] =	ssyncadd.s32 $0xFFFFE000  }
0xa7: {  	[tilespmem:s23], [sflag:$0x4] =	stream.indirect.gather [hbm4b:s4+s17], $0x40, s24, s17, $0xb8;
	[tilespmem:$0x1F000] =	vst v63  }
.LBB2_5:
0xa8: {  	_ =	sfence.sel $0x180000  }
0xa9: {  	[bflag:$0x0] =	sbarrier.arrive $0xFFFF  }
0xaa: {  	_ =	strace $0x9000004A  }
0xab: {  	s0 =	stileid.u32;
	[bflag:$0x2] =	sbarrier.arrive $0xFFFF  }
0xac: {  	p0 =	sne.s32 s0, $0x0;
	s0 =	rddreg [dreg:$0x3]  }
0xad: {  	s0 =	sadd.s32 @!p0 $0x100000, s0  }
0xae: {  	[sflag:s0] =	ssyncadd.tile.s32 @!p0 $0x1;
	_ =	shalt  }
.Lfunc_end2:
_tile_overlayer_lowered:
.L_overlay_start_2:
0xaf: {  	(tag) =	ssettag $0x2  }
0xb0: {  	s0 =	rddreg [dreg:$0x0];
	s2 =	stileid.u32  }
0xb1: {  	s1 =	rddreg [dreg:$0x1];
	p0 =	sne.s32 s2, $0x0  }
0xb2: {  	s3 =	rddreg [dreg:$0x2];
	[bflag:$0x3] =	sbarrier.arrive $0xFFFF;
	s2 =	simm.s32 @!p0 $0x1C11  }
0xb3: {  	[timem:s3], [sflag:s2] =	dma.local @!p0 [hbm:s0], s1  }
0xb4: {  	s0 =	simm.s32 @!p0 $0x11  }
0xb5: {  	_ =	swait.ge @!p0 [sflag:s0], s1  }
0xb6: {  	s1 =	ssub.s32 @!p0 $0x0, s1;
	[sflag:s0] =	ssyncset.done @!p0 $0x0  }
0xb7: {  	[sflag:s0] =	ssyncadd.s32 @!p0 s1  }
0xb8: {  	[bflag:$0x3] =	sbarrier.arrive $0xFFFF  }
0xb9: {  	_ =	shalt  }

// kernel: kernel.14.cloned.1.call-start
scs
__scs_entry_jumppad:
0x0: {  	(pc) =	sbr.rel $0x88, $3  }
0x1: {  	(tag) =	ssettag $0x0;
	lr =	simm.s32 $0x1  }
0x2: {  	[smem:$0x3F9B] =	sst lr;
	_ =	strace $0xD0000000  }
0x3: {  	_ = 	snop  }
0x4: {  	_ = 	snop  }
0x5: {  	_ = 	snop  }
0x6: {  	_ = 	snop  }
0x7: {  	_ = 	snop  }
__scs_overlays_trampoline_lowered:
0x8: {  	[smem:$0x3FAA] =	sst s0  }
0x9: {  	[smem:$0x3FAB] =	sst s1  }
0xa: {  	[smem:$0x3FAC] =	sst s2  }
0xb: {  	[smem:$0x3FAD] =	sst s3  }
0xc: {  	[smem:$0x3FAE] =	sst s4  }
0xd: {  	[smem:$0x3FAF] =	sst s5  }
0xe: {  	[smem:$0x3FB0] =	sst s6  }
0xf: {  	[smem:$0x3FB1] =	sst s7  }
0x10: {  	[smem:$0x3FB2] =	sst s8  }
0x11: {  	[smem:$0x3FB3] =	sst s9;
	s0 =	simm.s32 @!p0 $0x0  }
0x12: {  	s1 =	sld [smem:$0x3F99];
	s0 =	simm.s32 @p0 $0x1  }
0x13: {  	[smem:$0x3FB4] =	sst s0;
	s0 =	simm.s32 @!p1 $0x0  }
0x14: {  	s2 =	sld [smem:$0x3F98];
	s0 =	simm.s32 @p1 $0x1  }
0x15: {  	[smem:$0x3FB5] =	sst s0;
	s0 =	simm.s32 @!p2 $0x0  }
0x16: {  	s3 =	sld [smem:$0x3FDB];
	s0 =	simm.s32 @p2 $0x1  }
0x17: {  	s4 =	simm.s32 $0x1BF5;
	[smem:$0x3FB7] =	sst s0  }
0x18: {  	s0 =	sld [smem:$0x3F9A];
	_ =	swait.ge [sflag:s4], $0x0  }
0x19: {  	s7 =	sld [smem:$0x3F9B]  }
0x1a: {  	s8 =	sadd.s32 $0xFFFFE003, lr  }
0x1b: {  	s9 =	sadd.s32 $0xFFFFFEF7, lr;
	s5 =	simm.s32 $0xFFFFFFFF;
	p2 =	slt.u32 s8, $0xFFFFF086  }
0x1c: {  	p1 =	slt.u32 s9, $0xF7A;
	s5 =	simm.s32 @!p2 $0x0  }
0x1d: {  	s5 =	simm.s32 @p1 $0x1;
	p0 =	seq.s32 s7, s2  }
0x1e: {  	s7 =	smul.u32 @!p0 $0xF7A, s2;
	p2 =	seq.s32 @!p0 s5, $0x0  }
0x1f: {  	s9 =	smul.u32 $0xF7A, s1;
	s8 =	simm.s32 @!p0 $0x1BF5;
	p2 =	por !p2, p0  }
0x20: {  	[sflag:s8] =	ssyncset.s32 @!p0 $0xFFFFF086;
	s6 =	sadd.s32 @!p0 s3, s7;
	s7 =	simm.s32 @!p0 $0x108  }
0x21: {  	s3 =	sadd.s32 s3, s9;
	s6 =	sadd.s32 @!p0 $0x88, s6;
	s7 =	simm.s32 @p2 $0x1082  }
0x22: {  	[simem:s7], [sflag:s8] =	dma.local @!p0 [hbm:s6], $0xF7A  }
0x23: {  	s9 =	sor.u32 $0xD0000000, s2;
	s6 =	simm.s32 $0x108;
	_ =	swait.ge @!p0 [sflag:s8], $0x0  }
0x24: {  	s3 =	sadd.s32 $0x88, s3;
	s6 =	simm.s32 @!p1 $0x1082;
	[sflag:s4] =	ssyncset.s32 $0xFFFFF086  }
0x25: {  	[simem:s6], [sflag:s4] =	dma.local [hbm:s3], $0xF7A  }
0x26: {  	[smem:$0x3F9B] =	sst s1;
	(tag) =	ssettag s2;
	_ =	strace s9  }
0x27: {  	s1 =	sld [smem:$0x3FAB]  }
0x28: {  	s2 =	sld [smem:$0x3FAC]  }
0x29: {  	s4 =	sld [smem:$0x3FAE]  }
0x2a: {  	p0 =	seq.s32 s5, $0x0;
	s5 =	sld [smem:$0x3FAF]  }
0x2b: {  	s6 =	sld [smem:$0x3FB0]  }
0x2c: {  	s7 =	sld [smem:$0x3FB1]  }
0x2d: {  	s3 =	simm.s32 $0x108;
	s8 =	sld [smem:$0x3FB2]  }
0x2e: {  	s3 =	simm.s32 @!p0 $0x1082;
	s9 =	sld [smem:$0x3FB3]  }
0x2f: {  	lr =	sadd.s32 s0, s3;
	s0 =	sld [smem:$0x3FAA]  }
0x30: {  	s3 =	sld [smem:$0x3FAD]  }
0x31: {  	[smem:$0x3FB6] =	sst s10  }
0x32: {  	s10 =	sld [smem:$0x3FB4];
	_ =	sdelay $0x3  }
0x33: {  	p0 =	seq.s32 s10, $0x1;
	s10 =	sld [smem:$0x3FB6];
	_ =	sdelay $0x3  }
0x34: {  	[smem:$0x3FB6] =	sst s10  }
0x35: {  	s10 =	sld [smem:$0x3FB5];
	_ =	sdelay $0x3  }
0x36: {  	p1 =	seq.s32 s10, $0x1;
	s10 =	sld [smem:$0x3FB6];
	_ =	sdelay $0x3  }
0x37: {  	[smem:$0x3FB6] =	sst s10  }
0x38: {  	s10 =	sld [smem:$0x3FB7]  }
0x39: {  	_ = 	snop;
	(pc) =	sbr.ind lr, $3  }
0x3a: {  	_ = 	snop  }
0x3b: {  	_ = 	snop  }
0x3c: {  	p2 =	seq.s32 s10, $0x1;
	s10 =	sld [smem:$0x3FB6]  }
0x3d: {  	_ =	shalt  }
0x3e: {  	_ =	shalt  }
0x3f: {  	_ =	shalt  }
0x40: {  	_ =	shalt  }
0x41: {  	_ =	shalt  }
0x42: {  	_ =	shalt  }
0x43: {  	_ =	shalt  }
0x44: {  	_ =	shalt  }
0x45: {  	_ =	shalt  }
0x46: {  	_ =	shalt  }
0x47: {  	_ =	shalt  }
0x48: {  	_ =	shalt  }
0x49: {  	_ =	shalt  }
0x4a: {  	_ =	shalt  }
0x4b: {  	_ =	shalt  }
0x4c: {  	_ =	shalt  }
0x4d: {  	_ =	shalt  }
0x4e: {  	_ =	shalt  }
0x4f: {  	_ =	shalt  }
0x50: {  	_ =	shalt  }
0x51: {  	_ =	shalt  }
0x52: {  	_ =	shalt  }
0x53: {  	_ =	shalt  }
0x54: {  	_ =	shalt  }
0x55: {  	_ =	shalt  }
0x56: {  	_ =	shalt  }
0x57: {  	_ =	shalt  }
0x58: {  	_ =	shalt  }
0x59: {  	_ =	shalt  }
0x5a: {  	_ =	shalt  }
0x5b: {  	_ =	shalt  }
0x5c: {  	_ =	shalt  }
0x5d: {  	_ =	shalt  }
0x5e: {  	_ =	shalt  }
0x5f: {  	_ =	shalt  }
0x60: {  	_ =	shalt  }
0x61: {  	_ =	shalt  }
0x62: {  	_ =	shalt  }
0x63: {  	_ =	shalt  }
0x64: {  	_ =	shalt  }
0x65: {  	_ =	shalt  }
0x66: {  	_ =	shalt  }
0x67: {  	_ =	shalt  }
0x68: {  	_ =	shalt  }
0x69: {  	_ =	shalt  }
0x6a: {  	_ =	shalt  }
0x6b: {  	_ =	shalt  }
0x6c: {  	_ =	shalt  }
0x6d: {  	_ =	shalt  }
0x6e: {  	_ =	shalt  }
0x6f: {  	_ =	shalt  }
0x70: {  	_ =	shalt  }
0x71: {  	_ =	shalt  }
0x72: {  	_ =	shalt  }
0x73: {  	_ =	shalt  }
0x74: {  	_ =	shalt  }
0x75: {  	_ =	shalt  }
0x76: {  	_ =	shalt  }
0x77: {  	_ =	shalt  }
0x78: {  	_ =	shalt  }
0x79: {  	_ =	shalt  }
0x7a: {  	_ =	shalt  }
0x7b: {  	_ =	shalt  }
0x7c: {  	_ =	shalt  }
0x7d: {  	_ =	shalt  }
0x7e: {  	_ =	shalt  }
0x7f: {  	_ =	shalt  }
0x80: {  	_ =	shalt  }
0x81: {  	_ =	shalt  }
0x82: {  	_ =	shalt  }
0x83: {  	_ =	shalt  }
0x84: {  	_ =	shalt  }
0x85: {  	_ =	shalt  }
0x86: {  	_ =	shalt  }
0x87: {  	_ =	shalt  }
.Lfunc_end0:
.L_simem_size_0:
called_computation.2_lowered:
.L_overlay_start_0:
0x88: {  	s2 =	sld [smem:$0x3FD9]  }
0x89: {  	s3 =	sld [smem:$0x3FFE];
	_ =	sdelay $0x1  }
0x8a: {  	s1 =	srdreg.scid  }
0x8b: {  	s0 =	sand.u32 $0x1, s1  }
0x8c: {  	s17 =	sshll.u32 s0, $0xA;
	s2 =	sadd.s32 s3, s2  }
0x8d: {  	s2 =	sadd.s32 s2, s17  }
0x8e: {  	[smem:$0x3FC2] =	sst s2  }
0x8f: {  	_ = 	snop  }
0x90: {  	s2 =	sld [smem:$0x3FC6];
	(tm) =	ssettm $0x1  }
0x91: {  	s18 =	sld [smem:$0x3FFB];
	_ =	sdelay $0x3  }
0x92: {  	_ =	strace s18  }
0x93: {  	s3 =	sld [smem:$0x3FFC];
	_ =	sdelay $0x3  }
0x94: {  	_ =	strace s3  }
0x95: {  	s3 =	sld [smem:$0x3FFD];
	_ =	sdelay $0x3  }
0x96: {  	_ =	strace s3  }
0x97: {  	_ =	strace $0x8FFFFFFF  }
0x98: {  	s19 =	sld [smem:$0x3FDB];
	_ =	sdelay $0x1  }
0x99: {  	s4 =	simm.s32 $_scs_section_size  }
0x9a: {  	s5 =	simm.s32 $_size__tile_overlayer_lowered;
	s6 =	simm.s32 $_tile_overlayer_lowered  }
0x9b: {  	s22 =	simm.s32 $0x1BFF;
	s21 =	sshll.u32 s6, $0x1;
	s3 =	sadd.s32 s4, s19  }
0x9c: {  	s7 =	simm.s32 $0x0;
	s20 =	sshll.u32 s5, $0x1;
	s5 =	sadd.s32 s21, s3  }
0x9d: {  	[timem:s7], [sflag:s22] =	dma.local [hbm:s5], s20  }
0x9e: {  	_ =	swait.ge [sflag:s22], s20  }
0x9f: {  	s4 =	ssub.s32 $0x0, s20;
	[sflag:s22] =	ssyncset.done $0x0  }
0xa0: {  	[sflag:s22] =	ssyncadd.s32 s4;
	_ =	sdelay $0x1  }
0xa1: {  	s23 =	simm.s32 $0x1B8B  }
0xa2: {  	_ =	swait.ge [sflag:s23], $0x1  }
0xa3: {  	[sflag:s23] =	ssyncset.done $0x0  }
0xa4: {  	s25 =	simm.s32 $0x1B8E;
	s24 =	sld [smem:$0x3FFE];
	[sflag:s23] =	ssyncadd.s32 $0xFFFFFFFF  }
0xa5: {  	s26 =	simm.s32 $execute0_lowered;
	[smem:$0x3FD2] =	sst s25  }
0xa6: {  	s5 =	sshll.u32 s26, $0x1;
	_ =	strace $0x8000004C;
	[dreg:$0x1] =	wrdreg $0xFFFFFFFF  }
0xa7: {  	s28 =	simm.s32 $_size_execute0_lowered;
	s3 =	sadd.s32 s3, s5;
	[dreg:$0x0] =	wrdreg $0x0  }
0xa8: {  	s5 =	sshll.u32 s28, $0x1;
	[dreg:$0x2] =	wrdreg s3  }
0xa9: {  	[dreg:$0x3] =	wrdreg s5  }
0xaa: {  	[dreg:$0x4] =	wrdreg $0xC0  }
0xab: {  	_ =	task [dreg:s7], $0x5FFFF  }
0xac: {  	[dreg:$0x1] =	wrdreg $0xFFFFFFFF  }
0xad: {  	[dreg:$0x0] =	wrdreg $0x60  }
0xae: {  	[dreg:$0x2] =	wrdreg s24  }
0xaf: {  	[dreg:$0x3] =	wrdreg s2  }
0xb0: {  	[dreg:$0x4] =	wrdreg $0x9  }
0xb1: {  	_ =	task.clear_ibuf [dreg:s7], $0x5FFFF;
	_ =	strace $0x9000004C  }
0xb2: {  	s29 =	simm.s32 $0x9;
	_ =	strace $0x8000004E  }
0xb3: {  	_ =	swait.ge [sflag:s29], $0x1  }
0xb4: {  	[sflag:s29] =	ssyncadd.s32 $0xFFFFFFFF  }
0xb5: {  	_ =	strace $0x9000004E  }
0xb6: {  	_ =	sfence  }
0xb7: {  	s30 =	sld [smem:$0x0];
	_ =	sdelay $0x2  }
0xb8: {  	s31 =	sshll.u32 s1, $0xD;
	s1 =	sshrl.u32 s1, $0x2  }
0xb9: {  	s3 =	sand.u32 $0x4000, s31;
	s1 =	sadd.s32 s1, s30  }
0xba: {  	s0 =	sor.u32 s3, s0;
	s1 =	sshll.u32 s1, $0x11  }
0xbb: {  	s0 =	sor.u32 s1, s0  }
0xbc: {  	s0 =	sadd.s32 $0x8F2B, s0  }
0xbd: {  	[sflag:s0] =	ssyncadd.remote.s32 $0x1  }
0xbe: {  	_ =	sfence.sel $0xFFFF  }
0xbf: {  	[dreg:$0x0] =	wrdreg $0xFFFFFFFF;
	(pc) =	sbr.abs _section_cstart, $3  }
0xc0: {  	[dreg:$0x1] =	wrdreg $0xFFFFFFFF  }
0xc1: {  	_ =	task.clear_ibuf [dreg:s7], $0x2FFFF;
	_ =	strace $0x9FFFFFFF  }
0xc2: {  	(tm) =	ssettm $0x7FFFFFFF  }
0xc3: {  	_ =	shalt  }
tec
execute0_lowered:
.L_overlay_start_1:
0x0: {  	(tag) =	ssettag $0x1  }
0x1: {  	s0 =	srdreg.scid;
	s6 =	rddreg [dreg:$0x0]  }
0x2: {  	s2 =	rddreg [dreg:$0x1];
	s3 =	simm.s32 $0x0;
	s4 =	sand.u32 $0x1, s0  }
0x3: {  	s11 =	simm.s32 $0xA000;
	s0 =	stileid.u32;
	s1 =	sshll.u32 s4, $0x4  }
0x4: {  	s14 =	simm.s32 $0xB400;
	s15 =	simm.s32 $0x0;
	s5 =	sor.u32 s0, s1  }
0x5: {  	[smem:$0x7FF] =	sst s3;
	s10 =	sadd.s32 $0x30800, s6;
	s12 =	smul.u32 $0x140, s5  }
0x6: {  	s13 =	sadd.s32 $0x4C00, s6;
	s4 =	ssub.s32 $0x2, s4;
	s9 =	smul.u32 $0xA00, s5  }
0x7: {  	s1 =	rddreg [dreg:$0x2];
	_ =	strace $0x8000004D;
	s8 =	sshrl.u32 s4, $0x1  }
0x8: {  	s8 =	ssub.s32 s4, s8;
	s31 =	sadd.s32 s12, s6;
	s7 =	sadd.s32 s9, s6  }
0x9: {  	s9 =	sadd.s32 s9, s10;
	s10 =	simm.s32 $0x5000;
	s12 =	sadd.s32 s12, s13  }
0xa: {  	s13 =	simm.s32 $0xAA00;
	s4 =	sadd.s32 $0x1C800, s7;
	s5 =	sadd.s32 $0x2400, s31  }
0xb: {  	s6 =	sadd.s32 $0x7400, s7;
	s7 =	smax.u32 s8, $0x1;
	s8 =	simm.s32 $0x1  }
.LBB2_1:
0xc: {  	[tilespmem:s3], [sflag:$0x1] =	stream.linear.gather [hbm4b:s4+s3], $0x5000, $0x38;
	[tilespmem:$0xB440] =	vst v63  }
0xd: {  	_ =	swait.ge [sflag:s8], $0x5000  }
0xe: {  	[sflag:s8] =	ssyncset.done $0x0  }
0xf: {  	[sflag:s8] =	ssyncadd.s32 $0xFFFFB000  }
0x10: {  	[tilespmem:s10], [sflag:$0x1] =	stream.linear.gather [hbm4b:s9+s3], $0x5000, $0x38;
	[tilespmem:$0xB440] =	vst v63  }
0x11: {  	_ =	swait.ge [sflag:s8], $0x5000  }
0x12: {  	[sflag:s8] =	ssyncset.done $0x0  }
0x13: {  	[sflag:s8] =	ssyncadd.s32 $0xFFFFB000  }
0x14: {  	[tilespmem:s11], [sflag:$0x1] =	stream.linear.gather [hbm4b:s5+s3], $0xA00, $0x38;
	[tilespmem:$0xB440] =	vst v63  }
0x15: {  	_ =	swait.ge [sflag:s8], $0xA00  }
0x16: {  	[sflag:s8] =	ssyncset.done $0x0  }
0x17: {  	[sflag:s8] =	ssyncadd.s32 $0xFFFFF600  }
0x18: {  	[tilespmem:s13], [sflag:$0x1] =	stream.linear.gather [hbm4b:s12+s3], $0xA00, $0x38;
	[tilespmem:$0xB440] =	vst v63  }
0x19: {  	_ =	swait.ge [sflag:s8], $0xA00  }
0x1a: {  	[sflag:s8] =	ssyncset.done $0x0  }
0x1b: {  	[sflag:s8] =	ssyncadd.s32 $0xFFFFF600  }
0x1c: {  	[tilespmem:s14], [sflag:$0x1] =	stream.linear.gather [hbm4b:s2+s3], $0x40, $0x38;
	[tilespmem:$0xB440] =	vst v63  }
0x1d: {  	_ =	swait.ge [sflag:s8], $0x40  }
0x1e: {  	[sflag:s8] =	ssyncset.done $0x0  }
0x1f: {  	s18 =	simm.s32 $0x0;
	[sflag:s8] =	ssyncadd.s32 $0xFFFFFFC0  }
0x20: {  	v0 =	vld [tilespmem:s18+$0xA000];
	_ =	sdelay $0x1  }
0x21: {  	v1 =	vld [tilespmem:s18+$0xAA00];
	_ =	sdelay $0x2  }
0x22: {  	v0 =	vadd.f32 $1.000000000e+00, v0;
	_ =	sdelay $0x1  }
0x23: {  	v0 =	vadd.f32 v1, v0;
	_ =	sdelay $0x1  }
0x24: {  	v1 =	vshra.s32 v0, $0x1;
	v0 =	vmul.f32 $5.000000000e-01, v0  }
0x25: {  	v1 =	vsub.s32 $0x5F3759DF, v1  }
0x26: {  	v2 =	vmul.f32 v1, v0;
	_ =	sdelay $0x1  }
0x27: {  	v2 =	vmul.f32 v1, v2;
	_ =	sdelay $0x1  }
0x28: {  	v2 =	vsub.f32 $1.500000000e+00, v2;
	_ =	sdelay $0x1  }
0x29: {  	v1 =	vmul.f32 v1, v2;
	_ =	sdelay $0x1  }
0x2a: {  	v2 =	vmul.f32 v1, v0;
	_ =	sdelay $0x1  }
0x2b: {  	v2 =	vmul.f32 v2, v1;
	_ =	sdelay $0x1  }
0x2c: {  	v2 =	vsub.f32 $1.500000000e+00, v2;
	_ =	sdelay $0x1  }
0x2d: {  	v1 =	vmul.f32 v2, v1;
	_ =	sdelay $0x1  }
0x2e: {  	v0 =	vmul.f32 v1, v0  }
0x2f: {  	s17 =	simm.s32 $0x5080  }
0x30: {  	s16 =	simm.s32 $0x80;
	v3 =	vld [tilespmem:s17+$0xFFFFFF80];
	v0 =	vmul.f32 v0, v1  }
0x31: {  	v2 =	vld [tilespmem:s16+$0xFFFFFF80]  }
0x32: {  	v0 =	vsub.f32 $1.500000000e+00, v0;
	_ =	sdelay $0x1  }
0x33: {  	v0 =	vmul.f32 v0, v1  }
0x34: {  	v1 =	vld [tilespmem:$0xB400]  }
0x35: {  	v2 =	vadd.f32 v3, v2;
	v4 =	vbroadcast v0, $0x0;
	_ =	sdelay $0x1  }
0x36: {  	v2 =	vmul.f32 v4, v2;
	_ =	sdelay $0x1  }
0x37: {  	v1 =	vadd.f32 v2, v1;
	_ =	sdelay $0x1  }
0x38: {  	v1 =	vmax.f32 v1, $0.0e+00  }
0x39: {  	v3 =	vld [tilespmem:s18+$0xA010];
	v1 =	vmul.f32 v1, v4  }
0x3a: {  	v2 =	vld [tilespmem:s18+$0xAA10]  }
0x3b: {  	[tilespmem:s16+$0xFFFFFF80] =	vst v1;
	v1 =	vld [tilespmem:s16+$0xFFFFFF90]  }
0x3c: {  	v5 =	vld [tilespmem:s17+$0xFFFFFF90];
	_ =	sdelay $0x3  }
0x3d: {  	v6 =	vld [tilespmem:$0xB410]  }
0x3e: {  	v1 =	vadd.f32 v5, v1;
	_ =	sdelay $0x1  }
0x3f: {  	v1 =	vmul.f32 v4, v1;
	_ =	sdelay $0x1  }
0x40: {  	v1 =	vadd.f32 v1, v6;
	_ =	sdelay $0x1  }
0x41: {  	v1 =	vmax.f32 v1, $0.0e+00  }
0x42: {  	v1 =	vmul.f32 v1, v4;
	_ =	sdelay $0x1  }
0x43: {  	[tilespmem:s16+$0xFFFFFF90] =	vst v1;
	v1 =	vld [tilespmem:s16+$0xFFFFFFA0]  }
0x44: {  	v48 =	vld [tilespmem:s17+$0xFFFFFFA0];
	_ =	sdelay $0x3  }
0x45: {  	v49 =	vld [tilespmem:$0xB420]  }
0x46: {  	v1 =	vadd.f32 v48, v1;
	_ =	sdelay $0x1  }
0x47: {  	v1 =	vmul.f32 v4, v1;
	_ =	sdelay $0x1  }
0x48: {  	v1 =	vadd.f32 v1, v49;
	_ =	sdelay $0x1  }
0x49: {  	v1 =	vmax.f32 v1, $0.0e+00  }
0x4a: {  	v1 =	vmul.f32 v1, v4;
	_ =	sdelay $0x1  }
0x4b: {  	[tilespmem:s16+$0xFFFFFFA0] =	vst v1;
	v1 =	vld [tilespmem:s16+$0xFFFFFFB0]  }
0x4c: {  	v50 =	vld [tilespmem:s17+$0xFFFFFFB0];
	_ =	sdelay $0x3  }
0x4d: {  	v51 =	vld [tilespmem:$0xB430]  }
0x4e: {  	v1 =	vadd.f32 v50, v1;
	_ =	sdelay $0x1  }
0x4f: {  	v1 =	vmul.f32 v4, v1;
	_ =	sdelay $0x1  }
0x50: {  	v1 =	vadd.f32 v1, v51;
	_ =	sdelay $0x1  }
0x51: {  	v1 =	vmax.f32 v1, $0.0e+00  }
0x52: {  	v1 =	vmul.f32 v1, v4;
	_ =	sdelay $0x1  }
0x53: {  	[tilespmem:s16+$0xFFFFFFB0] =	vst v1;
	v1 =	vld [tilespmem:s16+$0xFFFFFFC0]  }
0x54: {  	v52 =	vld [tilespmem:s17+$0xFFFFFFC0];
	_ =	sdelay $0x3  }
0x55: {  	v53 =	vld [tilespmem:$0xB400]  }
0x56: {  	v0 =	vbroadcast v0, $0x8;
	v1 =	vadd.f32 v52, v1;
	_ =	sdelay $0x1  }
0x57: {  	v1 =	vmul.f32 v1, v0;
	_ =	sdelay $0x1  }
0x58: {  	v1 =	vadd.f32 v1, v53;
	_ =	sdelay $0x1  }
0x59: {  	v1 =	vmax.f32 v1, $0.0e+00  }
0x5a: {  	v1 =	vmul.f32 v1, v0;
	_ =	sdelay $0x1  }
0x5b: {  	[tilespmem:s16+$0xFFFFFFC0] =	vst v1;
	v1 =	vld [tilespmem:s16+$0xFFFFFFD0]  }
0x5c: {  	v54 =	vld [tilespmem:s17+$0xFFFFFFD0];
	_ =	sdelay $0x3  }
0x5d: {  	v55 =	vld [tilespmem:$0xB410]  }
0x5e: {  	v1 =	vadd.f32 v54, v1;
	_ =	sdelay $0x1  }
0x5f: {  	v1 =	vmul.f32 v1, v0;
	_ =	sdelay $0x1  }
0x60: {  	v1 =	vadd.f32 v1, v55;
	_ =	sdelay $0x1  }
0x61: {  	v1 =	vmax.f32 v1, $0.0e+00  }
0x62: {  	v1 =	vmul.f32 v1, v0;
	_ =	sdelay $0x1  }
0x63: {  	[tilespmem:s16+$0xFFFFFFD0] =	vst v1;
	v1 =	vld [tilespmem:s16+$0xFFFFFFE0]  }
0x64: {  	v56 =	vld [tilespmem:s17+$0xFFFFFFE0];
	_ =	sdelay $0x3  }
0x65: {  	v57 =	vld [tilespmem:$0xB420]  }
0x66: {  	v1 =	vadd.f32 v56, v1  }
0x67: {  	v3 =	vadd.f32 $1.000000000e+00, v3  }
0x68: {  	v1 =	vmul.f32 v1, v0  }
0x69: {  	v2 =	vadd.f32 v2, v3  }
0x6a: {  	v1 =	vadd.f32 v1, v57  }
0x6b: {  	v3 =	vshra.s32 v2, $0x1;
	v2 =	vmul.f32 $5.000000000e-01, v2  }
0x6c: {  	v3 =	vsub.s32 $0x5F3759DF, v3;
	v1 =	vmax.f32 v1, $0.0e+00  }
0x6d: {  	v58 =	vmul.f32 v3, v2;
	v1 =	vmul.f32 v1, v0;
	_ =	sdelay $0x1  }
0x6e: {  	[tilespmem:s16+$0xFFFFFFE0] =	vst v1;
	v1 =	vmul.f32 v3, v58  }
0x6f: {  	v59 =	vld [tilespmem:s16+$0xFFFFFFF0]  }
0x70: {  	v60 =	vld [tilespmem:s17+$0xFFFFFFF0];
	v1 =	vsub.f32 $1.500000000e+00, v1;
	_ =	sdelay $0x1  }
0x71: {  	v1 =	vmul.f32 v3, v1;
	_ =	sdelay $0x1  }
0x72: {  	v3 =	vld [tilespmem:$0xB430];
	v61 =	vmul.f32 v1, v2  }
0x73: {  	v4 =	vadd.f32 v60, v59  }
0x74: {  	v62 =	vmul.f32 v61, v1  }
0x75: {  	v4 =	vmul.f32 v4, v0  }
0x76: {  	v5 =	vsub.f32 $1.500000000e+00, v62  }
0x77: {  	v3 =	vadd.f32 v4, v3  }
0x78: {  	v1 =	vmul.f32 v5, v1  }
0x79: {  	v3 =	vmax.f32 v3, $0.0e+00  }
0x7a: {  	v0 =	vmul.f32 v3, v0;
	v2 =	vmul.f32 v1, v2;
	_ =	sdelay $0x1  }
0x7b: {  	[tilespmem:s16+$0xFFFFFFF0] =	vst v0;
	v0 =	vmul.f32 v2, v1;
	v2 =	vld [tilespmem:s16+$0x0]  }
0x7c: {  	v3 =	vld [tilespmem:s17+$0x0]  }
0x7d: {  	v0 =	vsub.f32 $1.500000000e+00, v0;
	_ =	sdelay $0x1  }
0x7e: {  	v0 =	vmul.f32 v0, v1  }
0x7f: {  	v1 =	vld [tilespmem:$0xB400]  }
0x80: {  	v2 =	vadd.f32 v3, v2;
	v63 =	vbroadcast v0, $0x0;
	_ =	sdelay $0x1  }
0x81: {  	v2 =	vmul.f32 v2, v63;
	_ =	sdelay $0x1  }
0x82: {  	v1 =	vadd.f32 v2, v1;
	_ =	sdelay $0x1  }
0x83: {  	v1 =	vmax.f32 v1, $0.0e+00  }
0x84: {  	v1 =	vmul.f32 v1, v63;
	_ =	sdelay $0x1  }
0x85: {  	[tilespmem:s16+$0x0] =	vst v1;
	v1 =	vld [tilespmem:s16+$0x10]  }
0x86: {  	v2 =	vld [tilespmem:s17+$0x10];
	_ =	sdelay $0x3  }
0x87: {  	v3 =	vld [tilespmem:$0xB410]  }
0x88: {  	v1 =	vadd.f32 v2, v1;
	_ =	sdelay $0x1  }
0x89: {  	v1 =	vmul.f32 v1, v63;
	_ =	sdelay $0x1  }
0x8a: {  	v1 =	vadd.f32 v1, v3;
	_ =	sdelay $0x1  }
0x8b: {  	v1 =	vmax.f32 v1, $0.0e+00  }
0x8c: {  	v1 =	vmul.f32 v1, v63;
	_ =	sdelay $0x1  }
0x8d: {  	[tilespmem:s16+$0x10] =	vst v1;
	v1 =	vld [tilespmem:s16+$0x20]  }
0x8e: {  	v2 =	vld [tilespmem:s17+$0x20];
	_ =	sdelay $0x3  }
0x8f: {  	v3 =	vld [tilespmem:$0xB420]  }
0x90: {  	v1 =	vadd.f32 v2, v1;
	_ =	sdelay $0x1  }
0x91: {  	v1 =	vmul.f32 v1, v63;
	_ =	sdelay $0x1  }
0x92: {  	v1 =	vadd.f32 v1, v3;
	_ =	sdelay $0x1  }
0x93: {  	v1 =	vmax.f32 v1, $0.0e+00  }
0x94: {  	v1 =	vmul.f32 v1, v63;
	_ =	sdelay $0x1  }
0x95: {  	[tilespmem:s16+$0x20] =	vst v1;
	v1 =	vld [tilespmem:s16+$0x30]  }
0x96: {  	v2 =	vld [tilespmem:s17+$0x30];
	_ =	sdelay $0x3  }
0x97: {  	v3 =	vld [tilespmem:$0xB430]  }
0x98: {  	v1 =	vadd.f32 v2, v1;
	_ =	sdelay $0x1  }
0x99: {  	v1 =	vmul.f32 v1, v63;
	_ =	sdelay $0x1  }
0x9a: {  	v1 =	vadd.f32 v1, v3;
	_ =	sdelay $0x1  }
0x9b: {  	v1 =	vmax.f32 v1, $0.0e+00  }
0x9c: {  	v1 =	vmul.f32 v1, v63;
	_ =	sdelay $0x1  }
0x9d: {  	[tilespmem:s16+$0x30] =	vst v1;
	v1 =	vld [tilespmem:s16+$0x40]  }
0x9e: {  	v2 =	vld [tilespmem:s17+$0x40];
	_ =	sdelay $0x3  }
0x9f: {  	v3 =	vld [tilespmem:$0xB400]  }
0xa0: {  	v0 =	vbroadcast v0, $0x8;
	v1 =	vadd.f32 v2, v1;
	_ =	sdelay $0x1  }
0xa1: {  	v1 =	vmul.f32 v1, v0;
	_ =	sdelay $0x1  }
0xa2: {  	v1 =	vadd.f32 v1, v3;
	_ =	sdelay $0x1  }
0xa3: {  	v1 =	vmax.f32 v1, $0.0e+00  }
0xa4: {  	v1 =	vmul.f32 v1, v0;
	_ =	sdelay $0x1  }
0xa5: {  	[tilespmem:s16+$0x40] =	vst v1;
	v1 =	vld [tilespmem:s16+$0x50]  }
0xa6: {  	v2 =	vld [tilespmem:s17+$0x50];
	_ =	sdelay $0x3  }
0xa7: {  	v3 =	vld [tilespmem:$0xB410]  }
0xa8: {  	v1 =	vadd.f32 v2, v1;
	_ =	sdelay $0x1  }
0xa9: {  	v1 =	vmul.f32 v1, v0;
	_ =	sdelay $0x1  }
0xaa: {  	v1 =	vadd.f32 v1, v3;
	_ =	sdelay $0x1  }
0xab: {  	v1 =	vmax.f32 v1, $0.0e+00  }
0xac: {  	v1 =	vmul.f32 v1, v0;
	_ =	sdelay $0x1  }
0xad: {  	[tilespmem:s16+$0x50] =	vst v1;
	v1 =	vld [tilespmem:s16+$0x60]  }
0xae: {  	v2 =	vld [tilespmem:s17+$0x60];
	_ =	sdelay $0x3  }
0xaf: {  	v3 =	vld [tilespmem:$0xB420]  }
0xb0: {  	v1 =	vadd.f32 v2, v1;
	_ =	sdelay $0x1  }
0xb1: {  	v1 =	vmul.f32 v1, v0;
	_ =	sdelay $0x1  }
0xb2: {  	v1 =	vadd.f32 v1, v3;
	_ =	sdelay $0x1  }
0xb3: {  	v1 =	vmax.f32 v1, $0.0e+00  }
0xb4: {  	v1 =	vmul.f32 v1, v0;
	_ =	sdelay $0x1  }
0xb5: {  	[tilespmem:s16+$0x60] =	vst v1;
	v1 =	vld [tilespmem:s16+$0x70]  }
0xb6: {  	v2 =	vld [tilespmem:s17+$0x70];
	_ =	sdelay $0x3  }
0xb7: {  	v3 =	vld [tilespmem:$0xB430]  }
0xb8: {  	v1 =	vadd.f32 v2, v1;
	_ =	sdelay $0x1  }
0xb9: {  	v1 =	vmul.f32 v1, v0;
	_ =	sdelay $0x1  }
0xba: {  	v1 =	vadd.f32 v1, v3;
	_ =	sdelay $0x1  }
0xbb: {  	v1 =	vmax.f32 v1, $0.0e+00  }
0xbc: {  	s21 =	simm.s32 $0x100;
	s18 =	simm.s32 $0x80;
	s17 =	simm.s32 $0x5180;
	v0 =	vmul.f32 v1, v0  }
.LBB2_2:
0xbd: {  	s20 =	sshra.s32 s18, $0x2  }
0xbe: {  	[tilespmem:s16+$0x70] =	vst v0;
	s16 =	sadd.s32 $0x100, s16;
	s18 =	smov.u32 s21;
	s19 =	sadd.s32 $0x80, s21  }
0xbf: {  	p0 =	sne.s32 s21, $0x2780;
	v0 =	vld [tilespmem:s20+$0xA000];
	_ =	sdelay $0x1  }
0xc0: {  	v1 =	vld [tilespmem:s20+$0xAA00];
	_ =	sdelay $0x2  }
0xc1: {  	v0 =	vadd.f32 $1.000000000e+00, v0;
	_ =	sdelay $0x1  }
0xc2: {  	v0 =	vadd.f32 v1, v0;
	_ =	sdelay $0x1  }
0xc3: {  	v1 =	vshra.s32 v0, $0x1;
	v0 =	vmul.f32 $5.000000000e-01, v0  }
0xc4: {  	v1 =	vsub.s32 $0x5F3759DF, v1  }
0xc5: {  	v2 =	vmul.f32 v1, v0;
	_ =	sdelay $0x1  }
0xc6: {  	v2 =	vmul.f32 v1, v2;
	_ =	sdelay $0x1  }
0xc7: {  	v2 =	vsub.f32 $1.500000000e+00, v2;
	_ =	sdelay $0x1  }
0xc8: {  	v1 =	vmul.f32 v1, v2;
	_ =	sdelay $0x1  }
0xc9: {  	v2 =	vmul.f32 v1, v0;
	_ =	sdelay $0x1  }
0xca: {  	v2 =	vmul.f32 v2, v1;
	_ =	sdelay $0x1  }
0xcb: {  	v2 =	vsub.f32 $1.500000000e+00, v2;
	_ =	sdelay $0x1  }
0xcc: {  	v1 =	vmul.f32 v2, v1;
	_ =	sdelay $0x1  }
0xcd: {  	v0 =	vmul.f32 v1, v0;
	_ =	sdelay $0x1  }
0xce: {  	v0 =	vmul.f32 v0, v1;
	v2 =	vld [tilespmem:s16+$0xFFFFFF80]  }
0xcf: {  	v3 =	vld [tilespmem:s17+$0xFFFFFF80]  }
0xd0: {  	v0 =	vsub.f32 $1.500000000e+00, v0;
	_ =	sdelay $0x1  }
0xd1: {  	v1 =	vmul.f32 v0, v1  }
0xd2: {  	v0 =	vld [tilespmem:$0xB400]  }
0xd3: {  	v4 =	vbroadcast v1, $0x0;
	v2 =	vadd.f32 v3, v2;
	_ =	sdelay $0x1  }
0xd4: {  	v2 =	vmul.f32 v4, v2;
	_ =	sdelay $0x1  }
0xd5: {  	v0 =	vadd.f32 v2, v0;
	_ =	sdelay $0x1  }
0xd6: {  	v0 =	vmax.f32 v0, $0.0e+00  }
0xd7: {  	v2 =	vld [tilespmem:s20+$0xAA10];
	v0 =	vmul.f32 v0, v4  }
0xd8: {  	v3 =	vld [tilespmem:s20+$0xA010]  }
0xd9: {  	[tilespmem:s16+$0xFFFFFF80] =	vst v0;
	v0 =	vld [tilespmem:s16+$0xFFFFFF90]  }
0xda: {  	v5 =	vld [tilespmem:s17+$0xFFFFFF90];
	_ =	sdelay $0x2  }
0xdb: {  	v3 =	vadd.f32 $1.000000000e+00, v3  }
0xdc: {  	v6 =	vld [tilespmem:$0xB410]  }
0xdd: {  	v2 =	vadd.f32 v2, v3;
	v0 =	vadd.f32 v5, v0;
	_ =	sdelay $0x1  }
0xde: {  	v3 =	vshra.s32 v2, $0x1;
	v2 =	vmul.f32 $5.000000000e-01, v2;
	v0 =	vmul.f32 v4, v0  }
0xdf: {  	v3 =	vsub.s32 $0x5F3759DF, v3  }
0xe0: {  	v5 =	vmul.f32 v3, v2;
	v0 =	vadd.f32 v0, v6;
	_ =	sdelay $0x1  }
0xe1: {  	v5 =	vmul.f32 v3, v5;
	v0 =	vmax.f32 v0, $0.0e+00  }
0xe2: {  	v0 =	vmul.f32 v0, v4  }
0xe3: {  	v5 =	vsub.f32 $1.500000000e+00, v5  }
0xe4: {  	[tilespmem:s16+$0xFFFFFF90] =	vst v0;
	v0 =	vld [tilespmem:s16+$0xFFFFFFA0]  }
0xe5: {  	v3 =	vmul.f32 v3, v5;
	v5 =	vld [tilespmem:s17+$0xFFFFFFA0];
	_ =	sdelay $0x1  }
0xe6: {  	v6 =	vmul.f32 v3, v2;
	_ =	sdelay $0x1  }
0xe7: {  	v6 =	vmul.f32 v6, v3;
	v7 =	vld [tilespmem:$0xB420]  }
0xe8: {  	v0 =	vadd.f32 v5, v0  }
0xe9: {  	v5 =	vsub.f32 $1.500000000e+00, v6  }
0xea: {  	v0 =	vmul.f32 v4, v0  }
0xeb: {  	v3 =	vmul.f32 v5, v3  }
0xec: {  	v0 =	vadd.f32 v0, v7  }
0xed: {  	v2 =	vmul.f32 v3, v2  }
0xee: {  	v0 =	vmax.f32 v0, $0.0e+00  }
0xef: {  	v2 =	vmul.f32 v2, v3;
	v0 =	vmul.f32 v0, v4;
	_ =	sdelay $0x1  }
0xf0: {  	v2 =	vsub.f32 $1.500000000e+00, v2;
	[tilespmem:s16+$0xFFFFFFA0] =	vst v0;
	v5 =	vld [tilespmem:s16+$0xFFFFFFB0]  }
0xf1: {  	v6 =	vld [tilespmem:s17+$0xFFFFFFB0]  }
0xf2: {  	v0 =	vmul.f32 v2, v3;
	_ =	sdelay $0x2  }
0xf3: {  	v2 =	vld [tilespmem:$0xB430]  }
0xf4: {  	v3 =	vadd.f32 v6, v5;
	_ =	sdelay $0x1  }
0xf5: {  	v3 =	vmul.f32 v4, v3;
	_ =	sdelay $0x1  }
0xf6: {  	v2 =	vadd.f32 v3, v2;
	_ =	sdelay $0x1  }
0xf7: {  	v2 =	vmax.f32 v2, $0.0e+00  }
0xf8: {  	v2 =	vmul.f32 v2, v4;
	_ =	sdelay $0x1  }
0xf9: {  	[tilespmem:s16+$0xFFFFFFB0] =	vst v2;
	v2 =	vld [tilespmem:s16+$0xFFFFFFC0]  }
0xfa: {  	v3 =	vld [tilespmem:s17+$0xFFFFFFC0];
	_ =	sdelay $0x3  }
0xfb: {  	v4 =	vld [tilespmem:$0xB400]  }
0xfc: {  	v1 =	vbroadcast v1, $0x8;
	v2 =	vadd.f32 v3, v2;
	_ =	sdelay $0x1  }
0xfd: {  	v2 =	vmul.f32 v2, v1;
	_ =	sdelay $0x1  }
0xfe: {  	v2 =	vadd.f32 v2, v4;
	_ =	sdelay $0x1  }
0xff: {  	v2 =	vmax.f32 v2, $0.0e+00  }
0x100: {  	v2 =	vmul.f32 v2, v1;
	_ =	sdelay $0x1  }
0x101: {  	[tilespmem:s16+$0xFFFFFFC0] =	vst v2;
	v2 =	vld [tilespmem:s16+$0xFFFFFFD0]  }
0x102: {  	v3 =	vld [tilespmem:s17+$0xFFFFFFD0];
	_ =	sdelay $0x3  }
0x103: {  	v4 =	vld [tilespmem:$0xB410]  }
0x104: {  	v2 =	vadd.f32 v3, v2;
	_ =	sdelay $0x1  }
0x105: {  	v2 =	vmul.f32 v2, v1;
	_ =	sdelay $0x1  }
0x106: {  	v2 =	vadd.f32 v2, v4;
	_ =	sdelay $0x1  }
0x107: {  	v2 =	vmax.f32 v2, $0.0e+00  }
0x108: {  	v2 =	vmul.f32 v2, v1;
	_ =	sdelay $0x1  }
0x109: {  	[tilespmem:s16+$0xFFFFFFD0] =	vst v2;
	v2 =	vld [tilespmem:s16+$0xFFFFFFE0]  }
0x10a: {  	v3 =	vld [tilespmem:s17+$0xFFFFFFE0];
	_ =	sdelay $0x3  }
0x10b: {  	v4 =	vld [tilespmem:$0xB420]  }
0x10c: {  	v2 =	vadd.f32 v3, v2;
	_ =	sdelay $0x1  }
0x10d: {  	v2 =	vmul.f32 v2, v1;
	_ =	sdelay $0x1  }
0x10e: {  	v2 =	vadd.f32 v2, v4;
	_ =	sdelay $0x1  }
0x10f: {  	v2 =	vmax.f32 v2, $0.0e+00  }
0x110: {  	v2 =	vmul.f32 v2, v1;
	_ =	sdelay $0x1  }
0x111: {  	[tilespmem:s16+$0xFFFFFFE0] =	vst v2;
	v2 =	vld [tilespmem:s16+$0xFFFFFFF0]  }
0x112: {  	v3 =	vld [tilespmem:s17+$0xFFFFFFF0];
	_ =	sdelay $0x3  }
0x113: {  	v4 =	vld [tilespmem:$0xB430]  }
0x114: {  	v2 =	vadd.f32 v3, v2;
	_ =	sdelay $0x1  }
0x115: {  	v2 =	vmul.f32 v2, v1;
	_ =	sdelay $0x1  }
0x116: {  	v2 =	vadd.f32 v2, v4;
	_ =	sdelay $0x1  }
0x117: {  	v2 =	vmax.f32 v2, $0.0e+00  }
0x118: {  	v1 =	vmul.f32 v2, v1;
	_ =	sdelay $0x1  }
0x119: {  	[tilespmem:s16+$0xFFFFFFF0] =	vst v1;
	v1 =	vld [tilespmem:s16+$0x0]  }
0x11a: {  	v2 =	vld [tilespmem:s17+$0x0];
	_ =	sdelay $0x3  }
0x11b: {  	v3 =	vld [tilespmem:$0xB400]  }
0x11c: {  	v4 =	vbroadcast v0, $0x0;
	v1 =	vadd.f32 v2, v1;
	_ =	sdelay $0x1  }
0x11d: {  	v1 =	vmul.f32 v1, v4;
	_ =	sdelay $0x1  }
0x11e: {  	v1 =	vadd.f32 v1, v3;
	_ =	sdelay $0x1  }
0x11f: {  	v1 =	vmax.f32 v1, $0.0e+00  }
0x120: {  	v1 =	vmul.f32 v1, v4;
	_ =	sdelay $0x1  }
0x121: {  	[tilespmem:s16+$0x0] =	vst v1;
	v1 =	vld [tilespmem:s16+$0x10]  }
0x122: {  	v2 =	vld [tilespmem:s17+$0x10]  }
0x123: {  	v3 =	vld [tilespmem:$0xB410];
	_ =	sdelay $0x3  }
0x124: {  	v1 =	vadd.f32 v2, v1;
	_ =	sdelay $0x1  }
0x125: {  	v1 =	vmul.f32 v1, v4;
	_ =	sdelay $0x1  }
0x126: {  	v1 =	vadd.f32 v1, v3;
	_ =	sdelay $0x1  }
0x127: {  	v1 =	vmax.f32 v1, $0.0e+00  }
0x128: {  	v1 =	vmul.f32 v1, v4;
	_ =	sdelay $0x1  }
0x129: {  	[tilespmem:s16+$0x10] =	vst v1;
	v1 =	vld [tilespmem:s16+$0x20]  }
0x12a: {  	v2 =	vld [tilespmem:s17+$0x20]  }
0x12b: {  	v3 =	vld [tilespmem:$0xB420];
	_ =	sdelay $0x3  }
0x12c: {  	v1 =	vadd.f32 v2, v1;
	_ =	sdelay $0x1  }
0x12d: {  	v1 =	vmul.f32 v1, v4;
	_ =	sdelay $0x1  }
0x12e: {  	v1 =	vadd.f32 v1, v3;
	_ =	sdelay $0x1  }
0x12f: {  	v1 =	vmax.f32 v1, $0.0e+00  }
0x130: {  	v1 =	vmul.f32 v1, v4;
	_ =	sdelay $0x1  }
0x131: {  	[tilespmem:s16+$0x20] =	vst v1;
	v1 =	vld [tilespmem:s16+$0x30]  }
0x132: {  	v2 =	vld [tilespmem:s17+$0x30]  }
0x133: {  	v3 =	vld [tilespmem:$0xB430];
	_ =	sdelay $0x3  }
0x134: {  	v1 =	vadd.f32 v2, v1;
	_ =	sdelay $0x1  }
0x135: {  	v1 =	vmul.f32 v1, v4;
	_ =	sdelay $0x1  }
0x136: {  	v1 =	vadd.f32 v1, v3;
	_ =	sdelay $0x1  }
0x137: {  	v1 =	vmax.f32 v1, $0.0e+00  }
0x138: {  	v1 =	vmul.f32 v1, v4;
	_ =	sdelay $0x1  }
0x139: {  	[tilespmem:s16+$0x30] =	vst v1;
	v1 =	vld [tilespmem:s16+$0x40]  }
0x13a: {  	v2 =	vld [tilespmem:s17+$0x40]  }
0x13b: {  	v3 =	vld [tilespmem:$0xB400];
	_ =	sdelay $0x3  }
0x13c: {  	v0 =	vbroadcast v0, $0x8;
	v1 =	vadd.f32 v2, v1;
	_ =	sdelay $0x1  }
0x13d: {  	v1 =	vmul.f32 v1, v0;
	_ =	sdelay $0x1  }
0x13e: {  	v1 =	vadd.f32 v1, v3;
	_ =	sdelay $0x1  }
0x13f: {  	v1 =	vmax.f32 v1, $0.0e+00  }
0x140: {  	v1 =	vmul.f32 v1, v0;
	_ =	sdelay $0x1  }
0x141: {  	[tilespmem:s16+$0x40] =	vst v1;
	v1 =	vld [tilespmem:s16+$0x50]  }
0x142: {  	v2 =	vld [tilespmem:s17+$0x50]  }
0x143: {  	v3 =	vld [tilespmem:$0xB410];
	_ =	sdelay $0x3  }
0x144: {  	v1 =	vadd.f32 v2, v1;
	_ =	sdelay $0x1  }
0x145: {  	v1 =	vmul.f32 v1, v0;
	_ =	sdelay $0x1  }
0x146: {  	v1 =	vadd.f32 v1, v3;
	_ =	sdelay $0x1  }
0x147: {  	v1 =	vmax.f32 v1, $0.0e+00  }
0x148: {  	v1 =	vmul.f32 v1, v0;
	_ =	sdelay $0x1  }
0x149: {  	[tilespmem:s16+$0x50] =	vst v1;
	v1 =	vld [tilespmem:s16+$0x60]  }
0x14a: {  	v2 =	vld [tilespmem:s17+$0x60]  }
0x14b: {  	v3 =	vld [tilespmem:$0xB420];
	_ =	sdelay $0x3  }
0x14c: {  	v1 =	vadd.f32 v2, v1;
	_ =	sdelay $0x1  }
0x14d: {  	v1 =	vmul.f32 v1, v0;
	_ =	sdelay $0x1  }
0x14e: {  	v1 =	vadd.f32 v1, v3;
	_ =	sdelay $0x1  }
0x14f: {  	v1 =	vmax.f32 v1, $0.0e+00  }
0x150: {  	v1 =	vmul.f32 v1, v0;
	_ =	sdelay $0x1  }
0x151: {  	[tilespmem:s16+$0x60] =	vst v1;
	v1 =	vld [tilespmem:s16+$0x70]  }
0x152: {  	v2 =	vld [tilespmem:s17+$0x70]  }
0x153: {  	v3 =	vld [tilespmem:$0xB430];
	_ =	sdelay $0x3  }
0x154: {  	v1 =	vadd.f32 v2, v1;
	_ =	sdelay $0x1  }
0x155: {  	v1 =	vmul.f32 v1, v0;
	_ =	sdelay $0x1  }
.Ltmp0:
0x156: {  	v1 =	vadd.f32 v1, v3;
	(pc) =	sbr.rel @p0 .LBB2_2-.Ltmp0, $4  }
0x157: {  	_ = 	snop  }
0x158: {  	v1 =	vmax.f32 v1, $0.0e+00  }
0x159: {  	v0 =	vmul.f32 v1, v0  }
0x15a: {  	s21 =	smov.u32 s19;
	s17 =	sadd.s32 $0x100, s17  }
0x15b: {  	s18 =	sshra.s32 s18, $0x2;
	[tilespmem:s16+$0x70] =	vst v0  }
0x15c: {  	v0 =	vld [tilespmem:s18+$0xA000];
	_ =	sdelay $0x1  }
0x15d: {  	v1 =	vld [tilespmem:s18+$0xAA00];
	_ =	sdelay $0x2  }
0x15e: {  	v0 =	vadd.f32 $1.000000000e+00, v0;
	_ =	sdelay $0x1  }
0x15f: {  	v0 =	vadd.f32 v1, v0;
	_ =	sdelay $0x1  }
0x160: {  	v1 =	vshra.s32 v0, $0x1;
	v0 =	vmul.f32 $5.000000000e-01, v0  }
0x161: {  	v1 =	vsub.s32 $0x5F3759DF, v1  }
0x162: {  	v2 =	vmul.f32 v1, v0;
	_ =	sdelay $0x1  }
0x163: {  	v2 =	vmul.f32 v1, v2;
	_ =	sdelay $0x1  }
0x164: {  	v2 =	vsub.f32 $1.500000000e+00, v2;
	_ =	sdelay $0x1  }
0x165: {  	v1 =	vmul.f32 v1, v2;
	_ =	sdelay $0x1  }
0x166: {  	v2 =	vmul.f32 v1, v0;
	_ =	sdelay $0x1  }
0x167: {  	v2 =	vmul.f32 v2, v1;
	_ =	sdelay $0x1  }
0x168: {  	v2 =	vsub.f32 $1.500000000e+00, v2;
	_ =	sdelay $0x1  }
0x169: {  	v1 =	vmul.f32 v2, v1;
	_ =	sdelay $0x1  }
0x16a: {  	v0 =	vmul.f32 v1, v0  }
0x16b: {  	s31 =	sadd.s32 $0x100, s16  }
0x16c: {  	v14 =	vld [tilespmem:s31+$0xFFFFFF80];
	v0 =	vmul.f32 v0, v1  }
0x16d: {  	v3 =	vld [tilespmem:s17+$0xFFFFFF80]  }
0x16e: {  	v0 =	vsub.f32 $1.500000000e+00, v0;
	_ =	sdelay $0x1  }
0x16f: {  	v0 =	vmul.f32 v0, v1  }
0x170: {  	v15 =	vld [tilespmem:$0xB400]  }
0x171: {  	v2 =	vadd.f32 v3, v14;
	v4 =	vbroadcast v0, $0x0;
	_ =	sdelay $0x1  }
0x172: {  	v2 =	vmul.f32 v4, v2;
	_ =	sdelay $0x1  }
0x173: {  	v1 =	vadd.f32 v2, v15;
	_ =	sdelay $0x1  }
0x174: {  	v1 =	vmax.f32 v1, $0.0e+00  }
0x175: {  	v16 =	vld [tilespmem:s18+$0xAA10];
	v1 =	vmul.f32 v1, v4  }
0x176: {  	v17 =	vld [tilespmem:s18+$0xA010]  }
0x177: {  	v18 =	vld [tilespmem:s31+$0xFFFFFF90];
	[tilespmem:s31+$0xFFFFFF80] =	vst v1  }
0x178: {  	v5 =	vld [tilespmem:s17+$0xFFFFFF90];
	_ =	sdelay $0x3  }
0x179: {  	v6 =	vld [tilespmem:$0xB410]  }
0x17a: {  	v1 =	vadd.f32 v5, v18;
	_ =	sdelay $0x1  }
0x17b: {  	v1 =	vmul.f32 v4, v1;
	_ =	sdelay $0x1  }
0x17c: {  	v1 =	vadd.f32 v1, v6;
	_ =	sdelay $0x1  }
0x17d: {  	v1 =	vmax.f32 v1, $0.0e+00  }
0x17e: {  	v1 =	vmul.f32 v1, v4;
	_ =	sdelay $0x1  }
0x17f: {  	v19 =	vld [tilespmem:s31+$0xFFFFFFA0];
	[tilespmem:s31+$0xFFFFFF90] =	vst v1  }
0x180: {  	v20 =	vld [tilespmem:s17+$0xFFFFFFA0];
	_ =	sdelay $0x3  }
0x181: {  	v21 =	vld [tilespmem:$0xB420]  }
0x182: {  	v1 =	vadd.f32 v20, v19;
	_ =	sdelay $0x1  }
0x183: {  	v1 =	vmul.f32 v4, v1;
	_ =	sdelay $0x1  }
0x184: {  	v1 =	vadd.f32 v1, v21;
	_ =	sdelay $0x1  }
0x185: {  	v1 =	vmax.f32 v1, $0.0e+00  }
0x186: {  	v1 =	vmul.f32 v1, v4;
	_ =	sdelay $0x1  }
0x187: {  	v22 =	vld [tilespmem:s31+$0xFFFFFFB0];
	[tilespmem:s31+$0xFFFFFFA0] =	vst v1  }
0x188: {  	v23 =	vld [tilespmem:s17+$0xFFFFFFB0];
	_ =	sdelay $0x3  }
0x189: {  	v24 =	vld [tilespmem:$0xB430]  }
0x18a: {  	v1 =	vadd.f32 v23, v22;
	_ =	sdelay $0x1  }
0x18b: {  	v1 =	vmul.f32 v4, v1;
	_ =	sdelay $0x1  }
0x18c: {  	v1 =	vadd.f32 v1, v24;
	_ =	sdelay $0x1  }
0x18d: {  	v1 =	vmax.f32 v1, $0.0e+00  }
0x18e: {  	v1 =	vmul.f32 v1, v4;
	_ =	sdelay $0x1  }
0x18f: {  	v25 =	vld [tilespmem:s31+$0xFFFFFFC0];
	[tilespmem:s31+$0xFFFFFFB0] =	vst v1  }
0x190: {  	v26 =	vld [tilespmem:s17+$0xFFFFFFC0];
	_ =	sdelay $0x3  }
0x191: {  	v27 =	vld [tilespmem:$0xB400]  }
0x192: {  	v0 =	vbroadcast v0, $0x8;
	v1 =	vadd.f32 v26, v25;
	_ =	sdelay $0x1  }
0x193: {  	v1 =	vmul.f32 v1, v0;
	_ =	sdelay $0x1  }
0x194: {  	v1 =	vadd.f32 v1, v27;
	_ =	sdelay $0x1  }
0x195: {  	v1 =	vmax.f32 v1, $0.0e+00  }
0x196: {  	v1 =	vmul.f32 v1, v0;
	_ =	sdelay $0x1  }
0x197: {  	v28 =	vld [tilespmem:s31+$0xFFFFFFD0];
	[tilespmem:s31+$0xFFFFFFC0] =	vst v1  }
0x198: {  	v29 =	vld [tilespmem:s17+$0xFFFFFFD0];
	_ =	sdelay $0x3  }
0x199: {  	v30 =	vld [tilespmem:$0xB410]  }
0x19a: {  	v1 =	vadd.f32 v29, v28;
	_ =	sdelay $0x1  }
0x19b: {  	v1 =	vmul.f32 v1, v0;
	_ =	sdelay $0x1  }
0x19c: {  	v1 =	vadd.f32 v1, v30;
	_ =	sdelay $0x1  }
0x19d: {  	v1 =	vmax.f32 v1, $0.0e+00  }
0x19e: {  	v1 =	vmul.f32 v1, v0;
	_ =	sdelay $0x1  }
0x19f: {  	v31 =	vld [tilespmem:s31+$0xFFFFFFE0];
	[tilespmem:s31+$0xFFFFFFD0] =	vst v1  }
0x1a0: {  	v32 =	vld [tilespmem:s17+$0xFFFFFFE0];
	_ =	sdelay $0x3  }
0x1a1: {  	v33 =	vld [tilespmem:$0xB420]  }
0x1a2: {  	v3 =	vadd.f32 $1.000000000e+00, v17;
	v1 =	vadd.f32 v32, v31;
	_ =	sdelay $0x1  }
0x1a3: {  	v2 =	vadd.f32 v16, v3;
	v1 =	vmul.f32 v1, v0;
	_ =	sdelay $0x1  }
0x1a4: {  	v3 =	vshra.s32 v2, $0x1;
	v2 =	vmul.f32 $5.000000000e-01, v2;
	v1 =	vadd.f32 v1, v33  }
0x1a5: {  	v3 =	vsub.s32 $0x5F3759DF, v3  }
0x1a6: {  	v34 =	vmul.f32 v3, v2;
	v1 =	vmax.f32 v1, $0.0e+00  }
0x1a7: {  	v1 =	vmul.f32 v1, v0  }
0x1a8: {  	v4 =	vmul.f32 v3, v34  }
0x1a9: {  	v35 =	vld [tilespmem:s31+$0xFFFFFFF0];
	[tilespmem:s31+$0xFFFFFFE0] =	vst v1  }
0x1aa: {  	v4 =	vsub.f32 $1.500000000e+00, v4;
	v36 =	vld [tilespmem:s17+$0xFFFFFFF0];
	_ =	sdelay $0x1  }
0x1ab: {  	v3 =	vmul.f32 v3, v4;
	_ =	sdelay $0x1  }
0x1ac: {  	v4 =	vmul.f32 v3, v2;
	v37 =	vld [tilespmem:$0xB430]  }
0x1ad: {  	v1 =	vadd.f32 v36, v35  }
0x1ae: {  	v4 =	vmul.f32 v4, v3  }
0x1af: {  	v1 =	vmul.f32 v1, v0  }
0x1b0: {  	v4 =	vsub.f32 $1.500000000e+00, v4  }
0x1b1: {  	v1 =	vadd.f32 v1, v37  }
0x1b2: {  	v3 =	vmul.f32 v4, v3  }
0x1b3: {  	v1 =	vmax.f32 v1, $0.0e+00  }
0x1b4: {  	v2 =	vmul.f32 v3, v2;
	v0 =	vmul.f32 v1, v0;
	_ =	sdelay $0x1  }
0x1b5: {  	v39 =	vld [tilespmem:s31+$0x0];
	v38 =	vmul.f32 v2, v3;
	[tilespmem:s31+$0xFFFFFFF0] =	vst v0  }
0x1b6: {  	v40 =	vld [tilespmem:s17+$0x0]  }
0x1b7: {  	v1 =	vsub.f32 $1.500000000e+00, v38;
	_ =	sdelay $0x1  }
0x1b8: {  	v1 =	vmul.f32 v1, v3  }
0x1b9: {  	v41 =	vld [tilespmem:$0xB400]  }
0x1ba: {  	v42 =	vbroadcast v1, $0x0;
	v0 =	vadd.f32 v40, v39;
	_ =	sdelay $0x1  }
0x1bb: {  	v0 =	vmul.f32 v0, v42;
	_ =	sdelay $0x1  }
0x1bc: {  	v0 =	vadd.f32 v0, v41;
	_ =	sdelay $0x1  }
0x1bd: {  	v0 =	vmax.f32 v0, $0.0e+00  }
0x1be: {  	v0 =	vmul.f32 v0, v42;
	_ =	sdelay $0x1  }
0x1bf: {  	v43 =	vld [tilespmem:s31+$0x10];
	[tilespmem:s31+$0x0] =	vst v0  }
0x1c0: {  	v44 =	vld [tilespmem:s17+$0x10];
	_ =	sdelay $0x3  }
0x1c1: {  	v45 =	vld [tilespmem:$0xB410]  }
0x1c2: {  	v0 =	vadd.f32 v44, v43;
	_ =	sdelay $0x1  }
0x1c3: {  	v0 =	vmul.f32 v0, v42;
	_ =	sdelay $0x1  }
0x1c4: {  	v0 =	vadd.f32 v0, v45;
	_ =	sdelay $0x1  }
0x1c5: {  	v0 =	vmax.f32 v0, $0.0e+00  }
0x1c6: {  	v0 =	vmul.f32 v0, v42;
	_ =	sdelay $0x1  }
0x1c7: {  	v46 =	vld [tilespmem:s31+$0x20];
	[tilespmem:s31+$0x10] =	vst v0  }
0x1c8: {  	v47 =	vld [tilespmem:s17+$0x20];
	_ =	sdelay $0x3  }
0x1c9: {  	v48 =	vld [tilespmem:$0xB420]  }
0x1ca: {  	v0 =	vadd.f32 v47, v46;
	_ =	sdelay $0x1  }
0x1cb: {  	v0 =	vmul.f32 v0, v42;
	_ =	sdelay $0x1  }
0x1cc: {  	v0 =	vadd.f32 v0, v48;
	_ =	sdelay $0x1  }
0x1cd: {  	v0 =	vmax.f32 v0, $0.0e+00  }
0x1ce: {  	v0 =	vmul.f32 v0, v42;
	_ =	sdelay $0x1  }
0x1cf: {  	v49 =	vld [tilespmem:s31+$0x30];
	[tilespmem:s31+$0x20] =	vst v0  }
0x1d0: {  	v50 =	vld [tilespmem:s17+$0x30];
	_ =	sdelay $0x3  }
0x1d1: {  	v51 =	vld [tilespmem:$0xB430]  }
0x1d2: {  	v0 =	vadd.f32 v50, v49;
	_ =	sdelay $0x1  }
0x1d3: {  	v0 =	vmul.f32 v0, v42;
	_ =	sdelay $0x1  }
0x1d4: {  	v0 =	vadd.f32 v0, v51;
	_ =	sdelay $0x1  }
0x1d5: {  	v0 =	vmax.f32 v0, $0.0e+00  }
0x1d6: {  	v0 =	vmul.f32 v0, v42;
	_ =	sdelay $0x1  }
0x1d7: {  	v52 =	vld [tilespmem:s31+$0x40];
	[tilespmem:s31+$0x30] =	vst v0  }
0x1d8: {  	v53 =	vld [tilespmem:s17+$0x40];
	_ =	sdelay $0x3  }
0x1d9: {  	v54 =	vld [tilespmem:$0xB400]  }
0x1da: {  	v1 =	vbroadcast v1, $0x8;
	v0 =	vadd.f32 v53, v52;
	_ =	sdelay $0x1  }
0x1db: {  	v0 =	vmul.f32 v0, v1;
	_ =	sdelay $0x1  }
0x1dc: {  	v0 =	vadd.f32 v0, v54;
	_ =	sdelay $0x1  }
0x1dd: {  	v0 =	vmax.f32 v0, $0.0e+00  }
0x1de: {  	v0 =	vmul.f32 v0, v1;
	_ =	sdelay $0x1  }
0x1df: {  	v55 =	vld [tilespmem:s31+$0x50];
	[tilespmem:s31+$0x40] =	vst v0  }
0x1e0: {  	v56 =	vld [tilespmem:s17+$0x50];
	_ =	sdelay $0x3  }
0x1e1: {  	v57 =	vld [tilespmem:$0xB410]  }
0x1e2: {  	v0 =	vadd.f32 v56, v55;
	_ =	sdelay $0x1  }
0x1e3: {  	v0 =	vmul.f32 v0, v1;
	_ =	sdelay $0x1  }
0x1e4: {  	v0 =	vadd.f32 v0, v57;
	_ =	sdelay $0x1  }
0x1e5: {  	v0 =	vmax.f32 v0, $0.0e+00  }
0x1e6: {  	v0 =	vmul.f32 v0, v1;
	_ =	sdelay $0x1  }
0x1e7: {  	v58 =	vld [tilespmem:s31+$0x60];
	[tilespmem:s31+$0x50] =	vst v0  }
0x1e8: {  	v59 =	vld [tilespmem:s17+$0x60];
	_ =	sdelay $0x3  }
0x1e9: {  	v60 =	vld [tilespmem:$0xB420]  }
0x1ea: {  	v0 =	vadd.f32 v59, v58;
	_ =	sdelay $0x1  }
0x1eb: {  	v0 =	vmul.f32 v0, v1;
	_ =	sdelay $0x1  }
0x1ec: {  	v0 =	vadd.f32 v0, v60;
	_ =	sdelay $0x1  }
0x1ed: {  	v0 =	vmax.f32 v0, $0.0e+00  }
0x1ee: {  	v0 =	vmul.f32 v0, v1;
	_ =	sdelay $0x1  }
0x1ef: {  	v61 =	vld [tilespmem:s31+$0x70];
	[tilespmem:s31+$0x60] =	vst v0  }
0x1f0: {  	v62 =	vld [tilespmem:s17+$0x70];
	_ =	sdelay $0x3  }
0x1f1: {  	v63 =	vld [tilespmem:$0xB430]  }
0x1f2: {  	v0 =	vadd.f32 v62, v61;
	_ =	sdelay $0x1  }
0x1f3: {  	v0 =	vmul.f32 v0, v1;
	_ =	sdelay $0x1  }
0x1f4: {  	v0 =	vadd.f32 v0, v63;
	_ =	sdelay $0x1  }
0x1f5: {  	v0 =	vmax.f32 v0, $0.0e+00  }
0x1f6: {  	s15 =	sadd.s32 $0x1, s15;
	v0 =	vmul.f32 v0, v1  }
0x1f7: {  	p0 =	sne.s32 s15, s7  }
.Ltmp1:
0x1f8: {  	[tilespmem:s31+$0x70] =	vst v0;
	(pc) =	sbr.rel @p0 .LBB2_1-.Ltmp1, $4  }
0x1f9: {  	[hbm4b:s6+s3] =	stream.linear.scatter [tilespmem:s3], [sflag:$0x1], $0x5000, $0x38;
	[tilespmem:$0xB440] =	vst v63  }
0x1fa: {  	_ =	swait.ge [sflag:s8], $0x5000  }
0x1fb: {  	[sflag:s8] =	ssyncset.done $0x0  }
0x1fc: {  	[sflag:s8] =	ssyncadd.s32 $0xFFFFB000  }
0x1fd: {  	_ =	sfence.sel $0x180000  }
0x1fe: {  	[bflag:$0x0] =	sbarrier.arrive $0xFFFF  }
0x1ff: {  	p0 =	sne.s32 s0, $0x0;
	_ =	strace $0x9000004D  }
0x200: {  	s0 =	sadd.s32 @!p0 $0x100000, s1;
	[bflag:$0x2] =	sbarrier.arrive $0xFFFF  }
0x201: {  	[sflag:s0] =	ssyncadd.tile.s32 @!p0 $0x1;
	_ =	shalt  }
.Lfunc_end2:
_tile_overlayer_lowered:
.L_overlay_start_2:
0x202: {  	(tag) =	ssettag $0x2  }
0x203: {  	s0 =	rddreg [dreg:$0x0];
	s2 =	stileid.u32  }
0x204: {  	s1 =	rddreg [dreg:$0x1];
	p0 =	sne.s32 s2, $0x0  }
0x205: {  	s3 =	rddreg [dreg:$0x2];
	[bflag:$0x3] =	sbarrier.arrive $0xFFFF;
	s2 =	simm.s32 @!p0 $0x1C01  }
0x206: {  	[timem:s3], [sflag:s2] =	dma.local @!p0 [hbm:s0], s1  }
0x207: {  	s0 =	simm.s32 @!p0 $0x1  }
0x208: {  	_ =	swait.ge @!p0 [sflag:s0], s1  }
0x209: {  	s1 =	ssub.s32 @!p0 $0x0, s1;
	[sflag:s0] =	ssyncset.done @!p0 $0x0  }
0x20a: {  	[sflag:s0] =	ssyncadd.s32 @!p0 s1  }
0x20b: {  	[bflag:$0x3] =	sbarrier.arrive $0xFFFF  }
0x20c: {  	_ =	shalt  }

// kernel: kernel.17.cloned.1.call-start
scs
__scs_entry_jumppad:
0x0: {  	(pc) =	sbr.rel $0x88, $3  }
0x1: {  	(tag) =	ssettag $0x0;
	lr =	simm.s32 $0x1  }
0x2: {  	[smem:$0x3F9B] =	sst lr;
	_ =	strace $0xD0000000  }
0x3: {  	_ = 	snop  }
0x4: {  	_ = 	snop  }
0x5: {  	_ = 	snop  }
0x6: {  	_ = 	snop  }
0x7: {  	_ = 	snop  }
__scs_overlays_trampoline_lowered:
0x8: {  	[smem:$0x3FAA] =	sst s0  }
0x9: {  	[smem:$0x3FAB] =	sst s1  }
0xa: {  	[smem:$0x3FAC] =	sst s2  }
0xb: {  	[smem:$0x3FAD] =	sst s3  }
0xc: {  	[smem:$0x3FAE] =	sst s4  }
0xd: {  	[smem:$0x3FAF] =	sst s5  }
0xe: {  	[smem:$0x3FB0] =	sst s6  }
0xf: {  	[smem:$0x3FB1] =	sst s7  }
0x10: {  	[smem:$0x3FB2] =	sst s8  }
0x11: {  	[smem:$0x3FB3] =	sst s9;
	s0 =	simm.s32 @!p0 $0x0  }
0x12: {  	s1 =	sld [smem:$0x3F99];
	s0 =	simm.s32 @p0 $0x1  }
0x13: {  	[smem:$0x3FB4] =	sst s0;
	s0 =	simm.s32 @!p1 $0x0  }
0x14: {  	s2 =	sld [smem:$0x3F98];
	s0 =	simm.s32 @p1 $0x1  }
0x15: {  	[smem:$0x3FB5] =	sst s0;
	s0 =	simm.s32 @!p2 $0x0  }
0x16: {  	s3 =	sld [smem:$0x3FDB];
	s0 =	simm.s32 @p2 $0x1  }
0x17: {  	s4 =	simm.s32 $0x1BF5;
	[smem:$0x3FB7] =	sst s0  }
0x18: {  	s0 =	sld [smem:$0x3F9A];
	_ =	swait.ge [sflag:s4], $0x0  }
0x19: {  	s7 =	sld [smem:$0x3F9B]  }
0x1a: {  	s8 =	sadd.s32 $0xFFFFE003, lr  }
0x1b: {  	s9 =	sadd.s32 $0xFFFFFEF7, lr;
	s5 =	simm.s32 $0xFFFFFFFF;
	p2 =	slt.u32 s8, $0xFFFFF086  }
0x1c: {  	p1 =	slt.u32 s9, $0xF7A;
	s5 =	simm.s32 @!p2 $0x0  }
0x1d: {  	s5 =	simm.s32 @p1 $0x1;
	p0 =	seq.s32 s7, s2  }
0x1e: {  	s7 =	smul.u32 @!p0 $0xF7A, s2;
	p2 =	seq.s32 @!p0 s5, $0x0  }
0x1f: {  	s9 =	smul.u32 $0xF7A, s1;
	s8 =	simm.s32 @!p0 $0x1BF5;
	p2 =	por !p2, p0  }
0x20: {  	[sflag:s8] =	ssyncset.s32 @!p0 $0xFFFFF086;
	s6 =	sadd.s32 @!p0 s3, s7;
	s7 =	simm.s32 @!p0 $0x108  }
0x21: {  	s3 =	sadd.s32 s3, s9;
	s6 =	sadd.s32 @!p0 $0x88, s6;
	s7 =	simm.s32 @p2 $0x1082  }
0x22: {  	[simem:s7], [sflag:s8] =	dma.local @!p0 [hbm:s6], $0xF7A  }
0x23: {  	s9 =	sor.u32 $0xD0000000, s2;
	s6 =	simm.s32 $0x108;
	_ =	swait.ge @!p0 [sflag:s8], $0x0  }
0x24: {  	s3 =	sadd.s32 $0x88, s3;
	s6 =	simm.s32 @!p1 $0x1082;
	[sflag:s4] =	ssyncset.s32 $0xFFFFF086  }
0x25: {  	[simem:s6], [sflag:s4] =	dma.local [hbm:s3], $0xF7A  }
0x26: {  	[smem:$0x3F9B] =	sst s1;
	(tag) =	ssettag s2;
	_ =	strace s9  }
0x27: {  	s1 =	sld [smem:$0x3FAB]  }
0x28: {  	s2 =	sld [smem:$0x3FAC]  }
0x29: {  	s4 =	sld [smem:$0x3FAE]  }
0x2a: {  	p0 =	seq.s32 s5, $0x0;
	s5 =	sld [smem:$0x3FAF]  }
0x2b: {  	s6 =	sld [smem:$0x3FB0]  }
0x2c: {  	s7 =	sld [smem:$0x3FB1]  }
0x2d: {  	s3 =	simm.s32 $0x108;
	s8 =	sld [smem:$0x3FB2]  }
0x2e: {  	s3 =	simm.s32 @!p0 $0x1082;
	s9 =	sld [smem:$0x3FB3]  }
0x2f: {  	lr =	sadd.s32 s0, s3;
	s0 =	sld [smem:$0x3FAA]  }
0x30: {  	s3 =	sld [smem:$0x3FAD]  }
0x31: {  	[smem:$0x3FB6] =	sst s10  }
0x32: {  	s10 =	sld [smem:$0x3FB4];
	_ =	sdelay $0x3  }
0x33: {  	p0 =	seq.s32 s10, $0x1;
	s10 =	sld [smem:$0x3FB6];
	_ =	sdelay $0x3  }
0x34: {  	[smem:$0x3FB6] =	sst s10  }
0x35: {  	s10 =	sld [smem:$0x3FB5];
	_ =	sdelay $0x3  }
0x36: {  	p1 =	seq.s32 s10, $0x1;
	s10 =	sld [smem:$0x3FB6];
	_ =	sdelay $0x3  }
0x37: {  	[smem:$0x3FB6] =	sst s10  }
0x38: {  	s10 =	sld [smem:$0x3FB7]  }
0x39: {  	_ = 	snop;
	(pc) =	sbr.ind lr, $3  }
0x3a: {  	_ = 	snop  }
0x3b: {  	_ = 	snop  }
0x3c: {  	p2 =	seq.s32 s10, $0x1;
	s10 =	sld [smem:$0x3FB6]  }
0x3d: {  	_ =	shalt  }
0x3e: {  	_ =	shalt  }
0x3f: {  	_ =	shalt  }
0x40: {  	_ =	shalt  }
0x41: {  	_ =	shalt  }
0x42: {  	_ =	shalt  }
0x43: {  	_ =	shalt  }
0x44: {  	_ =	shalt  }
0x45: {  	_ =	shalt  }
0x46: {  	_ =	shalt  }
0x47: {  	_ =	shalt  }
0x48: {  	_ =	shalt  }
0x49: {  	_ =	shalt  }
0x4a: {  	_ =	shalt  }
0x4b: {  	_ =	shalt  }
0x4c: {  	_ =	shalt  }
0x4d: {  	_ =	shalt  }
0x4e: {  	_ =	shalt  }
0x4f: {  	_ =	shalt  }
0x50: {  	_ =	shalt  }
0x51: {  	_ =	shalt  }
0x52: {  	_ =	shalt  }
0x53: {  	_ =	shalt  }
0x54: {  	_ =	shalt  }
0x55: {  	_ =	shalt  }
0x56: {  	_ =	shalt  }
0x57: {  	_ =	shalt  }
0x58: {  	_ =	shalt  }
0x59: {  	_ =	shalt  }
0x5a: {  	_ =	shalt  }
0x5b: {  	_ =	shalt  }
0x5c: {  	_ =	shalt  }
0x5d: {  	_ =	shalt  }
0x5e: {  	_ =	shalt  }
0x5f: {  	_ =	shalt  }
0x60: {  	_ =	shalt  }
0x61: {  	_ =	shalt  }
0x62: {  	_ =	shalt  }
0x63: {  	_ =	shalt  }
0x64: {  	_ =	shalt  }
0x65: {  	_ =	shalt  }
0x66: {  	_ =	shalt  }
0x67: {  	_ =	shalt  }
0x68: {  	_ =	shalt  }
0x69: {  	_ =	shalt  }
0x6a: {  	_ =	shalt  }
0x6b: {  	_ =	shalt  }
0x6c: {  	_ =	shalt  }
0x6d: {  	_ =	shalt  }
0x6e: {  	_ =	shalt  }
0x6f: {  	_ =	shalt  }
0x70: {  	_ =	shalt  }
0x71: {  	_ =	shalt  }
0x72: {  	_ =	shalt  }
0x73: {  	_ =	shalt  }
0x74: {  	_ =	shalt  }
0x75: {  	_ =	shalt  }
0x76: {  	_ =	shalt  }
0x77: {  	_ =	shalt  }
0x78: {  	_ =	shalt  }
0x79: {  	_ =	shalt  }
0x7a: {  	_ =	shalt  }
0x7b: {  	_ =	shalt  }
0x7c: {  	_ =	shalt  }
0x7d: {  	_ =	shalt  }
0x7e: {  	_ =	shalt  }
0x7f: {  	_ =	shalt  }
0x80: {  	_ =	shalt  }
0x81: {  	_ =	shalt  }
0x82: {  	_ =	shalt  }
0x83: {  	_ =	shalt  }
0x84: {  	_ =	shalt  }
0x85: {  	_ =	shalt  }
0x86: {  	_ =	shalt  }
0x87: {  	_ =	shalt  }
.Lfunc_end0:
.L_simem_size_0:
called_computation.3_lowered:
.L_overlay_start_0:
0x88: {  	s2 =	sld [smem:$0x3FD9]  }
0x89: {  	s3 =	sld [smem:$0x3FFE];
	_ =	sdelay $0x1  }
0x8a: {  	s1 =	srdreg.scid  }
0x8b: {  	s0 =	sand.u32 $0x1, s1  }
0x8c: {  	s17 =	sshll.u32 s0, $0xA;
	s2 =	sadd.s32 s3, s2  }
0x8d: {  	s2 =	sadd.s32 s2, s17  }
0x8e: {  	[smem:$0x3FC2] =	sst s2  }
0x8f: {  	_ = 	snop  }
0x90: {  	s2 =	sld [smem:$0x3FD0];
	(tm) =	ssettm $0x1  }
0x91: {  	s18 =	sld [smem:$0x3FFB];
	_ =	sdelay $0x3  }
0x92: {  	_ =	strace s18  }
0x93: {  	s3 =	sld [smem:$0x3FFC];
	_ =	sdelay $0x3  }
0x94: {  	_ =	strace s3  }
0x95: {  	s3 =	sld [smem:$0x3FFD];
	_ =	sdelay $0x3  }
0x96: {  	_ =	strace s3  }
0x97: {  	_ =	strace $0x8FFFFFFF  }
0x98: {  	s19 =	sld [smem:$0x3FDB];
	_ =	sdelay $0x1  }
0x99: {  	s4 =	simm.s32 $_scs_section_size  }
0x9a: {  	s5 =	simm.s32 $_size__tile_overlayer_lowered;
	s6 =	simm.s32 $_tile_overlayer_lowered  }
0x9b: {  	s22 =	simm.s32 $0x1BFF;
	s21 =	sshll.u32 s6, $0x1;
	s3 =	sadd.s32 s4, s19  }
0x9c: {  	s7 =	simm.s32 $0x0;
	s20 =	sshll.u32 s5, $0x1;
	s5 =	sadd.s32 s21, s3  }
0x9d: {  	[timem:s7], [sflag:s22] =	dma.local [hbm:s5], s20  }
0x9e: {  	_ =	swait.ge [sflag:s22], s20  }
0x9f: {  	s4 =	ssub.s32 $0x0, s20;
	[sflag:s22] =	ssyncset.done $0x0  }
0xa0: {  	[sflag:s22] =	ssyncadd.s32 s4;
	_ =	sdelay $0x1  }
0xa1: {  	s23 =	simm.s32 $0x1B8B  }
0xa2: {  	_ =	swait.ge [sflag:s23], $0x1  }
0xa3: {  	[sflag:s23] =	ssyncset.done $0x0  }
0xa4: {  	s25 =	simm.s32 $0x1B8E;
	s24 =	sld [smem:$0x3FFE];
	[sflag:s23] =	ssyncadd.s32 $0xFFFFFFFF  }
0xa5: {  	s26 =	simm.s32 $execute0_lowered;
	[smem:$0x3FD2] =	sst s25  }
0xa6: {  	s5 =	sshll.u32 s26, $0x1;
	_ =	strace $0x8000004F;
	[dreg:$0x1] =	wrdreg $0xFFFFFFFF  }
0xa7: {  	s28 =	simm.s32 $_size_execute0_lowered;
	s3 =	sadd.s32 s3, s5;
	[dreg:$0x0] =	wrdreg $0x0  }
0xa8: {  	s5 =	sshll.u32 s28, $0x1;
	[dreg:$0x2] =	wrdreg s3  }
0xa9: {  	[dreg:$0x3] =	wrdreg s5  }
0xaa: {  	[dreg:$0x4] =	wrdreg $0xC0  }
0xab: {  	_ =	task [dreg:s7], $0x5FFFF  }
0xac: {  	[dreg:$0x1] =	wrdreg $0xFFFFFFFF  }
0xad: {  	[dreg:$0x0] =	wrdreg $0x60  }
0xae: {  	[dreg:$0x2] =	wrdreg s24  }
0xaf: {  	[dreg:$0x3] =	wrdreg s2  }
0xb0: {  	[dreg:$0x4] =	wrdreg $0x150000  }
0xb1: {  	[dreg:$0x5] =	wrdreg $0x9  }
0xb2: {  	_ =	task.clear_ibuf [dreg:s7], $0x6FFFF;
	_ =	strace $0x9000004F  }
0xb3: {  	s29 =	simm.s32 $0x9;
	_ =	strace $0x80000051  }
0xb4: {  	_ =	swait.ge [sflag:s29], $0x1  }
0xb5: {  	[sflag:s29] =	ssyncadd.s32 $0xFFFFFFFF  }
0xb6: {  	_ =	strace $0x90000051  }
0xb7: {  	_ =	sfence  }
0xb8: {  	s30 =	sld [smem:$0x0];
	_ =	sdelay $0x2  }
0xb9: {  	s31 =	sshll.u32 s1, $0xD;
	s1 =	sshrl.u32 s1, $0x2  }
0xba: {  	s3 =	sand.u32 $0x4000, s31;
	s1 =	sadd.s32 s1, s30  }
0xbb: {  	s0 =	sor.u32 s3, s0;
	s1 =	sshll.u32 s1, $0x11  }
0xbc: {  	s0 =	sor.u32 s1, s0  }
0xbd: {  	s0 =	sadd.s32 $0x8F2B, s0  }
0xbe: {  	[sflag:s0] =	ssyncadd.remote.s32 $0x1  }
0xbf: {  	_ =	sfence.sel $0xFFFF  }
0xc0: {  	[dreg:$0x0] =	wrdreg $0xFFFFFFFF;
	(pc) =	sbr.abs _section_cstart, $3  }
0xc1: {  	[dreg:$0x1] =	wrdreg $0xFFFFFFFF  }
0xc2: {  	_ =	task.clear_ibuf [dreg:s7], $0x2FFFF;
	_ =	strace $0x9FFFFFFF  }
0xc3: {  	(tm) =	ssettm $0x7FFFFFFF  }
tec
execute0_lowered:
.L_overlay_start_1:
0x0: {  	(tag) =	ssettag $0x1  }
0x1: {  	s0 =	rddreg [dreg:$0x0]  }
0x2: {  	s2 =	rddreg [dreg:$0x1]  }
0x3: {  	s1 =	rddreg [dreg:$0x2];
	s3 =	srdreg.scid;
	s5 =	simm.s32 $0x0  }
0x4: {  	s11 =	stileid.u32;
	s17 =	simm.s32 $0x80;
	s18 =	simm.s32 $0x5000  }
0x5: {  	s19 =	simm.s32 $0x7000;
	s28 =	simm.s32 $0x2;
	s29 =	simm.s32 $0xF000  }
0x6: {  	s30 =	simm.s32 $0x3;
	s31 =	simm.s32 $0x11000;
	s12 =	simm.s32 $0x13000  }
0x7: {  	s20 =	simm.s32 $0x7;
	s13 =	simm.s32 $0xF;
	s14 =	simm.s32 $0x10  }
0x8: {  	s15 =	simm.s32 $0x0;
	s3 =	sand.u32 $0x1, s3;
	s8 =	smul.u32 $0x28000, s11  }
0x9: {  	[smem:$0x7FF] =	sst s5;
	s7 =	sadd.s32 $0x1B400, s0;
	s9 =	smul.u32 $0xA000, s11  }
0xa: {  	s4 =	sshll.u32 s3, $0x4;
	s21 =	smul.u32 $0x14000, s3;
	_ =	strace $0x80000050  }
0xb: {  	[dreg:$0x4] =	wrdreg s7;
	s22 =	ssub.s32 $0x2, s3;
	p0 =	sne.s32 s3, $0x0  }
0xc: {  	s6 =	sor.u32 s11, s4;
	s4 =	sadd.s32 $0x7400, s0;
	s23 =	sshrl.u32 s22, $0x1  }
0xd: {  	s25 =	sshrl.u32 s8, $0x2;
	s26 =	sshrl.u32 s9, $0x3;
	s9 =	sadd.s32 s9, s1  }
0xe: {  	s8 =	simm.s32 $0xB;
	s6 =	smul.u32 $0x500, s6;
	s0 =	sadd.s32 s21, s0  }
0xf: {  	s5 =	ssub.s32 s22, s23;
	s7 =	sadd.s32 s25, s1;
	s10 =	sadd.s32 s4, s26  }
0x10: {  	[dreg:$0x6] =	wrdreg s9;
	s21 =	simm.s32 $0x9000;
	s23 =	simm.s32 $0xB000  }
0x11: {  	s25 =	simm.s32 $0x1;
	s22 =	simm.s32 $0x8;
	[dreg:$0x7] =	wrdreg s10  }
0x12: {  	s5 =	smax.u32 s5, $0x1;
	s24 =	sadd.s32 s2, s6;
	s2 =	sadd.s32 $0xA000, s2  }
0x13: {  	s0 =	sadd.s32 $0x1C800, s0;
	[dreg:$0x8] =	wrdreg s5;
	s2 =	sadd.s32 s6, s2  }
0x14: {  	s10 =	simm.s32 $0x11;
	[dreg:$0x9] =	wrdreg s2;
	s2 =	sshll.u32 @p0 s11, $0x6  }
0x15: {  	s0 =	sadd.s32 s26, s0;
	[dreg:$0x5] =	wrdreg s24;
	s2 =	sor.u32 @p0 $0x1C11, s2  }
.Ltmp0:
0x16: {  	[dreg:$0xa] =	wrdreg s2;
	s2 =	sshrl.u32 @p0 s7, $0x3;
	(pc) =	sbr.rel .LBB2_1-.Ltmp0, $4  }
0x17: {  	s26 =	simm.s32 $0xD000;
	[dreg:$0xb] =	wrdreg s2;
	s2 =	sshll.u32 @!p0 s11, $0x6  }
0x18: {  	[dreg:$0xe] =	wrdreg s0;
	s0 =	simm.s32 $0x4;
	s2 =	sor.u32 @!p0 $0x1C11, s2  }
0x19: {  	s7 =	simm.s32 $0xE;
	[dreg:$0xc] =	wrdreg s2;
	s2 =	sshrl.u32 @!p0 s9, $0x3  }
0x1a: {  	s9 =	simm.s32 $0xC;
	[dreg:$0xd] =	wrdreg s2;
	s2 =	simm.s32 $0x5  }
.LBB2_4:
0x1b: {  	_ =	swait.ge [sflag:s22], $0x2000  }
0x1c: {  	[sflag:s22] =	ssyncset.done $0x0  }
0x1d: {  	s5 =	simm.s32 $0x9;
	[sflag:s22] =	ssyncadd.s32 $0xFFFFE000  }
0x1e: {  	[spmem:s1] =	stream.indirect.scatter.add.f32 [tilespmem:s12], [sflag:$0x10], $0x40, s3, s17, $0xb8;
	[tilespmem:$0x1F000] =	vst v63  }
0x1f: {  	_ =	swait.ge [sflag:s5], $0x2000  }
0x20: {  	[sflag:s5] =	ssyncset.done $0x0  }
0x21: {  	s6 =	simm.s32 $0xA;
	[sflag:s5] =	ssyncadd.s32 $0xFFFFE000  }
0x22: {  	_ =	swait.ge [sflag:s6], $0x2000  }
0x23: {  	[sflag:s6] =	ssyncset.done $0x0  }
0x24: {  	[sflag:s6] =	ssyncadd.s32 $0xFFFFE000  }
0x25: {  	_ =	swait.ge [sflag:s8], $0x2000  }
0x26: {  	[sflag:s8] =	ssyncset.done $0x0  }
0x27: {  	[sflag:s8] =	ssyncadd.s32 $0xFFFFE000  }
0x28: {  	_ =	swait.ge [sflag:s9], $0x2000  }
0x29: {  	[sflag:s9] =	ssyncset.done $0x0  }
0x2a: {  	s11 =	simm.s32 $0xD;
	[sflag:s9] =	ssyncadd.s32 $0xFFFFE000  }
0x2b: {  	_ =	swait.ge [sflag:s11], $0x2000  }
0x2c: {  	[sflag:s11] =	ssyncset.done $0x0  }
0x2d: {  	[sflag:s11] =	ssyncadd.s32 $0xFFFFE000  }
0x2e: {  	_ =	swait.ge [sflag:s7], $0x2000  }
0x2f: {  	[sflag:s7] =	ssyncset.done $0x0  }
0x30: {  	[sflag:s7] =	ssyncadd.s32 $0xFFFFE000  }
0x31: {  	_ =	swait.ge [sflag:s13], $0x2000  }
0x32: {  	[sflag:s13] =	ssyncset.done $0x0  }
0x33: {  	[sflag:s13] =	ssyncadd.s32 $0xFFFFE000  }
0x34: {  	_ =	swait.ge [sflag:s14], $0x2000  }
0x35: {  	[sflag:s14] =	ssyncset.done $0x0  }
0x36: {  	[sflag:s14] =	ssyncadd.s32 $0xFFFFE000  }
0x37: {  	s16 =	stileid.u32;
	[bflag:$0x0] =	sbarrier.arrive $0xFFFF  }
0x38: {  	s3 =	sshll.u32 s16, $0x6;
	s5 =	rddreg [dreg:$0x6]  }
0x39: {  	s3 =	sor.u32 $0x1C11, s3;
	s6 =	rddreg [dreg:$0xe];
	s5 =	sshrl.u32 s5, $0x3  }
0x3a: {  	[hbm:s6], [sflag:s3] =	dma.local [spmem:s5], $0x1400  }
0x3b: {  	_ =	swait.ge [sflag:s10], $0x1400  }
0x3c: {  	s15 =	sadd.s32 $0x1, s15;
	s24 =	rddreg [dreg:$0x8]  }
0x3d: {  	p1 =	sne.s32 s15, s24  }
.Ltmp1:
0x3e: {  	_ = 	snop;
	(pc) =	sbr.rel @!p1 .LBB2_5-.Ltmp1, $3  }
0x3f: {  	_ =	sdelay $0x1  }
0x40: {  	[sflag:s10] =	ssyncset.done $0x0  }
0x41: {  	[sflag:s10] =	ssyncadd.s32 $0xFFFFEC00  }
.LBB2_1:
0x42: {  	s3 =	simm.s32 $0x0;
	s5 =	rddreg [dreg:$0x5]  }
0x43: {  	[tilespmem:s3], [sflag:$0x11] =	stream.linear.gather [hbm4b:s5+s3], $0x2800, $0x38;
	[tilespmem:$0x1F000] =	vst v63  }
0x44: {  	_ =	swait.ge [sflag:s10], $0x2800  }
0x45: {  	[sflag:s10] =	ssyncset.done $0x0  }
0x46: {  	s6 =	simm.s32 $0x2800;
	s11 =	rddreg [dreg:$0x9];
	[sflag:s10] =	ssyncadd.s32 $0xFFFFD800  }
0x47: {  	[tilespmem:s6], [sflag:$0x11] =	stream.linear.gather [hbm4b:s11+s3], $0x2800, $0x38;
	[tilespmem:$0x1F000] =	vst v63  }
0x48: {  	_ =	swait.ge [sflag:s10], $0x2800  }
0x49: {  	s5 =	rddreg [dreg:$0x4]  }
0x4a: {  	[sflag:s10] =	ssyncset.done $0x0;
	s6 =	rddreg [dreg:$0xa]  }
0x4b: {  	s11 =	rddreg [dreg:$0xb];
	[sflag:s10] =	ssyncadd.s32 $0xFFFFD800  }
0x4c: {  	[spmem:s11], [sflag:s6] =	dma.local @p0 [hbm:s5], $0x1400  }
0x4d: {  	s5 =	rddreg [dreg:$0x7]  }
0x4e: {  	s6 =	rddreg [dreg:$0xc]  }
0x4f: {  	s11 =	rddreg [dreg:$0xd]  }
0x50: {  	[spmem:s11], [sflag:s6] =	dma.local @!p0 [hbm:s5], $0x1400  }
0x51: {  	_ =	swait.ge [sflag:s10], $0x1400  }
0x52: {  	[sflag:s10] =	ssyncset.done $0x0  }
0x53: {  	[sflag:s10] =	ssyncadd.s32 $0xFFFFEC00  }
0x54: {  	[bflag:$0x0] =	sbarrier.arrive $0xFFFF  }
0x55: {  	[tilespmem:s18], [sflag:$0x1] =	stream.indirect.gather [hbm4b:s4+s17], $0x40, s3, s17, $0xb8;
	[tilespmem:$0x1F000] =	vst v63  }
0x56: {  	_ = 	snop  }
0x57: {  	[tilespmem:s19], [sflag:$0x2] =	stream.indirect.gather [hbm4b:s4+s17], $0x40, s17, s17, $0xb8;
	[tilespmem:$0x1F000] =	vst v63  }
0x58: {  	s16 =	simm.s32 $0x100  }
0x59: {  	[tilespmem:s21], [sflag:$0x3] =	stream.indirect.gather [hbm4b:s4+s17], $0x40, s16, s17, $0xb8;
	[tilespmem:$0x1F000] =	vst v63  }
0x5a: {  	s24 =	simm.s32 $0x180;
	s16 =	simm.s32 $0x0  }
0x5b: {  	[tilespmem:s23], [sflag:$0x4] =	stream.indirect.gather [hbm4b:s4+s17], $0x40, s24, s17, $0xb8;
	[tilespmem:$0x1F000] =	vst v63  }
.LBB2_2:
0x5c: {  	_ =	swait.ge [sflag:s25], $0x2000  }
0x5d: {  	s24 =	sshra.s32 s16, $0x2;
	[sflag:s25] =	ssyncset.done $0x0  }
0x5e: {  	p1 =	seq.s32 s16, $0x0;
	s3 =	sadd.s32 $0x2800, s24;
	[sflag:s25] =	ssyncadd.s32 $0xFFFFE000  }
0x5f: {  	[spmem:s1] =	stream.indirect.scatter.add.f32 [tilespmem:s18], [sflag:$0x9], $0x40, s3, s17, $0xb8;
	[tilespmem:$0x1F000] =	vst v63  }
0x60: {  	s3 =	simm.s32 @!p1 $0xD  }
0x61: {  	_ =	swait.ge @!p1 [sflag:s3], $0x2000  }
0x62: {  	[sflag:s3] =	ssyncset.done @!p1 $0x0  }
0x63: {  	s5 =	sadd.s32 $0x200, s24;
	[sflag:s3] =	ssyncadd.s32 @!p1 $0xFFFFE000  }
0x64: {  	[tilespmem:s26], [sflag:$0x5] =	stream.indirect.gather [hbm4b:s4+s17], $0x40, s5, s17, $0xb8;
	[tilespmem:$0x1F000] =	vst v63  }
0x65: {  	_ =	swait.ge [sflag:s28], $0x2000  }
0x66: {  	[sflag:s28] =	ssyncset.done $0x0  }
0x67: {  	s6 =	sadd.s32 $0x2880, s24;
	s3 =	simm.s32 @!p1 $0xE;
	[sflag:s28] =	ssyncadd.s32 $0xFFFFE000  }
0x68: {  	[spmem:s1] =	stream.indirect.scatter.add.f32 [tilespmem:s19], [sflag:$0xA], $0x40, s6, s17, $0xb8;
	[tilespmem:$0x1F000] =	vst v63  }
0x69: {  	_ =	swait.ge @!p1 [sflag:s3], $0x2000  }
0x6a: {  	[sflag:s3] =	ssyncset.done @!p1 $0x0  }
0x6b: {  	s11 =	sadd.s32 $0x280, s24;
	[sflag:s3] =	ssyncadd.s32 @!p1 $0xFFFFE000  }
0x6c: {  	[tilespmem:s29], [sflag:$0x6] =	stream.indirect.gather [hbm4b:s4+s17], $0x40, s11, s17, $0xb8;
	[tilespmem:$0x1F000] =	vst v63  }
0x6d: {  	_ =	swait.ge [sflag:s30], $0x2000  }
0x6e: {  	[sflag:s30] =	ssyncset.done $0x0  }
0x6f: {  	s5 =	sadd.s32 $0x2900, s24;
	s3 =	simm.s32 @!p1 $0xF;
	[sflag:s30] =	ssyncadd.s32 $0xFFFFE000  }
0x70: {  	[spmem:s1] =	stream.indirect.scatter.add.f32 [tilespmem:s21], [sflag:$0xB], $0x40, s5, s17, $0xb8;
	[tilespmem:$0x1F000] =	vst v63  }
0x71: {  	_ =	swait.ge @!p1 [sflag:s3], $0x2000  }
0x72: {  	[sflag:s3] =	ssyncset.done @!p1 $0x0  }
0x73: {  	s6 =	sadd.s32 $0x300, s24;
	[sflag:s3] =	ssyncadd.s32 @!p1 $0xFFFFE000  }
0x74: {  	[tilespmem:s31], [sflag:$0x7] =	stream.indirect.gather [hbm4b:s4+s17], $0x40, s6, s17, $0xb8;
	[tilespmem:$0x1F000] =	vst v63  }
0x75: {  	_ =	swait.ge [sflag:s0], $0x2000  }
0x76: {  	[sflag:s0] =	ssyncset.done $0x0  }
0x77: {  	s11 =	sadd.s32 $0x2980, s24;
	s3 =	simm.s32 @!p1 $0x10;
	[sflag:s0] =	ssyncadd.s32 $0xFFFFE000  }
0x78: {  	[spmem:s1] =	stream.indirect.scatter.add.f32 [tilespmem:s23], [sflag:$0xC], $0x40, s11, s17, $0xb8;
	[tilespmem:$0x1F000] =	vst v63  }
0x79: {  	_ =	swait.ge @!p1 [sflag:s3], $0x2000  }
0x7a: {  	[sflag:s3] =	ssyncset.done @!p1 $0x0  }
0x7b: {  	s5 =	sadd.s32 $0x380, s24;
	[sflag:s3] =	ssyncadd.s32 @!p1 $0xFFFFE000  }
0x7c: {  	[tilespmem:s12], [sflag:$0x8] =	stream.indirect.gather [hbm4b:s4+s17], $0x40, s5, s17, $0xb8;
	[tilespmem:$0x1F000] =	vst v63  }
0x7d: {  	_ =	swait.ge [sflag:s2], $0x2000  }
0x7e: {  	p1 =	seq.s32 s16, $0x9000;
	[sflag:s2] =	ssyncset.done $0x0  }
0x7f: {  	s6 =	sadd.s32 $0x2A00, s24;
	s3 =	simm.s32 @p1 $0x6;
	[sflag:s2] =	ssyncadd.s32 $0xFFFFE000  }
0x80: {  	[spmem:s1] =	stream.indirect.scatter.add.f32 [tilespmem:s26], [sflag:$0xD], $0x40, s6, s17, $0xb8;
	[tilespmem:$0x1F000] =	vst v63  }
0x81: {  	_ =	swait.ge @p1 [sflag:s3], $0x2000  }
0x82: {  	[sflag:s3] =	ssyncset.done @p1 $0x0  }
0x83: {  	[sflag:s3] =	ssyncadd.s32 @p1 $0xFFFFE000;
	s3 =	sshra.s32 @p1 s16, $0x2  }
0x84: {  	s5 =	simm.s32 @p1 $0x80;
	s6 =	simm.s32 @p1 $0xF000;
	s3 =	sadd.s32 @p1 $0x2A80, s3  }
0x85: {  	[spmem:s1] =	stream.indirect.scatter.add.f32 @p1 [tilespmem:s6], [sflag:$0xE], $0x40, s3, s5, $0xb8;
	[tilespmem:$0x1F000] =	vst v63  }
0x86: {  	s3 =	simm.s32 @!p1 $0x9  }
0x87: {  	_ =	swait.ge @!p1 [sflag:s3], $0x2000  }
0x88: {  	[sflag:s3] =	ssyncset.done @!p1 $0x0  }
0x89: {  	[sflag:s3] =	ssyncadd.s32 @!p1 $0xFFFFE000;
	s3 =	sshra.s32 @!p1 s16, $0x2  }
0x8a: {  	s11 =	simm.s32 @!p1 $0x5000;
	s6 =	simm.s32 @!p1 $0x80;
	s5 =	sadd.s32 @!p1 $0x400, s3  }
0x8b: {  	[tilespmem:s11], [sflag:$0x1] =	stream.indirect.gather @!p1 [hbm4b:s4+s6], $0x40, s5, s6, $0xb8;
	[tilespmem:$0x1F000] =	vst v63  }
0x8c: {  	s5 =	simm.s32 @!p1 $0x6  }
0x8d: {  	_ =	swait.ge @!p1 [sflag:s5], $0x2000  }
0x8e: {  	[sflag:s5] =	ssyncset.done @!p1 $0x0  }
0x8f: {  	s11 =	simm.s32 @!p1 $0xF000;
	[sflag:s5] =	ssyncadd.s32 @!p1 $0xFFFFE000;
	s5 =	sadd.s32 @!p1 $0x2A80, s3  }
0x90: {  	[spmem:s1] =	stream.indirect.scatter.add.f32 @!p1 [tilespmem:s11], [sflag:$0xE], $0x40, s5, s6, $0xb8;
	[tilespmem:$0x1F000] =	vst v63  }
0x91: {  	s5 =	simm.s32 @!p1 $0xA  }
0x92: {  	_ =	swait.ge @!p1 [sflag:s5], $0x2000  }
0x93: {  	[sflag:s5] =	ssyncset.done @!p1 $0x0  }
0x94: {  	s3 =	sadd.s32 @!p1 $0x480, s3;
	[sflag:s5] =	ssyncadd.s32 @!p1 $0xFFFFE000;
	s5 =	simm.s32 @!p1 $0x7000  }
0x95: {  	[tilespmem:s5], [sflag:$0x2] =	stream.indirect.gather @!p1 [hbm4b:s4+s6], $0x40, s3, s6, $0xb8;
	[tilespmem:$0x1F000] =	vst v63  }
.Ltmp2:
0x96: {  	_ = 	snop;
	(pc) =	sbr.rel @p1 .LBB2_4-.Ltmp2, $4  }
0x97: {  	_ =	swait.ge [sflag:s20], $0x2000  }
0x98: {  	[sflag:s20] =	ssyncset.done $0x0  }
0x99: {  	s11 =	sadd.s32 $0x2B00, s24;
	s3 =	sadd.s32 $0x2B80, s24;
	[sflag:s20] =	ssyncadd.s32 $0xFFFFE000  }
0x9a: {  	[spmem:s1] =	stream.indirect.scatter.add.f32 [tilespmem:s31], [sflag:$0xF], $0x40, s11, s17, $0xb8;
	[tilespmem:$0x1F000] =	vst v63  }
0x9b: {  	_ =	swait.ge [sflag:s8], $0x2000  }
0x9c: {  	[sflag:s8] =	ssyncset.done $0x0  }
0x9d: {  	s5 =	sadd.s32 $0x500, s24;
	[sflag:s8] =	ssyncadd.s32 $0xFFFFE000  }
0x9e: {  	[tilespmem:s21], [sflag:$0x3] =	stream.indirect.gather [hbm4b:s4+s17], $0x40, s5, s17, $0xb8;
	[tilespmem:$0x1F000] =	vst v63  }
0x9f: {  	_ =	swait.ge [sflag:s22], $0x2000  }
0xa0: {  	[sflag:s22] =	ssyncset.done $0x0  }
0xa1: {  	[sflag:s22] =	ssyncadd.s32 $0xFFFFE000  }
0xa2: {  	[spmem:s1] =	stream.indirect.scatter.add.f32 [tilespmem:s12], [sflag:$0x10], $0x40, s3, s17, $0xb8;
	[tilespmem:$0x1F000] =	vst v63  }
.Ltmp3:
0xa3: {  	_ = 	snop;
	(pc) =	sbr.rel .LBB2_2-.Ltmp3, $4  }
0xa4: {  	_ =	swait.ge [sflag:s9], $0x2000  }
0xa5: {  	[sflag:s9] =	ssyncset.done $0x0  }
0xa6: {  	s24 =	sadd.s32 $0x580, s24;
	s16 =	sadd.s32 $0x1000, s16;
	[sflag:s9] =	ssyncadd.s32 $0xFFFFE000  }
0xa7: {  	[tilespmem:s23], [sflag:$0x4] =	stream.indirect.gather [hbm4b:s4+s17], $0x40, s24, s17, $0xb8;
	[tilespmem:$0x1F000] =	vst v63  }
.LBB2_5:
0xa8: {  	_ =	sfence.sel $0x180000  }
0xa9: {  	[bflag:$0x0] =	sbarrier.arrive $0xFFFF  }
0xaa: {  	_ =	strace $0x90000050  }
0xab: {  	s0 =	stileid.u32;
	[bflag:$0x2] =	sbarrier.arrive $0xFFFF  }
0xac: {  	p0 =	sne.s32 s0, $0x0;
	s0 =	rddreg [dreg:$0x3]  }
0xad: {  	s0 =	sadd.s32 @!p0 $0x100000, s0  }
0xae: {  	[sflag:s0] =	ssyncadd.tile.s32 @!p0 $0x1;
	_ =	shalt  }
.Lfunc_end2:
_tile_overlayer_lowered:
.L_overlay_start_2:
0xaf: {  	(tag) =	ssettag $0x2  }
0xb0: {  	s0 =	rddreg [dreg:$0x0];
	s2 =	stileid.u32  }
0xb1: {  	s1 =	rddreg [dreg:$0x1];
	p0 =	sne.s32 s2, $0x0  }
0xb2: {  	s3 =	rddreg [dreg:$0x2];
	[bflag:$0x3] =	sbarrier.arrive $0xFFFF;
	s2 =	simm.s32 @!p0 $0x1C11  }
0xb3: {  	[timem:s3], [sflag:s2] =	dma.local @!p0 [hbm:s0], s1  }
0xb4: {  	s0 =	simm.s32 @!p0 $0x11  }
0xb5: {  	_ =	swait.ge @!p0 [sflag:s0], s1  }
0xb6: {  	s1 =	ssub.s32 @!p0 $0x0, s1;
	[sflag:s0] =	ssyncset.done @!p0 $0x0  }
0xb7: {  	[sflag:s0] =	ssyncadd.s32 @!p0 s1  }
0xb8: {  	[bflag:$0x3] =	sbarrier.arrive $0xFFFF  }
0xb9: {  	_ =	shalt  }

// kernel: kernel.8.cloned.1.call-start
scs
__scs_entry_jumppad:
0x0: {  	(pc) =	sbr.rel $0x88, $3  }
0x1: {  	(tag) =	ssettag $0x0;
	lr =	simm.s32 $0x1  }
0x2: {  	[smem:$0x3F9B] =	sst lr;
	_ =	strace $0xD0000000  }
0x3: {  	_ = 	snop  }
0x4: {  	_ = 	snop  }
0x5: {  	_ = 	snop  }
0x6: {  	_ = 	snop  }
0x7: {  	_ = 	snop  }
__scs_overlays_trampoline_lowered:
0x8: {  	[smem:$0x3FAA] =	sst s0  }
0x9: {  	[smem:$0x3FAB] =	sst s1  }
0xa: {  	[smem:$0x3FAC] =	sst s2  }
0xb: {  	[smem:$0x3FAD] =	sst s3  }
0xc: {  	[smem:$0x3FAE] =	sst s4  }
0xd: {  	[smem:$0x3FAF] =	sst s5  }
0xe: {  	[smem:$0x3FB0] =	sst s6  }
0xf: {  	[smem:$0x3FB1] =	sst s7  }
0x10: {  	[smem:$0x3FB2] =	sst s8  }
0x11: {  	[smem:$0x3FB3] =	sst s9;
	s0 =	simm.s32 @!p0 $0x0  }
0x12: {  	s1 =	sld [smem:$0x3F99];
	s0 =	simm.s32 @p0 $0x1  }
0x13: {  	[smem:$0x3FB4] =	sst s0;
	s0 =	simm.s32 @!p1 $0x0  }
0x14: {  	s2 =	sld [smem:$0x3F98];
	s0 =	simm.s32 @p1 $0x1  }
0x15: {  	[smem:$0x3FB5] =	sst s0;
	s0 =	simm.s32 @!p2 $0x0  }
0x16: {  	s3 =	sld [smem:$0x3FDB];
	s0 =	simm.s32 @p2 $0x1  }
0x17: {  	s4 =	simm.s32 $0x1BF5;
	[smem:$0x3FB7] =	sst s0  }
0x18: {  	s0 =	sld [smem:$0x3F9A];
	_ =	swait.ge [sflag:s4], $0x0  }
0x19: {  	s7 =	sld [smem:$0x3F9B]  }
0x1a: {  	s8 =	sadd.s32 $0xFFFFE003, lr  }
0x1b: {  	s9 =	sadd.s32 $0xFFFFFEF7, lr;
	s5 =	simm.s32 $0xFFFFFFFF;
	p2 =	slt.u32 s8, $0xFFFFF086  }
0x1c: {  	p1 =	slt.u32 s9, $0xF7A;
	s5 =	simm.s32 @!p2 $0x0  }
0x1d: {  	s5 =	simm.s32 @p1 $0x1;
	p0 =	seq.s32 s7, s2  }
0x1e: {  	s7 =	smul.u32 @!p0 $0xF7A, s2;
	p2 =	seq.s32 @!p0 s5, $0x0  }
0x1f: {  	s9 =	smul.u32 $0xF7A, s1;
	s8 =	simm.s32 @!p0 $0x1BF5;
	p2 =	por !p2, p0  }
0x20: {  	[sflag:s8] =	ssyncset.s32 @!p0 $0xFFFFF086;
	s6 =	sadd.s32 @!p0 s3, s7;
	s7 =	simm.s32 @!p0 $0x108  }
0x21: {  	s3 =	sadd.s32 s3, s9;
	s6 =	sadd.s32 @!p0 $0x88, s6;
	s7 =	simm.s32 @p2 $0x1082  }
0x22: {  	[simem:s7], [sflag:s8] =	dma.local @!p0 [hbm:s6], $0xF7A  }
0x23: {  	s9 =	sor.u32 $0xD0000000, s2;
	s6 =	simm.s32 $0x108;
	_ =	swait.ge @!p0 [sflag:s8], $0x0  }
0x24: {  	s3 =	sadd.s32 $0x88, s3;
	s6 =	simm.s32 @!p1 $0x1082;
	[sflag:s4] =	ssyncset.s32 $0xFFFFF086  }
0x25: {  	[simem:s6], [sflag:s4] =	dma.local [hbm:s3], $0xF7A  }
0x26: {  	[smem:$0x3F9B] =	sst s1;
	(tag) =	ssettag s2;
	_ =	strace s9  }
0x27: {  	s1 =	sld [smem:$0x3FAB]  }
0x28: {  	s2 =	sld [smem:$0x3FAC]  }
0x29: {  	s4 =	sld [smem:$0x3FAE]  }
0x2a: {  	p0 =	seq.s32 s5, $0x0;
	s5 =	sld [smem:$0x3FAF]  }
0x2b: {  	s6 =	sld [smem:$0x3FB0]  }
0x2c: {  	s7 =	sld [smem:$0x3FB1]  }
0x2d: {  	s3 =	simm.s32 $0x108;
	s8 =	sld [smem:$0x3FB2]  }
0x2e: {  	s3 =	simm.s32 @!p0 $0x1082;
	s9 =	sld [smem:$0x3FB3]  }
0x2f: {  	lr =	sadd.s32 s0, s3;
	s0 =	sld [smem:$0x3FAA]  }
0x30: {  	s3 =	sld [smem:$0x3FAD]  }
0x31: {  	[smem:$0x3FB6] =	sst s10  }
0x32: {  	s10 =	sld [smem:$0x3FB4];
	_ =	sdelay $0x3  }
0x33: {  	p0 =	seq.s32 s10, $0x1;
	s10 =	sld [smem:$0x3FB6];
	_ =	sdelay $0x3  }
0x34: {  	[smem:$0x3FB6] =	sst s10  }
0x35: {  	s10 =	sld [smem:$0x3FB5];
	_ =	sdelay $0x3  }
0x36: {  	p1 =	seq.s32 s10, $0x1;
	s10 =	sld [smem:$0x3FB6];
	_ =	sdelay $0x3  }
0x37: {  	[smem:$0x3FB6] =	sst s10  }
0x38: {  	s10 =	sld [smem:$0x3FB7]  }
0x39: {  	_ = 	snop;
	(pc) =	sbr.ind lr, $3  }
0x3a: {  	_ = 	snop  }
0x3b: {  	_ = 	snop  }
0x3c: {  	p2 =	seq.s32 s10, $0x1;
	s10 =	sld [smem:$0x3FB6]  }
0x3d: {  	_ =	shalt  }
0x3e: {  	_ =	shalt  }
0x3f: {  	_ =	shalt  }
0x40: {  	_ =	shalt  }
0x41: {  	_ =	shalt  }
0x42: {  	_ =	shalt  }
0x43: {  	_ =	shalt  }
0x44: {  	_ =	shalt  }
0x45: {  	_ =	shalt  }
0x46: {  	_ =	shalt  }
0x47: {  	_ =	shalt  }
0x48: {  	_ =	shalt  }
0x49: {  	_ =	shalt  }
0x4a: {  	_ =	shalt  }
0x4b: {  	_ =	shalt  }
0x4c: {  	_ =	shalt  }
0x4d: {  	_ =	shalt  }
0x4e: {  	_ =	shalt  }
0x4f: {  	_ =	shalt  }
0x50: {  	_ =	shalt  }
0x51: {  	_ =	shalt  }
0x52: {  	_ =	shalt  }
0x53: {  	_ =	shalt  }
0x54: {  	_ =	shalt  }
0x55: {  	_ =	shalt  }
0x56: {  	_ =	shalt  }
0x57: {  	_ =	shalt  }
0x58: {  	_ =	shalt  }
0x59: {  	_ =	shalt  }
0x5a: {  	_ =	shalt  }
0x5b: {  	_ =	shalt  }
0x5c: {  	_ =	shalt  }
0x5d: {  	_ =	shalt  }
0x5e: {  	_ =	shalt  }
0x5f: {  	_ =	shalt  }
0x60: {  	_ =	shalt  }
0x61: {  	_ =	shalt  }
0x62: {  	_ =	shalt  }
0x63: {  	_ =	shalt  }
0x64: {  	_ =	shalt  }
0x65: {  	_ =	shalt  }
0x66: {  	_ =	shalt  }
0x67: {  	_ =	shalt  }
0x68: {  	_ =	shalt  }
0x69: {  	_ =	shalt  }
0x6a: {  	_ =	shalt  }
0x6b: {  	_ =	shalt  }
0x6c: {  	_ =	shalt  }
0x6d: {  	_ =	shalt  }
0x6e: {  	_ =	shalt  }
0x6f: {  	_ =	shalt  }
0x70: {  	_ =	shalt  }
0x71: {  	_ =	shalt  }
0x72: {  	_ =	shalt  }
0x73: {  	_ =	shalt  }
0x74: {  	_ =	shalt  }
0x75: {  	_ =	shalt  }
0x76: {  	_ =	shalt  }
0x77: {  	_ =	shalt  }
0x78: {  	_ =	shalt  }
0x79: {  	_ =	shalt  }
0x7a: {  	_ =	shalt  }
0x7b: {  	_ =	shalt  }
0x7c: {  	_ =	shalt  }
0x7d: {  	_ =	shalt  }
0x7e: {  	_ =	shalt  }
0x7f: {  	_ =	shalt  }
0x80: {  	_ =	shalt  }
0x81: {  	_ =	shalt  }
0x82: {  	_ =	shalt  }
0x83: {  	_ =	shalt  }
0x84: {  	_ =	shalt  }
0x85: {  	_ =	shalt  }
0x86: {  	_ =	shalt  }
0x87: {  	_ =	shalt  }
.Lfunc_end0:
.L_simem_size_0:
called_computation_lowered:
.L_overlay_start_0:
0x88: {  	s2 =	sld [smem:$0x3FD9]  }
0x89: {  	s3 =	sld [smem:$0x3FFE];
	_ =	sdelay $0x1  }
0x8a: {  	s1 =	srdreg.scid  }
0x8b: {  	s0 =	sand.u32 $0x1, s1  }
0x8c: {  	s17 =	sshll.u32 s0, $0xA;
	s2 =	sadd.s32 s3, s2  }
0x8d: {  	s2 =	sadd.s32 s2, s17  }
0x8e: {  	[smem:$0x3FC2] =	sst s2  }
0x8f: {  	_ = 	snop  }
0x90: {  	s2 =	sld [smem:$0x3FD0];
	(tm) =	ssettm $0x1  }
0x91: {  	s18 =	sld [smem:$0x3FFB];
	_ =	sdelay $0x3  }
0x92: {  	_ =	strace s18  }
0x93: {  	s3 =	sld [smem:$0x3FFC];
	_ =	sdelay $0x3  }
0x94: {  	_ =	strace s3  }
0x95: {  	s3 =	sld [smem:$0x3FFD];
	_ =	sdelay $0x3  }
0x96: {  	_ =	strace s3  }
0x97: {  	_ =	strace $0x8FFFFFFF  }
0x98: {  	s19 =	sld [smem:$0x3FDB];
	_ =	sdelay $0x1  }
0x99: {  	s4 =	simm.s32 $_scs_section_size  }
0x9a: {  	s5 =	simm.s32 $_size__tile_overlayer_lowered;
	s6 =	simm.s32 $_tile_overlayer_lowered  }
0x9b: {  	s22 =	simm.s32 $0x1BFF;
	s21 =	sshll.u32 s6, $0x1;
	s3 =	sadd.s32 s4, s19  }
0x9c: {  	s7 =	simm.s32 $0x0;
	s20 =	sshll.u32 s5, $0x1;
	s5 =	sadd.s32 s21, s3  }
0x9d: {  	[timem:s7], [sflag:s22] =	dma.local [hbm:s5], s20  }
0x9e: {  	_ =	swait.ge [sflag:s22], s20  }
0x9f: {  	s4 =	ssub.s32 $0x0, s20;
	[sflag:s22] =	ssyncset.done $0x0  }
0xa0: {  	[sflag:s22] =	ssyncadd.s32 s4;
	_ =	sdelay $0x1  }
0xa1: {  	s23 =	simm.s32 $0x1B8B  }
0xa2: {  	_ =	swait.ge [sflag:s23], $0x1  }
0xa3: {  	[sflag:s23] =	ssyncset.done $0x0  }
0xa4: {  	s25 =	simm.s32 $0x1B8E;
	s24 =	sld [smem:$0x3FFE];
	[sflag:s23] =	ssyncadd.s32 $0xFFFFFFFF  }
0xa5: {  	s26 =	simm.s32 $execute0_lowered;
	[smem:$0x3FD2] =	sst s25  }
0xa6: {  	s5 =	sshll.u32 s26, $0x1;
	_ =	strace $0x80000046;
	[dreg:$0x1] =	wrdreg $0xFFFFFFFF  }
0xa7: {  	s28 =	simm.s32 $_size_execute0_lowered;
	s3 =	sadd.s32 s3, s5;
	[dreg:$0x0] =	wrdreg $0x0  }
0xa8: {  	s5 =	sshll.u32 s28, $0x1;
	[dreg:$0x2] =	wrdreg s3  }
0xa9: {  	[dreg:$0x3] =	wrdreg s5  }
0xaa: {  	[dreg:$0x4] =	wrdreg $0xC0  }
0xab: {  	_ =	task [dreg:s7], $0x5FFFF  }
0xac: {  	[dreg:$0x1] =	wrdreg $0xFFFFFFFF  }
0xad: {  	[dreg:$0x0] =	wrdreg $0x60  }
0xae: {  	[dreg:$0x2] =	wrdreg s2  }
0xaf: {  	[dreg:$0x3] =	wrdreg s24  }
0xb0: {  	[dreg:$0x4] =	wrdreg $0x2C000  }
0xb1: {  	[dreg:$0x5] =	wrdreg $0x9  }
0xb2: {  	_ =	task.clear_ibuf [dreg:s7], $0x6FFFF;
	_ =	strace $0x90000046  }
0xb3: {  	s29 =	simm.s32 $0x9;
	_ =	strace $0x80000048  }
0xb4: {  	_ =	swait.ge [sflag:s29], $0x1  }
0xb5: {  	[sflag:s29] =	ssyncadd.s32 $0xFFFFFFFF  }
0xb6: {  	_ =	strace $0x90000048  }
0xb7: {  	_ =	sfence  }
0xb8: {  	s30 =	sld [smem:$0x0];
	_ =	sdelay $0x2  }
0xb9: {  	s31 =	sshll.u32 s1, $0xD;
	s1 =	sshrl.u32 s1, $0x2  }
0xba: {  	s3 =	sand.u32 $0x4000, s31;
	s1 =	sadd.s32 s1, s30  }
0xbb: {  	s0 =	sor.u32 s3, s0;
	s1 =	sshll.u32 s1, $0x11  }
0xbc: {  	s0 =	sor.u32 s1, s0  }
0xbd: {  	s0 =	sadd.s32 $0x8F2B, s0  }
0xbe: {  	[sflag:s0] =	ssyncadd.remote.s32 $0x1  }
0xbf: {  	_ =	sfence.sel $0xFFFF  }
0xc0: {  	[dreg:$0x0] =	wrdreg $0xFFFFFFFF;
	(pc) =	sbr.abs _section_cstart, $3  }
0xc1: {  	[dreg:$0x1] =	wrdreg $0xFFFFFFFF  }
0xc2: {  	_ =	task.clear_ibuf [dreg:s7], $0x2FFFF;
	_ =	strace $0x9FFFFFFF  }
0xc3: {  	(tm) =	ssettm $0x7FFFFFFF  }
tec
execute0_lowered:
.L_overlay_start_1:
0x0: {  	(tag) =	ssettag $0x1  }
0x1: {  	s6 =	rddreg [dreg:$0x0]  }
0x2: {  	s7 =	rddreg [dreg:$0x1]  }
0x3: {  	s1 =	rddreg [dreg:$0x2]  }
0x4: {  	s2 =	srdreg.scid;
	s0 =	rddreg [dreg:$0x3];
	s3 =	simm.s32 $0x0  }
0x5: {  	s13 =	simm.s32 $0x1;
	s14 =	simm.s32 $0x2;
	s15 =	simm.s32 $0x3  }
0x6: {  	s16 =	simm.s32 $0x4;
	s8 =	sand.u32 $0x1, s2;
	s2 =	stileid.u32  }
0x7: {  	[smem:$0x7FF] =	sst s3;
	s4 =	sshll.u32 s8, $0x4;
	s9 =	smul.u32 $0x2800, s8  }
0x8: {  	_ =	strace $0x80000047;
	s8 =	ssub.s32 $0x2, s8;
	s11 =	smul.u32 $0x1400, s2  }
0x9: {  	s31 =	sshll.u32 s2, $0x6;
	s5 =	sor.u32 s2, s4;
	s4 =	sadd.s32 $0x1E00, s7  }
0xa: {  	s30 =	sshrl.u32 s8, $0x1;
	s10 =	smul.u32 $0x500, s5;
	s5 =	sadd.s32 $0x2000, s7  }
0xb: {  	s7 =	sadd.s32 s9, s7;
	s8 =	ssub.s32 s8, s30;
	s12 =	sadd.s32 s11, s1  }
0xc: {  	s18 =	sshrl.u32 s11, $0x3;
	s9 =	simm.s32 $0x2800;
	s17 =	sadd.s32 $0x2400, s7  }
0xd: {  	s7 =	smax.u32 s8, $0x1;
	s8 =	simm.s32 $0x5;
	s11 =	sshrl.u32 s12, $0x3  }
0xe: {  	s12 =	simm.s32 $0x80;
	s6 =	sadd.s32 s10, s6;
	s10 =	sor.u32 $0x1C05, s31  }
0xf: {  	s17 =	sadd.s32 s18, s17;
	s18 =	simm.s32 $0x0;
	s6 =	sadd.s32 $0xA000, s6  }
.LBB2_1:
0x10: {  	[tilespmem:s3], [sflag:$0x5] =	stream.linear.gather [hbm4b:s6+s3], $0x2800, $0x38;
	[tilespmem:$0x4000] =	vst v63  }
0x11: {  	_ =	swait.ge [sflag:s8], $0x2800  }
0x12: {  	[sflag:s8] =	ssyncset.done $0x0  }
0x13: {  	[sflag:s8] =	ssyncadd.s32 $0xFFFFD800  }
0x14: {  	[tilespmem:s9], [sflag:$0x5] =	stream.linear.gather [hbm4b:s4+s3], $0x400, $0x38;
	[tilespmem:$0x4000] =	vst v63  }
0x15: {  	_ =	swait.ge [sflag:s8], $0x400  }
0x16: {  	[sflag:s8] =	ssyncset.done $0x0  }
0x17: {  	[sflag:s8] =	ssyncadd.s32 $0xFFFFFC00  }
0x18: {  	[spmem:s11], [sflag:s10] =	dma.local [hbm:s5], $0x280  }
0x19: {  	_ =	swait.ge [sflag:s8], $0x280  }
0x1a: {  	[sflag:s8] =	ssyncset.done $0x0  }
0x1b: {  	[sflag:s8] =	ssyncadd.s32 $0xFFFFFD80  }
0x1c: {  	s19 =	simm.s32 $0x0;
	[bflag:$0x0] =	sbarrier.arrive $0xFFFF  }
0x1d: {  	[spmem:s1] =	stream.indirect.scatter.add.f32 [tilespmem:s9], [sflag:$0x1], $0x8, s19, s12, $0xb8;
	[tilespmem:$0x4000] =	vst v63  }
0x1e: {  	s29 =	simm.s32 $0x80  }
0x1f: {  	[spmem:s1] =	stream.indirect.scatter.add.f32 [tilespmem:s9], [sflag:$0x2], $0x8, s29, s12, $0xb8;
	[tilespmem:$0x4000] =	vst v63  }
0x20: {  	s30 =	simm.s32 $0x100  }
0x21: {  	[spmem:s1] =	stream.indirect.scatter.add.f32 [tilespmem:s9], [sflag:$0x3], $0x8, s30, s12, $0xb8;
	[tilespmem:$0x4000] =	vst v63  }
0x22: {  	s31 =	simm.s32 $0x180  }
0x23: {  	[spmem:s1] =	stream.indirect.scatter.add.f32 [tilespmem:s9], [sflag:$0x4], $0x8, s31, s12, $0xb8;
	[tilespmem:$0x4000] =	vst v63  }
0x24: {  	_ =	swait.ge [sflag:s13], $0x400  }
0x25: {  	[sflag:s13] =	ssyncset.done $0x0  }
0x26: {  	[sflag:s13] =	ssyncadd.s32 $0xFFFFFC00  }
0x27: {  	_ =	swait.ge [sflag:s14], $0x400  }
0x28: {  	[sflag:s14] =	ssyncset.done $0x0  }
0x29: {  	[sflag:s14] =	ssyncadd.s32 $0xFFFFFC00  }
0x2a: {  	_ =	swait.ge [sflag:s15], $0x400  }
0x2b: {  	[sflag:s15] =	ssyncset.done $0x0  }
0x2c: {  	[sflag:s15] =	ssyncadd.s32 $0xFFFFFC00  }
0x2d: {  	_ =	swait.ge [sflag:s16], $0x400  }
0x2e: {  	s20 =	simm.s32 $0x1000;
	s19 =	simm.s32 $0x800;
	[sflag:s16] =	ssyncset.done $0x0  }
.LBB2_2:
0x2f: {  	s21 =	sshra.s32 s19, $0x2  }
0x30: {  	[sflag:s16] =	ssyncadd.s32 $0xFFFFFC00;
	s19 =	smov.u32 s20;
	s22 =	sadd.s32 $0x800, s20  }
0x31: {  	[spmem:s1] =	stream.indirect.scatter.add.f32 [tilespmem:s9], [sflag:$0x1], $0x8, s21, s12, $0xb8;
	[tilespmem:$0x4000] =	vst v63  }
0x32: {  	p0 =	sne.s32 s20, $0x9800;
	s20 =	sadd.s32 $0x80, s21  }
0x33: {  	[spmem:s1] =	stream.indirect.scatter.add.f32 [tilespmem:s9], [sflag:$0x2], $0x8, s20, s12, $0xb8;
	[tilespmem:$0x4000] =	vst v63  }
0x34: {  	s20 =	sadd.s32 $0x100, s21  }
0x35: {  	[spmem:s1] =	stream.indirect.scatter.add.f32 [tilespmem:s9], [sflag:$0x3], $0x8, s20, s12, $0xb8;
	[tilespmem:$0x4000] =	vst v63  }
0x36: {  	s20 =	sadd.s32 $0x180, s21  }
0x37: {  	[spmem:s1] =	stream.indirect.scatter.add.f32 [tilespmem:s9], [sflag:$0x4], $0x8, s20, s12, $0xb8;
	[tilespmem:$0x4000] =	vst v63  }
0x38: {  	_ =	swait.ge [sflag:s13], $0x400  }
0x39: {  	[sflag:s13] =	ssyncset.done $0x0  }
0x3a: {  	[sflag:s13] =	ssyncadd.s32 $0xFFFFFC00  }
0x3b: {  	_ =	swait.ge [sflag:s14], $0x400  }
0x3c: {  	[sflag:s14] =	ssyncset.done $0x0  }
0x3d: {  	[sflag:s14] =	ssyncadd.s32 $0xFFFFFC00  }
.Ltmp0:
0x3e: {  	_ =	swait.ge [sflag:s15], $0x400;
	(pc) =	sbr.rel @p0 .LBB2_2-.Ltmp0, $4  }
0x3f: {  	[sflag:s15] =	ssyncset.done $0x0  }
0x40: {  	[sflag:s15] =	ssyncadd.s32 $0xFFFFFC00  }
0x41: {  	_ =	swait.ge [sflag:s16], $0x400  }
0x42: {  	s20 =	smov.u32 s22;
	[sflag:s16] =	ssyncset.done $0x0  }
0x43: {  	s19 =	sshra.s32 s19, $0x2;
	[sflag:s16] =	ssyncadd.s32 $0xFFFFFC00  }
0x44: {  	[spmem:s1] =	stream.indirect.scatter.add.f32 [tilespmem:s9], [sflag:$0x1], $0x8, s19, s12, $0xb8;
	[tilespmem:$0x4000] =	vst v63  }
0x45: {  	s20 =	sadd.s32 $0x80, s19  }
0x46: {  	[spmem:s1] =	stream.indirect.scatter.add.f32 [tilespmem:s9], [sflag:$0x2], $0x8, s20, s12, $0xb8;
	[tilespmem:$0x4000] =	vst v63  }
0x47: {  	s31 =	sadd.s32 $0x100, s19  }
0x48: {  	[spmem:s1] =	stream.indirect.scatter.add.f32 [tilespmem:s9], [sflag:$0x3], $0x8, s31, s12, $0xb8;
	[tilespmem:$0x4000] =	vst v63  }
0x49: {  	s19 =	sadd.s32 $0x180, s19  }
0x4a: {  	[spmem:s1] =	stream.indirect.scatter.add.f32 [tilespmem:s9], [sflag:$0x4], $0x8, s19, s12, $0xb8;
	[tilespmem:$0x4000] =	vst v63  }
0x4b: {  	_ =	swait.ge [sflag:s13], $0x400  }
0x4c: {  	[sflag:s13] =	ssyncset.done $0x0  }
0x4d: {  	[sflag:s13] =	ssyncadd.s32 $0xFFFFFC00  }
0x4e: {  	_ =	swait.ge [sflag:s14], $0x400  }
0x4f: {  	[sflag:s14] =	ssyncset.done $0x0  }
0x50: {  	[sflag:s14] =	ssyncadd.s32 $0xFFFFFC00  }
0x51: {  	_ =	swait.ge [sflag:s15], $0x400  }
0x52: {  	[sflag:s15] =	ssyncset.done $0x0  }
0x53: {  	[sflag:s15] =	ssyncadd.s32 $0xFFFFFC00  }
0x54: {  	_ =	swait.ge [sflag:s16], $0x400  }
0x55: {  	s18 =	sadd.s32 $0x1, s18;
	[sflag:s16] =	ssyncset.done $0x0  }
0x56: {  	p0 =	sne.s32 s18, s7;
	[sflag:s16] =	ssyncadd.s32 $0xFFFFFC00  }
.Ltmp1:
0x57: {  	[bflag:$0x0] =	sbarrier.arrive $0xFFFF;
	(pc) =	sbr.rel @p0 .LBB2_1-.Ltmp1, $4  }
0x58: {  	[hbm:s17], [sflag:s10] =	dma.local [spmem:s11], $0x280  }
0x59: {  	_ =	swait.ge [sflag:s8], $0x280  }
0x5a: {  	[sflag:s8] =	ssyncset.done $0x0  }
0x5b: {  	[sflag:s8] =	ssyncadd.s32 $0xFFFFFD80  }
0x5c: {  	_ =	sfence.sel $0x180000  }
0x5d: {  	[bflag:$0x0] =	sbarrier.arrive $0xFFFF  }
0x5e: {  	p0 =	sne.s32 s2, $0x0;
	_ =	strace $0x90000047  }
0x5f: {  	s0 =	sadd.s32 @!p0 $0x100000, s0;
	[bflag:$0x2] =	sbarrier.arrive $0xFFFF  }
0x60: {  	[sflag:s0] =	ssyncadd.tile.s32 @!p0 $0x1;
	_ =	shalt  }
.Lfunc_end2:
_tile_overlayer_lowered:
.L_overlay_start_2:
0x61: {  	(tag) =	ssettag $0x2  }
0x62: {  	s0 =	rddreg [dreg:$0x0];
	s2 =	stileid.u32  }
0x63: {  	s1 =	rddreg [dreg:$0x1];
	p0 =	sne.s32 s2, $0x0  }
0x64: {  	s3 =	rddreg [dreg:$0x2];
	[bflag:$0x3] =	sbarrier.arrive $0xFFFF;
	s2 =	simm.s32 @!p0 $0x1C05  }
0x65: {  	[timem:s3], [sflag:s2] =	dma.local @!p0 [hbm:s0], s1  }
0x66: {  	s0 =	simm.s32 @!p0 $0x5  }
0x67: {  	_ =	swait.ge @!p0 [sflag:s0], s1  }
0x68: {  	s1 =	ssub.s32 @!p0 $0x0, s1;
	[sflag:s0] =	ssyncset.done @!p0 $0x0  }
0x69: {  	[sflag:s0] =	ssyncadd.s32 @!p0 s1  }
0x6a: {  	[bflag:$0x3] =	sbarrier.arrive $0xFFFF  }
0x6b: {  	_ =	shalt  }

</sc_bundles>
